<compile_context>
chip_gen: v7x
topology: tpu7x:2x2x1
jax: 0.10.2.dev20260603
libtpu: 0.0.44.dev20260713+nightly
codegen_flags: <defaults>
</compile_context>

<pallas_src>
import functools

import jax
import jax.numpy as jnp
from jax import lax
from jax.experimental import pallas as pl
from jax.experimental.pallas import tpu as pltpu
from jax.experimental.pallas import tpu_sc as plsc

NU = 2000
NI = 8000
N = NU + NI
K = 128
E = 320000
B = 4096

SLABS = 32
DCW = 128
DCH = 79
EPAD = SLABS * DCH * DCW
TRASH = N
NPAD = 10112
RPT = NPAD // 16
DEGPAD = 10240
DRPT = DEGPAD // 16

_MESH = plsc.VectorSubcoreMesh(core_axis_name="c", subcore_axis_name="s")


@functools.partial(
    pl.kernel,
    out_type=jax.ShapeDtypeStruct((2, DEGPAD), jnp.float32),
    mesh=_MESH,
    scratch_types=[
        pltpu.VMEM((DCH, DCW), jnp.int32),
        pltpu.VMEM((DCW,), jnp.float32),
        pltpu.VMEM((DRPT,), jnp.float32),
        pltpu.SemaphoreType.DMA,
        pltpu.VMEM_SHARED((DEGPAD,), jnp.float32),
    ],
)
def _deg_kernel(dst_hbm, deg_hbm, dslab, ones, zb, sem, deg_sh):
    cid = lax.axis_index("c")
    sid = lax.axis_index("s")

    def zr(i, carry):
        zb[pl.ds(i * 16, 16)] = jnp.zeros((16,), jnp.float32)
        return carry

    lax.fori_loop(0, DRPT // 16, zr, 0)
    pltpu.sync_copy(zb, deg_sh.at[pl.ds(sid * DRPT, DRPT)])
    for i in range(DCW // 16):
        ones[pl.ds(i * 16, 16)] = jnp.ones((16,), jnp.float32)
    plsc.subcore_barrier()

    slab = cid * 16 + sid
    pltpu.sync_copy(dst_hbm.at[slab], dslab)

    def issue(j, carry):
        pltpu.async_copy(ones, deg_sh.at[dslab.at[j]], sem, add=True)
        return carry

    lax.fori_loop(0, DCH, issue, 0)

    def drain(j, carry):
        pltpu.make_async_copy(ones, deg_sh.at[dslab.at[0]], sem).wait()
        return carry

    lax.fori_loop(0, DCH, drain, 0)
    plsc.subcore_barrier()
    pltpu.sync_copy(deg_sh.at[pl.ds(sid * DRPT, DRPT)],
                    deg_hbm.at[cid, pl.ds(sid * DRPT, DRPT)])


NCHUNK = E // DCW
C0 = 1250


def _range_for(worker_lo, worker_n, tile):
    q = worker_n // 16
    r = worker_n % 16
    start = worker_lo + q * tile + jnp.minimum(tile, r)
    count = q + jnp.where(tile < r, 1, 0)
    return start, count


@functools.partial(
    pl.kernel,
    out_type=(jax.ShapeDtypeStruct((NPAD, K), jnp.float32),
              jax.ShapeDtypeStruct((NPAD, K), jnp.float32)),
    mesh=_MESH,
    scratch_types=[
        pltpu.VMEM((3, DCW), jnp.int32),
        pltpu.VMEM((3, DCW), jnp.int32),
        pltpu.VMEM((DCW, K), jnp.float32),
        pltpu.VMEM((DCW, K), jnp.float32),
        pltpu.VMEM((DCW, K), jnp.float32),
        pltpu.SemaphoreType.DMA,
        pltpu.SemaphoreType.DMA,
        pltpu.SemaphoreType.DMA,
        pltpu.SemaphoreType.DMA,
        pltpu.VMEM_SHARED((NPAD, K), jnp.float32),
    ],
)
def _scatter_kernel(src_hbm, dst_hbm, hp_hbm, out_a, out_b,
                    sring, dring, rows0, rows1, rows2,
                    gsem, ssem, dsem, csem, agg_sh):
    cid = lax.axis_index("c")
    sid = lax.axis_index("s")
    rows = (rows0, rows1, rows2)

    def zr(r, carry):
        for k in range(K // 16):
            rows0[r, pl.ds(k * 16, 16)] = jnp.zeros((16,), jnp.float32)
        return carry

    lax.fori_loop(0, DCW, zr, 0)
    for t in range(RPT // DCW):
        pltpu.sync_copy(rows0, agg_sh.at[pl.ds(sid * RPT + t * DCW, DCW)])
    pltpu.sync_copy(
        rows0.at[pl.ds(0, RPT - (RPT // DCW) * DCW)],
        agg_sh.at[pl.ds(sid * RPT + (RPT // DCW) * DCW,
                        RPT - (RPT // DCW) * DCW)])
    plsc.subcore_barrier()

    lo = jnp.where(cid == 0, 0, C0)
    n_core = jnp.where(cid == 0, C0, NCHUNK - C0)
    start, count = _range_for(lo, n_core, sid)

    def sfetch(j, b):
        pltpu.async_copy(src_hbm.at[start + j], sring.at[b], ssem)

    def swait():
        pltpu.make_async_copy(src_hbm.at[0], sring.at[0], ssem).wait()

    def dfetch(j, b):
        pltpu.async_copy(dst_hbm.at[start + j], dring.at[b], dsem)

    def dwait():
        pltpu.make_async_copy(dst_hbm.at[0], dring.at[0], dsem).wait()

    def gather(b, buf):
        pltpu.async_copy(hp_hbm.at[sring.at[b]], buf, gsem)

    def gwait(buf):
        pltpu.make_async_copy(hp_hbm.at[pl.ds(0, DCW)], buf, gsem).wait()

    def scat(b, buf):
        pltpu.async_copy(buf, agg_sh.at[dring.at[b]], csem, add=True)

    def scwait():
        pltpu.make_async_copy(rows0, agg_sh.at[dring.at[0]], csem).wait()

    for jj in range(3):
        @pl.when(count > jj)
        def _(jj=jj):
            sfetch(jj, jj)

    for jj in range(2):
        @pl.when(count > jj)
        def _(jj=jj):
            dfetch(jj, jj)

    @pl.when(count > 0)
    def _():
        swait()
        gather(0, rows0)

    @pl.when(count > 1)
    def _():
        swait()
        gather(1, rows1)

    def tristep(t, carry):
        for u in range(3):
            j = 3 * t + u

            @pl.when(j < count)
            def _(j=j, u=u):
                ra = rows[u]
                gwait(ra)
                dwait()
                scat(u, ra)

                @pl.when(j >= 1)
                def _():
                    scwait()

                @pl.when(j + 2 < count)
                def _():
                    swait()
                    gather((u + 2) % 3, rows[(u + 2) % 3])
                    dfetch(j + 2, (u + 2) % 3)

                @pl.when(j + 3 < count)
                def _():
                    sfetch(j + 3, u)

        return carry

    nmax = max(C0, NCHUNK - C0) // 16 + 1
    lax.fori_loop(0, (nmax + 2) // 3, tristep, 0)

    @pl.when(count > 0)
    def _():
        scwait()

    plsc.subcore_barrier()

    @pl.when(cid == 0)
    def _():
        pltpu.sync_copy(agg_sh.at[pl.ds(sid * RPT, RPT)],
                        out_a.at[pl.ds(sid * RPT, RPT)])

    @pl.when(cid == 1)
    def _():
        pltpu.sync_copy(agg_sh.at[pl.ds(sid * RPT, RPT)],
                        out_b.at[pl.ds(sid * RPT, RPT)])


CHW = 128

@functools.partial(
    pl.kernel,
    out_type=jax.ShapeDtypeStruct((B,), jnp.float32),
    mesh=_MESH,
    scratch_types=[
        pltpu.VMEM((CHW,), jnp.int32),
        pltpu.VMEM((CHW,), jnp.int32),
        pltpu.VMEM((CHW, K), jnp.float32),
        pltpu.VMEM((CHW, K), jnp.float32),
        pltpu.VMEM((CHW,), jnp.float32),
        pltpu.SemaphoreType.DMA,
        pltpu.SemaphoreType.DMA,
    ],
)
def _dot_kernel(u_hbm, i_hbm, emb_hbm, t_hbm, out_hbm,
                uidx, iidx, buf_u, buf_i, ob, sem_u, sem_i):
    cid = lax.axis_index("c")
    sid = lax.axis_index("s")
    w = cid * 16 + sid
    pltpu.sync_copy(u_hbm.at[w], uidx)
    pltpu.sync_copy(i_hbm.at[w], iidx)
    cp_u = pltpu.async_copy(emb_hbm.at[uidx], buf_u, sem_u)
    cp_i = pltpu.async_copy(t_hbm.at[iidx], buf_i, sem_i)
    cp_u.wait()
    cp_i.wait()

    lanes = lax.iota(jnp.int32, 16)

    def grp(g, carry):
        accv = jnp.zeros((16,), jnp.float32)
        for rl in range(16):
            r = g * 16 + rl
            acc = jnp.zeros((16,), jnp.float32)
            for k in range(K // 16):
                acc = acc + buf_u[r, pl.ds(k * 16, 16)] * buf_i[r, pl.ds(k * 16, 16)]
            for sh in (8, 4, 2, 1):
                acc = acc + acc.at[lanes ^ sh].get(mode="promise_in_bounds")
            accv = jnp.where(lanes == rl, acc, accv)
        ob[pl.ds(g * 16, 16)] = accv
        return carry

    lax.fori_loop(0, CHW // 16, grp, 0)
    pltpu.sync_copy(ob, out_hbm.at[pl.ds(w * CHW, CHW)])


_BLK = 2000


def _hraw_body(x_ref, w_ref, out_ref):
    out_ref[...] = lax.dot_general(
        x_ref[...], w_ref[...], (((1,), (1,)), ((), ())),
        preferred_element_type=jnp.float32)


def _hraw(x, w_conv):
    return pl.pallas_call(
        _hraw_body,
        grid=(N // _BLK,),
        in_specs=[
            pl.BlockSpec((_BLK, K), lambda b: (b, 0)),
            pl.BlockSpec((K, K), lambda b: (0, 0)),
        ],
        out_specs=pl.BlockSpec((_BLK, K), lambda b: (b, 0)),
        out_shape=jax.ShapeDtypeStruct((N, K), jnp.float32),
    )(x, w_conv)


def _scale_body(h_ref, d0_ref, d1_ref, out_ref, dinv_ref):
    deg = d0_ref[...] + d1_ref[...]
    dinv = jnp.where(deg > 0, lax.rsqrt(jnp.maximum(deg, 1e-12)), 0.0)
    dinv_ref[...] = dinv
    out_ref[...] = h_ref[...] * dinv


def _hprime(h_raw, d0, d1):
    return pl.pallas_call(
        _scale_body,
        grid=(N // _BLK,),
        in_specs=[
            pl.BlockSpec((_BLK, K), lambda b: (b, 0)),
            pl.BlockSpec((_BLK, 1), lambda b: (b, 0)),
            pl.BlockSpec((_BLK, 1), lambda b: (b, 0)),
        ],
        out_specs=[
            pl.BlockSpec((_BLK, K), lambda b: (b, 0)),
            pl.BlockSpec((_BLK, 1), lambda b: (b, 0)),
        ],
        out_shape=[
            jax.ShapeDtypeStruct((N, K), jnp.float32),
            jax.ShapeDtypeStruct((N, 1), jnp.float32),
        ],
    )(h_raw, d0, d1)


def _emb_body(a_ref, b_ref, dinv_ref, wd_ref, q_ref, emb_ref, t_ref):
    agg = jnp.maximum((a_ref[...] + b_ref[...]) * dinv_ref[...], 0.0)
    e = jnp.maximum(
        lax.dot_general(agg, wd_ref[...], (((1,), (1,)), ((), ())),
                        preferred_element_type=jnp.float32), 0.0)
    emb_ref[...] = e
    t_ref[...] = jnp.dot(e, q_ref[...], preferred_element_type=jnp.float32)


def _emb(agg_a, agg_b, dinv, w_dense, q):
    return pl.pallas_call(
        _emb_body,
        grid=(N // _BLK,),
        in_specs=[
            pl.BlockSpec((_BLK, K), lambda b: (b, 0)),
            pl.BlockSpec((_BLK, K), lambda b: (b, 0)),
            pl.BlockSpec((_BLK, 1), lambda b: (b, 0)),
            pl.BlockSpec((K, K), lambda b: (0, 0)),
            pl.BlockSpec((K, K), lambda b: (0, 0)),
        ],
        out_specs=[
            pl.BlockSpec((_BLK, K), lambda b: (b, 0)),
            pl.BlockSpec((_BLK, K), lambda b: (b, 0)),
        ],
        out_shape=[
            jax.ShapeDtypeStruct((N, K), jnp.float32),
            jax.ShapeDtypeStruct((N, K), jnp.float32),
        ],
    )(agg_a, agg_b, dinv, w_dense, q)


def kernel(Gu, Gi, W_conv, W_dense, Q, edge_index, user, item):
    x = jnp.concatenate([Gu, Gi], axis=0)
    src = edge_index[0].astype(jnp.int32)
    dst = edge_index[1].astype(jnp.int32)
    dstp = jnp.concatenate(
        [dst, jnp.full((EPAD - E,), TRASH, jnp.int32)])

    h_raw = _hraw(x, W_conv)
    deg2 = _deg_kernel(dstp.reshape(SLABS, DCH, DCW))
    d0 = deg2[0, :N].reshape(N, 1)
    d1 = deg2[1, :N].reshape(N, 1)
    hp, dinv = _hprime(h_raw, d0, d1)
    agg_a, agg_b = _scatter_kernel(
        src.reshape(NCHUNK, DCW), dst.reshape(NCHUNK, DCW), hp)
    emb, t = _emb(agg_a, agg_b, dinv, W_dense, Q)

    u2 = user.astype(jnp.int32).reshape(SLABS, CHW)
    i2 = (item.astype(jnp.int32) + NU).reshape(SLABS, CHW)
    return _dot_kernel(u2, i2, emb, t)

# --- scband reference (transcript-rebuilt; emitter-appended) ---
"""Pipeline reference for scband-gcmcmodel-48610439856550 (READ-ONLY COPY).

The authoritative reference and input builder live on the scoring server;
editing this copy changes nothing except your own understanding.
"""

import jax, jax.numpy as jnp
import numpy as np

NUM_USERS = 2000
NUM_ITEMS = 8000
EMBED_K = 128
N_EDGES = 320000
BATCH = 4096


def setup_inputs(seed: int = 0) -> dict:
    key = jax.random.key(seed)
    k1, k2, k3, k4, k5, k6, k7, k8 = jax.random.split(key, 8)
    Gu = jax.random.normal(k1, (NUM_USERS, EMBED_K), dtype=jnp.float32) * 0.1
    Gi = jax.random.normal(k2, (NUM_ITEMS, EMBED_K), dtype=jnp.float32) * 0.1
    # GCNConv weight (PyG lin: out = x @ W.T), shape [out_channels, in_channels]
    W_conv = jax.random.normal(k3, (EMBED_K, EMBED_K), dtype=jnp.float32) * (1.0 / np.sqrt(EMBED_K))
    # Dense layer weight (torch.nn.Linear, bias=False), shape [out_features, in_features]
    W_dense = jax.random.normal(k4, (EMBED_K, EMBED_K), dtype=jnp.float32) * (1.0 / np.sqrt(EMBED_K))
    Q = jax.random.normal(k5, (EMBED_K, EMBED_K), dtype=jnp.float32) * 0.1
    edge_index = jax.random.randint(k6, (2, N_EDGES), 0, NUM_USERS + NUM_ITEMS, dtype=jnp.int64)
    user = jax.random.randint(k7, (BATCH,), 0, NUM_USERS, dtype=jnp.int64)
    item = jax.random.randint(k8, (BATCH,), 0, NUM_ITEMS, dtype=jnp.int64)
    return {"Gu": Gu, "Gi": Gi, "W_conv": W_conv, "W_dense": W_dense, "Q": Q,
            "edge_index": edge_index, "user": user, "item": item}


def reference(Gu, Gi, W_conv, W_dense, Q, edge_index, user, item):
    num_users = Gu.shape[0]
    N = Gu.shape[0] + Gi.shape[0]
    # propagate_embeddings (evaluate path, dropout off): GCNConv(add_self_loops=False, bias=False) + ReLU, then dense + ReLU
    x = jnp.concatenate([Gu, Gi], axis=0)
    src = edge_index[0]
    dst = edge_index[1]
    # gcn_norm without self loops: deg over dst, norm = d^-1/2[src] * d^-1/2[dst]
    deg = jnp.zeros((N,), dtype=x.dtype).at[dst].add(1.0)
    deg_inv_sqrt = jnp.where(deg > 0, 1.0 / jnp.sqrt(jnp.maximum(deg, 1e-12)), 0.0)
    norm = deg_inv_sqrt[src] * deg_inv_sqrt[dst]
    h = x @ W_conv.T
    msg = h[src] * norm[:, None]
    agg = jnp.zeros((N, h.shape[1]), dtype=h.dtype).at[dst].add(msg)
    agg = jax.nn.relu(agg)
    # dense network (dropout is identity at p=0.0)
    emb = jax.nn.relu(agg @ W_dense.T)
    zu = emb[:num_users]
    zi = emb[num_users:]
    # forward: xui = sum(zeta_u * (zeta_i @ Q), axis=1) on batch gathers
    zeta_u = zu[user]
    zeta_i = zi[item]
    xui = jnp.sum(zeta_u * (zeta_i @ Q), axis=1)
    return xui

if __name__ == "__main__":
    import jax
    _d = setup_inputs()
    print(jax.jit(kernel)(*tuple(_d.values())))

</pallas_src>

<mosaic_0001>
#map = affine_map<(d0, d1) -> (0, 0, 0)>
#map1 = affine_map<(d0, d1) -> (0, 0)>
module attributes {stable_mosaic.version = 14 : i64} {
  func.func @_deg_kernel(%arg0: i32, %arg1: i32, %arg2: memref<32x79x128xi32, #tpu.memory_space<hbm>>, %arg3: memref<2x10240xf32, #tpu.memory_space<hbm>>, %arg4: memref<79x128xi32, #tpu.memory_space<vmem>>, %arg5: memref<128xf32, #tpu.memory_space<vmem>>, %arg6: memref<640xf32, #tpu.memory_space<vmem>>, %arg7: memref<!tpu.dma_semaphore, #tpu.memory_space<semaphore_mem>>, %arg8: memref<10240xf32, #tpu.memory_space<vmem_shared>>) attributes {dimension_semantics = [#tpu.dimension_semantics<core_parallel>, #tpu.dimension_semantics<subcore_parallel>], iteration_bounds = array<i64: 2, 16>, scalar_prefetch = 0 : i64, scratch_operands = 5 : i64, tpu.core_type = #tpu.core_type<sc_vector_subcore>, window_params = [{transform_indices = #map}, {transform_indices = #map1}]} {
    %scan3A = arith.constant 0 : i32
    %scan3A_0 = arith.constant 0 : i32
    %scan3A_1 = arith.constant 40 : i32
    %scan3A_2 = arith.addi %scan3A_0, %scan3A_1 : i32
    %scan3A_3 = arith.constant 1 : i32
    scf.for %scan3A_71 = %scan3A_0 to %scan3A_2 step %scan3A_3  : i32 {
      %broadcast_in_dim3A_72 = arith.constant 0.000000e+00 : f32
      %broadcast_in_dim3A_73 = vector.broadcast %broadcast_in_dim3A_72 : f32 to vector<16xf32>
      %mul3A_74 = arith.constant 16 : i32
      %mul3A_75 = arith.muli %scan3A_71, %mul3A_74 : i32
      %swap3A_76 = arith.index_cast %mul3A_75 : i32 to index
      %swap3A_77 = tpu.vector_load %arg6[%swap3A_76] {strides = array<i32>} : memref<640xf32, #tpu.memory_space<vmem>>, vector<16xf32>,
      %swap3A_78 = vector.shape_cast %swap3A_77 : vector<16xf32> to vector<16xf32>
      %swap3A_79 = vector.shape_cast %broadcast_in_dim3A_73 : vector<16xf32> to vector<16xf32>
      tpu.vector_store %arg6[%swap3A_76], %swap3A_79 {strides = array<i32>} : memref<640xf32, #tpu.memory_space<vmem>>, vector<16xf32>,
    }
    %scan3A_4 = arith.constant 40 : i32
    %mul3A = arith.constant 640 : i32
    %mul3A_5 = arith.muli %arg1, %mul3A : i32
    "tpu.region"() ({
      %run_scoped3A = tpu.sem_alloc : memref<!tpu.dma_semaphore, #tpu.memory_space<semaphore_mem>>
      %dma_start3A = tpu.memref_slice %arg8[%mul3A_5] : memref<10240xf32, #tpu.memory_space<vmem_shared>> -> memref<640xf32, #tpu.memory_space<vmem_shared>>
      %dma_start3A_71 = tpu.memref_slice %arg8[%mul3A_5] : memref<10240xf32, #tpu.memory_space<vmem_shared>> -> memref<640xf32, #tpu.memory_space<vmem_shared>>
      tpu.enqueue_dma source(%arg6 : memref<640xf32, #tpu.memory_space<vmem>>) target(%dma_start3A_71 : memref<640xf32, #tpu.memory_space<vmem_shared>>) target_semaphore(%run_scoped3A : memref<!tpu.dma_semaphore, #tpu.memory_space<semaphore_mem>>)
      %dma_wait3A = tpu.memref_slice %arg8[%mul3A_5] : memref<10240xf32, #tpu.memory_space<vmem_shared>> -> memref<640xf32, #tpu.memory_space<vmem_shared>>
      %dma_wait3A_72 = tpu.memref_slice %arg8[%mul3A_5] : memref<10240xf32, #tpu.memory_space<vmem_shared>> -> memref<640xf32, #tpu.memory_space<vmem_shared>>
      tpu.wait_dma2 semaphore(%run_scoped3A : memref<!tpu.dma_semaphore, #tpu.memory_space<semaphore_mem>>) src(%arg6 : memref<640xf32, #tpu.memory_space<vmem>>) dst(%dma_wait3A_72 : memref<640xf32, #tpu.memory_space<vmem_shared>>)
      tpu.yield
    }) : () -> ()
    %broadcast_in_dim3A = arith.constant 1.000000e+00 : f32
    %broadcast_in_dim3A_6 = vector.broadcast %broadcast_in_dim3A : f32 to vector<16xf32>
    %swap3A = arith.constant 0 : index
    %swap3A_7 = tpu.vector_load %arg5[%swap3A] {strides = array<i32>} : memref<128xf32, #tpu.memory_space<vmem>>, vector<16xf32>,
    %swap3A_8 = vector.shape_cast %swap3A_7 : vector<16xf32> to vector<16xf32>
    %swap3A_9 = vector.shape_cast %broadcast_in_dim3A_6 : vector<16xf32> to vector<16xf32>
    tpu.vector_store %arg5[%swap3A], %swap3A_9 {strides = array<i32>} : memref<128xf32, #tpu.memory_space<vmem>>, vector<16xf32>,
    %broadcast_in_dim3A_10 = arith.constant 1.000000e+00 : f32
    %broadcast_in_dim3A_11 = vector.broadcast %broadcast_in_dim3A_10 : f32 to vector<16xf32>
    %swap3A_12 = arith.constant 16 : index
    %swap3A_13 = tpu.vector_load %arg5[%swap3A_12] {strides = array<i32>} : memref<128xf32, #tpu.memory_space<vmem>>, vector<16xf32>,
    %swap3A_14 = vector.shape_cast %swap3A_13 : vector<16xf32> to vector<16xf32>
    %swap3A_15 = vector.shape_cast %broadcast_in_dim3A_11 : vector<16xf32> to vector<16xf32>
    tpu.vector_store %arg5[%swap3A_12], %swap3A_15 {strides = array<i32>} : memref<128xf32, #tpu.memory_space<vmem>>, vector<16xf32>,
    %broadcast_in_dim3A_16 = arith.constant 1.000000e+00 : f32
    %broadcast_in_dim3A_17 = vector.broadcast %broadcast_in_dim3A_16 : f32 to vector<16xf32>
    %swap3A_18 = arith.constant 32 : index
    %swap3A_19 = tpu.vector_load %arg5[%swap3A_18] {strides = array<i32>} : memref<128xf32, #tpu.memory_space<vmem>>, vector<16xf32>,
    %swap3A_20 = vector.shape_cast %swap3A_19 : vector<16xf32> to vector<16xf32>
    %swap3A_21 = vector.shape_cast %broadcast_in_dim3A_17 : vector<16xf32> to vector<16xf32>
    tpu.vector_store %arg5[%swap3A_18], %swap3A_21 {strides = array<i32>} : memref<128xf32, #tpu.memory_space<vmem>>, vector<16xf32>,
    %broadcast_in_dim3A_22 = arith.constant 1.000000e+00 : f32
    %broadcast_in_dim3A_23 = vector.broadcast %broadcast_in_dim3A_22 : f32 to vector<16xf32>
    %swap3A_24 = arith.constant 48 : index
    %swap3A_25 = tpu.vector_load %arg5[%swap3A_24] {strides = array<i32>} : memref<128xf32, #tpu.memory_space<vmem>>, vector<16xf32>,
    %swap3A_26 = vector.shape_cast %swap3A_25 : vector<16xf32> to vector<16xf32>
    %swap3A_27 = vector.shape_cast %broadcast_in_dim3A_23 : vector<16xf32> to vector<16xf32>
    tpu.vector_store %arg5[%swap3A_24], %swap3A_27 {strides = array<i32>} : memref<128xf32, #tpu.memory_space<vmem>>, vector<16xf32>,
    %broadcast_in_dim3A_28 = arith.constant 1.000000e+00 : f32
    %broadcast_in_dim3A_29 = vector.broadcast %broadcast_in_dim3A_28 : f32 to vector<16xf32>
    %swap3A_30 = arith.constant 64 : index
    %swap3A_31 = tpu.vector_load %arg5[%swap3A_30] {strides = array<i32>} : memref<128xf32, #tpu.memory_space<vmem>>, vector<16xf32>,
    %swap3A_32 = vector.shape_cast %swap3A_31 : vector<16xf32> to vector<16xf32>
    %swap3A_33 = vector.shape_cast %broadcast_in_dim3A_29 : vector<16xf32> to vector<16xf32>
    tpu.vector_store %arg5[%swap3A_30], %swap3A_33 {strides = array<i32>} : memref<128xf32, #tpu.memory_space<vmem>>, vector<16xf32>,
    %broadcast_in_dim3A_34 = arith.constant 1.000000e+00 : f32
    %broadcast_in_dim3A_35 = vector.broadcast %broadcast_in_dim3A_34 : f32 to vector<16xf32>
    %swap3A_36 = arith.constant 80 : index
    %swap3A_37 = tpu.vector_load %arg5[%swap3A_36] {strides = array<i32>} : memref<128xf32, #tpu.memory_space<vmem>>, vector<16xf32>,
    %swap3A_38 = vector.shape_cast %swap3A_37 : vector<16xf32> to vector<16xf32>
    %swap3A_39 = vector.shape_cast %broadcast_in_dim3A_35 : vector<16xf32> to vector<16xf32>
    tpu.vector_store %arg5[%swap3A_36], %swap3A_39 {strides = array<i32>} : memref<128xf32, #tpu.memory_space<vmem>>, vector<16xf32>,
    %broadcast_in_dim3A_40 = arith.constant 1.000000e+00 : f32
    %broadcast_in_dim3A_41 = vector.broadcast %broadcast_in_dim3A_40 : f32 to vector<16xf32>
    %swap3A_42 = arith.constant 96 : index
    %swap3A_43 = tpu.vector_load %arg5[%swap3A_42] {strides = array<i32>} : memref<128xf32, #tpu.memory_space<vmem>>, vector<16xf32>,
    %swap3A_44 = vector.shape_cast %swap3A_43 : vector<16xf32> to vector<16xf32>
    %swap3A_45 = vector.shape_cast %broadcast_in_dim3A_41 : vector<16xf32> to vector<16xf32>
    tpu.vector_store %arg5[%swap3A_42], %swap3A_45 {strides = array<i32>} : memref<128xf32, #tpu.memory_space<vmem>>, vector<16xf32>,
    %broadcast_in_dim3A_46 = arith.constant 1.000000e+00 : f32
    %broadcast_in_dim3A_47 = vector.broadcast %broadcast_in_dim3A_46 : f32 to vector<16xf32>
    %swap3A_48 = arith.constant 112 : index
    %swap3A_49 = tpu.vector_load %arg5[%swap3A_48] {strides = array<i32>} : memref<128xf32, #tpu.memory_space<vmem>>, vector<16xf32>,
    %swap3A_50 = vector.shape_cast %swap3A_49 : vector<16xf32> to vector<16xf32>
    %swap3A_51 = vector.shape_cast %broadcast_in_dim3A_47 : vector<16xf32> to vector<16xf32>
    tpu.vector_store %arg5[%swap3A_48], %swap3A_51 {strides = array<i32>} : memref<128xf32, #tpu.memory_space<vmem>>, vector<16xf32>,
    %barrier3A = arith.constant 0 : index
    tpu.barrier barrier_id(%barrier3A)
    %mul3A_52 = arith.constant 16 : i32
    %mul3A_53 = arith.muli %arg0, %mul3A_52 : i32
    %add3A = arith.addi %mul3A_53, %arg1 : i32
    "tpu.region"() ({
      %run_scoped3A = tpu.sem_alloc : memref<!tpu.dma_semaphore, #tpu.memory_space<semaphore_mem>>
      %dma_start3A = arith.constant 0 : i32
      %dma_start3A_71 = arith.constant 0 : i32
      %dma_start3A_72 = tpu.memref_slice %arg2[%add3A, %dma_start3A, %dma_start3A_71] : memref<32x79x128xi32, #tpu.memory_space<hbm>> -> memref<1x79x128xi32, #tpu.memory_space<hbm>>
      %dma_start3A_73 = tpu.memref_squeeze %dma_start3A_72 : memref<1x79x128xi32, #tpu.memory_space<hbm>> -> memref<79x128xi32, #tpu.memory_space<hbm>>
      %dma_start3A_74 = arith.constant 0 : i32
      %dma_start3A_75 = arith.constant 0 : i32
      %dma_start3A_76 = tpu.memref_slice %arg2[%add3A, %dma_start3A_74, %dma_start3A_75] : memref<32x79x128xi32, #tpu.memory_space<hbm>> -> memref<1x79x128xi32, #tpu.memory_space<hbm>>
      %dma_start3A_77 = tpu.memref_squeeze %dma_start3A_76 : memref<1x79x128xi32, #tpu.memory_space<hbm>> -> memref<79x128xi32, #tpu.memory_space<hbm>>
      tpu.enqueue_dma source(%dma_start3A_77 : memref<79x128xi32, #tpu.memory_space<hbm>>) target(%arg4 : memref<79x128xi32, #tpu.memory_space<vmem>>) target_semaphore(%run_scoped3A : memref<!tpu.dma_semaphore, #tpu.memory_space<semaphore_mem>>)
      %dma_wait3A = arith.constant 0 : i32
      %dma_wait3A_78 = arith.constant 0 : i32
      %dma_wait3A_79 = tpu.memref_slice %arg2[%add3A, %dma_wait3A, %dma_wait3A_78] : memref<32x79x128xi32, #tpu.memory_space<hbm>> -> memref<1x79x128xi32, #tpu.memory_space<hbm>>
      %dma_wait3A_80 = tpu.memref_squeeze %dma_wait3A_79 : memref<1x79x128xi32, #tpu.memory_space<hbm>> -> memref<79x128xi32, #tpu.memory_space<hbm>>
      %dma_wait3A_81 = arith.constant 0 : i32
      %dma_wait3A_82 = arith.constant 0 : i32
      %dma_wait3A_83 = tpu.memref_slice %arg2[%add3A, %dma_wait3A_81, %dma_wait3A_82] : memref<32x79x128xi32, #tpu.memory_space<hbm>> -> memref<1x79x128xi32, #tpu.memory_space<hbm>>
      %dma_wait3A_84 = tpu.memref_squeeze %dma_wait3A_83 : memref<1x79x128xi32, #tpu.memory_space<hbm>> -> memref<79x128xi32, #tpu.memory_space<hbm>>
      tpu.wait_dma2 semaphore(%run_scoped3A : memref<!tpu.dma_semaphore, #tpu.memory_space<semaphore_mem>>) src(%dma_wait3A_84 : memref<79x128xi32, #tpu.memory_space<hbm>>) dst(%arg4 : memref<79x128xi32, #tpu.memory_space<vmem>>)
      tpu.yield
    }) : () -> ()
    %scan3A_54 = arith.constant 0 : i32
    %scan3A_55 = arith.constant 0 : i32
    %scan3A_56 = arith.constant 79 : i32
    %scan3A_57 = arith.addi %scan3A_55, %scan3A_56 : i32
    %scan3A_58 = arith.constant 1 : i32
    scf.for %scan3A_71 = %scan3A_55 to %scan3A_57 step %scan3A_58  : i32 {
      %dma_start3A = arith.constant 0 : i32
      %dma_start3A_72 = tpu.memref_slice %arg4[%scan3A_71, %dma_start3A] : memref<79x128xi32, #tpu.memory_space<vmem>> -> memref<1x128xi32, #tpu.memory_space<vmem>>
      %dma_start3A_73 = tpu.memref_squeeze %dma_start3A_72 : memref<1x128xi32, #tpu.memory_space<vmem>> -> memref<128xi32, #tpu.memory_space<vmem>>
      %dma_start3A_74 = arith.constant 0 : i32
      %dma_start3A_75 = tpu.memref_slice %arg8[%dma_start3A_74] : memref<10240xf32, #tpu.memory_space<vmem_shared>> -> memref<10240xf32, #tpu.memory_space<vmem_shared>>
      tpu.enqueue_indirect_dma source(%arg5 : memref<128xf32, #tpu.memory_space<vmem>>) target(%dma_start3A_75 : memref<10240xf32, #tpu.memory_space<vmem_shared>>) offsets(%dma_start3A_73 : memref<128xi32, #tpu.memory_space<vmem>>) semaphore(%arg7 : memref<!tpu.dma_semaphore, #tpu.memory_space<semaphore_mem>>) {add = true}
    }
    %scan3A_59 = arith.constant 79 : i32
    %scan3A_60 = arith.constant 0 : i32
    %scan3A_61 = arith.constant 0 : i32
    %scan3A_62 = arith.constant 79 : i32
    %scan3A_63 = arith.addi %scan3A_61, %scan3A_62 : i32
    %scan3A_64 = arith.constant 1 : i32
    scf.for %scan3A_71 = %scan3A_61 to %scan3A_63 step %scan3A_64  : i32 {
      %dma_wait3A = arith.constant 0 : i32
      %dma_wait3A_72 = arith.constant 0 : i32
      %dma_wait3A_73 = tpu.memref_slice %arg4[%dma_wait3A, %dma_wait3A_72] : memref<79x128xi32, #tpu.memory_space<vmem>> -> memref<1x128xi32, #tpu.memory_space<vmem>>
      %dma_wait3A_74 = tpu.memref_squeeze %dma_wait3A_73 : memref<1x128xi32, #tpu.memory_space<vmem>> -> memref<128xi32, #tpu.memory_space<vmem>>
      %dma_wait3A_75 = arith.constant 0 : i32
      %dma_wait3A_76 = tpu.memref_slice %arg8[%dma_wait3A_75] : memref<10240xf32, #tpu.memory_space<vmem_shared>> -> memref<10240xf32, #tpu.memory_space<vmem_shared>>
      tpu.wait_indirect_dma semaphore(%arg7 : memref<!tpu.dma_semaphore, #tpu.memory_space<semaphore_mem>>) src(%arg5 : memref<128xf32, #tpu.memory_space<vmem>>) dst(%dma_wait3A_76 : memref<10240xf32, #tpu.memory_space<vmem_shared>>)
    }
    %scan3A_65 = arith.constant 79 : i32
    %barrier3A_66 = arith.constant 0 : index
    tpu.barrier barrier_id(%barrier3A_66)
    %mul3A_67 = arith.constant 640 : i32
    %mul3A_68 = arith.muli %arg1, %mul3A_67 : i32
    %mul3A_69 = arith.constant 640 : i32
    %mul3A_70 = arith.muli %arg1, %mul3A_69 : i32
    "tpu.region"() ({
      %run_scoped3A = tpu.sem_alloc : memref<!tpu.dma_semaphore, #tpu.memory_space<semaphore_mem>>
      %dma_start3A = tpu.memref_slice %arg3[%arg0, %mul3A_70] : memref<2x10240xf32, #tpu.memory_space<hbm>> -> memref<1x640xf32, #tpu.memory_space<hbm>>
      %dma_start3A_71 = tpu.memref_squeeze %dma_start3A : memref<1x640xf32, #tpu.memory_space<hbm>> -> memref<640xf32, #tpu.memory_space<hbm>>
      %dma_start3A_72 = tpu.memref_slice %arg8[%mul3A_68] : memref<10240xf32, #tpu.memory_space<vmem_shared>> -> memref<640xf32, #tpu.memory_space<vmem_shared>>
      tpu.enqueue_dma source(%dma_start3A_72 : memref<640xf32, #tpu.memory_space<vmem_shared>>) target(%dma_start3A_71 : memref<640xf32, #tpu.memory_space<hbm>>) target_semaphore(%run_scoped3A : memref<!tpu.dma_semaphore, #tpu.memory_space<semaphore_mem>>)
      %dma_wait3A = tpu.memref_slice %arg3[%arg0, %mul3A_70] : memref<2x10240xf32, #tpu.memory_space<hbm>> -> memref<1x640xf32, #tpu.memory_space<hbm>>
      %dma_wait3A_73 = tpu.memref_squeeze %dma_wait3A : memref<1x640xf32, #tpu.memory_space<hbm>> -> memref<640xf32, #tpu.memory_space<hbm>>
      %dma_wait3A_74 = tpu.memref_slice %arg8[%mul3A_68] : memref<10240xf32, #tpu.memory_space<vmem_shared>> -> memref<640xf32, #tpu.memory_space<vmem_shared>>
      tpu.wait_dma2 semaphore(%run_scoped3A : memref<!tpu.dma_semaphore, #tpu.memory_space<semaphore_mem>>) src(%dma_wait3A_74 : memref<640xf32, #tpu.memory_space<vmem_shared>>) dst(%dma_wait3A_73 : memref<640xf32, #tpu.memory_space<hbm>>)
      tpu.yield
    }) : () -> ()
    return
  }
}

#map = affine_map<(d0, d1) -> (0, 0)>
module attributes {stable_mosaic.version = 14 : i64} {
  func.func @_scatter_kernel(%arg0: i32, %arg1: i32, %arg2: memref<2500x128xi32, #tpu.memory_space<hbm>>, %arg3: memref<2500x128xi32, #tpu.memory_space<hbm>>, %arg4: memref<10000x128xf32, #tpu.memory_space<hbm>>, %arg5: memref<10112x128xf32, #tpu.memory_space<hbm>>, %arg6: memref<10112x128xf32, #tpu.memory_space<hbm>>, %arg7: memref<3x128xi32, #tpu.memory_space<vmem>>, %arg8: memref<3x128xi32, #tpu.memory_space<vmem>>, %arg9: memref<128x128xf32, #tpu.memory_space<vmem>>, %arg10: memref<128x128xf32, #tpu.memory_space<vmem>>, %arg11: memref<128x128xf32, #tpu.memory_space<vmem>>, %arg12: memref<!tpu.dma_semaphore, #tpu.memory_space<semaphore_mem>>, %arg13: memref<!tpu.dma_semaphore, #tpu.memory_space<semaphore_mem>>, %arg14: memref<!tpu.dma_semaphore, #tpu.memory_space<semaphore_mem>>, %arg15: memref<!tpu.dma_semaphore, #tpu.memory_space<semaphore_mem>>, %arg16: memref<10112x128xf32, #tpu.memory_space<vmem_shared>>) attributes {dimension_semantics = [#tpu.dimension_semantics<core_parallel>, #tpu.dimension_semantics<subcore_parallel>], iteration_bounds = array<i64: 2, 16>, scalar_prefetch = 0 : i64, scratch_operands = 10 : i64, tpu.core_type = #tpu.core_type<sc_vector_subcore>, window_params = [{transform_indices = #map}, {transform_indices = #map}, {transform_indices = #map}, {transform_indices = #map}, {transform_indices = #map}]} {
    %scan3A = arith.constant 0 : i32
    %scan3A_0 = arith.constant 0 : i32
    %scan3A_1 = arith.constant 128 : i32
    %scan3A_2 = arith.addi %scan3A_0, %scan3A_1 : i32
    %scan3A_3 = arith.constant 1 : i32
    scf.for %scan3A_125 = %scan3A_0 to %scan3A_2 step %scan3A_3  : i32 {
      %broadcast_in_dim3A = arith.constant 0.000000e+00 : f32
      %broadcast_in_dim3A_126 = vector.broadcast %broadcast_in_dim3A : f32 to vector<16xf32>
      %swap3A = arith.index_cast %scan3A_125 : i32 to index
      %swap3A_127 = arith.constant 0 : index
      %swap3A_128 = tpu.vector_load %arg9[%swap3A, %swap3A_127] {strides = array<i32>} : memref<128x128xf32, #tpu.memory_space<vmem>>, vector<1x16xf32>,
      %swap3A_129 = vector.shape_cast %swap3A_128 : vector<1x16xf32> to vector<16xf32>
      %swap3A_130 = vector.shape_cast %broadcast_in_dim3A_126 : vector<16xf32> to vector<1x16xf32>
      tpu.vector_store %arg9[%swap3A, %swap3A_127], %swap3A_130 {strides = array<i32>} : memref<128x128xf32, #tpu.memory_space<vmem>>, vector<1x16xf32>,
      %broadcast_in_dim3A_131 = arith.constant 0.000000e+00 : f32
      %broadcast_in_dim3A_132 = vector.broadcast %broadcast_in_dim3A_131 : f32 to vector<16xf32>
      %swap3A_133 = arith.index_cast %scan3A_125 : i32 to index
      %swap3A_134 = arith.constant 16 : index
      %swap3A_135 = tpu.vector_load %arg9[%swap3A_133, %swap3A_134] {strides = array<i32>} : memref<128x128xf32, #tpu.memory_space<vmem>>, vector<1x16xf32>,
      %swap3A_136 = vector.shape_cast %swap3A_135 : vector<1x16xf32> to vector<16xf32>
      %swap3A_137 = vector.shape_cast %broadcast_in_dim3A_132 : vector<16xf32> to vector<1x16xf32>
      tpu.vector_store %arg9[%swap3A_133, %swap3A_134], %swap3A_137 {strides = array<i32>} : memref<128x128xf32, #tpu.memory_space<vmem>>, vector<1x16xf32>,
      %broadcast_in_dim3A_138 = arith.constant 0.000000e+00 : f32
      %broadcast_in_dim3A_139 = vector.broadcast %broadcast_in_dim3A_138 : f32 to vector<16xf32>
      %swap3A_140 = arith.index_cast %scan3A_125 : i32 to index
      %swap3A_141 = arith.constant 32 : index
      %swap3A_142 = tpu.vector_load %arg9[%swap3A_140, %swap3A_141] {strides = array<i32>} : memref<128x128xf32, #tpu.memory_space<vmem>>, vector<1x16xf32>,
      %swap3A_143 = vector.shape_cast %swap3A_142 : vector<1x16xf32> to vector<16xf32>
      %swap3A_144 = vector.shape_cast %broadcast_in_dim3A_139 : vector<16xf32> to vector<1x16xf32>
      tpu.vector_store %arg9[%swap3A_140, %swap3A_141], %swap3A_144 {strides = array<i32>} : memref<128x128xf32, #tpu.memory_space<vmem>>, vector<1x16xf32>,
      %broadcast_in_dim3A_145 = arith.constant 0.000000e+00 : f32
      %broadcast_in_dim3A_146 = vector.broadcast %broadcast_in_dim3A_145 : f32 to vector<16xf32>
      %swap3A_147 = arith.index_cast %scan3A_125 : i32 to index
      %swap3A_148 = arith.constant 48 : index
      %swap3A_149 = tpu.vector_load %arg9[%swap3A_147, %swap3A_148] {strides = array<i32>} : memref<128x128xf32, #tpu.memory_space<vmem>>, vector<1x16xf32>,
      %swap3A_150 = vector.shape_cast %swap3A_149 : vector<1x16xf32> to vector<16xf32>
      %swap3A_151 = vector.shape_cast %broadcast_in_dim3A_146 : vector<16xf32> to vector<1x16xf32>
      tpu.vector_store %arg9[%swap3A_147, %swap3A_148], %swap3A_151 {strides = array<i32>} : memref<128x128xf32, #tpu.memory_space<vmem>>, vector<1x16xf32>,
      %broadcast_in_dim3A_152 = arith.constant 0.000000e+00 : f32
      %broadcast_in_dim3A_153 = vector.broadcast %broadcast_in_dim3A_152 : f32 to vector<16xf32>
      %swap3A_154 = arith.index_cast %scan3A_125 : i32 to index
      %swap3A_155 = arith.constant 64 : index
      %swap3A_156 = tpu.vector_load %arg9[%swap3A_154, %swap3A_155] {strides = array<i32>} : memref<128x128xf32, #tpu.memory_space<vmem>>, vector<1x16xf32>,
      %swap3A_157 = vector.shape_cast %swap3A_156 : vector<1x16xf32> to vector<16xf32>
      %swap3A_158 = vector.shape_cast %broadcast_in_dim3A_153 : vector<16xf32> to vector<1x16xf32>
      tpu.vector_store %arg9[%swap3A_154, %swap3A_155], %swap3A_158 {strides = array<i32>} : memref<128x128xf32, #tpu.memory_space<vmem>>, vector<1x16xf32>,
      %broadcast_in_dim3A_159 = arith.constant 0.000000e+00 : f32
      %broadcast_in_dim3A_160 = vector.broadcast %broadcast_in_dim3A_159 : f32 to vector<16xf32>
      %swap3A_161 = arith.index_cast %scan3A_125 : i32 to index
      %swap3A_162 = arith.constant 80 : index
      %swap3A_163 = tpu.vector_load %arg9[%swap3A_161, %swap3A_162] {strides = array<i32>} : memref<128x128xf32, #tpu.memory_space<vmem>>, vector<1x16xf32>,
      %swap3A_164 = vector.shape_cast %swap3A_163 : vector<1x16xf32> to vector<16xf32>
      %swap3A_165 = vector.shape_cast %broadcast_in_dim3A_160 : vector<16xf32> to vector<1x16xf32>
      tpu.vector_store %arg9[%swap3A_161, %swap3A_162], %swap3A_165 {strides = array<i32>} : memref<128x128xf32, #tpu.memory_space<vmem>>, vector<1x16xf32>,
      %broadcast_in_dim3A_166 = arith.constant 0.000000e+00 : f32
      %broadcast_in_dim3A_167 = vector.broadcast %broadcast_in_dim3A_166 : f32 to vector<16xf32>
      %swap3A_168 = arith.index_cast %scan3A_125 : i32 to index
      %swap3A_169 = arith.constant 96 : index
      %swap3A_170 = tpu.vector_load %arg9[%swap3A_168, %swap3A_169] {strides = array<i32>} : memref<128x128xf32, #tpu.memory_space<vmem>>, vector<1x16xf32>,
      %swap3A_171 = vector.shape_cast %swap3A_170 : vector<1x16xf32> to vector<16xf32>
      %swap3A_172 = vector.shape_cast %broadcast_in_dim3A_167 : vector<16xf32> to vector<1x16xf32>
      tpu.vector_store %arg9[%swap3A_168, %swap3A_169], %swap3A_172 {strides = array<i32>} : memref<128x128xf32, #tpu.memory_space<vmem>>, vector<1x16xf32>,
      %broadcast_in_dim3A_173 = arith.constant 0.000000e+00 : f32
      %broadcast_in_dim3A_174 = vector.broadcast %broadcast_in_dim3A_173 : f32 to vector<16xf32>
      %swap3A_175 = arith.index_cast %scan3A_125 : i32 to index
      %swap3A_176 = arith.constant 112 : index
      %swap3A_177 = tpu.vector_load %arg9[%swap3A_175, %swap3A_176] {strides = array<i32>} : memref<128x128xf32, #tpu.memory_space<vmem>>, vector<1x16xf32>,
      %swap3A_178 = vector.shape_cast %swap3A_177 : vector<1x16xf32> to vector<16xf32>
      %swap3A_179 = vector.shape_cast %broadcast_in_dim3A_174 : vector<16xf32> to vector<1x16xf32>
      tpu.vector_store %arg9[%swap3A_175, %swap3A_176], %swap3A_179 {strides = array<i32>} : memref<128x128xf32, #tpu.memory_space<vmem>>, vector<1x16xf32>,
    }
    %scan3A_4 = arith.constant 128 : i32
    %mul3A = arith.constant 632 : i32
    %mul3A_5 = arith.muli %arg1, %mul3A : i32
    %add3A = arith.constant 0 : i32
    %add3A_6 = arith.addi %mul3A_5, %add3A : i32
    "tpu.region"() ({
      %run_scoped3A = tpu.sem_alloc : memref<!tpu.dma_semaphore, #tpu.memory_space<semaphore_mem>>
      %dma_start3A = arith.constant 0 : i32
      %dma_start3A_125 = tpu.memref_slice %arg16[%add3A_6, %dma_start3A] : memref<10112x128xf32, #tpu.memory_space<vmem_shared>> -> memref<128x128xf32, #tpu.memory_space<vmem_shared>>
      %dma_start3A_126 = arith.constant 0 : i32
      %dma_start3A_127 = tpu.memref_slice %arg16[%add3A_6, %dma_start3A_126] : memref<10112x128xf32, #tpu.memory_space<vmem_shared>> -> memref<128x128xf32, #tpu.memory_space<vmem_shared>>
      tpu.enqueue_dma source(%arg9 : memref<128x128xf32, #tpu.memory_space<vmem>>) target(%dma_start3A_127 : memref<128x128xf32, #tpu.memory_space<vmem_shared>>) target_semaphore(%run_scoped3A : memref<!tpu.dma_semaphore, #tpu.memory_space<semaphore_mem>>)
      %dma_wait3A = arith.constant 0 : i32
      %dma_wait3A_128 = tpu.memref_slice %arg16[%add3A_6, %dma_wait3A] : memref<10112x128xf32, #tpu.memory_space<vmem_shared>> -> memref<128x128xf32, #tpu.memory_space<vmem_shared>>
      %dma_wait3A_129 = arith.constant 0 : i32
      %dma_wait3A_130 = tpu.memref_slice %arg16[%add3A_6, %dma_wait3A_129] : memref<10112x128xf32, #tpu.memory_space<vmem_shared>> -> memref<128x128xf32, #tpu.memory_space<vmem_shared>>
      tpu.wait_dma2 semaphore(%run_scoped3A : memref<!tpu.dma_semaphore, #tpu.memory_space<semaphore_mem>>) src(%arg9 : memref<128x128xf32, #tpu.memory_space<vmem>>) dst(%dma_wait3A_130 : memref<128x128xf32, #tpu.memory_space<vmem_shared>>)
      tpu.yield
    }) : () -> ()
    %mul3A_7 = arith.constant 632 : i32
    %mul3A_8 = arith.muli %arg1, %mul3A_7 : i32
    %add3A_9 = arith.constant 128 : i32
    %add3A_10 = arith.addi %mul3A_8, %add3A_9 : i32
    "tpu.region"() ({
      %run_scoped3A = tpu.sem_alloc : memref<!tpu.dma_semaphore, #tpu.memory_space<semaphore_mem>>
      %dma_start3A = arith.constant 0 : i32
      %dma_start3A_125 = tpu.memref_slice %arg16[%add3A_10, %dma_start3A] : memref<10112x128xf32, #tpu.memory_space<vmem_shared>> -> memref<128x128xf32, #tpu.memory_space<vmem_shared>>
      %dma_start3A_126 = arith.constant 0 : i32
      %dma_start3A_127 = tpu.memref_slice %arg16[%add3A_10, %dma_start3A_126] : memref<10112x128xf32, #tpu.memory_space<vmem_shared>> -> memref<128x128xf32, #tpu.memory_space<vmem_shared>>
      tpu.enqueue_dma source(%arg9 : memref<128x128xf32, #tpu.memory_space<vmem>>) target(%dma_start3A_127 : memref<128x128xf32, #tpu.memory_space<vmem_shared>>) target_semaphore(%run_scoped3A : memref<!tpu.dma_semaphore, #tpu.memory_space<semaphore_mem>>)
      %dma_wait3A = arith.constant 0 : i32
      %dma_wait3A_128 = tpu.memref_slice %arg16[%add3A_10, %dma_wait3A] : memref<10112x128xf32, #tpu.memory_space<vmem_shared>> -> memref<128x128xf32, #tpu.memory_space<vmem_shared>>
      %dma_wait3A_129 = arith.constant 0 : i32
      %dma_wait3A_130 = tpu.memref_slice %arg16[%add3A_10, %dma_wait3A_129] : memref<10112x128xf32, #tpu.memory_space<vmem_shared>> -> memref<128x128xf32, #tpu.memory_space<vmem_shared>>
      tpu.wait_dma2 semaphore(%run_scoped3A : memref<!tpu.dma_semaphore, #tpu.memory_space<semaphore_mem>>) src(%arg9 : memref<128x128xf32, #tpu.memory_space<vmem>>) dst(%dma_wait3A_130 : memref<128x128xf32, #tpu.memory_space<vmem_shared>>)
      tpu.yield
    }) : () -> ()
    %mul3A_11 = arith.constant 632 : i32
    %mul3A_12 = arith.muli %arg1, %mul3A_11 : i32
    %add3A_13 = arith.constant 256 : i32
    %add3A_14 = arith.addi %mul3A_12, %add3A_13 : i32
    "tpu.region"() ({
      %run_scoped3A = tpu.sem_alloc : memref<!tpu.dma_semaphore, #tpu.memory_space<semaphore_mem>>
      %dma_start3A = arith.constant 0 : i32
      %dma_start3A_125 = tpu.memref_slice %arg16[%add3A_14, %dma_start3A] : memref<10112x128xf32, #tpu.memory_space<vmem_shared>> -> memref<128x128xf32, #tpu.memory_space<vmem_shared>>
      %dma_start3A_126 = arith.constant 0 : i32
      %dma_start3A_127 = tpu.memref_slice %arg16[%add3A_14, %dma_start3A_126] : memref<10112x128xf32, #tpu.memory_space<vmem_shared>> -> memref<128x128xf32, #tpu.memory_space<vmem_shared>>
      tpu.enqueue_dma source(%arg9 : memref<128x128xf32, #tpu.memory_space<vmem>>) target(%dma_start3A_127 : memref<128x128xf32, #tpu.memory_space<vmem_shared>>) target_semaphore(%run_scoped3A : memref<!tpu.dma_semaphore, #tpu.memory_space<semaphore_mem>>)
      %dma_wait3A = arith.constant 0 : i32
      %dma_wait3A_128 = tpu.memref_slice %arg16[%add3A_14, %dma_wait3A] : memref<10112x128xf32, #tpu.memory_space<vmem_shared>> -> memref<128x128xf32, #tpu.memory_space<vmem_shared>>
      %dma_wait3A_129 = arith.constant 0 : i32
      %dma_wait3A_130 = tpu.memref_slice %arg16[%add3A_14, %dma_wait3A_129] : memref<10112x128xf32, #tpu.memory_space<vmem_shared>> -> memref<128x128xf32, #tpu.memory_space<vmem_shared>>
      tpu.wait_dma2 semaphore(%run_scoped3A : memref<!tpu.dma_semaphore, #tpu.memory_space<semaphore_mem>>) src(%arg9 : memref<128x128xf32, #tpu.memory_space<vmem>>) dst(%dma_wait3A_130 : memref<128x128xf32, #tpu.memory_space<vmem_shared>>)
      tpu.yield
    }) : () -> ()
    %mul3A_15 = arith.constant 632 : i32
    %mul3A_16 = arith.muli %arg1, %mul3A_15 : i32
    %add3A_17 = arith.constant 384 : i32
    %add3A_18 = arith.addi %mul3A_16, %add3A_17 : i32
    "tpu.region"() ({
      %run_scoped3A = tpu.sem_alloc : memref<!tpu.dma_semaphore, #tpu.memory_space<semaphore_mem>>
      %dma_start3A = arith.constant 0 : i32
      %dma_start3A_125 = tpu.memref_slice %arg16[%add3A_18, %dma_start3A] : memref<10112x128xf32, #tpu.memory_space<vmem_shared>> -> memref<128x128xf32, #tpu.memory_space<vmem_shared>>
      %dma_start3A_126 = arith.constant 0 : i32
      %dma_start3A_127 = tpu.memref_slice %arg16[%add3A_18, %dma_start3A_126] : memref<10112x128xf32, #tpu.memory_space<vmem_shared>> -> memref<128x128xf32, #tpu.memory_space<vmem_shared>>
      tpu.enqueue_dma source(%arg9 : memref<128x128xf32, #tpu.memory_space<vmem>>) target(%dma_start3A_127 : memref<128x128xf32, #tpu.memory_space<vmem_shared>>) target_semaphore(%run_scoped3A : memref<!tpu.dma_semaphore, #tpu.memory_space<semaphore_mem>>)
      %dma_wait3A = arith.constant 0 : i32
      %dma_wait3A_128 = tpu.memref_slice %arg16[%add3A_18, %dma_wait3A] : memref<10112x128xf32, #tpu.memory_space<vmem_shared>> -> memref<128x128xf32, #tpu.memory_space<vmem_shared>>
      %dma_wait3A_129 = arith.constant 0 : i32
      %dma_wait3A_130 = tpu.memref_slice %arg16[%add3A_18, %dma_wait3A_129] : memref<10112x128xf32, #tpu.memory_space<vmem_shared>> -> memref<128x128xf32, #tpu.memory_space<vmem_shared>>
      tpu.wait_dma2 semaphore(%run_scoped3A : memref<!tpu.dma_semaphore, #tpu.memory_space<semaphore_mem>>) src(%arg9 : memref<128x128xf32, #tpu.memory_space<vmem>>) dst(%dma_wait3A_130 : memref<128x128xf32, #tpu.memory_space<vmem_shared>>)
      tpu.yield
    }) : () -> ()
    %mul3A_19 = arith.constant 632 : i32
    %mul3A_20 = arith.muli %arg1, %mul3A_19 : i32
    %add3A_21 = arith.constant 512 : i32
    %add3A_22 = arith.addi %mul3A_20, %add3A_21 : i32
    "tpu.region"() ({
      %run_scoped3A = tpu.sem_alloc : memref<!tpu.dma_semaphore, #tpu.memory_space<semaphore_mem>>
      %dma_start3A = arith.constant 0 : i32
      %dma_start3A_125 = arith.constant 0 : i32
      %dma_start3A_126 = tpu.memref_slice %arg9[%dma_start3A, %dma_start3A_125] : memref<128x128xf32, #tpu.memory_space<vmem>> -> memref<120x128xf32, #tpu.memory_space<vmem>>
      %dma_start3A_127 = arith.constant 0 : i32
      %dma_start3A_128 = tpu.memref_slice %arg16[%add3A_22, %dma_start3A_127] : memref<10112x128xf32, #tpu.memory_space<vmem_shared>> -> memref<120x128xf32, #tpu.memory_space<vmem_shared>>
      %dma_start3A_129 = arith.constant 0 : i32
      %dma_start3A_130 = tpu.memref_slice %arg16[%add3A_22, %dma_start3A_129] : memref<10112x128xf32, #tpu.memory_space<vmem_shared>> -> memref<120x128xf32, #tpu.memory_space<vmem_shared>>
      %dma_start3A_131 = arith.constant 0 : i32
      %dma_start3A_132 = arith.constant 0 : i32
      %dma_start3A_133 = tpu.memref_slice %arg9[%dma_start3A_131, %dma_start3A_132] : memref<128x128xf32, #tpu.memory_space<vmem>> -> memref<120x128xf32, #tpu.memory_space<vmem>>
      tpu.enqueue_dma source(%dma_start3A_133 : memref<120x128xf32, #tpu.memory_space<vmem>>) target(%dma_start3A_130 : memref<120x128xf32, #tpu.memory_space<vmem_shared>>) target_semaphore(%run_scoped3A : memref<!tpu.dma_semaphore, #tpu.memory_space<semaphore_mem>>)
      %dma_wait3A = arith.constant 0 : i32
      %dma_wait3A_134 = arith.constant 0 : i32
      %dma_wait3A_135 = tpu.memref_slice %arg9[%dma_wait3A, %dma_wait3A_134] : memref<128x128xf32, #tpu.memory_space<vmem>> -> memref<120x128xf32, #tpu.memory_space<vmem>>
      %dma_wait3A_136 = arith.constant 0 : i32
      %dma_wait3A_137 = tpu.memref_slice %arg16[%add3A_22, %dma_wait3A_136] : memref<10112x128xf32, #tpu.memory_space<vmem_shared>> -> memref<120x128xf32, #tpu.memory_space<vmem_shared>>
      %dma_wait3A_138 = arith.constant 0 : i32
      %dma_wait3A_139 = tpu.memref_slice %arg16[%add3A_22, %dma_wait3A_138] : memref<10112x128xf32, #tpu.memory_space<vmem_shared>> -> memref<120x128xf32, #tpu.memory_space<vmem_shared>>
      %dma_wait3A_140 = arith.constant 0 : i32
      %dma_wait3A_141 = arith.constant 0 : i32
      %dma_wait3A_142 = tpu.memref_slice %arg9[%dma_wait3A_140, %dma_wait3A_141] : memref<128x128xf32, #tpu.memory_space<vmem>> -> memref<120x128xf32, #tpu.memory_space<vmem>>
      tpu.wait_dma2 semaphore(%run_scoped3A : memref<!tpu.dma_semaphore, #tpu.memory_space<semaphore_mem>>) src(%dma_wait3A_142 : memref<120x128xf32, #tpu.memory_space<vmem>>) dst(%dma_wait3A_139 : memref<120x128xf32, #tpu.memory_space<vmem_shared>>)
      tpu.yield
    }) : () -> ()
    %barrier3A = arith.constant 0 : index
    tpu.barrier barrier_id(%barrier3A)
    %eq3A = arith.constant 0 : i32
    %eq3A_23 = arith.cmpi eq, %arg0, %eq3A : i32
    %jit3A = arith.constant 0 : i32
    %jit3A_24 = arith.constant 1250 : i32
    %select_n3A = arith.select %eq3A_23, %jit3A, %jit3A_24 : i32
    %eq3A_25 = arith.constant 0 : i32
    %eq3A_26 = arith.cmpi eq, %arg0, %eq3A_25 : i32
    %jit3A_27 = arith.constant 1250 : i32
    %jit3A_28 = arith.constant 1250 : i32
    %select_n3A_29 = arith.select %eq3A_26, %jit3A_27, %jit3A_28 : i32
    %jit3A_30 = arith.constant 16 : i32
    %div3A = arith.divsi %select_n3A_29, %jit3A_30 : i32
    %sign3A = arith.constant 0 : i32
    %sign3A_31 = arith.cmpi sgt, %select_n3A_29, %sign3A : i32
    %sign3A_32 = arith.extui %sign3A_31 : i1 to i32
    %sign3A_33 = arith.constant 0 : i32
    %sign3A_34 = arith.cmpi slt, %select_n3A_29, %sign3A_33 : i32
    %sign3A_35 = arith.extui %sign3A_34 : i1 to i32
    %sign3A_36 = arith.subi %sign3A_32, %sign3A_35 : i32
    %sign3A_37 = arith.constant 0 : i32
    %sign3A_38 = arith.cmpi sgt, %jit3A_30, %sign3A_37 : i32
    %sign3A_39 = arith.extui %sign3A_38 : i1 to i32
    %sign3A_40 = arith.constant 0 : i32
    %sign3A_41 = arith.cmpi slt, %jit3A_30, %sign3A_40 : i32
    %sign3A_42 = arith.extui %sign3A_41 : i1 to i32
    %sign3A_43 = arith.subi %sign3A_39, %sign3A_42 : i32
    %ne3A = arith.cmpi ne, %sign3A_36, %sign3A_43 : i32
    %rem3A = arith.remsi %select_n3A_29, %jit3A_30 : i32
    %ne3A_44 = arith.constant 0 : i32
    %ne3A_45 = arith.cmpi ne, %rem3A, %ne3A_44 : i32
    %and3A = arith.andi %ne3A, %ne3A_45 : i1
    %sub3A = arith.constant 1 : i32
    %sub3A_46 = arith.subi %div3A, %sub3A : i32
    %select_n3A_47 = arith.select %and3A, %sub3A_46, %div3A : i32
    %jit3A_48 = arith.constant 16 : i32
    %eq3A_49 = arith.constant 0 : i32
    %eq3A_50 = arith.cmpi eq, %jit3A_48, %eq3A_49 : i32
    %jit3A_51 = arith.constant 1 : i32
    %select_n3A_52 = arith.select %eq3A_50, %jit3A_51, %jit3A_48 : i32
    %rem3A_53 = arith.remsi %select_n3A_29, %select_n3A_52 : i32
    %ne3A_54 = arith.constant 0 : i32
    %ne3A_55 = arith.cmpi ne, %rem3A_53, %ne3A_54 : i32
    %lt3A = arith.constant 0 : i32
    %lt3A_56 = arith.cmpi slt, %rem3A_53, %lt3A : i32
    %lt3A_57 = arith.constant 0 : i32
    %lt3A_58 = arith.cmpi slt, %select_n3A_52, %lt3A_57 : i32
    %ne3A_59 = arith.xori %lt3A_56, %lt3A_58 : i1
    %and3A_60 = arith.andi %ne3A_59, %ne3A_55 : i1
    %add3A_61 = arith.addi %rem3A_53, %select_n3A_52 : i32
    %select_n3A_62 = arith.select %and3A_60, %add3A_61, %rem3A_53 : i32
    %mul3A_63 = arith.muli %select_n3A_47, %arg1 : i32
    %add3A_64 = arith.addi %select_n3A, %mul3A_63 : i32
    %min3A = arith.minsi %arg1, %select_n3A_62 : i32
    %add3A_65 = arith.addi %add3A_64, %min3A : i32
    %lt3A_66 = arith.cmpi slt, %arg1, %select_n3A_62 : i32
    %jit3A_67 = arith.constant 1 : i32
    %jit3A_68 = arith.constant 0 : i32
    %select_n3A_69 = arith.select %lt3A_66, %jit3A_67, %jit3A_68 : i32
    %add3A_70 = arith.addi %select_n3A_47, %select_n3A_69 : i32
    %gt3A = arith.constant 0 : i32
    %gt3A_71 = arith.cmpi sgt, %add3A_70, %gt3A : i32
    %convert_element_type3A = arith.extui %gt3A_71 : i1 to i32
    %cond3A = arith.constant 0 : i32
    %cond3A_72 = arith.cmpi ne, %convert_element_type3A, %cond3A : i32
    scf.if %cond3A_72 {
      %add3A_125 = arith.constant 0 : i32
      %add3A_126 = arith.addi %add3A_65, %add3A_125 : i32
      %dma_start3A = arith.constant 0 : i32
      %dma_start3A_127 = arith.constant 0 : i32
      %dma_start3A_128 = tpu.memref_slice %arg7[%dma_start3A, %dma_start3A_127] : memref<3x128xi32, #tpu.memory_space<vmem>> -> memref<1x128xi32, #tpu.memory_space<vmem>>
      %dma_start3A_129 = tpu.memref_squeeze %dma_start3A_128 : memref<1x128xi32, #tpu.memory_space<vmem>> -> memref<128xi32, #tpu.memory_space<vmem>>
      %dma_start3A_130 = arith.constant 0 : i32
      %dma_start3A_131 = tpu.memref_slice %arg2[%add3A_126, %dma_start3A_130] : memref<2500x128xi32, #tpu.memory_space<hbm>> -> memref<1x128xi32, #tpu.memory_space<hbm>>
      %dma_start3A_132 = tpu.memref_squeeze %dma_start3A_131 : memref<1x128xi32, #tpu.memory_space<hbm>> -> memref<128xi32, #tpu.memory_space<hbm>>
      %dma_start3A_133 = arith.constant 0 : i32
      %dma_start3A_134 = tpu.memref_slice %arg7[%dma_start3A, %dma_start3A_133] : memref<3x128xi32, #tpu.memory_space<vmem>> -> memref<1x128xi32, #tpu.memory_space<vmem>>
      %dma_start3A_135 = tpu.memref_squeeze %dma_start3A_134 : memref<1x128xi32, #tpu.memory_space<vmem>> -> memref<128xi32, #tpu.memory_space<vmem>>
      %dma_start3A_136 = arith.constant 0 : i32
      %dma_start3A_137 = tpu.memref_slice %arg2[%add3A_126, %dma_start3A_136] : memref<2500x128xi32, #tpu.memory_space<hbm>> -> memref<1x128xi32, #tpu.memory_space<hbm>>
      %dma_start3A_138 = tpu.memref_squeeze %dma_start3A_137 : memref<1x128xi32, #tpu.memory_space<hbm>> -> memref<128xi32, #tpu.memory_space<hbm>>
      tpu.enqueue_dma source(%dma_start3A_138 : memref<128xi32, #tpu.memory_space<hbm>>) target(%dma_start3A_135 : memref<128xi32, #tpu.memory_space<vmem>>) target_semaphore(%arg13 : memref<!tpu.dma_semaphore, #tpu.memory_space<semaphore_mem>>)
    } else {
    }
    %gt3A_73 = arith.constant 1 : i32
    %gt3A_74 = arith.cmpi sgt, %add3A_70, %gt3A_73 : i32
    %convert_element_type3A_75 = arith.extui %gt3A_74 : i1 to i32
    %cond3A_76 = arith.constant 0 : i32
    %cond3A_77 = arith.cmpi ne, %convert_element_type3A_75, %cond3A_76 : i32
    scf.if %cond3A_77 {
      %add3A_125 = arith.constant 1 : i32
      %add3A_126 = arith.addi %add3A_65, %add3A_125 : i32
      %dma_start3A = arith.constant 1 : i32
      %dma_start3A_127 = arith.constant 0 : i32
      %dma_start3A_128 = tpu.memref_slice %arg7[%dma_start3A, %dma_start3A_127] : memref<3x128xi32, #tpu.memory_space<vmem>> -> memref<1x128xi32, #tpu.memory_space<vmem>>
      %dma_start3A_129 = tpu.memref_squeeze %dma_start3A_128 : memref<1x128xi32, #tpu.memory_space<vmem>> -> memref<128xi32, #tpu.memory_space<vmem>>
      %dma_start3A_130 = arith.constant 0 : i32
      %dma_start3A_131 = tpu.memref_slice %arg2[%add3A_126, %dma_start3A_130] : memref<2500x128xi32, #tpu.memory_space<hbm>> -> memref<1x128xi32, #tpu.memory_space<hbm>>
      %dma_start3A_132 = tpu.memref_squeeze %dma_start3A_131 : memref<1x128xi32, #tpu.memory_space<hbm>> -> memref<128xi32, #tpu.memory_space<hbm>>
      %dma_start3A_133 = arith.constant 0 : i32
      %dma_start3A_134 = tpu.memref_slice %arg7[%dma_start3A, %dma_start3A_133] : memref<3x128xi32, #tpu.memory_space<vmem>> -> memref<1x128xi32, #tpu.memory_space<vmem>>
      %dma_start3A_135 = tpu.memref_squeeze %dma_start3A_134 : memref<1x128xi32, #tpu.memory_space<vmem>> -> memref<128xi32, #tpu.memory_space<vmem>>
      %dma_start3A_136 = arith.constant 0 : i32
      %dma_start3A_137 = tpu.memref_slice %arg2[%add3A_126, %dma_start3A_136] : memref<2500x128xi32, #tpu.memory_space<hbm>> -> memref<1x128xi32, #tpu.memory_space<hbm>>
      %dma_start3A_138 = tpu.memref_squeeze %dma_start3A_137 : memref<1x128xi32, #tpu.memory_space<hbm>> -> memref<128xi32, #tpu.memory_space<hbm>>
      tpu.enqueue_dma source(%dma_start3A_138 : memref<128xi32, #tpu.memory_space<hbm>>) target(%dma_start3A_135 : memref<128xi32, #tpu.memory_space<vmem>>) target_semaphore(%arg13 : memref<!tpu.dma_semaphore, #tpu.memory_space<semaphore_mem>>)
    } else {
    }
    %gt3A_78 = arith.constant 2 : i32
    %gt3A_79 = arith.cmpi sgt, %add3A_70, %gt3A_78 : i32
    %convert_element_type3A_80 = arith.extui %gt3A_79 : i1 to i32
    %cond3A_81 = arith.constant 0 : i32
    %cond3A_82 = arith.cmpi ne, %convert_element_type3A_80, %cond3A_81 : i32
    scf.if %cond3A_82 {
      %add3A_125 = arith.constant 2 : i32
      %add3A_126 = arith.addi %add3A_65, %add3A_125 : i32
      %dma_start3A = arith.constant 2 : i32
      %dma_start3A_127 = arith.constant 0 : i32
      %dma_start3A_128 = tpu.memref_slice %arg7[%dma_start3A, %dma_start3A_127] : memref<3x128xi32, #tpu.memory_space<vmem>> -> memref<1x128xi32, #tpu.memory_space<vmem>>
      %dma_start3A_129 = tpu.memref_squeeze %dma_start3A_128 : memref<1x128xi32, #tpu.memory_space<vmem>> -> memref<128xi32, #tpu.memory_space<vmem>>
      %dma_start3A_130 = arith.constant 0 : i32
      %dma_start3A_131 = tpu.memref_slice %arg2[%add3A_126, %dma_start3A_130] : memref<2500x128xi32, #tpu.memory_space<hbm>> -> memref<1x128xi32, #tpu.memory_space<hbm>>
      %dma_start3A_132 = tpu.memref_squeeze %dma_start3A_131 : memref<1x128xi32, #tpu.memory_space<hbm>> -> memref<128xi32, #tpu.memory_space<hbm>>
      %dma_start3A_133 = arith.constant 0 : i32
      %dma_start3A_134 = tpu.memref_slice %arg7[%dma_start3A, %dma_start3A_133] : memref<3x128xi32, #tpu.memory_space<vmem>> -> memref<1x128xi32, #tpu.memory_space<vmem>>
      %dma_start3A_135 = tpu.memref_squeeze %dma_start3A_134 : memref<1x128xi32, #tpu.memory_space<vmem>> -> memref<128xi32, #tpu.memory_space<vmem>>
      %dma_start3A_136 = arith.constant 0 : i32
      %dma_start3A_137 = tpu.memref_slice %arg2[%add3A_126, %dma_start3A_136] : memref<2500x128xi32, #tpu.memory_space<hbm>> -> memref<1x128xi32, #tpu.memory_space<hbm>>
      %dma_start3A_138 = tpu.memref_squeeze %dma_start3A_137 : memref<1x128xi32, #tpu.memory_space<hbm>> -> memref<128xi32, #tpu.memory_space<hbm>>
      tpu.enqueue_dma source(%dma_start3A_138 : memref<128xi32, #tpu.memory_space<hbm>>) target(%dma_start3A_135 : memref<128xi32, #tpu.memory_space<vmem>>) target_semaphore(%arg13 : memref<!tpu.dma_semaphore, #tpu.memory_space<semaphore_mem>>)
    } else {
    }
    %gt3A_83 = arith.constant 0 : i32
    %gt3A_84 = arith.cmpi sgt, %add3A_70, %gt3A_83 : i32
    %convert_element_type3A_85 = arith.extui %gt3A_84 : i1 to i32
    %cond3A_86 = arith.constant 0 : i32
    %cond3A_87 = arith.cmpi ne, %convert_element_type3A_85, %cond3A_86 : i32
    scf.if %cond3A_87 {
      %add3A_125 = arith.constant 0 : i32
      %add3A_126 = arith.addi %add3A_65, %add3A_125 : i32
      %dma_start3A = arith.constant 0 : i32
      %dma_start3A_127 = arith.constant 0 : i32
      %dma_start3A_128 = tpu.memref_slice %arg8[%dma_start3A, %dma_start3A_127] : memref<3x128xi32, #tpu.memory_space<vmem>> -> memref<1x128xi32, #tpu.memory_space<vmem>>
      %dma_start3A_129 = tpu.memref_squeeze %dma_start3A_128 : memref<1x128xi32, #tpu.memory_space<vmem>> -> memref<128xi32, #tpu.memory_space<vmem>>
      %dma_start3A_130 = arith.constant 0 : i32
      %dma_start3A_131 = tpu.memref_slice %arg3[%add3A_126, %dma_start3A_130] : memref<2500x128xi32, #tpu.memory_space<hbm>> -> memref<1x128xi32, #tpu.memory_space<hbm>>
      %dma_start3A_132 = tpu.memref_squeeze %dma_start3A_131 : memref<1x128xi32, #tpu.memory_space<hbm>> -> memref<128xi32, #tpu.memory_space<hbm>>
      %dma_start3A_133 = arith.constant 0 : i32
      %dma_start3A_134 = tpu.memref_slice %arg8[%dma_start3A, %dma_start3A_133] : memref<3x128xi32, #tpu.memory_space<vmem>> -> memref<1x128xi32, #tpu.memory_space<vmem>>
      %dma_start3A_135 = tpu.memref_squeeze %dma_start3A_134 : memref<1x128xi32, #tpu.memory_space<vmem>> -> memref<128xi32, #tpu.memory_space<vmem>>
      %dma_start3A_136 = arith.constant 0 : i32
      %dma_start3A_137 = tpu.memref_slice %arg3[%add3A_126, %dma_start3A_136] : memref<2500x128xi32, #tpu.memory_space<hbm>> -> memref<1x128xi32, #tpu.memory_space<hbm>>
      %dma_start3A_138 = tpu.memref_squeeze %dma_start3A_137 : memref<1x128xi32, #tpu.memory_space<hbm>> -> memref<128xi32, #tpu.memory_space<hbm>>
      tpu.enqueue_dma source(%dma_start3A_138 : memref<128xi32, #tpu.memory_space<hbm>>) target(%dma_start3A_135 : memref<128xi32, #tpu.memory_space<vmem>>) target_semaphore(%arg14 : memref<!tpu.dma_semaphore, #tpu.memory_space<semaphore_mem>>)
    } else {
    }
    %gt3A_88 = arith.constant 1 : i32
    %gt3A_89 = arith.cmpi sgt, %add3A_70, %gt3A_88 : i32
    %convert_element_type3A_90 = arith.extui %gt3A_89 : i1 to i32
    %cond3A_91 = arith.constant 0 : i32
    %cond3A_92 = arith.cmpi ne, %convert_element_type3A_90, %cond3A_91 : i32
    scf.if %cond3A_92 {
      %add3A_125 = arith.constant 1 : i32
      %add3A_126 = arith.addi %add3A_65, %add3A_125 : i32
      %dma_start3A = arith.constant 1 : i32
      %dma_start3A_127 = arith.constant 0 : i32
      %dma_start3A_128 = tpu.memref_slice %arg8[%dma_start3A, %dma_start3A_127] : memref<3x128xi32, #tpu.memory_space<vmem>> -> memref<1x128xi32, #tpu.memory_space<vmem>>
      %dma_start3A_129 = tpu.memref_squeeze %dma_start3A_128 : memref<1x128xi32, #tpu.memory_space<vmem>> -> memref<128xi32, #tpu.memory_space<vmem>>
      %dma_start3A_130 = arith.constant 0 : i32
      %dma_start3A_131 = tpu.memref_slice %arg3[%add3A_126, %dma_start3A_130] : memref<2500x128xi32, #tpu.memory_space<hbm>> -> memref<1x128xi32, #tpu.memory_space<hbm>>
      %dma_start3A_132 = tpu.memref_squeeze %dma_start3A_131 : memref<1x128xi32, #tpu.memory_space<hbm>> -> memref<128xi32, #tpu.memory_space<hbm>>
      %dma_start3A_133 = arith.constant 0 : i32
      %dma_start3A_134 = tpu.memref_slice %arg8[%dma_start3A, %dma_start3A_133] : memref<3x128xi32, #tpu.memory_space<vmem>> -> memref<1x128xi32, #tpu.memory_space<vmem>>
      %dma_start3A_135 = tpu.memref_squeeze %dma_start3A_134 : memref<1x128xi32, #tpu.memory_space<vmem>> -> memref<128xi32, #tpu.memory_space<vmem>>
      %dma_start3A_136 = arith.constant 0 : i32
      %dma_start3A_137 = tpu.memref_slice %arg3[%add3A_126, %dma_start3A_136] : memref<2500x128xi32, #tpu.memory_space<hbm>> -> memref<1x128xi32, #tpu.memory_space<hbm>>
      %dma_start3A_138 = tpu.memref_squeeze %dma_start3A_137 : memref<1x128xi32, #tpu.memory_space<hbm>> -> memref<128xi32, #tpu.memory_space<hbm>>
      tpu.enqueue_dma source(%dma_start3A_138 : memref<128xi32, #tpu.memory_space<hbm>>) target(%dma_start3A_135 : memref<128xi32, #tpu.memory_space<vmem>>) target_semaphore(%arg14 : memref<!tpu.dma_semaphore, #tpu.memory_space<semaphore_mem>>)
    } else {
    }
    %gt3A_93 = arith.constant 0 : i32
    %gt3A_94 = arith.cmpi sgt, %add3A_70, %gt3A_93 : i32
    %convert_element_type3A_95 = arith.extui %gt3A_94 : i1 to i32
    %cond3A_96 = arith.constant 0 : i32
    %cond3A_97 = arith.cmpi ne, %convert_element_type3A_95, %cond3A_96 : i32
    scf.if %cond3A_97 {
      %dma_wait3A = arith.constant 0 : i32
      %dma_wait3A_125 = arith.constant 0 : i32
      %dma_wait3A_126 = arith.constant 0 : i32
      %dma_wait3A_127 = tpu.memref_slice %arg7[%dma_wait3A_125, %dma_wait3A_126] : memref<3x128xi32, #tpu.memory_space<vmem>> -> memref<1x128xi32, #tpu.memory_space<vmem>>
      %dma_wait3A_128 = tpu.memref_squeeze %dma_wait3A_127 : memref<1x128xi32, #tpu.memory_space<vmem>> -> memref<128xi32, #tpu.memory_space<vmem>>
      %dma_wait3A_129 = arith.constant 0 : i32
      %dma_wait3A_130 = tpu.memref_slice %arg2[%dma_wait3A, %dma_wait3A_129] : memref<2500x128xi32, #tpu.memory_space<hbm>> -> memref<1x128xi32, #tpu.memory_space<hbm>>
      %dma_wait3A_131 = tpu.memref_squeeze %dma_wait3A_130 : memref<1x128xi32, #tpu.memory_space<hbm>> -> memref<128xi32, #tpu.memory_space<hbm>>
      %dma_wait3A_132 = arith.constant 0 : i32
      %dma_wait3A_133 = tpu.memref_slice %arg7[%dma_wait3A_125, %dma_wait3A_132] : memref<3x128xi32, #tpu.memory_space<vmem>> -> memref<1x128xi32, #tpu.memory_space<vmem>>
      %dma_wait3A_134 = tpu.memref_squeeze %dma_wait3A_133 : memref<1x128xi32, #tpu.memory_space<vmem>> -> memref<128xi32, #tpu.memory_space<vmem>>
      %dma_wait3A_135 = arith.constant 0 : i32
      %dma_wait3A_136 = tpu.memref_slice %arg2[%dma_wait3A, %dma_wait3A_135] : memref<2500x128xi32, #tpu.memory_space<hbm>> -> memref<1x128xi32, #tpu.memory_space<hbm>>
      %dma_wait3A_137 = tpu.memref_squeeze %dma_wait3A_136 : memref<1x128xi32, #tpu.memory_space<hbm>> -> memref<128xi32, #tpu.memory_space<hbm>>
      tpu.wait_dma2 semaphore(%arg13 : memref<!tpu.dma_semaphore, #tpu.memory_space<semaphore_mem>>) src(%dma_wait3A_137 : memref<128xi32, #tpu.memory_space<hbm>>) dst(%dma_wait3A_134 : memref<128xi32, #tpu.memory_space<vmem>>)
      %dma_start3A = arith.constant 0 : i32
      %dma_start3A_138 = arith.constant 0 : i32
      %dma_start3A_139 = tpu.memref_slice %arg7[%dma_start3A, %dma_start3A_138] : memref<3x128xi32, #tpu.memory_space<vmem>> -> memref<1x128xi32, #tpu.memory_space<vmem>>
      %dma_start3A_140 = tpu.memref_squeeze %dma_start3A_139 : memref<1x128xi32, #tpu.memory_space<vmem>> -> memref<128xi32, #tpu.memory_space<vmem>>
      %dma_start3A_141 = arith.constant 0 : i32
      %dma_start3A_142 = arith.constant 0 : i32
      %dma_start3A_143 = tpu.memref_slice %arg4[%dma_start3A_141, %dma_start3A_142] : memref<10000x128xf32, #tpu.memory_space<hbm>> -> memref<10000x128xf32, #tpu.memory_space<hbm>>
      tpu.enqueue_indirect_dma source(%dma_start3A_143 : memref<10000x128xf32, #tpu.memory_space<hbm>>) target(%arg9 : memref<128x128xf32, #tpu.memory_space<vmem>>) offsets(%dma_start3A_140 : memref<128xi32, #tpu.memory_space<vmem>>) semaphore(%arg12 : memref<!tpu.dma_semaphore, #tpu.memory_space<semaphore_mem>>)
    } else {
    }
    %gt3A_98 = arith.constant 1 : i32
    %gt3A_99 = arith.cmpi sgt, %add3A_70, %gt3A_98 : i32
    %convert_element_type3A_100 = arith.extui %gt3A_99 : i1 to i32
    %cond3A_101 = arith.constant 0 : i32
    %cond3A_102 = arith.cmpi ne, %convert_element_type3A_100, %cond3A_101 : i32
    scf.if %cond3A_102 {
      %dma_wait3A = arith.constant 0 : i32
      %dma_wait3A_125 = arith.constant 0 : i32
      %dma_wait3A_126 = arith.constant 0 : i32
      %dma_wait3A_127 = tpu.memref_slice %arg7[%dma_wait3A_125, %dma_wait3A_126] : memref<3x128xi32, #tpu.memory_space<vmem>> -> memref<1x128xi32, #tpu.memory_space<vmem>>
      %dma_wait3A_128 = tpu.memref_squeeze %dma_wait3A_127 : memref<1x128xi32, #tpu.memory_space<vmem>> -> memref<128xi32, #tpu.memory_space<vmem>>
      %dma_wait3A_129 = arith.constant 0 : i32
      %dma_wait3A_130 = tpu.memref_slice %arg2[%dma_wait3A, %dma_wait3A_129] : memref<2500x128xi32, #tpu.memory_space<hbm>> -> memref<1x128xi32, #tpu.memory_space<hbm>>
      %dma_wait3A_131 = tpu.memref_squeeze %dma_wait3A_130 : memref<1x128xi32, #tpu.memory_space<hbm>> -> memref<128xi32, #tpu.memory_space<hbm>>
      %dma_wait3A_132 = arith.constant 0 : i32
      %dma_wait3A_133 = tpu.memref_slice %arg7[%dma_wait3A_125, %dma_wait3A_132] : memref<3x128xi32, #tpu.memory_space<vmem>> -> memref<1x128xi32, #tpu.memory_space<vmem>>
      %dma_wait3A_134 = tpu.memref_squeeze %dma_wait3A_133 : memref<1x128xi32, #tpu.memory_space<vmem>> -> memref<128xi32, #tpu.memory_space<vmem>>
      %dma_wait3A_135 = arith.constant 0 : i32
      %dma_wait3A_136 = tpu.memref_slice %arg2[%dma_wait3A, %dma_wait3A_135] : memref<2500x128xi32, #tpu.memory_space<hbm>> -> memref<1x128xi32, #tpu.memory_space<hbm>>
      %dma_wait3A_137 = tpu.memref_squeeze %dma_wait3A_136 : memref<1x128xi32, #tpu.memory_space<hbm>> -> memref<128xi32, #tpu.memory_space<hbm>>
      tpu.wait_dma2 semaphore(%arg13 : memref<!tpu.dma_semaphore, #tpu.memory_space<semaphore_mem>>) src(%dma_wait3A_137 : memref<128xi32, #tpu.memory_space<hbm>>) dst(%dma_wait3A_134 : memref<128xi32, #tpu.memory_space<vmem>>)
      %dma_start3A = arith.constant 1 : i32
      %dma_start3A_138 = arith.constant 0 : i32
      %dma_start3A_139 = tpu.memref_slice %arg7[%dma_start3A, %dma_start3A_138] : memref<3x128xi32, #tpu.memory_space<vmem>> -> memref<1x128xi32, #tpu.memory_space<vmem>>
      %dma_start3A_140 = tpu.memref_squeeze %dma_start3A_139 : memref<1x128xi32, #tpu.memory_space<vmem>> -> memref<128xi32, #tpu.memory_space<vmem>>
      %dma_start3A_141 = arith.constant 0 : i32
      %dma_start3A_142 = arith.constant 0 : i32
      %dma_start3A_143 = tpu.memref_slice %arg4[%dma_start3A_141, %dma_start3A_142] : memref<10000x128xf32, #tpu.memory_space<hbm>> -> memref<10000x128xf32, #tpu.memory_space<hbm>>
      tpu.enqueue_indirect_dma source(%dma_start3A_143 : memref<10000x128xf32, #tpu.memory_space<hbm>>) target(%arg10 : memref<128x128xf32, #tpu.memory_space<vmem>>) offsets(%dma_start3A_140 : memref<128xi32, #tpu.memory_space<vmem>>) semaphore(%arg12 : memref<!tpu.dma_semaphore, #tpu.memory_space<semaphore_mem>>)
    } else {
    }
    %scan3A_103 = arith.constant 0 : i32
    %scan3A_104 = arith.constant 0 : i32
    %scan3A_105 = arith.constant 27 : i32
    %scan3A_106 = arith.addi %scan3A_104, %scan3A_105 : i32
    %scan3A_107 = arith.constant 1 : i32
    scf.for %scan3A_125 = %scan3A_104 to %scan3A_106 step %scan3A_107  : i32 {
      %mul3A_126 = arith.constant 3 : i32
      %mul3A_127 = arith.muli %mul3A_126, %scan3A_125 : i32
      %add3A_128 = arith.constant 0 : i32
      %add3A_129 = arith.addi %mul3A_127, %add3A_128 : i32
      %lt3A_130 = arith.cmpi slt, %add3A_129, %add3A_70 : i32
      %convert_element_type3A_131 = arith.extui %lt3A_130 : i1 to i32
      %cond3A_132 = arith.constant 0 : i32
      %cond3A_133 = arith.cmpi ne, %convert_element_type3A_131, %cond3A_132 : i32
      scf.if %cond3A_133 {
        %dma_wait3A = arith.constant 0 : i32
        %dma_wait3A_150 = arith.constant 0 : i32
        %dma_wait3A_151 = tpu.memref_slice %arg4[%dma_wait3A, %dma_wait3A_150] : memref<10000x128xf32, #tpu.memory_space<hbm>> -> memref<128x128xf32, #tpu.memory_space<hbm>>
        %dma_wait3A_152 = arith.constant 0 : i32
        %dma_wait3A_153 = arith.constant 0 : i32
        %dma_wait3A_154 = tpu.memref_slice %arg4[%dma_wait3A_152, %dma_wait3A_153] : memref<10000x128xf32, #tpu.memory_space<hbm>> -> memref<128x128xf32, #tpu.memory_space<hbm>>
        tpu.wait_dma2 semaphore(%arg12 : memref<!tpu.dma_semaphore, #tpu.memory_space<semaphore_mem>>) src(%dma_wait3A_154 : memref<128x128xf32, #tpu.memory_space<hbm>>) dst(%arg9 : memref<128x128xf32, #tpu.memory_space<vmem>>)
        %dma_wait3A_155 = arith.constant 0 : i32
        %dma_wait3A_156 = arith.constant 0 : i32
        %dma_wait3A_157 = arith.constant 0 : i32
        %dma_wait3A_158 = tpu.memref_slice %arg8[%dma_wait3A_156, %dma_wait3A_157] : memref<3x128xi32, #tpu.memory_space<vmem>> -> memref<1x128xi32, #tpu.memory_space<vmem>>
        %dma_wait3A_159 = tpu.memref_squeeze %dma_wait3A_158 : memref<1x128xi32, #tpu.memory_space<vmem>> -> memref<128xi32, #tpu.memory_space<vmem>>
        %dma_wait3A_160 = arith.constant 0 : i32
        %dma_wait3A_161 = tpu.memref_slice %arg3[%dma_wait3A_155, %dma_wait3A_160] : memref<2500x128xi32, #tpu.memory_space<hbm>> -> memref<1x128xi32, #tpu.memory_space<hbm>>
        %dma_wait3A_162 = tpu.memref_squeeze %dma_wait3A_161 : memref<1x128xi32, #tpu.memory_space<hbm>> -> memref<128xi32, #tpu.memory_space<hbm>>
        %dma_wait3A_163 = arith.constant 0 : i32
        %dma_wait3A_164 = tpu.memref_slice %arg8[%dma_wait3A_156, %dma_wait3A_163] : memref<3x128xi32, #tpu.memory_space<vmem>> -> memref<1x128xi32, #tpu.memory_space<vmem>>
        %dma_wait3A_165 = tpu.memref_squeeze %dma_wait3A_164 : memref<1x128xi32, #tpu.memory_space<vmem>> -> memref<128xi32, #tpu.memory_space<vmem>>
        %dma_wait3A_166 = arith.constant 0 : i32
        %dma_wait3A_167 = tpu.memref_slice %arg3[%dma_wait3A_155, %dma_wait3A_166] : memref<2500x128xi32, #tpu.memory_space<hbm>> -> memref<1x128xi32, #tpu.memory_space<hbm>>
        %dma_wait3A_168 = tpu.memref_squeeze %dma_wait3A_167 : memref<1x128xi32, #tpu.memory_space<hbm>> -> memref<128xi32, #tpu.memory_space<hbm>>
        tpu.wait_dma2 semaphore(%arg14 : memref<!tpu.dma_semaphore, #tpu.memory_space<semaphore_mem>>) src(%dma_wait3A_168 : memref<128xi32, #tpu.memory_space<hbm>>) dst(%dma_wait3A_165 : memref<128xi32, #tpu.memory_space<vmem>>)
        %dma_start3A = arith.constant 0 : i32
        %dma_start3A_169 = arith.constant 0 : i32
        %dma_start3A_170 = tpu.memref_slice %arg8[%dma_start3A, %dma_start3A_169] : memref<3x128xi32, #tpu.memory_space<vmem>> -> memref<1x128xi32, #tpu.memory_space<vmem>>
        %dma_start3A_171 = tpu.memref_squeeze %dma_start3A_170 : memref<1x128xi32, #tpu.memory_space<vmem>> -> memref<128xi32, #tpu.memory_space<vmem>>
        %dma_start3A_172 = arith.constant 0 : i32
        %dma_start3A_173 = arith.constant 0 : i32
        %dma_start3A_174 = tpu.memref_slice %arg16[%dma_start3A_172, %dma_start3A_173] : memref<10112x128xf32, #tpu.memory_space<vmem_shared>> -> memref<10112x128xf32, #tpu.memory_space<vmem_shared>>
        tpu.enqueue_indirect_dma source(%arg9 : memref<128x128xf32, #tpu.memory_space<vmem>>) target(%dma_start3A_174 : memref<10112x128xf32, #tpu.memory_space<vmem_shared>>) offsets(%dma_start3A_171 : memref<128xi32, #tpu.memory_space<vmem>>) semaphore(%arg15 : memref<!tpu.dma_semaphore, #tpu.memory_space<semaphore_mem>>) {add = true}
        %ge3A = arith.constant 1 : i32
        %ge3A_175 = arith.cmpi sge, %add3A_129, %ge3A : i32
        %convert_element_type3A_176 = arith.extui %ge3A_175 : i1 to i32
        %cond3A_177 = arith.constant 0 : i32
        %cond3A_178 = arith.cmpi ne, %convert_element_type3A_176, %cond3A_177 : i32
        scf.if %cond3A_178 {
          %dma_wait3A_191 = arith.constant 0 : i32
          %dma_wait3A_192 = arith.constant 0 : i32
          %dma_wait3A_193 = tpu.memref_slice %arg8[%dma_wait3A_191, %dma_wait3A_192] : memref<3x128xi32, #tpu.memory_space<vmem>> -> memref<1x128xi32, #tpu.memory_space<vmem>>
          %dma_wait3A_194 = tpu.memref_squeeze %dma_wait3A_193 : memref<1x128xi32, #tpu.memory_space<vmem>> -> memref<128xi32, #tpu.memory_space<vmem>>
          %dma_wait3A_195 = arith.constant 0 : i32
          %dma_wait3A_196 = arith.constant 0 : i32
          %dma_wait3A_197 = tpu.memref_slice %arg16[%dma_wait3A_195, %dma_wait3A_196] : memref<10112x128xf32, #tpu.memory_space<vmem_shared>> -> memref<10112x128xf32, #tpu.memory_space<vmem_shared>>
          tpu.wait_indirect_dma semaphore(%arg15 : memref<!tpu.dma_semaphore, #tpu.memory_space<semaphore_mem>>) src(%arg9 : memref<128x128xf32, #tpu.memory_space<vmem>>) dst(%dma_wait3A_197 : memref<10112x128xf32, #tpu.memory_space<vmem_shared>>)
        } else {
        }
        %add3A_179 = arith.constant 2 : i32
        %add3A_180 = arith.addi %add3A_129, %add3A_179 : i32
        %lt3A_181 = arith.cmpi slt, %add3A_180, %add3A_70 : i32
        %convert_element_type3A_182 = arith.extui %lt3A_181 : i1 to i32
        %cond3A_183 = arith.constant 0 : i32
        %cond3A_184 = arith.cmpi ne, %convert_element_type3A_182, %cond3A_183 : i32
        scf.if %cond3A_184 {
          %dma_wait3A_191 = arith.constant 0 : i32
          %dma_wait3A_192 = arith.constant 0 : i32
          %dma_wait3A_193 = arith.constant 0 : i32
          %dma_wait3A_194 = tpu.memref_slice %arg7[%dma_wait3A_192, %dma_wait3A_193] : memref<3x128xi32, #tpu.memory_space<vmem>> -> memref<1x128xi32, #tpu.memory_space<vmem>>
          %dma_wait3A_195 = tpu.memref_squeeze %dma_wait3A_194 : memref<1x128xi32, #tpu.memory_space<vmem>> -> memref<128xi32, #tpu.memory_space<vmem>>
          %dma_wait3A_196 = arith.constant 0 : i32
          %dma_wait3A_197 = tpu.memref_slice %arg2[%dma_wait3A_191, %dma_wait3A_196] : memref<2500x128xi32, #tpu.memory_space<hbm>> -> memref<1x128xi32, #tpu.memory_space<hbm>>
          %dma_wait3A_198 = tpu.memref_squeeze %dma_wait3A_197 : memref<1x128xi32, #tpu.memory_space<hbm>> -> memref<128xi32, #tpu.memory_space<hbm>>
          %dma_wait3A_199 = arith.constant 0 : i32
          %dma_wait3A_200 = tpu.memref_slice %arg7[%dma_wait3A_192, %dma_wait3A_199] : memref<3x128xi32, #tpu.memory_space<vmem>> -> memref<1x128xi32, #tpu.memory_space<vmem>>
          %dma_wait3A_201 = tpu.memref_squeeze %dma_wait3A_200 : memref<1x128xi32, #tpu.memory_space<vmem>> -> memref<128xi32, #tpu.memory_space<vmem>>
          %dma_wait3A_202 = arith.constant 0 : i32
          %dma_wait3A_203 = tpu.memref_slice %arg2[%dma_wait3A_191, %dma_wait3A_202] : memref<2500x128xi32, #tpu.memory_space<hbm>> -> memref<1x128xi32, #tpu.memory_space<hbm>>
          %dma_wait3A_204 = tpu.memref_squeeze %dma_wait3A_203 : memref<1x128xi32, #tpu.memory_space<hbm>> -> memref<128xi32, #tpu.memory_space<hbm>>
          tpu.wait_dma2 semaphore(%arg13 : memref<!tpu.dma_semaphore, #tpu.memory_space<semaphore_mem>>) src(%dma_wait3A_204 : memref<128xi32, #tpu.memory_space<hbm>>) dst(%dma_wait3A_201 : memref<128xi32, #tpu.memory_space<vmem>>)
          %dma_start3A_205 = arith.constant 2 : i32
          %dma_start3A_206 = arith.constant 0 : i32
          %dma_start3A_207 = tpu.memref_slice %arg7[%dma_start3A_205, %dma_start3A_206] : memref<3x128xi32, #tpu.memory_space<vmem>> -> memref<1x128xi32, #tpu.memory_space<vmem>>
          %dma_start3A_208 = tpu.memref_squeeze %dma_start3A_207 : memref<1x128xi32, #tpu.memory_space<vmem>> -> memref<128xi32, #tpu.memory_space<vmem>>
          %dma_start3A_209 = arith.constant 0 : i32
          %dma_start3A_210 = arith.constant 0 : i32
          %dma_start3A_211 = tpu.memref_slice %arg4[%dma_start3A_209, %dma_start3A_210] : memref<10000x128xf32, #tpu.memory_space<hbm>> -> memref<10000x128xf32, #tpu.memory_space<hbm>>
          tpu.enqueue_indirect_dma source(%dma_start3A_211 : memref<10000x128xf32, #tpu.memory_space<hbm>>) target(%arg11 : memref<128x128xf32, #tpu.memory_space<vmem>>) offsets(%dma_start3A_208 : memref<128xi32, #tpu.memory_space<vmem>>) semaphore(%arg12 : memref<!tpu.dma_semaphore, #tpu.memory_space<semaphore_mem>>)
          %add3A_212 = arith.constant 2 : i32
          %add3A_213 = arith.addi %add3A_129, %add3A_212 : i32
          %add3A_214 = arith.addi %add3A_65, %add3A_213 : i32
          %dma_start3A_215 = arith.constant 2 : i32
          %dma_start3A_216 = arith.constant 0 : i32
          %dma_start3A_217 = tpu.memref_slice %arg8[%dma_start3A_215, %dma_start3A_216] : memref<3x128xi32, #tpu.memory_space<vmem>> -> memref<1x128xi32, #tpu.memory_space<vmem>>
          %dma_start3A_218 = tpu.memref_squeeze %dma_start3A_217 : memref<1x128xi32, #tpu.memory_space<vmem>> -> memref<128xi32, #tpu.memory_space<vmem>>
          %dma_start3A_219 = arith.constant 0 : i32
          %dma_start3A_220 = tpu.memref_slice %arg3[%add3A_214, %dma_start3A_219] : memref<2500x128xi32, #tpu.memory_space<hbm>> -> memref<1x128xi32, #tpu.memory_space<hbm>>
          %dma_start3A_221 = tpu.memref_squeeze %dma_start3A_220 : memref<1x128xi32, #tpu.memory_space<hbm>> -> memref<128xi32, #tpu.memory_space<hbm>>
          %dma_start3A_222 = arith.constant 0 : i32
          %dma_start3A_223 = tpu.memref_slice %arg8[%dma_start3A_215, %dma_start3A_222] : memref<3x128xi32, #tpu.memory_space<vmem>> -> memref<1x128xi32, #tpu.memory_space<vmem>>
          %dma_start3A_224 = tpu.memref_squeeze %dma_start3A_223 : memref<1x128xi32, #tpu.memory_space<vmem>> -> memref<128xi32, #tpu.memory_space<vmem>>
          %dma_start3A_225 = arith.constant 0 : i32
          %dma_start3A_226 = tpu.memref_slice %arg3[%add3A_214, %dma_start3A_225] : memref<2500x128xi32, #tpu.memory_space<hbm>> -> memref<1x128xi32, #tpu.memory_space<hbm>>
          %dma_start3A_227 = tpu.memref_squeeze %dma_start3A_226 : memref<1x128xi32, #tpu.memory_space<hbm>> -> memref<128xi32, #tpu.memory_space<hbm>>
          tpu.enqueue_dma source(%dma_start3A_227 : memref<128xi32, #tpu.memory_space<hbm>>) target(%dma_start3A_224 : memref<128xi32, #tpu.memory_space<vmem>>) target_semaphore(%arg14 : memref<!tpu.dma_semaphore, #tpu.memory_space<semaphore_mem>>)
        } else {
        }
        %add3A_185 = arith.constant 3 : i32
        %add3A_186 = arith.addi %add3A_129, %add3A_185 : i32
        %lt3A_187 = arith.cmpi slt, %add3A_186, %add3A_70 : i32
        %convert_element_type3A_188 = arith.extui %lt3A_187 : i1 to i32
        %cond3A_189 = arith.constant 0 : i32
        %cond3A_190 = arith.cmpi ne, %convert_element_type3A_188, %cond3A_189 : i32
        scf.if %cond3A_190 {
          %add3A_191 = arith.constant 3 : i32
          %add3A_192 = arith.addi %add3A_129, %add3A_191 : i32
          %add3A_193 = arith.addi %add3A_65, %add3A_192 : i32
          %dma_start3A_194 = arith.constant 0 : i32
          %dma_start3A_195 = arith.constant 0 : i32
          %dma_start3A_196 = tpu.memref_slice %arg7[%dma_start3A_194, %dma_start3A_195] : memref<3x128xi32, #tpu.memory_space<vmem>> -> memref<1x128xi32, #tpu.memory_space<vmem>>
          %dma_start3A_197 = tpu.memref_squeeze %dma_start3A_196 : memref<1x128xi32, #tpu.memory_space<vmem>> -> memref<128xi32, #tpu.memory_space<vmem>>
          %dma_start3A_198 = arith.constant 0 : i32
          %dma_start3A_199 = tpu.memref_slice %arg2[%add3A_193, %dma_start3A_198] : memref<2500x128xi32, #tpu.memory_space<hbm>> -> memref<1x128xi32, #tpu.memory_space<hbm>>
          %dma_start3A_200 = tpu.memref_squeeze %dma_start3A_199 : memref<1x128xi32, #tpu.memory_space<hbm>> -> memref<128xi32, #tpu.memory_space<hbm>>
          %dma_start3A_201 = arith.constant 0 : i32
          %dma_start3A_202 = tpu.memref_slice %arg7[%dma_start3A_194, %dma_start3A_201] : memref<3x128xi32, #tpu.memory_space<vmem>> -> memref<1x128xi32, #tpu.memory_space<vmem>>
          %dma_start3A_203 = tpu.memref_squeeze %dma_start3A_202 : memref<1x128xi32, #tpu.memory_space<vmem>> -> memref<128xi32, #tpu.memory_space<vmem>>
          %dma_start3A_204 = arith.constant 0 : i32
          %dma_start3A_205 = tpu.memref_slice %arg2[%add3A_193, %dma_start3A_204] : memref<2500x128xi32, #tpu.memory_space<hbm>> -> memref<1x128xi32, #tpu.memory_space<hbm>>
          %dma_start3A_206 = tpu.memref_squeeze %dma_start3A_205 : memref<1x128xi32, #tpu.memory_space<hbm>> -> memref<128xi32, #tpu.memory_space<hbm>>
          tpu.enqueue_dma source(%dma_start3A_206 : memref<128xi32, #tpu.memory_space<hbm>>) target(%dma_start3A_203 : memref<128xi32, #tpu.memory_space<vmem>>) target_semaphore(%arg13 : memref<!tpu.dma_semaphore, #tpu.memory_space<semaphore_mem>>)
        } else {
        }
      } else {
      }
      %mul3A_134 = arith.constant 3 : i32
      %mul3A_135 = arith.muli %mul3A_134, %scan3A_125 : i32
      %add3A_136 = arith.constant 1 : i32
      %add3A_137 = arith.addi %mul3A_135, %add3A_136 : i32
      %lt3A_138 = arith.cmpi slt, %add3A_137, %add3A_70 : i32
      %convert_element_type3A_139 = arith.extui %lt3A_138 : i1 to i32
      %cond3A_140 = arith.constant 0 : i32
      %cond3A_141 = arith.cmpi ne, %convert_element_type3A_139, %cond3A_140 : i32
      scf.if %cond3A_141 {
        %dma_wait3A = arith.constant 0 : i32
        %dma_wait3A_150 = arith.constant 0 : i32
        %dma_wait3A_151 = tpu.memref_slice %arg4[%dma_wait3A, %dma_wait3A_150] : memref<10000x128xf32, #tpu.memory_space<hbm>> -> memref<128x128xf32, #tpu.memory_space<hbm>>
        %dma_wait3A_152 = arith.constant 0 : i32
        %dma_wait3A_153 = arith.constant 0 : i32
        %dma_wait3A_154 = tpu.memref_slice %arg4[%dma_wait3A_152, %dma_wait3A_153] : memref<10000x128xf32, #tpu.memory_space<hbm>> -> memref<128x128xf32, #tpu.memory_space<hbm>>
        tpu.wait_dma2 semaphore(%arg12 : memref<!tpu.dma_semaphore, #tpu.memory_space<semaphore_mem>>) src(%dma_wait3A_154 : memref<128x128xf32, #tpu.memory_space<hbm>>) dst(%arg10 : memref<128x128xf32, #tpu.memory_space<vmem>>)
        %dma_wait3A_155 = arith.constant 0 : i32
        %dma_wait3A_156 = arith.constant 0 : i32
        %dma_wait3A_157 = arith.constant 0 : i32
        %dma_wait3A_158 = tpu.memref_slice %arg8[%dma_wait3A_156, %dma_wait3A_157] : memref<3x128xi32, #tpu.memory_space<vmem>> -> memref<1x128xi32, #tpu.memory_space<vmem>>
        %dma_wait3A_159 = tpu.memref_squeeze %dma_wait3A_158 : memref<1x128xi32, #tpu.memory_space<vmem>> -> memref<128xi32, #tpu.memory_space<vmem>>
        %dma_wait3A_160 = arith.constant 0 : i32
        %dma_wait3A_161 = tpu.memref_slice %arg3[%dma_wait3A_155, %dma_wait3A_160] : memref<2500x128xi32, #tpu.memory_space<hbm>> -> memref<1x128xi32, #tpu.memory_space<hbm>>
        %dma_wait3A_162 = tpu.memref_squeeze %dma_wait3A_161 : memref<1x128xi32, #tpu.memory_space<hbm>> -> memref<128xi32, #tpu.memory_space<hbm>>
        %dma_wait3A_163 = arith.constant 0 : i32
        %dma_wait3A_164 = tpu.memref_slice %arg8[%dma_wait3A_156, %dma_wait3A_163] : memref<3x128xi32, #tpu.memory_space<vmem>> -> memref<1x128xi32, #tpu.memory_space<vmem>>
        %dma_wait3A_165 = tpu.memref_squeeze %dma_wait3A_164 : memref<1x128xi32, #tpu.memory_space<vmem>> -> memref<128xi32, #tpu.memory_space<vmem>>
        %dma_wait3A_166 = arith.constant 0 : i32
        %dma_wait3A_167 = tpu.memref_slice %arg3[%dma_wait3A_155, %dma_wait3A_166] : memref<2500x128xi32, #tpu.memory_space<hbm>> -> memref<1x128xi32, #tpu.memory_space<hbm>>
        %dma_wait3A_168 = tpu.memref_squeeze %dma_wait3A_167 : memref<1x128xi32, #tpu.memory_space<hbm>> -> memref<128xi32, #tpu.memory_space<hbm>>
        tpu.wait_dma2 semaphore(%arg14 : memref<!tpu.dma_semaphore, #tpu.memory_space<semaphore_mem>>) src(%dma_wait3A_168 : memref<128xi32, #tpu.memory_space<hbm>>) dst(%dma_wait3A_165 : memref<128xi32, #tpu.memory_space<vmem>>)
        %dma_start3A = arith.constant 1 : i32
        %dma_start3A_169 = arith.constant 0 : i32
        %dma_start3A_170 = tpu.memref_slice %arg8[%dma_start3A, %dma_start3A_169] : memref<3x128xi32, #tpu.memory_space<vmem>> -> memref<1x128xi32, #tpu.memory_space<vmem>>
        %dma_start3A_171 = tpu.memref_squeeze %dma_start3A_170 : memref<1x128xi32, #tpu.memory_space<vmem>> -> memref<128xi32, #tpu.memory_space<vmem>>
        %dma_start3A_172 = arith.constant 0 : i32
        %dma_start3A_173 = arith.constant 0 : i32
        %dma_start3A_174 = tpu.memref_slice %arg16[%dma_start3A_172, %dma_start3A_173] : memref<10112x128xf32, #tpu.memory_space<vmem_shared>> -> memref<10112x128xf32, #tpu.memory_space<vmem_shared>>
        tpu.enqueue_indirect_dma source(%arg10 : memref<128x128xf32, #tpu.memory_space<vmem>>) target(%dma_start3A_174 : memref<10112x128xf32, #tpu.memory_space<vmem_shared>>) offsets(%dma_start3A_171 : memref<128xi32, #tpu.memory_space<vmem>>) semaphore(%arg15 : memref<!tpu.dma_semaphore, #tpu.memory_space<semaphore_mem>>) {add = true}
        %ge3A = arith.constant 1 : i32
        %ge3A_175 = arith.cmpi sge, %add3A_137, %ge3A : i32
        %convert_element_type3A_176 = arith.extui %ge3A_175 : i1 to i32
        %cond3A_177 = arith.constant 0 : i32
        %cond3A_178 = arith.cmpi ne, %convert_element_type3A_176, %cond3A_177 : i32
        scf.if %cond3A_178 {
          %dma_wait3A_191 = arith.constant 0 : i32
          %dma_wait3A_192 = arith.constant 0 : i32
          %dma_wait3A_193 = tpu.memref_slice %arg8[%dma_wait3A_191, %dma_wait3A_192] : memref<3x128xi32, #tpu.memory_space<vmem>> -> memref<1x128xi32, #tpu.memory_space<vmem>>
          %dma_wait3A_194 = tpu.memref_squeeze %dma_wait3A_193 : memref<1x128xi32, #tpu.memory_space<vmem>> -> memref<128xi32, #tpu.memory_space<vmem>>
          %dma_wait3A_195 = arith.constant 0 : i32
          %dma_wait3A_196 = arith.constant 0 : i32
          %dma_wait3A_197 = tpu.memref_slice %arg16[%dma_wait3A_195, %dma_wait3A_196] : memref<10112x128xf32, #tpu.memory_space<vmem_shared>> -> memref<10112x128xf32, #tpu.memory_space<vmem_shared>>
          tpu.wait_indirect_dma semaphore(%arg15 : memref<!tpu.dma_semaphore, #tpu.memory_space<semaphore_mem>>) src(%arg9 : memref<128x128xf32, #tpu.memory_space<vmem>>) dst(%dma_wait3A_197 : memref<10112x128xf32, #tpu.memory_space<vmem_shared>>)
        } else {
        }
        %add3A_179 = arith.constant 2 : i32
        %add3A_180 = arith.addi %add3A_137, %add3A_179 : i32
        %lt3A_181 = arith.cmpi slt, %add3A_180, %add3A_70 : i32
        %convert_element_type3A_182 = arith.extui %lt3A_181 : i1 to i32
        %cond3A_183 = arith.constant 0 : i32
        %cond3A_184 = arith.cmpi ne, %convert_element_type3A_182, %cond3A_183 : i32
        scf.if %cond3A_184 {
          %dma_wait3A_191 = arith.constant 0 : i32
          %dma_wait3A_192 = arith.constant 0 : i32
          %dma_wait3A_193 = arith.constant 0 : i32
          %dma_wait3A_194 = tpu.memref_slice %arg7[%dma_wait3A_192, %dma_wait3A_193] : memref<3x128xi32, #tpu.memory_space<vmem>> -> memref<1x128xi32, #tpu.memory_space<vmem>>
          %dma_wait3A_195 = tpu.memref_squeeze %dma_wait3A_194 : memref<1x128xi32, #tpu.memory_space<vmem>> -> memref<128xi32, #tpu.memory_space<vmem>>
          %dma_wait3A_196 = arith.constant 0 : i32
          %dma_wait3A_197 = tpu.memref_slice %arg2[%dma_wait3A_191, %dma_wait3A_196] : memref<2500x128xi32, #tpu.memory_space<hbm>> -> memref<1x128xi32, #tpu.memory_space<hbm>>
          %dma_wait3A_198 = tpu.memref_squeeze %dma_wait3A_197 : memref<1x128xi32, #tpu.memory_space<hbm>> -> memref<128xi32, #tpu.memory_space<hbm>>
          %dma_wait3A_199 = arith.constant 0 : i32
          %dma_wait3A_200 = tpu.memref_slice %arg7[%dma_wait3A_192, %dma_wait3A_199] : memref<3x128xi32, #tpu.memory_space<vmem>> -> memref<1x128xi32, #tpu.memory_space<vmem>>
          %dma_wait3A_201 = tpu.memref_squeeze %dma_wait3A_200 : memref<1x128xi32, #tpu.memory_space<vmem>> -> memref<128xi32, #tpu.memory_space<vmem>>
          %dma_wait3A_202 = arith.constant 0 : i32
          %dma_wait3A_203 = tpu.memref_slice %arg2[%dma_wait3A_191, %dma_wait3A_202] : memref<2500x128xi32, #tpu.memory_space<hbm>> -> memref<1x128xi32, #tpu.memory_space<hbm>>
          %dma_wait3A_204 = tpu.memref_squeeze %dma_wait3A_203 : memref<1x128xi32, #tpu.memory_space<hbm>> -> memref<128xi32, #tpu.memory_space<hbm>>
          tpu.wait_dma2 semaphore(%arg13 : memref<!tpu.dma_semaphore, #tpu.memory_space<semaphore_mem>>) src(%dma_wait3A_204 : memref<128xi32, #tpu.memory_space<hbm>>) dst(%dma_wait3A_201 : memref<128xi32, #tpu.memory_space<vmem>>)
          %dma_start3A_205 = arith.constant 0 : i32
          %dma_start3A_206 = arith.constant 0 : i32
          %dma_start3A_207 = tpu.memref_slice %arg7[%dma_start3A_205, %dma_start3A_206] : memref<3x128xi32, #tpu.memory_space<vmem>> -> memref<1x128xi32, #tpu.memory_space<vmem>>
          %dma_start3A_208 = tpu.memref_squeeze %dma_start3A_207 : memref<1x128xi32, #tpu.memory_space<vmem>> -> memref<128xi32, #tpu.memory_space<vmem>>
          %dma_start3A_209 = arith.constant 0 : i32
          %dma_start3A_210 = arith.constant 0 : i32
          %dma_start3A_211 = tpu.memref_slice %arg4[%dma_start3A_209, %dma_start3A_210] : memref<10000x128xf32, #tpu.memory_space<hbm>> -> memref<10000x128xf32, #tpu.memory_space<hbm>>
          tpu.enqueue_indirect_dma source(%dma_start3A_211 : memref<10000x128xf32, #tpu.memory_space<hbm>>) target(%arg9 : memref<128x128xf32, #tpu.memory_space<vmem>>) offsets(%dma_start3A_208 : memref<128xi32, #tpu.memory_space<vmem>>) semaphore(%arg12 : memref<!tpu.dma_semaphore, #tpu.memory_space<semaphore_mem>>)
          %add3A_212 = arith.constant 2 : i32
          %add3A_213 = arith.addi %add3A_137, %add3A_212 : i32
          %add3A_214 = arith.addi %add3A_65, %add3A_213 : i32
          %dma_start3A_215 = arith.constant 0 : i32
          %dma_start3A_216 = arith.constant 0 : i32
          %dma_start3A_217 = tpu.memref_slice %arg8[%dma_start3A_215, %dma_start3A_216] : memref<3x128xi32, #tpu.memory_space<vmem>> -> memref<1x128xi32, #tpu.memory_space<vmem>>
          %dma_start3A_218 = tpu.memref_squeeze %dma_start3A_217 : memref<1x128xi32, #tpu.memory_space<vmem>> -> memref<128xi32, #tpu.memory_space<vmem>>
          %dma_start3A_219 = arith.constant 0 : i32
          %dma_start3A_220 = tpu.memref_slice %arg3[%add3A_214, %dma_start3A_219] : memref<2500x128xi32, #tpu.memory_space<hbm>> -> memref<1x128xi32, #tpu.memory_space<hbm>>
          %dma_start3A_221 = tpu.memref_squeeze %dma_start3A_220 : memref<1x128xi32, #tpu.memory_space<hbm>> -> memref<128xi32, #tpu.memory_space<hbm>>
          %dma_start3A_222 = arith.constant 0 : i32
          %dma_start3A_223 = tpu.memref_slice %arg8[%dma_start3A_215, %dma_start3A_222] : memref<3x128xi32, #tpu.memory_space<vmem>> -> memref<1x128xi32, #tpu.memory_space<vmem>>
          %dma_start3A_224 = tpu.memref_squeeze %dma_start3A_223 : memref<1x128xi32, #tpu.memory_space<vmem>> -> memref<128xi32, #tpu.memory_space<vmem>>
          %dma_start3A_225 = arith.constant 0 : i32
          %dma_start3A_226 = tpu.memref_slice %arg3[%add3A_214, %dma_start3A_225] : memref<2500x128xi32, #tpu.memory_space<hbm>> -> memref<1x128xi32, #tpu.memory_space<hbm>>
          %dma_start3A_227 = tpu.memref_squeeze %dma_start3A_226 : memref<1x128xi32, #tpu.memory_space<hbm>> -> memref<128xi32, #tpu.memory_space<hbm>>
          tpu.enqueue_dma source(%dma_start3A_227 : memref<128xi32, #tpu.memory_space<hbm>>) target(%dma_start3A_224 : memref<128xi32, #tpu.memory_space<vmem>>) target_semaphore(%arg14 : memref<!tpu.dma_semaphore, #tpu.memory_space<semaphore_mem>>)
        } else {
        }
        %add3A_185 = arith.constant 3 : i32
        %add3A_186 = arith.addi %add3A_137, %add3A_185 : i32
        %lt3A_187 = arith.cmpi slt, %add3A_186, %add3A_70 : i32
        %convert_element_type3A_188 = arith.extui %lt3A_187 : i1 to i32
        %cond3A_189 = arith.constant 0 : i32
        %cond3A_190 = arith.cmpi ne, %convert_element_type3A_188, %cond3A_189 : i32
        scf.if %cond3A_190 {
          %add3A_191 = arith.constant 3 : i32
          %add3A_192 = arith.addi %add3A_137, %add3A_191 : i32
          %add3A_193 = arith.addi %add3A_65, %add3A_192 : i32
          %dma_start3A_194 = arith.constant 1 : i32
          %dma_start3A_195 = arith.constant 0 : i32
          %dma_start3A_196 = tpu.memref_slice %arg7[%dma_start3A_194, %dma_start3A_195] : memref<3x128xi32, #tpu.memory_space<vmem>> -> memref<1x128xi32, #tpu.memory_space<vmem>>
          %dma_start3A_197 = tpu.memref_squeeze %dma_start3A_196 : memref<1x128xi32, #tpu.memory_space<vmem>> -> memref<128xi32, #tpu.memory_space<vmem>>
          %dma_start3A_198 = arith.constant 0 : i32
          %dma_start3A_199 = tpu.memref_slice %arg2[%add3A_193, %dma_start3A_198] : memref<2500x128xi32, #tpu.memory_space<hbm>> -> memref<1x128xi32, #tpu.memory_space<hbm>>
          %dma_start3A_200 = tpu.memref_squeeze %dma_start3A_199 : memref<1x128xi32, #tpu.memory_space<hbm>> -> memref<128xi32, #tpu.memory_space<hbm>>
          %dma_start3A_201 = arith.constant 0 : i32
          %dma_start3A_202 = tpu.memref_slice %arg7[%dma_start3A_194, %dma_start3A_201] : memref<3x128xi32, #tpu.memory_space<vmem>> -> memref<1x128xi32, #tpu.memory_space<vmem>>
          %dma_start3A_203 = tpu.memref_squeeze %dma_start3A_202 : memref<1x128xi32, #tpu.memory_space<vmem>> -> memref<128xi32, #tpu.memory_space<vmem>>
          %dma_start3A_204 = arith.constant 0 : i32
          %dma_start3A_205 = tpu.memref_slice %arg2[%add3A_193, %dma_start3A_204] : memref<2500x128xi32, #tpu.memory_space<hbm>> -> memref<1x128xi32, #tpu.memory_space<hbm>>
          %dma_start3A_206 = tpu.memref_squeeze %dma_start3A_205 : memref<1x128xi32, #tpu.memory_space<hbm>> -> memref<128xi32, #tpu.memory_space<hbm>>
          tpu.enqueue_dma source(%dma_start3A_206 : memref<128xi32, #tpu.memory_space<hbm>>) target(%dma_start3A_203 : memref<128xi32, #tpu.memory_space<vmem>>) target_semaphore(%arg13 : memref<!tpu.dma_semaphore, #tpu.memory_space<semaphore_mem>>)
        } else {
        }
      } else {
      }
      %mul3A_142 = arith.constant 3 : i32
      %mul3A_143 = arith.muli %mul3A_142, %scan3A_125 : i32
      %add3A_144 = arith.constant 2 : i32
      %add3A_145 = arith.addi %mul3A_143, %add3A_144 : i32
      %lt3A_146 = arith.cmpi slt, %add3A_145, %add3A_70 : i32
      %convert_element_type3A_147 = arith.extui %lt3A_146 : i1 to i32
      %cond3A_148 = arith.constant 0 : i32
      %cond3A_149 = arith.cmpi ne, %convert_element_type3A_147, %cond3A_148 : i32
      scf.if %cond3A_149 {
        %dma_wait3A = arith.constant 0 : i32
        %dma_wait3A_150 = arith.constant 0 : i32
        %dma_wait3A_151 = tpu.memref_slice %arg4[%dma_wait3A, %dma_wait3A_150] : memref<10000x128xf32, #tpu.memory_space<hbm>> -> memref<128x128xf32, #tpu.memory_space<hbm>>
        %dma_wait3A_152 = arith.constant 0 : i32
        %dma_wait3A_153 = arith.constant 0 : i32
        %dma_wait3A_154 = tpu.memref_slice %arg4[%dma_wait3A_152, %dma_wait3A_153] : memref<10000x128xf32, #tpu.memory_space<hbm>> -> memref<128x128xf32, #tpu.memory_space<hbm>>
        tpu.wait_dma2 semaphore(%arg12 : memref<!tpu.dma_semaphore, #tpu.memory_space<semaphore_mem>>) src(%dma_wait3A_154 : memref<128x128xf32, #tpu.memory_space<hbm>>) dst(%arg11 : memref<128x128xf32, #tpu.memory_space<vmem>>)
        %dma_wait3A_155 = arith.constant 0 : i32
        %dma_wait3A_156 = arith.constant 0 : i32
        %dma_wait3A_157 = arith.constant 0 : i32
        %dma_wait3A_158 = tpu.memref_slice %arg8[%dma_wait3A_156, %dma_wait3A_157] : memref<3x128xi32, #tpu.memory_space<vmem>> -> memref<1x128xi32, #tpu.memory_space<vmem>>
        %dma_wait3A_159 = tpu.memref_squeeze %dma_wait3A_158 : memref<1x128xi32, #tpu.memory_space<vmem>> -> memref<128xi32, #tpu.memory_space<vmem>>
        %dma_wait3A_160 = arith.constant 0 : i32
        %dma_wait3A_161 = tpu.memref_slice %arg3[%dma_wait3A_155, %dma_wait3A_160] : memref<2500x128xi32, #tpu.memory_space<hbm>> -> memref<1x128xi32, #tpu.memory_space<hbm>>
        %dma_wait3A_162 = tpu.memref_squeeze %dma_wait3A_161 : memref<1x128xi32, #tpu.memory_space<hbm>> -> memref<128xi32, #tpu.memory_space<hbm>>
        %dma_wait3A_163 = arith.constant 0 : i32
        %dma_wait3A_164 = tpu.memref_slice %arg8[%dma_wait3A_156, %dma_wait3A_163] : memref<3x128xi32, #tpu.memory_space<vmem>> -> memref<1x128xi32, #tpu.memory_space<vmem>>
        %dma_wait3A_165 = tpu.memref_squeeze %dma_wait3A_164 : memref<1x128xi32, #tpu.memory_space<vmem>> -> memref<128xi32, #tpu.memory_space<vmem>>
        %dma_wait3A_166 = arith.constant 0 : i32
        %dma_wait3A_167 = tpu.memref_slice %arg3[%dma_wait3A_155, %dma_wait3A_166] : memref<2500x128xi32, #tpu.memory_space<hbm>> -> memref<1x128xi32, #tpu.memory_space<hbm>>
        %dma_wait3A_168 = tpu.memref_squeeze %dma_wait3A_167 : memref<1x128xi32, #tpu.memory_space<hbm>> -> memref<128xi32, #tpu.memory_space<hbm>>
        tpu.wait_dma2 semaphore(%arg14 : memref<!tpu.dma_semaphore, #tpu.memory_space<semaphore_mem>>) src(%dma_wait3A_168 : memref<128xi32, #tpu.memory_space<hbm>>) dst(%dma_wait3A_165 : memref<128xi32, #tpu.memory_space<vmem>>)
        %dma_start3A = arith.constant 2 : i32
        %dma_start3A_169 = arith.constant 0 : i32
        %dma_start3A_170 = tpu.memref_slice %arg8[%dma_start3A, %dma_start3A_169] : memref<3x128xi32, #tpu.memory_space<vmem>> -> memref<1x128xi32, #tpu.memory_space<vmem>>
        %dma_start3A_171 = tpu.memref_squeeze %dma_start3A_170 : memref<1x128xi32, #tpu.memory_space<vmem>> -> memref<128xi32, #tpu.memory_space<vmem>>
        %dma_start3A_172 = arith.constant 0 : i32
        %dma_start3A_173 = arith.constant 0 : i32
        %dma_start3A_174 = tpu.memref_slice %arg16[%dma_start3A_172, %dma_start3A_173] : memref<10112x128xf32, #tpu.memory_space<vmem_shared>> -> memref<10112x128xf32, #tpu.memory_space<vmem_shared>>
        tpu.enqueue_indirect_dma source(%arg11 : memref<128x128xf32, #tpu.memory_space<vmem>>) target(%dma_start3A_174 : memref<10112x128xf32, #tpu.memory_space<vmem_shared>>) offsets(%dma_start3A_171 : memref<128xi32, #tpu.memory_space<vmem>>) semaphore(%arg15 : memref<!tpu.dma_semaphore, #tpu.memory_space<semaphore_mem>>) {add = true}
        %ge3A = arith.constant 1 : i32
        %ge3A_175 = arith.cmpi sge, %add3A_145, %ge3A : i32
        %convert_element_type3A_176 = arith.extui %ge3A_175 : i1 to i32
        %cond3A_177 = arith.constant 0 : i32
        %cond3A_178 = arith.cmpi ne, %convert_element_type3A_176, %cond3A_177 : i32
        scf.if %cond3A_178 {
          %dma_wait3A_191 = arith.constant 0 : i32
          %dma_wait3A_192 = arith.constant 0 : i32
          %dma_wait3A_193 = tpu.memref_slice %arg8[%dma_wait3A_191, %dma_wait3A_192] : memref<3x128xi32, #tpu.memory_space<vmem>> -> memref<1x128xi32, #tpu.memory_space<vmem>>
          %dma_wait3A_194 = tpu.memref_squeeze %dma_wait3A_193 : memref<1x128xi32, #tpu.memory_space<vmem>> -> memref<128xi32, #tpu.memory_space<vmem>>
          %dma_wait3A_195 = arith.constant 0 : i32
          %dma_wait3A_196 = arith.constant 0 : i32
          %dma_wait3A_197 = tpu.memref_slice %arg16[%dma_wait3A_195, %dma_wait3A_196] : memref<10112x128xf32, #tpu.memory_space<vmem_shared>> -> memref<10112x128xf32, #tpu.memory_space<vmem_shared>>
          tpu.wait_indirect_dma semaphore(%arg15 : memref<!tpu.dma_semaphore, #tpu.memory_space<semaphore_mem>>) src(%arg9 : memref<128x128xf32, #tpu.memory_space<vmem>>) dst(%dma_wait3A_197 : memref<10112x128xf32, #tpu.memory_space<vmem_shared>>)
        } else {
        }
        %add3A_179 = arith.constant 2 : i32
        %add3A_180 = arith.addi %add3A_145, %add3A_179 : i32
        %lt3A_181 = arith.cmpi slt, %add3A_180, %add3A_70 : i32
        %convert_element_type3A_182 = arith.extui %lt3A_181 : i1 to i32
        %cond3A_183 = arith.constant 0 : i32
        %cond3A_184 = arith.cmpi ne, %convert_element_type3A_182, %cond3A_183 : i32
        scf.if %cond3A_184 {
          %dma_wait3A_191 = arith.constant 0 : i32
          %dma_wait3A_192 = arith.constant 0 : i32
          %dma_wait3A_193 = arith.constant 0 : i32
          %dma_wait3A_194 = tpu.memref_slice %arg7[%dma_wait3A_192, %dma_wait3A_193] : memref<3x128xi32, #tpu.memory_space<vmem>> -> memref<1x128xi32, #tpu.memory_space<vmem>>
          %dma_wait3A_195 = tpu.memref_squeeze %dma_wait3A_194 : memref<1x128xi32, #tpu.memory_space<vmem>> -> memref<128xi32, #tpu.memory_space<vmem>>
          %dma_wait3A_196 = arith.constant 0 : i32
          %dma_wait3A_197 = tpu.memref_slice %arg2[%dma_wait3A_191, %dma_wait3A_196] : memref<2500x128xi32, #tpu.memory_space<hbm>> -> memref<1x128xi32, #tpu.memory_space<hbm>>
          %dma_wait3A_198 = tpu.memref_squeeze %dma_wait3A_197 : memref<1x128xi32, #tpu.memory_space<hbm>> -> memref<128xi32, #tpu.memory_space<hbm>>
          %dma_wait3A_199 = arith.constant 0 : i32
          %dma_wait3A_200 = tpu.memref_slice %arg7[%dma_wait3A_192, %dma_wait3A_199] : memref<3x128xi32, #tpu.memory_space<vmem>> -> memref<1x128xi32, #tpu.memory_space<vmem>>
          %dma_wait3A_201 = tpu.memref_squeeze %dma_wait3A_200 : memref<1x128xi32, #tpu.memory_space<vmem>> -> memref<128xi32, #tpu.memory_space<vmem>>
          %dma_wait3A_202 = arith.constant 0 : i32
          %dma_wait3A_203 = tpu.memref_slice %arg2[%dma_wait3A_191, %dma_wait3A_202] : memref<2500x128xi32, #tpu.memory_space<hbm>> -> memref<1x128xi32, #tpu.memory_space<hbm>>
          %dma_wait3A_204 = tpu.memref_squeeze %dma_wait3A_203 : memref<1x128xi32, #tpu.memory_space<hbm>> -> memref<128xi32, #tpu.memory_space<hbm>>
          tpu.wait_dma2 semaphore(%arg13 : memref<!tpu.dma_semaphore, #tpu.memory_space<semaphore_mem>>) src(%dma_wait3A_204 : memref<128xi32, #tpu.memory_space<hbm>>) dst(%dma_wait3A_201 : memref<128xi32, #tpu.memory_space<vmem>>)
          %dma_start3A_205 = arith.constant 1 : i32
          %dma_start3A_206 = arith.constant 0 : i32
          %dma_start3A_207 = tpu.memref_slice %arg7[%dma_start3A_205, %dma_start3A_206] : memref<3x128xi32, #tpu.memory_space<vmem>> -> memref<1x128xi32, #tpu.memory_space<vmem>>
          %dma_start3A_208 = tpu.memref_squeeze %dma_start3A_207 : memref<1x128xi32, #tpu.memory_space<vmem>> -> memref<128xi32, #tpu.memory_space<vmem>>
          %dma_start3A_209 = arith.constant 0 : i32
          %dma_start3A_210 = arith.constant 0 : i32
          %dma_start3A_211 = tpu.memref_slice %arg4[%dma_start3A_209, %dma_start3A_210] : memref<10000x128xf32, #tpu.memory_space<hbm>> -> memref<10000x128xf32, #tpu.memory_space<hbm>>
          tpu.enqueue_indirect_dma source(%dma_start3A_211 : memref<10000x128xf32, #tpu.memory_space<hbm>>) target(%arg10 : memref<128x128xf32, #tpu.memory_space<vmem>>) offsets(%dma_start3A_208 : memref<128xi32, #tpu.memory_space<vmem>>) semaphore(%arg12 : memref<!tpu.dma_semaphore, #tpu.memory_space<semaphore_mem>>)
          %add3A_212 = arith.constant 2 : i32
          %add3A_213 = arith.addi %add3A_145, %add3A_212 : i32
          %add3A_214 = arith.addi %add3A_65, %add3A_213 : i32
          %dma_start3A_215 = arith.constant 1 : i32
          %dma_start3A_216 = arith.constant 0 : i32
          %dma_start3A_217 = tpu.memref_slice %arg8[%dma_start3A_215, %dma_start3A_216] : memref<3x128xi32, #tpu.memory_space<vmem>> -> memref<1x128xi32, #tpu.memory_space<vmem>>
          %dma_start3A_218 = tpu.memref_squeeze %dma_start3A_217 : memref<1x128xi32, #tpu.memory_space<vmem>> -> memref<128xi32, #tpu.memory_space<vmem>>
          %dma_start3A_219 = arith.constant 0 : i32
          %dma_start3A_220 = tpu.memref_slice %arg3[%add3A_214, %dma_start3A_219] : memref<2500x128xi32, #tpu.memory_space<hbm>> -> memref<1x128xi32, #tpu.memory_space<hbm>>
          %dma_start3A_221 = tpu.memref_squeeze %dma_start3A_220 : memref<1x128xi32, #tpu.memory_space<hbm>> -> memref<128xi32, #tpu.memory_space<hbm>>
          %dma_start3A_222 = arith.constant 0 : i32
          %dma_start3A_223 = tpu.memref_slice %arg8[%dma_start3A_215, %dma_start3A_222] : memref<3x128xi32, #tpu.memory_space<vmem>> -> memref<1x128xi32, #tpu.memory_space<vmem>>
          %dma_start3A_224 = tpu.memref_squeeze %dma_start3A_223 : memref<1x128xi32, #tpu.memory_space<vmem>> -> memref<128xi32, #tpu.memory_space<vmem>>
          %dma_start3A_225 = arith.constant 0 : i32
          %dma_start3A_226 = tpu.memref_slice %arg3[%add3A_214, %dma_start3A_225] : memref<2500x128xi32, #tpu.memory_space<hbm>> -> memref<1x128xi32, #tpu.memory_space<hbm>>
          %dma_start3A_227 = tpu.memref_squeeze %dma_start3A_226 : memref<1x128xi32, #tpu.memory_space<hbm>> -> memref<128xi32, #tpu.memory_space<hbm>>
          tpu.enqueue_dma source(%dma_start3A_227 : memref<128xi32, #tpu.memory_space<hbm>>) target(%dma_start3A_224 : memref<128xi32, #tpu.memory_space<vmem>>) target_semaphore(%arg14 : memref<!tpu.dma_semaphore, #tpu.memory_space<semaphore_mem>>)
        } else {
        }
        %add3A_185 = arith.constant 3 : i32
        %add3A_186 = arith.addi %add3A_145, %add3A_185 : i32
        %lt3A_187 = arith.cmpi slt, %add3A_186, %add3A_70 : i32
        %convert_element_type3A_188 = arith.extui %lt3A_187 : i1 to i32
        %cond3A_189 = arith.constant 0 : i32
        %cond3A_190 = arith.cmpi ne, %convert_element_type3A_188, %cond3A_189 : i32
        scf.if %cond3A_190 {
          %add3A_191 = arith.constant 3 : i32
          %add3A_192 = arith.addi %add3A_145, %add3A_191 : i32
          %add3A_193 = arith.addi %add3A_65, %add3A_192 : i32
          %dma_start3A_194 = arith.constant 2 : i32
          %dma_start3A_195 = arith.constant 0 : i32
          %dma_start3A_196 = tpu.memref_slice %arg7[%dma_start3A_194, %dma_start3A_195] : memref<3x128xi32, #tpu.memory_space<vmem>> -> memref<1x128xi32, #tpu.memory_space<vmem>>
          %dma_start3A_197 = tpu.memref_squeeze %dma_start3A_196 : memref<1x128xi32, #tpu.memory_space<vmem>> -> memref<128xi32, #tpu.memory_space<vmem>>
          %dma_start3A_198 = arith.constant 0 : i32
          %dma_start3A_199 = tpu.memref_slice %arg2[%add3A_193, %dma_start3A_198] : memref<2500x128xi32, #tpu.memory_space<hbm>> -> memref<1x128xi32, #tpu.memory_space<hbm>>
          %dma_start3A_200 = tpu.memref_squeeze %dma_start3A_199 : memref<1x128xi32, #tpu.memory_space<hbm>> -> memref<128xi32, #tpu.memory_space<hbm>>
          %dma_start3A_201 = arith.constant 0 : i32
          %dma_start3A_202 = tpu.memref_slice %arg7[%dma_start3A_194, %dma_start3A_201] : memref<3x128xi32, #tpu.memory_space<vmem>> -> memref<1x128xi32, #tpu.memory_space<vmem>>
          %dma_start3A_203 = tpu.memref_squeeze %dma_start3A_202 : memref<1x128xi32, #tpu.memory_space<vmem>> -> memref<128xi32, #tpu.memory_space<vmem>>
          %dma_start3A_204 = arith.constant 0 : i32
          %dma_start3A_205 = tpu.memref_slice %arg2[%add3A_193, %dma_start3A_204] : memref<2500x128xi32, #tpu.memory_space<hbm>> -> memref<1x128xi32, #tpu.memory_space<hbm>>
          %dma_start3A_206 = tpu.memref_squeeze %dma_start3A_205 : memref<1x128xi32, #tpu.memory_space<hbm>> -> memref<128xi32, #tpu.memory_space<hbm>>
          tpu.enqueue_dma source(%dma_start3A_206 : memref<128xi32, #tpu.memory_space<hbm>>) target(%dma_start3A_203 : memref<128xi32, #tpu.memory_space<vmem>>) target_semaphore(%arg13 : memref<!tpu.dma_semaphore, #tpu.memory_space<semaphore_mem>>)
        } else {
        }
      } else {
      }
    }
    %scan3A_108 = arith.constant 27 : i32
    %gt3A_109 = arith.constant 0 : i32
    %gt3A_110 = arith.cmpi sgt, %add3A_70, %gt3A_109 : i32
    %convert_element_type3A_111 = arith.extui %gt3A_110 : i1 to i32
    %cond3A_112 = arith.constant 0 : i32
    %cond3A_113 = arith.cmpi ne, %convert_element_type3A_111, %cond3A_112 : i32
    scf.if %cond3A_113 {
      %dma_wait3A = arith.constant 0 : i32
      %dma_wait3A_125 = arith.constant 0 : i32
      %dma_wait3A_126 = tpu.memref_slice %arg8[%dma_wait3A, %dma_wait3A_125] : memref<3x128xi32, #tpu.memory_space<vmem>> -> memref<1x128xi32, #tpu.memory_space<vmem>>
      %dma_wait3A_127 = tpu.memref_squeeze %dma_wait3A_126 : memref<1x128xi32, #tpu.memory_space<vmem>> -> memref<128xi32, #tpu.memory_space<vmem>>
      %dma_wait3A_128 = arith.constant 0 : i32
      %dma_wait3A_129 = arith.constant 0 : i32
      %dma_wait3A_130 = tpu.memref_slice %arg16[%dma_wait3A_128, %dma_wait3A_129] : memref<10112x128xf32, #tpu.memory_space<vmem_shared>> -> memref<10112x128xf32, #tpu.memory_space<vmem_shared>>
      tpu.wait_indirect_dma semaphore(%arg15 : memref<!tpu.dma_semaphore, #tpu.memory_space<semaphore_mem>>) src(%arg9 : memref<128x128xf32, #tpu.memory_space<vmem>>) dst(%dma_wait3A_130 : memref<10112x128xf32, #tpu.memory_space<vmem_shared>>)
    } else {
    }
    %barrier3A_114 = arith.constant 0 : index
    tpu.barrier barrier_id(%barrier3A_114)
    %eq3A_115 = arith.constant 0 : i32
    %eq3A_116 = arith.cmpi eq, %arg0, %eq3A_115 : i32
    %convert_element_type3A_117 = arith.extui %eq3A_116 : i1 to i32
    %cond3A_118 = arith.constant 0 : i32
    %cond3A_119 = arith.cmpi ne, %convert_element_type3A_117, %cond3A_118 : i32
    scf.if %cond3A_119 {
      %mul3A_125 = arith.constant 632 : i32
      %mul3A_126 = arith.muli %arg1, %mul3A_125 : i32
      %mul3A_127 = arith.constant 632 : i32
      %mul3A_128 = arith.muli %arg1, %mul3A_127 : i32
      "tpu.region"() ({
        %run_scoped3A = tpu.sem_alloc : memref<!tpu.dma_semaphore, #tpu.memory_space<semaphore_mem>>
        %dma_start3A = arith.constant 0 : i32
        %dma_start3A_129 = tpu.memref_slice %arg5[%mul3A_128, %dma_start3A] : memref<10112x128xf32, #tpu.memory_space<hbm>> -> memref<632x128xf32, #tpu.memory_space<hbm>>
        %dma_start3A_130 = arith.constant 0 : i32
        %dma_start3A_131 = tpu.memref_slice %arg16[%mul3A_126, %dma_start3A_130] : memref<10112x128xf32, #tpu.memory_space<vmem_shared>> -> memref<632x128xf32, #tpu.memory_space<vmem_shared>>
        tpu.enqueue_dma source(%dma_start3A_131 : memref<632x128xf32, #tpu.memory_space<vmem_shared>>) target(%dma_start3A_129 : memref<632x128xf32, #tpu.memory_space<hbm>>) target_semaphore(%run_scoped3A : memref<!tpu.dma_semaphore, #tpu.memory_space<semaphore_mem>>)
        %dma_wait3A = arith.constant 0 : i32
        %dma_wait3A_132 = tpu.memref_slice %arg5[%mul3A_128, %dma_wait3A] : memref<10112x128xf32, #tpu.memory_space<hbm>> -> memref<632x128xf32, #tpu.memory_space<hbm>>
        %dma_wait3A_133 = arith.constant 0 : i32
        %dma_wait3A_134 = tpu.memref_slice %arg16[%mul3A_126, %dma_wait3A_133] : memref<10112x128xf32, #tpu.memory_space<vmem_shared>> -> memref<632x128xf32, #tpu.memory_space<vmem_shared>>
        tpu.wait_dma2 semaphore(%run_scoped3A : memref<!tpu.dma_semaphore, #tpu.memory_space<semaphore_mem>>) src(%dma_wait3A_134 : memref<632x128xf32, #tpu.memory_space<vmem_shared>>) dst(%dma_wait3A_132 : memref<632x128xf32, #tpu.memory_space<hbm>>)
        tpu.yield
      }) : () -> ()
    } else {
    }
    %eq3A_120 = arith.constant 1 : i32
    %eq3A_121 = arith.cmpi eq, %arg0, %eq3A_120 : i32
    %convert_element_type3A_122 = arith.extui %eq3A_121 : i1 to i32
    %cond3A_123 = arith.constant 0 : i32
    %cond3A_124 = arith.cmpi ne, %convert_element_type3A_122, %cond3A_123 : i32
    scf.if %cond3A_124 {
      %mul3A_125 = arith.constant 632 : i32
      %mul3A_126 = arith.muli %arg1, %mul3A_125 : i32
      %mul3A_127 = arith.constant 632 : i32
      %mul3A_128 = arith.muli %arg1, %mul3A_127 : i32
      "tpu.region"() ({
        %run_scoped3A = tpu.sem_alloc : memref<!tpu.dma_semaphore, #tpu.memory_space<semaphore_mem>>
        %dma_start3A = arith.constant 0 : i32
        %dma_start3A_129 = tpu.memref_slice %arg6[%mul3A_128, %dma_start3A] : memref<10112x128xf32, #tpu.memory_space<hbm>> -> memref<632x128xf32, #tpu.memory_space<hbm>>
        %dma_start3A_130 = arith.constant 0 : i32
        %dma_start3A_131 = tpu.memref_slice %arg16[%mul3A_126, %dma_start3A_130] : memref<10112x128xf32, #tpu.memory_space<vmem_shared>> -> memref<632x128xf32, #tpu.memory_space<vmem_shared>>
        tpu.enqueue_dma source(%dma_start3A_131 : memref<632x128xf32, #tpu.memory_space<vmem_shared>>) target(%dma_start3A_129 : memref<632x128xf32, #tpu.memory_space<hbm>>) target_semaphore(%run_scoped3A : memref<!tpu.dma_semaphore, #tpu.memory_space<semaphore_mem>>)
        %dma_wait3A = arith.constant 0 : i32
        %dma_wait3A_132 = tpu.memref_slice %arg6[%mul3A_128, %dma_wait3A] : memref<10112x128xf32, #tpu.memory_space<hbm>> -> memref<632x128xf32, #tpu.memory_space<hbm>>
        %dma_wait3A_133 = arith.constant 0 : i32
        %dma_wait3A_134 = tpu.memref_slice %arg16[%mul3A_126, %dma_wait3A_133] : memref<10112x128xf32, #tpu.memory_space<vmem_shared>> -> memref<632x128xf32, #tpu.memory_space<vmem_shared>>
        tpu.wait_dma2 semaphore(%run_scoped3A : memref<!tpu.dma_semaphore, #tpu.memory_space<semaphore_mem>>) src(%dma_wait3A_134 : memref<632x128xf32, #tpu.memory_space<vmem_shared>>) dst(%dma_wait3A_132 : memref<632x128xf32, #tpu.memory_space<hbm>>)
        tpu.yield
      }) : () -> ()
    } else {
    }
    return
  }
}

#map = affine_map<(d0, d1) -> (0, 0)>
#map1 = affine_map<(d0, d1) -> (0)>
module attributes {stable_mosaic.version = 14 : i64} {
  func.func @_dot_kernel(%arg0: i32, %arg1: i32, %arg2: memref<32x128xi32, #tpu.memory_space<hbm>>, %arg3: memref<32x128xi32, #tpu.memory_space<hbm>>, %arg4: memref<10000x128xf32, #tpu.memory_space<hbm>>, %arg5: memref<10000x128xf32, #tpu.memory_space<hbm>>, %arg6: memref<4096xf32, #tpu.memory_space<hbm>>, %arg7: memref<128xi32, #tpu.memory_space<vmem>>, %arg8: memref<128xi32, #tpu.memory_space<vmem>>, %arg9: memref<128x128xf32, #tpu.memory_space<vmem>>, %arg10: memref<128x128xf32, #tpu.memory_space<vmem>>, %arg11: memref<128xf32, #tpu.memory_space<vmem>>, %arg12: memref<!tpu.dma_semaphore, #tpu.memory_space<semaphore_mem>>, %arg13: memref<!tpu.dma_semaphore, #tpu.memory_space<semaphore_mem>>) attributes {dimension_semantics = [#tpu.dimension_semantics<core_parallel>, #tpu.dimension_semantics<subcore_parallel>], iteration_bounds = array<i64: 2, 16>, scalar_prefetch = 0 : i64, scratch_operands = 7 : i64, tpu.core_type = #tpu.core_type<sc_vector_subcore>, window_params = [{transform_indices = #map}, {transform_indices = #map}, {transform_indices = #map}, {transform_indices = #map}, {transform_indices = #map1}]} {
    %mul3A = arith.constant 16 : i32
    %mul3A_0 = arith.muli %arg0, %mul3A : i32
    %add3A = arith.addi %mul3A_0, %arg1 : i32
    "tpu.region"() ({
      %run_scoped3A = tpu.sem_alloc : memref<!tpu.dma_semaphore, #tpu.memory_space<semaphore_mem>>
      %dma_start3A_18 = arith.constant 0 : i32
      %dma_start3A_19 = tpu.memref_slice %arg2[%add3A, %dma_start3A_18] : memref<32x128xi32, #tpu.memory_space<hbm>> -> memref<1x128xi32, #tpu.memory_space<hbm>>
      %dma_start3A_20 = tpu.memref_squeeze %dma_start3A_19 : memref<1x128xi32, #tpu.memory_space<hbm>> -> memref<128xi32, #tpu.memory_space<hbm>>
      %dma_start3A_21 = arith.constant 0 : i32
      %dma_start3A_22 = tpu.memref_slice %arg2[%add3A, %dma_start3A_21] : memref<32x128xi32, #tpu.memory_space<hbm>> -> memref<1x128xi32, #tpu.memory_space<hbm>>
      %dma_start3A_23 = tpu.memref_squeeze %dma_start3A_22 : memref<1x128xi32, #tpu.memory_space<hbm>> -> memref<128xi32, #tpu.memory_space<hbm>>
      tpu.enqueue_dma source(%dma_start3A_23 : memref<128xi32, #tpu.memory_space<hbm>>) target(%arg7 : memref<128xi32, #tpu.memory_space<vmem>>) target_semaphore(%run_scoped3A : memref<!tpu.dma_semaphore, #tpu.memory_space<semaphore_mem>>)
      %dma_wait3A_24 = arith.constant 0 : i32
      %dma_wait3A_25 = tpu.memref_slice %arg2[%add3A, %dma_wait3A_24] : memref<32x128xi32, #tpu.memory_space<hbm>> -> memref<1x128xi32, #tpu.memory_space<hbm>>
      %dma_wait3A_26 = tpu.memref_squeeze %dma_wait3A_25 : memref<1x128xi32, #tpu.memory_space<hbm>> -> memref<128xi32, #tpu.memory_space<hbm>>
      %dma_wait3A_27 = arith.constant 0 : i32
      %dma_wait3A_28 = tpu.memref_slice %arg2[%add3A, %dma_wait3A_27] : memref<32x128xi32, #tpu.memory_space<hbm>> -> memref<1x128xi32, #tpu.memory_space<hbm>>
      %dma_wait3A_29 = tpu.memref_squeeze %dma_wait3A_28 : memref<1x128xi32, #tpu.memory_space<hbm>> -> memref<128xi32, #tpu.memory_space<hbm>>
      tpu.wait_dma2 semaphore(%run_scoped3A : memref<!tpu.dma_semaphore, #tpu.memory_space<semaphore_mem>>) src(%dma_wait3A_29 : memref<128xi32, #tpu.memory_space<hbm>>) dst(%arg7 : memref<128xi32, #tpu.memory_space<vmem>>)
      tpu.yield
    }) : () -> ()
    "tpu.region"() ({
      %run_scoped3A = tpu.sem_alloc : memref<!tpu.dma_semaphore, #tpu.memory_space<semaphore_mem>>
      %dma_start3A_18 = arith.constant 0 : i32
      %dma_start3A_19 = tpu.memref_slice %arg3[%add3A, %dma_start3A_18] : memref<32x128xi32, #tpu.memory_space<hbm>> -> memref<1x128xi32, #tpu.memory_space<hbm>>
      %dma_start3A_20 = tpu.memref_squeeze %dma_start3A_19 : memref<1x128xi32, #tpu.memory_space<hbm>> -> memref<128xi32, #tpu.memory_space<hbm>>
      %dma_start3A_21 = arith.constant 0 : i32
      %dma_start3A_22 = tpu.memref_slice %arg3[%add3A, %dma_start3A_21] : memref<32x128xi32, #tpu.memory_space<hbm>> -> memref<1x128xi32, #tpu.memory_space<hbm>>
      %dma_start3A_23 = tpu.memref_squeeze %dma_start3A_22 : memref<1x128xi32, #tpu.memory_space<hbm>> -> memref<128xi32, #tpu.memory_space<hbm>>
      tpu.enqueue_dma source(%dma_start3A_23 : memref<128xi32, #tpu.memory_space<hbm>>) target(%arg8 : memref<128xi32, #tpu.memory_space<vmem>>) target_semaphore(%run_scoped3A : memref<!tpu.dma_semaphore, #tpu.memory_space<semaphore_mem>>)
      %dma_wait3A_24 = arith.constant 0 : i32
      %dma_wait3A_25 = tpu.memref_slice %arg3[%add3A, %dma_wait3A_24] : memref<32x128xi32, #tpu.memory_space<hbm>> -> memref<1x128xi32, #tpu.memory_space<hbm>>
      %dma_wait3A_26 = tpu.memref_squeeze %dma_wait3A_25 : memref<1x128xi32, #tpu.memory_space<hbm>> -> memref<128xi32, #tpu.memory_space<hbm>>
      %dma_wait3A_27 = arith.constant 0 : i32
      %dma_wait3A_28 = tpu.memref_slice %arg3[%add3A, %dma_wait3A_27] : memref<32x128xi32, #tpu.memory_space<hbm>> -> memref<1x128xi32, #tpu.memory_space<hbm>>
      %dma_wait3A_29 = tpu.memref_squeeze %dma_wait3A_28 : memref<1x128xi32, #tpu.memory_space<hbm>> -> memref<128xi32, #tpu.memory_space<hbm>>
      tpu.wait_dma2 semaphore(%run_scoped3A : memref<!tpu.dma_semaphore, #tpu.memory_space<semaphore_mem>>) src(%dma_wait3A_29 : memref<128xi32, #tpu.memory_space<hbm>>) dst(%arg8 : memref<128xi32, #tpu.memory_space<vmem>>)
      tpu.yield
    }) : () -> ()
    %dma_start3A = arith.constant 0 : i32
    %dma_start3A_1 = arith.constant 0 : i32
    %dma_start3A_2 = tpu.memref_slice %arg4[%dma_start3A, %dma_start3A_1] : memref<10000x128xf32, #tpu.memory_space<hbm>> -> memref<10000x128xf32, #tpu.memory_space<hbm>>
    tpu.enqueue_indirect_dma source(%dma_start3A_2 : memref<10000x128xf32, #tpu.memory_space<hbm>>) target(%arg9 : memref<128x128xf32, #tpu.memory_space<vmem>>) offsets(%arg7 : memref<128xi32, #tpu.memory_space<vmem>>) semaphore(%arg12 : memref<!tpu.dma_semaphore, #tpu.memory_space<semaphore_mem>>)
    %dma_start3A_3 = arith.constant 0 : i32
    %dma_start3A_4 = arith.constant 0 : i32
    %dma_start3A_5 = tpu.memref_slice %arg5[%dma_start3A_3, %dma_start3A_4] : memref<10000x128xf32, #tpu.memory_space<hbm>> -> memref<10000x128xf32, #tpu.memory_space<hbm>>
    tpu.enqueue_indirect_dma source(%dma_start3A_5 : memref<10000x128xf32, #tpu.memory_space<hbm>>) target(%arg10 : memref<128x128xf32, #tpu.memory_space<vmem>>) offsets(%arg8 : memref<128xi32, #tpu.memory_space<vmem>>) semaphore(%arg13 : memref<!tpu.dma_semaphore, #tpu.memory_space<semaphore_mem>>)
    %dma_wait3A = arith.constant 0 : i32
    %dma_wait3A_6 = arith.constant 0 : i32
    %dma_wait3A_7 = tpu.memref_slice %arg4[%dma_wait3A, %dma_wait3A_6] : memref<10000x128xf32, #tpu.memory_space<hbm>> -> memref<10000x128xf32, #tpu.memory_space<hbm>>
    tpu.wait_indirect_dma semaphore(%arg12 : memref<!tpu.dma_semaphore, #tpu.memory_space<semaphore_mem>>) src(%dma_wait3A_7 : memref<10000x128xf32, #tpu.memory_space<hbm>>) dst(%arg9 : memref<128x128xf32, #tpu.memory_space<vmem>>)
    %dma_wait3A_8 = arith.constant 0 : i32
    %dma_wait3A_9 = arith.constant 0 : i32
    %dma_wait3A_10 = tpu.memref_slice %arg5[%dma_wait3A_8, %dma_wait3A_9] : memref<10000x128xf32, #tpu.memory_space<hbm>> -> memref<10000x128xf32, #tpu.memory_space<hbm>>
    tpu.wait_indirect_dma semaphore(%arg13 : memref<!tpu.dma_semaphore, #tpu.memory_space<semaphore_mem>>) src(%dma_wait3A_10 : memref<10000x128xf32, #tpu.memory_space<hbm>>) dst(%arg10 : memref<128x128xf32, #tpu.memory_space<vmem>>)
    %iota3A = tpu.iota {dimensions = array<i32: 0>} : vector<16xi32>
    %scan3A = arith.constant 0 : i32
    %scan3A_11 = arith.constant 0 : i32
    %scan3A_12 = arith.constant 8 : i32
    %scan3A_13 = arith.addi %scan3A_11, %scan3A_12 : i32
    %scan3A_14 = arith.constant 1 : i32
    scf.for %scan3A_18 = %scan3A_11 to %scan3A_13 step %scan3A_14  : i32 {
      %broadcast_in_dim3A = arith.constant 0.000000e+00 : f32
      %broadcast_in_dim3A_19 = vector.broadcast %broadcast_in_dim3A : f32 to vector<16xf32>
      %mul3A_20 = arith.constant 16 : i32
      %mul3A_21 = arith.muli %scan3A_18, %mul3A_20 : i32
      %add3A_22 = arith.constant 0 : i32
      %add3A_23 = arith.addi %mul3A_21, %add3A_22 : i32
      %broadcast_in_dim3A_24 = arith.constant 0.000000e+00 : f32
      %broadcast_in_dim3A_25 = vector.broadcast %broadcast_in_dim3A_24 : f32 to vector<16xf32>
      %get3A = arith.index_cast %add3A_23 : i32 to index
      %get3A_26 = arith.constant 0 : index
      %get3A_27 = tpu.vector_load %arg9[%get3A, %get3A_26] {strides = array<i32>} : memref<128x128xf32, #tpu.memory_space<vmem>>, vector<1x16xf32>,
      %get3A_28 = vector.shape_cast %get3A_27 : vector<1x16xf32> to vector<16xf32>
      %get3A_29 = arith.index_cast %add3A_23 : i32 to index
      %get3A_30 = arith.constant 0 : index
      %get3A_31 = tpu.vector_load %arg10[%get3A_29, %get3A_30] {strides = array<i32>} : memref<128x128xf32, #tpu.memory_space<vmem>>, vector<1x16xf32>,
      %get3A_32 = vector.shape_cast %get3A_31 : vector<1x16xf32> to vector<16xf32>
      %mul3A_33 = arith.mulf %get3A_28, %get3A_32 : vector<16xf32>
      %add3A_34 = arith.addf %broadcast_in_dim3A_25, %mul3A_33 : vector<16xf32>
      %get3A_35 = arith.index_cast %add3A_23 : i32 to index
      %get3A_36 = arith.constant 16 : index
      %get3A_37 = tpu.vector_load %arg9[%get3A_35, %get3A_36] {strides = array<i32>} : memref<128x128xf32, #tpu.memory_space<vmem>>, vector<1x16xf32>,
      %get3A_38 = vector.shape_cast %get3A_37 : vector<1x16xf32> to vector<16xf32>
      %get3A_39 = arith.index_cast %add3A_23 : i32 to index
      %get3A_40 = arith.constant 16 : index
      %get3A_41 = tpu.vector_load %arg10[%get3A_39, %get3A_40] {strides = array<i32>} : memref<128x128xf32, #tpu.memory_space<vmem>>, vector<1x16xf32>,
      %get3A_42 = vector.shape_cast %get3A_41 : vector<1x16xf32> to vector<16xf32>
      %mul3A_43 = arith.mulf %get3A_38, %get3A_42 : vector<16xf32>
      %add3A_44 = arith.addf %add3A_34, %mul3A_43 : vector<16xf32>
      %get3A_45 = arith.index_cast %add3A_23 : i32 to index
      %get3A_46 = arith.constant 32 : index
      %get3A_47 = tpu.vector_load %arg9[%get3A_45, %get3A_46] {strides = array<i32>} : memref<128x128xf32, #tpu.memory_space<vmem>>, vector<1x16xf32>,
      %get3A_48 = vector.shape_cast %get3A_47 : vector<1x16xf32> to vector<16xf32>
      %get3A_49 = arith.index_cast %add3A_23 : i32 to index
      %get3A_50 = arith.constant 32 : index
      %get3A_51 = tpu.vector_load %arg10[%get3A_49, %get3A_50] {strides = array<i32>} : memref<128x128xf32, #tpu.memory_space<vmem>>, vector<1x16xf32>,
      %get3A_52 = vector.shape_cast %get3A_51 : vector<1x16xf32> to vector<16xf32>
      %mul3A_53 = arith.mulf %get3A_48, %get3A_52 : vector<16xf32>
      %add3A_54 = arith.addf %add3A_44, %mul3A_53 : vector<16xf32>
      %get3A_55 = arith.index_cast %add3A_23 : i32 to index
      %get3A_56 = arith.constant 48 : index
      %get3A_57 = tpu.vector_load %arg9[%get3A_55, %get3A_56] {strides = array<i32>} : memref<128x128xf32, #tpu.memory_space<vmem>>, vector<1x16xf32>,
      %get3A_58 = vector.shape_cast %get3A_57 : vector<1x16xf32> to vector<16xf32>
      %get3A_59 = arith.index_cast %add3A_23 : i32 to index
      %get3A_60 = arith.constant 48 : index
      %get3A_61 = tpu.vector_load %arg10[%get3A_59, %get3A_60] {strides = array<i32>} : memref<128x128xf32, #tpu.memory_space<vmem>>, vector<1x16xf32>,
      %get3A_62 = vector.shape_cast %get3A_61 : vector<1x16xf32> to vector<16xf32>
      %mul3A_63 = arith.mulf %get3A_58, %get3A_62 : vector<16xf32>
      %add3A_64 = arith.addf %add3A_54, %mul3A_63 : vector<16xf32>
      %get3A_65 = arith.index_cast %add3A_23 : i32 to index
      %get3A_66 = arith.constant 64 : index
      %get3A_67 = tpu.vector_load %arg9[%get3A_65, %get3A_66] {strides = array<i32>} : memref<128x128xf32, #tpu.memory_space<vmem>>, vector<1x16xf32>,
      %get3A_68 = vector.shape_cast %get3A_67 : vector<1x16xf32> to vector<16xf32>
      %get3A_69 = arith.index_cast %add3A_23 : i32 to index
      %get3A_70 = arith.constant 64 : index
      %get3A_71 = tpu.vector_load %arg10[%get3A_69, %get3A_70] {strides = array<i32>} : memref<128x128xf32, #tpu.memory_space<vmem>>, vector<1x16xf32>,
      %get3A_72 = vector.shape_cast %get3A_71 : vector<1x16xf32> to vector<16xf32>
      %mul3A_73 = arith.mulf %get3A_68, %get3A_72 : vector<16xf32>
      %add3A_74 = arith.addf %add3A_64, %mul3A_73 : vector<16xf32>
      %get3A_75 = arith.index_cast %add3A_23 : i32 to index
      %get3A_76 = arith.constant 80 : index
      %get3A_77 = tpu.vector_load %arg9[%get3A_75, %get3A_76] {strides = array<i32>} : memref<128x128xf32, #tpu.memory_space<vmem>>, vector<1x16xf32>,
      %get3A_78 = vector.shape_cast %get3A_77 : vector<1x16xf32> to vector<16xf32>
      %get3A_79 = arith.index_cast %add3A_23 : i32 to index
      %get3A_80 = arith.constant 80 : index
      %get3A_81 = tpu.vector_load %arg10[%get3A_79, %get3A_80] {strides = array<i32>} : memref<128x128xf32, #tpu.memory_space<vmem>>, vector<1x16xf32>,
      %get3A_82 = vector.shape_cast %get3A_81 : vector<1x16xf32> to vector<16xf32>
      %mul3A_83 = arith.mulf %get3A_78, %get3A_82 : vector<16xf32>
      %add3A_84 = arith.addf %add3A_74, %mul3A_83 : vector<16xf32>
      %get3A_85 = arith.index_cast %add3A_23 : i32 to index
      %get3A_86 = arith.constant 96 : index
      %get3A_87 = tpu.vector_load %arg9[%get3A_85, %get3A_86] {strides = array<i32>} : memref<128x128xf32, #tpu.memory_space<vmem>>, vector<1x16xf32>,
      %get3A_88 = vector.shape_cast %get3A_87 : vector<1x16xf32> to vector<16xf32>
      %get3A_89 = arith.index_cast %add3A_23 : i32 to index
      %get3A_90 = arith.constant 96 : index
      %get3A_91 = tpu.vector_load %arg10[%get3A_89, %get3A_90] {strides = array<i32>} : memref<128x128xf32, #tpu.memory_space<vmem>>, vector<1x16xf32>,
      %get3A_92 = vector.shape_cast %get3A_91 : vector<1x16xf32> to vector<16xf32>
      %mul3A_93 = arith.mulf %get3A_88, %get3A_92 : vector<16xf32>
      %add3A_94 = arith.addf %add3A_84, %mul3A_93 : vector<16xf32>
      %get3A_95 = arith.index_cast %add3A_23 : i32 to index
      %get3A_96 = arith.constant 112 : index
      %get3A_97 = tpu.vector_load %arg9[%get3A_95, %get3A_96] {strides = array<i32>} : memref<128x128xf32, #tpu.memory_space<vmem>>, vector<1x16xf32>,
      %get3A_98 = vector.shape_cast %get3A_97 : vector<1x16xf32> to vector<16xf32>
      %get3A_99 = arith.index_cast %add3A_23 : i32 to index
      %get3A_100 = arith.constant 112 : index
      %get3A_101 = tpu.vector_load %arg10[%get3A_99, %get3A_100] {strides = array<i32>} : memref<128x128xf32, #tpu.memory_space<vmem>>, vector<1x16xf32>,
      %get3A_102 = vector.shape_cast %get3A_101 : vector<1x16xf32> to vector<16xf32>
      %mul3A_103 = arith.mulf %get3A_98, %get3A_102 : vector<16xf32>
      %add3A_104 = arith.addf %add3A_94, %mul3A_103 : vector<16xf32>
      %xor3A = arith.constant 8 : i32
      %xor3A_105 = vector.broadcast %xor3A : i32 to vector<16xi32>
      %xor3A_106 = arith.xori %iota3A, %xor3A_105 : vector<16xi32>
      %lt3A = arith.constant 0 : i32
      %lt3A_107 = vector.broadcast %lt3A : i32 to vector<16xi32>
      %lt3A_108 = arith.cmpi slt, %xor3A_106, %lt3A_107 : vector<16xi32>
      %add3A_109 = arith.constant 16 : i32
      %add3A_110 = vector.broadcast %add3A_109 : i32 to vector<16xi32>
      %add3A_111 = arith.addi %xor3A_106, %add3A_110 : vector<16xi32>
      %select_n3A = arith.select %lt3A_108, %add3A_111, %xor3A_106 : vector<16xi1>, vector<16xi32>
      %broadcast_in_dim3A_112 = vector.shape_cast %select_n3A : vector<16xi32> to vector<16x1xi32>
      %gather3A = vector.shape_cast %broadcast_in_dim3A_112 : vector<16x1xi32> to vector<16xi32>
      %gather3A_113 = tpu.dynamic_gather %add3A_104[%gather3A] in [0] : vector<16xf32>, vector<16xi32> -> vector<16xf32>
      %add3A_114 = arith.addf %add3A_104, %gather3A_113 : vector<16xf32>
      %xor3A_115 = arith.constant 4 : i32
      %xor3A_116 = vector.broadcast %xor3A_115 : i32 to vector<16xi32>
      %xor3A_117 = arith.xori %iota3A, %xor3A_116 : vector<16xi32>
      %lt3A_118 = arith.constant 0 : i32
      %lt3A_119 = vector.broadcast %lt3A_118 : i32 to vector<16xi32>
      %lt3A_120 = arith.cmpi slt, %xor3A_117, %lt3A_119 : vector<16xi32>
      %add3A_121 = arith.constant 16 : i32
      %add3A_122 = vector.broadcast %add3A_121 : i32 to vector<16xi32>
      %add3A_123 = arith.addi %xor3A_117, %add3A_122 : vector<16xi32>
      %select_n3A_124 = arith.select %lt3A_120, %add3A_123, %xor3A_117 : vector<16xi1>, vector<16xi32>
      %broadcast_in_dim3A_125 = vector.shape_cast %select_n3A_124 : vector<16xi32> to vector<16x1xi32>
      %gather3A_126 = vector.shape_cast %broadcast_in_dim3A_125 : vector<16x1xi32> to vector<16xi32>
      %gather3A_127 = tpu.dynamic_gather %add3A_114[%gather3A_126] in [0] : vector<16xf32>, vector<16xi32> -> vector<16xf32>
      %add3A_128 = arith.addf %add3A_114, %gather3A_127 : vector<16xf32>
      %xor3A_129 = arith.constant 2 : i32
      %xor3A_130 = vector.broadcast %xor3A_129 : i32 to vector<16xi32>
      %xor3A_131 = arith.xori %iota3A, %xor3A_130 : vector<16xi32>
      %lt3A_132 = arith.constant 0 : i32
      %lt3A_133 = vector.broadcast %lt3A_132 : i32 to vector<16xi32>
      %lt3A_134 = arith.cmpi slt, %xor3A_131, %lt3A_133 : vector<16xi32>
      %add3A_135 = arith.constant 16 : i32
      %add3A_136 = vector.broadcast %add3A_135 : i32 to vector<16xi32>
      %add3A_137 = arith.addi %xor3A_131, %add3A_136 : vector<16xi32>
      %select_n3A_138 = arith.select %lt3A_134, %add3A_137, %xor3A_131 : vector<16xi1>, vector<16xi32>
      %broadcast_in_dim3A_139 = vector.shape_cast %select_n3A_138 : vector<16xi32> to vector<16x1xi32>
      %gather3A_140 = vector.shape_cast %broadcast_in_dim3A_139 : vector<16x1xi32> to vector<16xi32>
      %gather3A_141 = tpu.dynamic_gather %add3A_128[%gather3A_140] in [0] : vector<16xf32>, vector<16xi32> -> vector<16xf32>
      %add3A_142 = arith.addf %add3A_128, %gather3A_141 : vector<16xf32>
      %xor3A_143 = arith.constant 1 : i32
      %xor3A_144 = vector.broadcast %xor3A_143 : i32 to vector<16xi32>
      %xor3A_145 = arith.xori %iota3A, %xor3A_144 : vector<16xi32>
      %lt3A_146 = arith.constant 0 : i32
      %lt3A_147 = vector.broadcast %lt3A_146 : i32 to vector<16xi32>
      %lt3A_148 = arith.cmpi slt, %xor3A_145, %lt3A_147 : vector<16xi32>
      %add3A_149 = arith.constant 16 : i32
      %add3A_150 = vector.broadcast %add3A_149 : i32 to vector<16xi32>
      %add3A_151 = arith.addi %xor3A_145, %add3A_150 : vector<16xi32>
      %select_n3A_152 = arith.select %lt3A_148, %add3A_151, %xor3A_145 : vector<16xi1>, vector<16xi32>
      %broadcast_in_dim3A_153 = vector.shape_cast %select_n3A_152 : vector<16xi32> to vector<16x1xi32>
      %gather3A_154 = vector.shape_cast %broadcast_in_dim3A_153 : vector<16x1xi32> to vector<16xi32>
      %gather3A_155 = tpu.dynamic_gather %add3A_142[%gather3A_154] in [0] : vector<16xf32>, vector<16xi32> -> vector<16xf32>
      %add3A_156 = arith.addf %add3A_142, %gather3A_155 : vector<16xf32>
      %eq3A = arith.constant 0 : i32
      %eq3A_157 = vector.broadcast %eq3A : i32 to vector<16xi32>
      %eq3A_158 = arith.cmpi eq, %iota3A, %eq3A_157 : vector<16xi32>
      %select_n3A_159 = arith.select %eq3A_158, %add3A_156, %broadcast_in_dim3A_19 : vector<16xi1>, vector<16xf32>
      %mul3A_160 = arith.constant 16 : i32
      %mul3A_161 = arith.muli %scan3A_18, %mul3A_160 : i32
      %add3A_162 = arith.constant 1 : i32
      %add3A_163 = arith.addi %mul3A_161, %add3A_162 : i32
      %broadcast_in_dim3A_164 = arith.constant 0.000000e+00 : f32
      %broadcast_in_dim3A_165 = vector.broadcast %broadcast_in_dim3A_164 : f32 to vector<16xf32>
      %get3A_166 = arith.index_cast %add3A_163 : i32 to index
      %get3A_167 = arith.constant 0 : index
      %get3A_168 = tpu.vector_load %arg9[%get3A_166, %get3A_167] {strides = array<i32>} : memref<128x128xf32, #tpu.memory_space<vmem>>, vector<1x16xf32>,
      %get3A_169 = vector.shape_cast %get3A_168 : vector<1x16xf32> to vector<16xf32>
      %get3A_170 = arith.index_cast %add3A_163 : i32 to index
      %get3A_171 = arith.constant 0 : index
      %get3A_172 = tpu.vector_load %arg10[%get3A_170, %get3A_171] {strides = array<i32>} : memref<128x128xf32, #tpu.memory_space<vmem>>, vector<1x16xf32>,
      %get3A_173 = vector.shape_cast %get3A_172 : vector<1x16xf32> to vector<16xf32>
      %mul3A_174 = arith.mulf %get3A_169, %get3A_173 : vector<16xf32>
      %add3A_175 = arith.addf %broadcast_in_dim3A_165, %mul3A_174 : vector<16xf32>
      %get3A_176 = arith.index_cast %add3A_163 : i32 to index
      %get3A_177 = arith.constant 16 : index
      %get3A_178 = tpu.vector_load %arg9[%get3A_176, %get3A_177] {strides = array<i32>} : memref<128x128xf32, #tpu.memory_space<vmem>>, vector<1x16xf32>,
      %get3A_179 = vector.shape_cast %get3A_178 : vector<1x16xf32> to vector<16xf32>
      %get3A_180 = arith.index_cast %add3A_163 : i32 to index
      %get3A_181 = arith.constant 16 : index
      %get3A_182 = tpu.vector_load %arg10[%get3A_180, %get3A_181] {strides = array<i32>} : memref<128x128xf32, #tpu.memory_space<vmem>>, vector<1x16xf32>,
      %get3A_183 = vector.shape_cast %get3A_182 : vector<1x16xf32> to vector<16xf32>
      %mul3A_184 = arith.mulf %get3A_179, %get3A_183 : vector<16xf32>
      %add3A_185 = arith.addf %add3A_175, %mul3A_184 : vector<16xf32>
      %get3A_186 = arith.index_cast %add3A_163 : i32 to index
      %get3A_187 = arith.constant 32 : index
      %get3A_188 = tpu.vector_load %arg9[%get3A_186, %get3A_187] {strides = array<i32>} : memref<128x128xf32, #tpu.memory_space<vmem>>, vector<1x16xf32>,
      %get3A_189 = vector.shape_cast %get3A_188 : vector<1x16xf32> to vector<16xf32>
      %get3A_190 = arith.index_cast %add3A_163 : i32 to index
      %get3A_191 = arith.constant 32 : index
      %get3A_192 = tpu.vector_load %arg10[%get3A_190, %get3A_191] {strides = array<i32>} : memref<128x128xf32, #tpu.memory_space<vmem>>, vector<1x16xf32>,
      %get3A_193 = vector.shape_cast %get3A_192 : vector<1x16xf32> to vector<16xf32>
      %mul3A_194 = arith.mulf %get3A_189, %get3A_193 : vector<16xf32>
      %add3A_195 = arith.addf %add3A_185, %mul3A_194 : vector<16xf32>
      %get3A_196 = arith.index_cast %add3A_163 : i32 to index
      %get3A_197 = arith.constant 48 : index
      %get3A_198 = tpu.vector_load %arg9[%get3A_196, %get3A_197] {strides = array<i32>} : memref<128x128xf32, #tpu.memory_space<vmem>>, vector<1x16xf32>,
      %get3A_199 = vector.shape_cast %get3A_198 : vector<1x16xf32> to vector<16xf32>
      %get3A_200 = arith.index_cast %add3A_163 : i32 to index
      %get3A_201 = arith.constant 48 : index
      %get3A_202 = tpu.vector_load %arg10[%get3A_200, %get3A_201] {strides = array<i32>} : memref<128x128xf32, #tpu.memory_space<vmem>>, vector<1x16xf32>,
      %get3A_203 = vector.shape_cast %get3A_202 : vector<1x16xf32> to vector<16xf32>
      %mul3A_204 = arith.mulf %get3A_199, %get3A_203 : vector<16xf32>
      %add3A_205 = arith.addf %add3A_195, %mul3A_204 : vector<16xf32>
      %get3A_206 = arith.index_cast %add3A_163 : i32 to index
      %get3A_207 = arith.constant 64 : index
      %get3A_208 = tpu.vector_load %arg9[%get3A_206, %get3A_207] {strides = array<i32>} : memref<128x128xf32, #tpu.memory_space<vmem>>, vector<1x16xf32>,
      %get3A_209 = vector.shape_cast %get3A_208 : vector<1x16xf32> to vector<16xf32>
      %get3A_210 = arith.index_cast %add3A_163 : i32 to index
      %get3A_211 = arith.constant 64 : index
      %get3A_212 = tpu.vector_load %arg10[%get3A_210, %get3A_211] {strides = array<i32>} : memref<128x128xf32, #tpu.memory_space<vmem>>, vector<1x16xf32>,
      %get3A_213 = vector.shape_cast %get3A_212 : vector<1x16xf32> to vector<16xf32>
      %mul3A_214 = arith.mulf %get3A_209, %get3A_213 : vector<16xf32>
      %add3A_215 = arith.addf %add3A_205, %mul3A_214 : vector<16xf32>
      %get3A_216 = arith.index_cast %add3A_163 : i32 to index
      %get3A_217 = arith.constant 80 : index
      %get3A_218 = tpu.vector_load %arg9[%get3A_216, %get3A_217] {strides = array<i32>} : memref<128x128xf32, #tpu.memory_space<vmem>>, vector<1x16xf32>,
      %get3A_219 = vector.shape_cast %get3A_218 : vector<1x16xf32> to vector<16xf32>
      %get3A_220 = arith.index_cast %add3A_163 : i32 to index
      %get3A_221 = arith.constant 80 : index
      %get3A_222 = tpu.vector_load %arg10[%get3A_220, %get3A_221] {strides = array<i32>} : memref<128x128xf32, #tpu.memory_space<vmem>>, vector<1x16xf32>,
      %get3A_223 = vector.shape_cast %get3A_222 : vector<1x16xf32> to vector<16xf32>
      %mul3A_224 = arith.mulf %get3A_219, %get3A_223 : vector<16xf32>
      %add3A_225 = arith.addf %add3A_215, %mul3A_224 : vector<16xf32>
      %get3A_226 = arith.index_cast %add3A_163 : i32 to index
      %get3A_227 = arith.constant 96 : index
      %get3A_228 = tpu.vector_load %arg9[%get3A_226, %get3A_227] {strides = array<i32>} : memref<128x128xf32, #tpu.memory_space<vmem>>, vector<1x16xf32>,
      %get3A_229 = vector.shape_cast %get3A_228 : vector<1x16xf32> to vector<16xf32>
      %get3A_230 = arith.index_cast %add3A_163 : i32 to index
      %get3A_231 = arith.constant 96 : index
      %get3A_232 = tpu.vector_load %arg10[%get3A_230, %get3A_231] {strides = array<i32>} : memref<128x128xf32, #tpu.memory_space<vmem>>, vector<1x16xf32>,
      %get3A_233 = vector.shape_cast %get3A_232 : vector<1x16xf32> to vector<16xf32>
      %mul3A_234 = arith.mulf %get3A_229, %get3A_233 : vector<16xf32>
      %add3A_235 = arith.addf %add3A_225, %mul3A_234 : vector<16xf32>
      %get3A_236 = arith.index_cast %add3A_163 : i32 to index
      %get3A_237 = arith.constant 112 : index
      %get3A_238 = tpu.vector_load %arg9[%get3A_236, %get3A_237] {strides = array<i32>} : memref<128x128xf32, #tpu.memory_space<vmem>>, vector<1x16xf32>,
      %get3A_239 = vector.shape_cast %get3A_238 : vector<1x16xf32> to vector<16xf32>
      %get3A_240 = arith.index_cast %add3A_163 : i32 to index
      %get3A_241 = arith.constant 112 : index
      %get3A_242 = tpu.vector_load %arg10[%get3A_240, %get3A_241] {strides = array<i32>} : memref<128x128xf32, #tpu.memory_space<vmem>>, vector<1x16xf32>,
      %get3A_243 = vector.shape_cast %get3A_242 : vector<1x16xf32> to vector<16xf32>
      %mul3A_244 = arith.mulf %get3A_239, %get3A_243 : vector<16xf32>
      %add3A_245 = arith.addf %add3A_235, %mul3A_244 : vector<16xf32>
      %xor3A_246 = arith.constant 8 : i32
      %xor3A_247 = vector.broadcast %xor3A_246 : i32 to vector<16xi32>
      %xor3A_248 = arith.xori %iota3A, %xor3A_247 : vector<16xi32>
      %lt3A_249 = arith.constant 0 : i32
      %lt3A_250 = vector.broadcast %lt3A_249 : i32 to vector<16xi32>
      %lt3A_251 = arith.cmpi slt, %xor3A_248, %lt3A_250 : vector<16xi32>
      %add3A_252 = arith.constant 16 : i32
      %add3A_253 = vector.broadcast %add3A_252 : i32 to vector<16xi32>
      %add3A_254 = arith.addi %xor3A_248, %add3A_253 : vector<16xi32>
      %select_n3A_255 = arith.select %lt3A_251, %add3A_254, %xor3A_248 : vector<16xi1>, vector<16xi32>
      %broadcast_in_dim3A_256 = vector.shape_cast %select_n3A_255 : vector<16xi32> to vector<16x1xi32>
      %gather3A_257 = vector.shape_cast %broadcast_in_dim3A_256 : vector<16x1xi32> to vector<16xi32>
      %gather3A_258 = tpu.dynamic_gather %add3A_245[%gather3A_257] in [0] : vector<16xf32>, vector<16xi32> -> vector<16xf32>
      %add3A_259 = arith.addf %add3A_245, %gather3A_258 : vector<16xf32>
      %xor3A_260 = arith.constant 4 : i32
      %xor3A_261 = vector.broadcast %xor3A_260 : i32 to vector<16xi32>
      %xor3A_262 = arith.xori %iota3A, %xor3A_261 : vector<16xi32>
      %lt3A_263 = arith.constant 0 : i32
      %lt3A_264 = vector.broadcast %lt3A_263 : i32 to vector<16xi32>
      %lt3A_265 = arith.cmpi slt, %xor3A_262, %lt3A_264 : vector<16xi32>
      %add3A_266 = arith.constant 16 : i32
      %add3A_267 = vector.broadcast %add3A_266 : i32 to vector<16xi32>
      %add3A_268 = arith.addi %xor3A_262, %add3A_267 : vector<16xi32>
      %select_n3A_269 = arith.select %lt3A_265, %add3A_268, %xor3A_262 : vector<16xi1>, vector<16xi32>
      %broadcast_in_dim3A_270 = vector.shape_cast %select_n3A_269 : vector<16xi32> to vector<16x1xi32>
      %gather3A_271 = vector.shape_cast %broadcast_in_dim3A_270 : vector<16x1xi32> to vector<16xi32>
      %gather3A_272 = tpu.dynamic_gather %add3A_259[%gather3A_271] in [0] : vector<16xf32>, vector<16xi32> -> vector<16xf32>
      %add3A_273 = arith.addf %add3A_259, %gather3A_272 : vector<16xf32>
      %xor3A_274 = arith.constant 2 : i32
      %xor3A_275 = vector.broadcast %xor3A_274 : i32 to vector<16xi32>
      %xor3A_276 = arith.xori %iota3A, %xor3A_275 : vector<16xi32>
      %lt3A_277 = arith.constant 0 : i32
      %lt3A_278 = vector.broadcast %lt3A_277 : i32 to vector<16xi32>
      %lt3A_279 = arith.cmpi slt, %xor3A_276, %lt3A_278 : vector<16xi32>
      %add3A_280 = arith.constant 16 : i32
      %add3A_281 = vector.broadcast %add3A_280 : i32 to vector<16xi32>
      %add3A_282 = arith.addi %xor3A_276, %add3A_281 : vector<16xi32>
      %select_n3A_283 = arith.select %lt3A_279, %add3A_282, %xor3A_276 : vector<16xi1>, vector<16xi32>
      %broadcast_in_dim3A_284 = vector.shape_cast %select_n3A_283 : vector<16xi32> to vector<16x1xi32>
      %gather3A_285 = vector.shape_cast %broadcast_in_dim3A_284 : vector<16x1xi32> to vector<16xi32>
      %gather3A_286 = tpu.dynamic_gather %add3A_273[%gather3A_285] in [0] : vector<16xf32>, vector<16xi32> -> vector<16xf32>
      %add3A_287 = arith.addf %add3A_273, %gather3A_286 : vector<16xf32>
      %xor3A_288 = arith.constant 1 : i32
      %xor3A_289 = vector.broadcast %xor3A_288 : i32 to vector<16xi32>
      %xor3A_290 = arith.xori %iota3A, %xor3A_289 : vector<16xi32>
      %lt3A_291 = arith.constant 0 : i32
      %lt3A_292 = vector.broadcast %lt3A_291 : i32 to vector<16xi32>
      %lt3A_293 = arith.cmpi slt, %xor3A_290, %lt3A_292 : vector<16xi32>
      %add3A_294 = arith.constant 16 : i32
      %add3A_295 = vector.broadcast %add3A_294 : i32 to vector<16xi32>
      %add3A_296 = arith.addi %xor3A_290, %add3A_295 : vector<16xi32>
      %select_n3A_297 = arith.select %lt3A_293, %add3A_296, %xor3A_290 : vector<16xi1>, vector<16xi32>
      %broadcast_in_dim3A_298 = vector.shape_cast %select_n3A_297 : vector<16xi32> to vector<16x1xi32>
      %gather3A_299 = vector.shape_cast %broadcast_in_dim3A_298 : vector<16x1xi32> to vector<16xi32>
      %gather3A_300 = tpu.dynamic_gather %add3A_287[%gather3A_299] in [0] : vector<16xf32>, vector<16xi32> -> vector<16xf32>
      %add3A_301 = arith.addf %add3A_287, %gather3A_300 : vector<16xf32>
      %eq3A_302 = arith.constant 1 : i32
      %eq3A_303 = vector.broadcast %eq3A_302 : i32 to vector<16xi32>
      %eq3A_304 = arith.cmpi eq, %iota3A, %eq3A_303 : vector<16xi32>
      %select_n3A_305 = arith.select %eq3A_304, %add3A_301, %select_n3A_159 : vector<16xi1>, vector<16xf32>
      %mul3A_306 = arith.constant 16 : i32
      %mul3A_307 = arith.muli %scan3A_18, %mul3A_306 : i32
      %add3A_308 = arith.constant 2 : i32
      %add3A_309 = arith.addi %mul3A_307, %add3A_308 : i32
      %broadcast_in_dim3A_310 = arith.constant 0.000000e+00 : f32
      %broadcast_in_dim3A_311 = vector.broadcast %broadcast_in_dim3A_310 : f32 to vector<16xf32>
      %get3A_312 = arith.index_cast %add3A_309 : i32 to index
      %get3A_313 = arith.constant 0 : index
      %get3A_314 = tpu.vector_load %arg9[%get3A_312, %get3A_313] {strides = array<i32>} : memref<128x128xf32, #tpu.memory_space<vmem>>, vector<1x16xf32>,
      %get3A_315 = vector.shape_cast %get3A_314 : vector<1x16xf32> to vector<16xf32>
      %get3A_316 = arith.index_cast %add3A_309 : i32 to index
      %get3A_317 = arith.constant 0 : index
      %get3A_318 = tpu.vector_load %arg10[%get3A_316, %get3A_317] {strides = array<i32>} : memref<128x128xf32, #tpu.memory_space<vmem>>, vector<1x16xf32>,
      %get3A_319 = vector.shape_cast %get3A_318 : vector<1x16xf32> to vector<16xf32>
      %mul3A_320 = arith.mulf %get3A_315, %get3A_319 : vector<16xf32>
      %add3A_321 = arith.addf %broadcast_in_dim3A_311, %mul3A_320 : vector<16xf32>
      %get3A_322 = arith.index_cast %add3A_309 : i32 to index
      %get3A_323 = arith.constant 16 : index
      %get3A_324 = tpu.vector_load %arg9[%get3A_322, %get3A_323] {strides = array<i32>} : memref<128x128xf32, #tpu.memory_space<vmem>>, vector<1x16xf32>,
      %get3A_325 = vector.shape_cast %get3A_324 : vector<1x16xf32> to vector<16xf32>
      %get3A_326 = arith.index_cast %add3A_309 : i32 to index
      %get3A_327 = arith.constant 16 : index
      %get3A_328 = tpu.vector_load %arg10[%get3A_326, %get3A_327] {strides = array<i32>} : memref<128x128xf32, #tpu.memory_space<vmem>>, vector<1x16xf32>,
      %get3A_329 = vector.shape_cast %get3A_328 : vector<1x16xf32> to vector<16xf32>
      %mul3A_330 = arith.mulf %get3A_325, %get3A_329 : vector<16xf32>
      %add3A_331 = arith.addf %add3A_321, %mul3A_330 : vector<16xf32>
      %get3A_332 = arith.index_cast %add3A_309 : i32 to index
      %get3A_333 = arith.constant 32 : index
      %get3A_334 = tpu.vector_load %arg9[%get3A_332, %get3A_333] {strides = array<i32>} : memref<128x128xf32, #tpu.memory_space<vmem>>, vector<1x16xf32>,
      %get3A_335 = vector.shape_cast %get3A_334 : vector<1x16xf32> to vector<16xf32>
      %get3A_336 = arith.index_cast %add3A_309 : i32 to index
      %get3A_337 = arith.constant 32 : index
      %get3A_338 = tpu.vector_load %arg10[%get3A_336, %get3A_337] {strides = array<i32>} : memref<128x128xf32, #tpu.memory_space<vmem>>, vector<1x16xf32>,
      %get3A_339 = vector.shape_cast %get3A_338 : vector<1x16xf32> to vector<16xf32>
      %mul3A_340 = arith.mulf %get3A_335, %get3A_339 : vector<16xf32>
      %add3A_341 = arith.addf %add3A_331, %mul3A_340 : vector<16xf32>
      %get3A_342 = arith.index_cast %add3A_309 : i32 to index
      %get3A_343 = arith.constant 48 : index
      %get3A_344 = tpu.vector_load %arg9[%get3A_342, %get3A_343] {strides = array<i32>} : memref<128x128xf32, #tpu.memory_space<vmem>>, vector<1x16xf32>,
      %get3A_345 = vector.shape_cast %get3A_344 : vector<1x16xf32> to vector<16xf32>
      %get3A_346 = arith.index_cast %add3A_309 : i32 to index
      %get3A_347 = arith.constant 48 : index
      %get3A_348 = tpu.vector_load %arg10[%get3A_346, %get3A_347] {strides = array<i32>} : memref<128x128xf32, #tpu.memory_space<vmem>>, vector<1x16xf32>,
      %get3A_349 = vector.shape_cast %get3A_348 : vector<1x16xf32> to vector<16xf32>
      %mul3A_350 = arith.mulf %get3A_345, %get3A_349 : vector<16xf32>
      %add3A_351 = arith.addf %add3A_341, %mul3A_350 : vector<16xf32>
      %get3A_352 = arith.index_cast %add3A_309 : i32 to index
      %get3A_353 = arith.constant 64 : index
      %get3A_354 = tpu.vector_load %arg9[%get3A_352, %get3A_353] {strides = array<i32>} : memref<128x128xf32, #tpu.memory_space<vmem>>, vector<1x16xf32>,
      %get3A_355 = vector.shape_cast %get3A_354 : vector<1x16xf32> to vector<16xf32>
      %get3A_356 = arith.index_cast %add3A_309 : i32 to index
      %get3A_357 = arith.constant 64 : index
      %get3A_358 = tpu.vector_load %arg10[%get3A_356, %get3A_357] {strides = array<i32>} : memref<128x128xf32, #tpu.memory_space<vmem>>, vector<1x16xf32>,
      %get3A_359 = vector.shape_cast %get3A_358 : vector<1x16xf32> to vector<16xf32>
      %mul3A_360 = arith.mulf %get3A_355, %get3A_359 : vector<16xf32>
      %add3A_361 = arith.addf %add3A_351, %mul3A_360 : vector<16xf32>
      %get3A_362 = arith.index_cast %add3A_309 : i32 to index
      %get3A_363 = arith.constant 80 : index
      %get3A_364 = tpu.vector_load %arg9[%get3A_362, %get3A_363] {strides = array<i32>} : memref<128x128xf32, #tpu.memory_space<vmem>>, vector<1x16xf32>,
      %get3A_365 = vector.shape_cast %get3A_364 : vector<1x16xf32> to vector<16xf32>
      %get3A_366 = arith.index_cast %add3A_309 : i32 to index
      %get3A_367 = arith.constant 80 : index
      %get3A_368 = tpu.vector_load %arg10[%get3A_366, %get3A_367] {strides = array<i32>} : memref<128x128xf32, #tpu.memory_space<vmem>>, vector<1x16xf32>,
      %get3A_369 = vector.shape_cast %get3A_368 : vector<1x16xf32> to vector<16xf32>
      %mul3A_370 = arith.mulf %get3A_365, %get3A_369 : vector<16xf32>
      %add3A_371 = arith.addf %add3A_361, %mul3A_370 : vector<16xf32>
      %get3A_372 = arith.index_cast %add3A_309 : i32 to index
      %get3A_373 = arith.constant 96 : index
      %get3A_374 = tpu.vector_load %arg9[%get3A_372, %get3A_373] {strides = array<i32>} : memref<128x128xf32, #tpu.memory_space<vmem>>, vector<1x16xf32>,
      %get3A_375 = vector.shape_cast %get3A_374 : vector<1x16xf32> to vector<16xf32>
      %get3A_376 = arith.index_cast %add3A_309 : i32 to index
      %get3A_377 = arith.constant 96 : index
      %get3A_378 = tpu.vector_load %arg10[%get3A_376, %get3A_377] {strides = array<i32>} : memref<128x128xf32, #tpu.memory_space<vmem>>, vector<1x16xf32>,
      %get3A_379 = vector.shape_cast %get3A_378 : vector<1x16xf32> to vector<16xf32>
      %mul3A_380 = arith.mulf %get3A_375, %get3A_379 : vector<16xf32>
      %add3A_381 = arith.addf %add3A_371, %mul3A_380 : vector<16xf32>
      %get3A_382 = arith.index_cast %add3A_309 : i32 to index
      %get3A_383 = arith.constant 112 : index
      %get3A_384 = tpu.vector_load %arg9[%get3A_382, %get3A_383] {strides = array<i32>} : memref<128x128xf32, #tpu.memory_space<vmem>>, vector<1x16xf32>,
      %get3A_385 = vector.shape_cast %get3A_384 : vector<1x16xf32> to vector<16xf32>
      %get3A_386 = arith.index_cast %add3A_309 : i32 to index
      %get3A_387 = arith.constant 112 : index
      %get3A_388 = tpu.vector_load %arg10[%get3A_386, %get3A_387] {strides = array<i32>} : memref<128x128xf32, #tpu.memory_space<vmem>>, vector<1x16xf32>,
      %get3A_389 = vector.shape_cast %get3A_388 : vector<1x16xf32> to vector<16xf32>
      %mul3A_390 = arith.mulf %get3A_385, %get3A_389 : vector<16xf32>
      %add3A_391 = arith.addf %add3A_381, %mul3A_390 : vector<16xf32>
      %xor3A_392 = arith.constant 8 : i32
      %xor3A_393 = vector.broadcast %xor3A_392 : i32 to vector<16xi32>
      %xor3A_394 = arith.xori %iota3A, %xor3A_393 : vector<16xi32>
      %lt3A_395 = arith.constant 0 : i32
      %lt3A_396 = vector.broadcast %lt3A_395 : i32 to vector<16xi32>
      %lt3A_397 = arith.cmpi slt, %xor3A_394, %lt3A_396 : vector<16xi32>
      %add3A_398 = arith.constant 16 : i32
      %add3A_399 = vector.broadcast %add3A_398 : i32 to vector<16xi32>
      %add3A_400 = arith.addi %xor3A_394, %add3A_399 : vector<16xi32>
      %select_n3A_401 = arith.select %lt3A_397, %add3A_400, %xor3A_394 : vector<16xi1>, vector<16xi32>
      %broadcast_in_dim3A_402 = vector.shape_cast %select_n3A_401 : vector<16xi32> to vector<16x1xi32>
      %gather3A_403 = vector.shape_cast %broadcast_in_dim3A_402 : vector<16x1xi32> to vector<16xi32>
      %gather3A_404 = tpu.dynamic_gather %add3A_391[%gather3A_403] in [0] : vector<16xf32>, vector<16xi32> -> vector<16xf32>
      %add3A_405 = arith.addf %add3A_391, %gather3A_404 : vector<16xf32>
      %xor3A_406 = arith.constant 4 : i32
      %xor3A_407 = vector.broadcast %xor3A_406 : i32 to vector<16xi32>
      %xor3A_408 = arith.xori %iota3A, %xor3A_407 : vector<16xi32>
      %lt3A_409 = arith.constant 0 : i32
      %lt3A_410 = vector.broadcast %lt3A_409 : i32 to vector<16xi32>
      %lt3A_411 = arith.cmpi slt, %xor3A_408, %lt3A_410 : vector<16xi32>
      %add3A_412 = arith.constant 16 : i32
      %add3A_413 = vector.broadcast %add3A_412 : i32 to vector<16xi32>
      %add3A_414 = arith.addi %xor3A_408, %add3A_413 : vector<16xi32>
      %select_n3A_415 = arith.select %lt3A_411, %add3A_414, %xor3A_408 : vector<16xi1>, vector<16xi32>
      %broadcast_in_dim3A_416 = vector.shape_cast %select_n3A_415 : vector<16xi32> to vector<16x1xi32>
      %gather3A_417 = vector.shape_cast %broadcast_in_dim3A_416 : vector<16x1xi32> to vector<16xi32>
      %gather3A_418 = tpu.dynamic_gather %add3A_405[%gather3A_417] in [0] : vector<16xf32>, vector<16xi32> -> vector<16xf32>
      %add3A_419 = arith.addf %add3A_405, %gather3A_418 : vector<16xf32>
      %xor3A_420 = arith.constant 2 : i32
      %xor3A_421 = vector.broadcast %xor3A_420 : i32 to vector<16xi32>
      %xor3A_422 = arith.xori %iota3A, %xor3A_421 : vector<16xi32>
      %lt3A_423 = arith.constant 0 : i32
      %lt3A_424 = vector.broadcast %lt3A_423 : i32 to vector<16xi32>
      %lt3A_425 = arith.cmpi slt, %xor3A_422, %lt3A_424 : vector<16xi32>
      %add3A_426 = arith.constant 16 : i32
      %add3A_427 = vector.broadcast %add3A_426 : i32 to vector<16xi32>
      %add3A_428 = arith.addi %xor3A_422, %add3A_427 : vector<16xi32>
      %select_n3A_429 = arith.select %lt3A_425, %add3A_428, %xor3A_422 : vector<16xi1>, vector<16xi32>
      %broadcast_in_dim3A_430 = vector.shape_cast %select_n3A_429 : vector<16xi32> to vector<16x1xi32>
      %gather3A_431 = vector.shape_cast %broadcast_in_dim3A_430 : vector<16x1xi32> to vector<16xi32>
      %gather3A_432 = tpu.dynamic_gather %add3A_419[%gather3A_431] in [0] : vector<16xf32>, vector<16xi32> -> vector<16xf32>
      %add3A_433 = arith.addf %add3A_419, %gather3A_432 : vector<16xf32>
      %xor3A_434 = arith.constant 1 : i32
      %xor3A_435 = vector.broadcast %xor3A_434 : i32 to vector<16xi32>
      %xor3A_436 = arith.xori %iota3A, %xor3A_435 : vector<16xi32>
      %lt3A_437 = arith.constant 0 : i32
      %lt3A_438 = vector.broadcast %lt3A_437 : i32 to vector<16xi32>
      %lt3A_439 = arith.cmpi slt, %xor3A_436, %lt3A_438 : vector<16xi32>
      %add3A_440 = arith.constant 16 : i32
      %add3A_441 = vector.broadcast %add3A_440 : i32 to vector<16xi32>
      %add3A_442 = arith.addi %xor3A_436, %add3A_441 : vector<16xi32>
      %select_n3A_443 = arith.select %lt3A_439, %add3A_442, %xor3A_436 : vector<16xi1>, vector<16xi32>
      %broadcast_in_dim3A_444 = vector.shape_cast %select_n3A_443 : vector<16xi32> to vector<16x1xi32>
      %gather3A_445 = vector.shape_cast %broadcast_in_dim3A_444 : vector<16x1xi32> to vector<16xi32>
      %gather3A_446 = tpu.dynamic_gather %add3A_433[%gather3A_445] in [0] : vector<16xf32>, vector<16xi32> -> vector<16xf32>
      %add3A_447 = arith.addf %add3A_433, %gather3A_446 : vector<16xf32>
      %eq3A_448 = arith.constant 2 : i32
      %eq3A_449 = vector.broadcast %eq3A_448 : i32 to vector<16xi32>
      %eq3A_450 = arith.cmpi eq, %iota3A, %eq3A_449 : vector<16xi32>
      %select_n3A_451 = arith.select %eq3A_450, %add3A_447, %select_n3A_305 : vector<16xi1>, vector<16xf32>
      %mul3A_452 = arith.constant 16 : i32
      %mul3A_453 = arith.muli %scan3A_18, %mul3A_452 : i32
      %add3A_454 = arith.constant 3 : i32
      %add3A_455 = arith.addi %mul3A_453, %add3A_454 : i32
      %broadcast_in_dim3A_456 = arith.constant 0.000000e+00 : f32
      %broadcast_in_dim3A_457 = vector.broadcast %broadcast_in_dim3A_456 : f32 to vector<16xf32>
      %get3A_458 = arith.index_cast %add3A_455 : i32 to index
      %get3A_459 = arith.constant 0 : index
      %get3A_460 = tpu.vector_load %arg9[%get3A_458, %get3A_459] {strides = array<i32>} : memref<128x128xf32, #tpu.memory_space<vmem>>, vector<1x16xf32>,
      %get3A_461 = vector.shape_cast %get3A_460 : vector<1x16xf32> to vector<16xf32>
      %get3A_462 = arith.index_cast %add3A_455 : i32 to index
      %get3A_463 = arith.constant 0 : index
      %get3A_464 = tpu.vector_load %arg10[%get3A_462, %get3A_463] {strides = array<i32>} : memref<128x128xf32, #tpu.memory_space<vmem>>, vector<1x16xf32>,
      %get3A_465 = vector.shape_cast %get3A_464 : vector<1x16xf32> to vector<16xf32>
      %mul3A_466 = arith.mulf %get3A_461, %get3A_465 : vector<16xf32>
      %add3A_467 = arith.addf %broadcast_in_dim3A_457, %mul3A_466 : vector<16xf32>
      %get3A_468 = arith.index_cast %add3A_455 : i32 to index
      %get3A_469 = arith.constant 16 : index
      %get3A_470 = tpu.vector_load %arg9[%get3A_468, %get3A_469] {strides = array<i32>} : memref<128x128xf32, #tpu.memory_space<vmem>>, vector<1x16xf32>,
      %get3A_471 = vector.shape_cast %get3A_470 : vector<1x16xf32> to vector<16xf32>
      %get3A_472 = arith.index_cast %add3A_455 : i32 to index
      %get3A_473 = arith.constant 16 : index
      %get3A_474 = tpu.vector_load %arg10[%get3A_472, %get3A_473] {strides = array<i32>} : memref<128x128xf32, #tpu.memory_space<vmem>>, vector<1x16xf32>,
      %get3A_475 = vector.shape_cast %get3A_474 : vector<1x16xf32> to vector<16xf32>
      %mul3A_476 = arith.mulf %get3A_471, %get3A_475 : vector<16xf32>
      %add3A_477 = arith.addf %add3A_467, %mul3A_476 : vector<16xf32>
      %get3A_478 = arith.index_cast %add3A_455 : i32 to index
      %get3A_479 = arith.constant 32 : index
      %get3A_480 = tpu.vector_load %arg9[%get3A_478, %get3A_479] {strides = array<i32>} : memref<128x128xf32, #tpu.memory_space<vmem>>, vector<1x16xf32>,
      %get3A_481 = vector.shape_cast %get3A_480 : vector<1x16xf32> to vector<16xf32>
      %get3A_482 = arith.index_cast %add3A_455 : i32 to index
      %get3A_483 = arith.constant 32 : index
      %get3A_484 = tpu.vector_load %arg10[%get3A_482, %get3A_483] {strides = array<i32>} : memref<128x128xf32, #tpu.memory_space<vmem>>, vector<1x16xf32>,
      %get3A_485 = vector.shape_cast %get3A_484 : vector<1x16xf32> to vector<16xf32>
      %mul3A_486 = arith.mulf %get3A_481, %get3A_485 : vector<16xf32>
      %add3A_487 = arith.addf %add3A_477, %mul3A_486 : vector<16xf32>
      %get3A_488 = arith.index_cast %add3A_455 : i32 to index
      %get3A_489 = arith.constant 48 : index
      %get3A_490 = tpu.vector_load %arg9[%get3A_488, %get3A_489] {strides = array<i32>} : memref<128x128xf32, #tpu.memory_space<vmem>>, vector<1x16xf32>,
      %get3A_491 = vector.shape_cast %get3A_490 : vector<1x16xf32> to vector<16xf32>
      %get3A_492 = arith.index_cast %add3A_455 : i32 to index
      %get3A_493 = arith.constant 48 : index
      %get3A_494 = tpu.vector_load %arg10[%get3A_492, %get3A_493] {strides = array<i32>} : memref<128x128xf32, #tpu.memory_space<vmem>>, vector<1x16xf32>,
      %get3A_495 = vector.shape_cast %get3A_494 : vector<1x16xf32> to vector<16xf32>
      %mul3A_496 = arith.mulf %get3A_491, %get3A_495 : vector<16xf32>
      %add3A_497 = arith.addf %add3A_487, %mul3A_496 : vector<16xf32>
      %get3A_498 = arith.index_cast %add3A_455 : i32 to index
      %get3A_499 = arith.constant 64 : index
      %get3A_500 = tpu.vector_load %arg9[%get3A_498, %get3A_499] {strides = array<i32>} : memref<128x128xf32, #tpu.memory_space<vmem>>, vector<1x16xf32>,
      %get3A_501 = vector.shape_cast %get3A_500 : vector<1x16xf32> to vector<16xf32>
      %get3A_502 = arith.index_cast %add3A_455 : i32 to index
      %get3A_503 = arith.constant 64 : index
      %get3A_504 = tpu.vector_load %arg10[%get3A_502, %get3A_503] {strides = array<i32>} : memref<128x128xf32, #tpu.memory_space<vmem>>, vector<1x16xf32>,
      %get3A_505 = vector.shape_cast %get3A_504 : vector<1x16xf32> to vector<16xf32>
      %mul3A_506 = arith.mulf %get3A_501, %get3A_505 : vector<16xf32>
      %add3A_507 = arith.addf %add3A_497, %mul3A_506 : vector<16xf32>
      %get3A_508 = arith.index_cast %add3A_455 : i32 to index
      %get3A_509 = arith.constant 80 : index
      %get3A_510 = tpu.vector_load %arg9[%get3A_508, %get3A_509] {strides = array<i32>} : memref<128x128xf32, #tpu.memory_space<vmem>>, vector<1x16xf32>,
      %get3A_511 = vector.shape_cast %get3A_510 : vector<1x16xf32> to vector<16xf32>
      %get3A_512 = arith.index_cast %add3A_455 : i32 to index
      %get3A_513 = arith.constant 80 : index
      %get3A_514 = tpu.vector_load %arg10[%get3A_512, %get3A_513] {strides = array<i32>} : memref<128x128xf32, #tpu.memory_space<vmem>>, vector<1x16xf32>,
      %get3A_515 = vector.shape_cast %get3A_514 : vector<1x16xf32> to vector<16xf32>
      %mul3A_516 = arith.mulf %get3A_511, %get3A_515 : vector<16xf32>
      %add3A_517 = arith.addf %add3A_507, %mul3A_516 : vector<16xf32>
      %get3A_518 = arith.index_cast %add3A_455 : i32 to index
      %get3A_519 = arith.constant 96 : index
      %get3A_520 = tpu.vector_load %arg9[%get3A_518, %get3A_519] {strides = array<i32>} : memref<128x128xf32, #tpu.memory_space<vmem>>, vector<1x16xf32>,
      %get3A_521 = vector.shape_cast %get3A_520 : vector<1x16xf32> to vector<16xf32>
      %get3A_522 = arith.index_cast %add3A_455 : i32 to index
      %get3A_523 = arith.constant 96 : index
      %get3A_524 = tpu.vector_load %arg10[%get3A_522, %get3A_523] {strides = array<i32>} : memref<128x128xf32, #tpu.memory_space<vmem>>, vector<1x16xf32>,
      %get3A_525 = vector.shape_cast %get3A_524 : vector<1x16xf32> to vector<16xf32>
      %mul3A_526 = arith.mulf %get3A_521, %get3A_525 : vector<16xf32>
      %add3A_527 = arith.addf %add3A_517, %mul3A_526 : vector<16xf32>
      %get3A_528 = arith.index_cast %add3A_455 : i32 to index
      %get3A_529 = arith.constant 112 : index
      %get3A_530 = tpu.vector_load %arg9[%get3A_528, %get3A_529] {strides = array<i32>} : memref<128x128xf32, #tpu.memory_space<vmem>>, vector<1x16xf32>,
      %get3A_531 = vector.shape_cast %get3A_530 : vector<1x16xf32> to vector<16xf32>
      %get3A_532 = arith.index_cast %add3A_455 : i32 to index
      %get3A_533 = arith.constant 112 : index
      %get3A_534 = tpu.vector_load %arg10[%get3A_532, %get3A_533] {strides = array<i32>} : memref<128x128xf32, #tpu.memory_space<vmem>>, vector<1x16xf32>,
      %get3A_535 = vector.shape_cast %get3A_534 : vector<1x16xf32> to vector<16xf32>
      %mul3A_536 = arith.mulf %get3A_531, %get3A_535 : vector<16xf32>
      %add3A_537 = arith.addf %add3A_527, %mul3A_536 : vector<16xf32>
      %xor3A_538 = arith.constant 8 : i32
      %xor3A_539 = vector.broadcast %xor3A_538 : i32 to vector<16xi32>
      %xor3A_540 = arith.xori %iota3A, %xor3A_539 : vector<16xi32>
      %lt3A_541 = arith.constant 0 : i32
      %lt3A_542 = vector.broadcast %lt3A_541 : i32 to vector<16xi32>
      %lt3A_543 = arith.cmpi slt, %xor3A_540, %lt3A_542 : vector<16xi32>
      %add3A_544 = arith.constant 16 : i32
      %add3A_545 = vector.broadcast %add3A_544 : i32 to vector<16xi32>
      %add3A_546 = arith.addi %xor3A_540, %add3A_545 : vector<16xi32>
      %select_n3A_547 = arith.select %lt3A_543, %add3A_546, %xor3A_540 : vector<16xi1>, vector<16xi32>
      %broadcast_in_dim3A_548 = vector.shape_cast %select_n3A_547 : vector<16xi32> to vector<16x1xi32>
      %gather3A_549 = vector.shape_cast %broadcast_in_dim3A_548 : vector<16x1xi32> to vector<16xi32>
      %gather3A_550 = tpu.dynamic_gather %add3A_537[%gather3A_549] in [0] : vector<16xf32>, vector<16xi32> -> vector<16xf32>
      %add3A_551 = arith.addf %add3A_537, %gather3A_550 : vector<16xf32>
      %xor3A_552 = arith.constant 4 : i32
      %xor3A_553 = vector.broadcast %xor3A_552 : i32 to vector<16xi32>
      %xor3A_554 = arith.xori %iota3A, %xor3A_553 : vector<16xi32>
      %lt3A_555 = arith.constant 0 : i32
      %lt3A_556 = vector.broadcast %lt3A_555 : i32 to vector<16xi32>
      %lt3A_557 = arith.cmpi slt, %xor3A_554, %lt3A_556 : vector<16xi32>
      %add3A_558 = arith.constant 16 : i32
      %add3A_559 = vector.broadcast %add3A_558 : i32 to vector<16xi32>
      %add3A_560 = arith.addi %xor3A_554, %add3A_559 : vector<16xi32>
      %select_n3A_561 = arith.select %lt3A_557, %add3A_560, %xor3A_554 : vector<16xi1>, vector<16xi32>
      %broadcast_in_dim3A_562 = vector.shape_cast %select_n3A_561 : vector<16xi32> to vector<16x1xi32>
      %gather3A_563 = vector.shape_cast %broadcast_in_dim3A_562 : vector<16x1xi32> to vector<16xi32>
      %gather3A_564 = tpu.dynamic_gather %add3A_551[%gather3A_563] in [0] : vector<16xf32>, vector<16xi32> -> vector<16xf32>
      %add3A_565 = arith.addf %add3A_551, %gather3A_564 : vector<16xf32>
      %xor3A_566 = arith.constant 2 : i32
      %xor3A_567 = vector.broadcast %xor3A_566 : i32 to vector<16xi32>
      %xor3A_568 = arith.xori %iota3A, %xor3A_567 : vector<16xi32>
      %lt3A_569 = arith.constant 0 : i32
      %lt3A_570 = vector.broadcast %lt3A_569 : i32 to vector<16xi32>
      %lt3A_571 = arith.cmpi slt, %xor3A_568, %lt3A_570 : vector<16xi32>
      %add3A_572 = arith.constant 16 : i32
      %add3A_573 = vector.broadcast %add3A_572 : i32 to vector<16xi32>
      %add3A_574 = arith.addi %xor3A_568, %add3A_573 : vector<16xi32>
      %select_n3A_575 = arith.select %lt3A_571, %add3A_574, %xor3A_568 : vector<16xi1>, vector<16xi32>
      %broadcast_in_dim3A_576 = vector.shape_cast %select_n3A_575 : vector<16xi32> to vector<16x1xi32>
      %gather3A_577 = vector.shape_cast %broadcast_in_dim3A_576 : vector<16x1xi32> to vector<16xi32>
      %gather3A_578 = tpu.dynamic_gather %add3A_565[%gather3A_577] in [0] : vector<16xf32>, vector<16xi32> -> vector<16xf32>
      %add3A_579 = arith.addf %add3A_565, %gather3A_578 : vector<16xf32>
      %xor3A_580 = arith.constant 1 : i32
      %xor3A_581 = vector.broadcast %xor3A_580 : i32 to vector<16xi32>
      %xor3A_582 = arith.xori %iota3A, %xor3A_581 : vector<16xi32>
      %lt3A_583 = arith.constant 0 : i32
      %lt3A_584 = vector.broadcast %lt3A_583 : i32 to vector<16xi32>
      %lt3A_585 = arith.cmpi slt, %xor3A_582, %lt3A_584 : vector<16xi32>
      %add3A_586 = arith.constant 16 : i32
      %add3A_587 = vector.broadcast %add3A_586 : i32 to vector<16xi32>
      %add3A_588 = arith.addi %xor3A_582, %add3A_587 : vector<16xi32>
      %select_n3A_589 = arith.select %lt3A_585, %add3A_588, %xor3A_582 : vector<16xi1>, vector<16xi32>
      %broadcast_in_dim3A_590 = vector.shape_cast %select_n3A_589 : vector<16xi32> to vector<16x1xi32>
      %gather3A_591 = vector.shape_cast %broadcast_in_dim3A_590 : vector<16x1xi32> to vector<16xi32>
      %gather3A_592 = tpu.dynamic_gather %add3A_579[%gather3A_591] in [0] : vector<16xf32>, vector<16xi32> -> vector<16xf32>
      %add3A_593 = arith.addf %add3A_579, %gather3A_592 : vector<16xf32>
      %eq3A_594 = arith.constant 3 : i32
      %eq3A_595 = vector.broadcast %eq3A_594 : i32 to vector<16xi32>
      %eq3A_596 = arith.cmpi eq, %iota3A, %eq3A_595 : vector<16xi32>
      %select_n3A_597 = arith.select %eq3A_596, %add3A_593, %select_n3A_451 : vector<16xi1>, vector<16xf32>
      %mul3A_598 = arith.constant 16 : i32
      %mul3A_599 = arith.muli %scan3A_18, %mul3A_598 : i32
      %add3A_600 = arith.constant 4 : i32
      %add3A_601 = arith.addi %mul3A_599, %add3A_600 : i32
      %broadcast_in_dim3A_602 = arith.constant 0.000000e+00 : f32
      %broadcast_in_dim3A_603 = vector.broadcast %broadcast_in_dim3A_602 : f32 to vector<16xf32>
      %get3A_604 = arith.index_cast %add3A_601 : i32 to index
      %get3A_605 = arith.constant 0 : index
      %get3A_606 = tpu.vector_load %arg9[%get3A_604, %get3A_605] {strides = array<i32>} : memref<128x128xf32, #tpu.memory_space<vmem>>, vector<1x16xf32>,
      %get3A_607 = vector.shape_cast %get3A_606 : vector<1x16xf32> to vector<16xf32>
      %get3A_608 = arith.index_cast %add3A_601 : i32 to index
      %get3A_609 = arith.constant 0 : index
      %get3A_610 = tpu.vector_load %arg10[%get3A_608, %get3A_609] {strides = array<i32>} : memref<128x128xf32, #tpu.memory_space<vmem>>, vector<1x16xf32>,
      %get3A_611 = vector.shape_cast %get3A_610 : vector<1x16xf32> to vector<16xf32>
      %mul3A_612 = arith.mulf %get3A_607, %get3A_611 : vector<16xf32>
      %add3A_613 = arith.addf %broadcast_in_dim3A_603, %mul3A_612 : vector<16xf32>
      %get3A_614 = arith.index_cast %add3A_601 : i32 to index
      %get3A_615 = arith.constant 16 : index
      %get3A_616 = tpu.vector_load %arg9[%get3A_614, %get3A_615] {strides = array<i32>} : memref<128x128xf32, #tpu.memory_space<vmem>>, vector<1x16xf32>,
      %get3A_617 = vector.shape_cast %get3A_616 : vector<1x16xf32> to vector<16xf32>
      %get3A_618 = arith.index_cast %add3A_601 : i32 to index
      %get3A_619 = arith.constant 16 : index
      %get3A_620 = tpu.vector_load %arg10[%get3A_618, %get3A_619] {strides = array<i32>} : memref<128x128xf32, #tpu.memory_space<vmem>>, vector<1x16xf32>,
      %get3A_621 = vector.shape_cast %get3A_620 : vector<1x16xf32> to vector<16xf32>
      %mul3A_622 = arith.mulf %get3A_617, %get3A_621 : vector<16xf32>
      %add3A_623 = arith.addf %add3A_613, %mul3A_622 : vector<16xf32>
      %get3A_624 = arith.index_cast %add3A_601 : i32 to index
      %get3A_625 = arith.constant 32 : index
      %get3A_626 = tpu.vector_load %arg9[%get3A_624, %get3A_625] {strides = array<i32>} : memref<128x128xf32, #tpu.memory_space<vmem>>, vector<1x16xf32>,
      %get3A_627 = vector.shape_cast %get3A_626 : vector<1x16xf32> to vector<16xf32>
      %get3A_628 = arith.index_cast %add3A_601 : i32 to index
      %get3A_629 = arith.constant 32 : index
      %get3A_630 = tpu.vector_load %arg10[%get3A_628, %get3A_629] {strides = array<i32>} : memref<128x128xf32, #tpu.memory_space<vmem>>, vector<1x16xf32>,
      %get3A_631 = vector.shape_cast %get3A_630 : vector<1x16xf32> to vector<16xf32>
      %mul3A_632 = arith.mulf %get3A_627, %get3A_631 : vector<16xf32>
      %add3A_633 = arith.addf %add3A_623, %mul3A_632 : vector<16xf32>
      %get3A_634 = arith.index_cast %add3A_601 : i32 to index
      %get3A_635 = arith.constant 48 : index
      %get3A_636 = tpu.vector_load %arg9[%get3A_634, %get3A_635] {strides = array<i32>} : memref<128x128xf32, #tpu.memory_space<vmem>>, vector<1x16xf32>,
      %get3A_637 = vector.shape_cast %get3A_636 : vector<1x16xf32> to vector<16xf32>
      %get3A_638 = arith.index_cast %add3A_601 : i32 to index
      %get3A_639 = arith.constant 48 : index
      %get3A_640 = tpu.vector_load %arg10[%get3A_638, %get3A_639] {strides = array<i32>} : memref<128x128xf32, #tpu.memory_space<vmem>>, vector<1x16xf32>,
      %get3A_641 = vector.shape_cast %get3A_640 : vector<1x16xf32> to vector<16xf32>
      %mul3A_642 = arith.mulf %get3A_637, %get3A_641 : vector<16xf32>
      %add3A_643 = arith.addf %add3A_633, %mul3A_642 : vector<16xf32>
      %get3A_644 = arith.index_cast %add3A_601 : i32 to index
      %get3A_645 = arith.constant 64 : index
      %get3A_646 = tpu.vector_load %arg9[%get3A_644, %get3A_645] {strides = array<i32>} : memref<128x128xf32, #tpu.memory_space<vmem>>, vector<1x16xf32>,
      %get3A_647 = vector.shape_cast %get3A_646 : vector<1x16xf32> to vector<16xf32>
      %get3A_648 = arith.index_cast %add3A_601 : i32 to index
      %get3A_649 = arith.constant 64 : index
      %get3A_650 = tpu.vector_load %arg10[%get3A_648, %get3A_649] {strides = array<i32>} : memref<128x128xf32, #tpu.memory_space<vmem>>, vector<1x16xf32>,
      %get3A_651 = vector.shape_cast %get3A_650 : vector<1x16xf32> to vector<16xf32>
      %mul3A_652 = arith.mulf %get3A_647, %get3A_651 : vector<16xf32>
      %add3A_653 = arith.addf %add3A_643, %mul3A_652 : vector<16xf32>
      %get3A_654 = arith.index_cast %add3A_601 : i32 to index
      %get3A_655 = arith.constant 80 : index
      %get3A_656 = tpu.vector_load %arg9[%get3A_654, %get3A_655] {strides = array<i32>} : memref<128x128xf32, #tpu.memory_space<vmem>>, vector<1x16xf32>,
      %get3A_657 = vector.shape_cast %get3A_656 : vector<1x16xf32> to vector<16xf32>
      %get3A_658 = arith.index_cast %add3A_601 : i32 to index
      %get3A_659 = arith.constant 80 : index
      %get3A_660 = tpu.vector_load %arg10[%get3A_658, %get3A_659] {strides = array<i32>} : memref<128x128xf32, #tpu.memory_space<vmem>>, vector<1x16xf32>,
      %get3A_661 = vector.shape_cast %get3A_660 : vector<1x16xf32> to vector<16xf32>
      %mul3A_662 = arith.mulf %get3A_657, %get3A_661 : vector<16xf32>
      %add3A_663 = arith.addf %add3A_653, %mul3A_662 : vector<16xf32>
      %get3A_664 = arith.index_cast %add3A_601 : i32 to index
      %get3A_665 = arith.constant 96 : index
      %get3A_666 = tpu.vector_load %arg9[%get3A_664, %get3A_665] {strides = array<i32>} : memref<128x128xf32, #tpu.memory_space<vmem>>, vector<1x16xf32>,
      %get3A_667 = vector.shape_cast %get3A_666 : vector<1x16xf32> to vector<16xf32>
      %get3A_668 = arith.index_cast %add3A_601 : i32 to index
      %get3A_669 = arith.constant 96 : index
      %get3A_670 = tpu.vector_load %arg10[%get3A_668, %get3A_669] {strides = array<i32>} : memref<128x128xf32, #tpu.memory_space<vmem>>, vector<1x16xf32>,
      %get3A_671 = vector.shape_cast %get3A_670 : vector<1x16xf32> to vector<16xf32>
      %mul3A_672 = arith.mulf %get3A_667, %get3A_671 : vector<16xf32>
      %add3A_673 = arith.addf %add3A_663, %mul3A_672 : vector<16xf32>
      %get3A_674 = arith.index_cast %add3A_601 : i32 to index
      %get3A_675 = arith.constant 112 : index
      %get3A_676 = tpu.vector_load %arg9[%get3A_674, %get3A_675] {strides = array<i32>} : memref<128x128xf32, #tpu.memory_space<vmem>>, vector<1x16xf32>,
      %get3A_677 = vector.shape_cast %get3A_676 : vector<1x16xf32> to vector<16xf32>
      %get3A_678 = arith.index_cast %add3A_601 : i32 to index
      %get3A_679 = arith.constant 112 : index
      %get3A_680 = tpu.vector_load %arg10[%get3A_678, %get3A_679] {strides = array<i32>} : memref<128x128xf32, #tpu.memory_space<vmem>>, vector<1x16xf32>,
      %get3A_681 = vector.shape_cast %get3A_680 : vector<1x16xf32> to vector<16xf32>
      %mul3A_682 = arith.mulf %get3A_677, %get3A_681 : vector<16xf32>
      %add3A_683 = arith.addf %add3A_673, %mul3A_682 : vector<16xf32>
      %xor3A_684 = arith.constant 8 : i32
      %xor3A_685 = vector.broadcast %xor3A_684 : i32 to vector<16xi32>
      %xor3A_686 = arith.xori %iota3A, %xor3A_685 : vector<16xi32>
      %lt3A_687 = arith.constant 0 : i32
      %lt3A_688 = vector.broadcast %lt3A_687 : i32 to vector<16xi32>
      %lt3A_689 = arith.cmpi slt, %xor3A_686, %lt3A_688 : vector<16xi32>
      %add3A_690 = arith.constant 16 : i32
      %add3A_691 = vector.broadcast %add3A_690 : i32 to vector<16xi32>
      %add3A_692 = arith.addi %xor3A_686, %add3A_691 : vector<16xi32>
      %select_n3A_693 = arith.select %lt3A_689, %add3A_692, %xor3A_686 : vector<16xi1>, vector<16xi32>
      %broadcast_in_dim3A_694 = vector.shape_cast %select_n3A_693 : vector<16xi32> to vector<16x1xi32>
      %gather3A_695 = vector.shape_cast %broadcast_in_dim3A_694 : vector<16x1xi32> to vector<16xi32>
      %gather3A_696 = tpu.dynamic_gather %add3A_683[%gather3A_695] in [0] : vector<16xf32>, vector<16xi32> -> vector<16xf32>
      %add3A_697 = arith.addf %add3A_683, %gather3A_696 : vector<16xf32>
      %xor3A_698 = arith.constant 4 : i32
      %xor3A_699 = vector.broadcast %xor3A_698 : i32 to vector<16xi32>
      %xor3A_700 = arith.xori %iota3A, %xor3A_699 : vector<16xi32>
      %lt3A_701 = arith.constant 0 : i32
      %lt3A_702 = vector.broadcast %lt3A_701 : i32 to vector<16xi32>
      %lt3A_703 = arith.cmpi slt, %xor3A_700, %lt3A_702 : vector<16xi32>
      %add3A_704 = arith.constant 16 : i32
      %add3A_705 = vector.broadcast %add3A_704 : i32 to vector<16xi32>
      %add3A_706 = arith.addi %xor3A_700, %add3A_705 : vector<16xi32>
      %select_n3A_707 = arith.select %lt3A_703, %add3A_706, %xor3A_700 : vector<16xi1>, vector<16xi32>
      %broadcast_in_dim3A_708 = vector.shape_cast %select_n3A_707 : vector<16xi32> to vector<16x1xi32>
      %gather3A_709 = vector.shape_cast %broadcast_in_dim3A_708 : vector<16x1xi32> to vector<16xi32>
      %gather3A_710 = tpu.dynamic_gather %add3A_697[%gather3A_709] in [0] : vector<16xf32>, vector<16xi32> -> vector<16xf32>
      %add3A_711 = arith.addf %add3A_697, %gather3A_710 : vector<16xf32>
      %xor3A_712 = arith.constant 2 : i32
      %xor3A_713 = vector.broadcast %xor3A_712 : i32 to vector<16xi32>
      %xor3A_714 = arith.xori %iota3A, %xor3A_713 : vector<16xi32>
      %lt3A_715 = arith.constant 0 : i32
      %lt3A_716 = vector.broadcast %lt3A_715 : i32 to vector<16xi32>
      %lt3A_717 = arith.cmpi slt, %xor3A_714, %lt3A_716 : vector<16xi32>
      %add3A_718 = arith.constant 16 : i32
      %add3A_719 = vector.broadcast %add3A_718 : i32 to vector<16xi32>
      %add3A_720 = arith.addi %xor3A_714, %add3A_719 : vector<16xi32>
      %select_n3A_721 = arith.select %lt3A_717, %add3A_720, %xor3A_714 : vector<16xi1>, vector<16xi32>
      %broadcast_in_dim3A_722 = vector.shape_cast %select_n3A_721 : vector<16xi32> to vector<16x1xi32>
      %gather3A_723 = vector.shape_cast %broadcast_in_dim3A_722 : vector<16x1xi32> to vector<16xi32>
      %gather3A_724 = tpu.dynamic_gather %add3A_711[%gather3A_723] in [0] : vector<16xf32>, vector<16xi32> -> vector<16xf32>
      %add3A_725 = arith.addf %add3A_711, %gather3A_724 : vector<16xf32>
      %xor3A_726 = arith.constant 1 : i32
      %xor3A_727 = vector.broadcast %xor3A_726 : i32 to vector<16xi32>
      %xor3A_728 = arith.xori %iota3A, %xor3A_727 : vector<16xi32>
      %lt3A_729 = arith.constant 0 : i32
      %lt3A_730 = vector.broadcast %lt3A_729 : i32 to vector<16xi32>
      %lt3A_731 = arith.cmpi slt, %xor3A_728, %lt3A_730 : vector<16xi32>
      %add3A_732 = arith.constant 16 : i32
      %add3A_733 = vector.broadcast %add3A_732 : i32 to vector<16xi32>
      %add3A_734 = arith.addi %xor3A_728, %add3A_733 : vector<16xi32>
      %select_n3A_735 = arith.select %lt3A_731, %add3A_734, %xor3A_728 : vector<16xi1>, vector<16xi32>
      %broadcast_in_dim3A_736 = vector.shape_cast %select_n3A_735 : vector<16xi32> to vector<16x1xi32>
      %gather3A_737 = vector.shape_cast %broadcast_in_dim3A_736 : vector<16x1xi32> to vector<16xi32>
      %gather3A_738 = tpu.dynamic_gather %add3A_725[%gather3A_737] in [0] : vector<16xf32>, vector<16xi32> -> vector<16xf32>
      %add3A_739 = arith.addf %add3A_725, %gather3A_738 : vector<16xf32>
      %eq3A_740 = arith.constant 4 : i32
      %eq3A_741 = vector.broadcast %eq3A_740 : i32 to vector<16xi32>
      %eq3A_742 = arith.cmpi eq, %iota3A, %eq3A_741 : vector<16xi32>
      %select_n3A_743 = arith.select %eq3A_742, %add3A_739, %select_n3A_597 : vector<16xi1>, vector<16xf32>
      %mul3A_744 = arith.constant 16 : i32
      %mul3A_745 = arith.muli %scan3A_18, %mul3A_744 : i32
      %add3A_746 = arith.constant 5 : i32
      %add3A_747 = arith.addi %mul3A_745, %add3A_746 : i32
      %broadcast_in_dim3A_748 = arith.constant 0.000000e+00 : f32
      %broadcast_in_dim3A_749 = vector.broadcast %broadcast_in_dim3A_748 : f32 to vector<16xf32>
      %get3A_750 = arith.index_cast %add3A_747 : i32 to index
      %get3A_751 = arith.constant 0 : index
      %get3A_752 = tpu.vector_load %arg9[%get3A_750, %get3A_751] {strides = array<i32>} : memref<128x128xf32, #tpu.memory_space<vmem>>, vector<1x16xf32>,
      %get3A_753 = vector.shape_cast %get3A_752 : vector<1x16xf32> to vector<16xf32>
      %get3A_754 = arith.index_cast %add3A_747 : i32 to index
      %get3A_755 = arith.constant 0 : index
      %get3A_756 = tpu.vector_load %arg10[%get3A_754, %get3A_755] {strides = array<i32>} : memref<128x128xf32, #tpu.memory_space<vmem>>, vector<1x16xf32>,
      %get3A_757 = vector.shape_cast %get3A_756 : vector<1x16xf32> to vector<16xf32>
      %mul3A_758 = arith.mulf %get3A_753, %get3A_757 : vector<16xf32>
      %add3A_759 = arith.addf %broadcast_in_dim3A_749, %mul3A_758 : vector<16xf32>
      %get3A_760 = arith.index_cast %add3A_747 : i32 to index
      %get3A_761 = arith.constant 16 : index
      %get3A_762 = tpu.vector_load %arg9[%get3A_760, %get3A_761] {strides = array<i32>} : memref<128x128xf32, #tpu.memory_space<vmem>>, vector<1x16xf32>,
      %get3A_763 = vector.shape_cast %get3A_762 : vector<1x16xf32> to vector<16xf32>
      %get3A_764 = arith.index_cast %add3A_747 : i32 to index
      %get3A_765 = arith.constant 16 : index
      %get3A_766 = tpu.vector_load %arg10[%get3A_764, %get3A_765] {strides = array<i32>} : memref<128x128xf32, #tpu.memory_space<vmem>>, vector<1x16xf32>,
      %get3A_767 = vector.shape_cast %get3A_766 : vector<1x16xf32> to vector<16xf32>
      %mul3A_768 = arith.mulf %get3A_763, %get3A_767 : vector<16xf32>
      %add3A_769 = arith.addf %add3A_759, %mul3A_768 : vector<16xf32>
      %get3A_770 = arith.index_cast %add3A_747 : i32 to index
      %get3A_771 = arith.constant 32 : index
      %get3A_772 = tpu.vector_load %arg9[%get3A_770, %get3A_771] {strides = array<i32>} : memref<128x128xf32, #tpu.memory_space<vmem>>, vector<1x16xf32>,
      %get3A_773 = vector.shape_cast %get3A_772 : vector<1x16xf32> to vector<16xf32>
      %get3A_774 = arith.index_cast %add3A_747 : i32 to index
      %get3A_775 = arith.constant 32 : index
      %get3A_776 = tpu.vector_load %arg10[%get3A_774, %get3A_775] {strides = array<i32>} : memref<128x128xf32, #tpu.memory_space<vmem>>, vector<1x16xf32>,
      %get3A_777 = vector.shape_cast %get3A_776 : vector<1x16xf32> to vector<16xf32>
      %mul3A_778 = arith.mulf %get3A_773, %get3A_777 : vector<16xf32>
      %add3A_779 = arith.addf %add3A_769, %mul3A_778 : vector<16xf32>
      %get3A_780 = arith.index_cast %add3A_747 : i32 to index
      %get3A_781 = arith.constant 48 : index
      %get3A_782 = tpu.vector_load %arg9[%get3A_780, %get3A_781] {strides = array<i32>} : memref<128x128xf32, #tpu.memory_space<vmem>>, vector<1x16xf32>,
      %get3A_783 = vector.shape_cast %get3A_782 : vector<1x16xf32> to vector<16xf32>
      %get3A_784 = arith.index_cast %add3A_747 : i32 to index
      %get3A_785 = arith.constant 48 : index
      %get3A_786 = tpu.vector_load %arg10[%get3A_784, %get3A_785] {strides = array<i32>} : memref<128x128xf32, #tpu.memory_space<vmem>>, vector<1x16xf32>,
      %get3A_787 = vector.shape_cast %get3A_786 : vector<1x16xf32> to vector<16xf32>
      %mul3A_788 = arith.mulf %get3A_783, %get3A_787 : vector<16xf32>
      %add3A_789 = arith.addf %add3A_779, %mul3A_788 : vector<16xf32>
      %get3A_790 = arith.index_cast %add3A_747 : i32 to index
      %get3A_791 = arith.constant 64 : index
      %get3A_792 = tpu.vector_load %arg9[%get3A_790, %get3A_791] {strides = array<i32>} : memref<128x128xf32, #tpu.memory_space<vmem>>, vector<1x16xf32>,
      %get3A_793 = vector.shape_cast %get3A_792 : vector<1x16xf32> to vector<16xf32>
      %get3A_794 = arith.index_cast %add3A_747 : i32 to index
      %get3A_795 = arith.constant 64 : index
      %get3A_796 = tpu.vector_load %arg10[%get3A_794, %get3A_795] {strides = array<i32>} : memref<128x128xf32, #tpu.memory_space<vmem>>, vector<1x16xf32>,
      %get3A_797 = vector.shape_cast %get3A_796 : vector<1x16xf32> to vector<16xf32>
      %mul3A_798 = arith.mulf %get3A_793, %get3A_797 : vector<16xf32>
      %add3A_799 = arith.addf %add3A_789, %mul3A_798 : vector<16xf32>
      %get3A_800 = arith.index_cast %add3A_747 : i32 to index
      %get3A_801 = arith.constant 80 : index
      %get3A_802 = tpu.vector_load %arg9[%get3A_800, %get3A_801] {strides = array<i32>} : memref<128x128xf32, #tpu.memory_space<vmem>>, vector<1x16xf32>,
      %get3A_803 = vector.shape_cast %get3A_802 : vector<1x16xf32> to vector<16xf32>
      %get3A_804 = arith.index_cast %add3A_747 : i32 to index
      %get3A_805 = arith.constant 80 : index
      %get3A_806 = tpu.vector_load %arg10[%get3A_804, %get3A_805] {strides = array<i32>} : memref<128x128xf32, #tpu.memory_space<vmem>>, vector<1x16xf32>,
      %get3A_807 = vector.shape_cast %get3A_806 : vector<1x16xf32> to vector<16xf32>
      %mul3A_808 = arith.mulf %get3A_803, %get3A_807 : vector<16xf32>
      %add3A_809 = arith.addf %add3A_799, %mul3A_808 : vector<16xf32>
      %get3A_810 = arith.index_cast %add3A_747 : i32 to index
      %get3A_811 = arith.constant 96 : index
      %get3A_812 = tpu.vector_load %arg9[%get3A_810, %get3A_811] {strides = array<i32>} : memref<128x128xf32, #tpu.memory_space<vmem>>, vector<1x16xf32>,
      %get3A_813 = vector.shape_cast %get3A_812 : vector<1x16xf32> to vector<16xf32>
      %get3A_814 = arith.index_cast %add3A_747 : i32 to index
      %get3A_815 = arith.constant 96 : index
      %get3A_816 = tpu.vector_load %arg10[%get3A_814, %get3A_815] {strides = array<i32>} : memref<128x128xf32, #tpu.memory_space<vmem>>, vector<1x16xf32>,
      %get3A_817 = vector.shape_cast %get3A_816 : vector<1x16xf32> to vector<16xf32>
      %mul3A_818 = arith.mulf %get3A_813, %get3A_817 : vector<16xf32>
      %add3A_819 = arith.addf %add3A_809, %mul3A_818 : vector<16xf32>
      %get3A_820 = arith.index_cast %add3A_747 : i32 to index
      %get3A_821 = arith.constant 112 : index
      %get3A_822 = tpu.vector_load %arg9[%get3A_820, %get3A_821] {strides = array<i32>} : memref<128x128xf32, #tpu.memory_space<vmem>>, vector<1x16xf32>,
      %get3A_823 = vector.shape_cast %get3A_822 : vector<1x16xf32> to vector<16xf32>
      %get3A_824 = arith.index_cast %add3A_747 : i32 to index
      %get3A_825 = arith.constant 112 : index
      %get3A_826 = tpu.vector_load %arg10[%get3A_824, %get3A_825] {strides = array<i32>} : memref<128x128xf32, #tpu.memory_space<vmem>>, vector<1x16xf32>,
      %get3A_827 = vector.shape_cast %get3A_826 : vector<1x16xf32> to vector<16xf32>
      %mul3A_828 = arith.mulf %get3A_823, %get3A_827 : vector<16xf32>
      %add3A_829 = arith.addf %add3A_819, %mul3A_828 : vector<16xf32>
      %xor3A_830 = arith.constant 8 : i32
      %xor3A_831 = vector.broadcast %xor3A_830 : i32 to vector<16xi32>
      %xor3A_832 = arith.xori %iota3A, %xor3A_831 : vector<16xi32>
      %lt3A_833 = arith.constant 0 : i32
      %lt3A_834 = vector.broadcast %lt3A_833 : i32 to vector<16xi32>
      %lt3A_835 = arith.cmpi slt, %xor3A_832, %lt3A_834 : vector<16xi32>
      %add3A_836 = arith.constant 16 : i32
      %add3A_837 = vector.broadcast %add3A_836 : i32 to vector<16xi32>
      %add3A_838 = arith.addi %xor3A_832, %add3A_837 : vector<16xi32>
      %select_n3A_839 = arith.select %lt3A_835, %add3A_838, %xor3A_832 : vector<16xi1>, vector<16xi32>
      %broadcast_in_dim3A_840 = vector.shape_cast %select_n3A_839 : vector<16xi32> to vector<16x1xi32>
      %gather3A_841 = vector.shape_cast %broadcast_in_dim3A_840 : vector<16x1xi32> to vector<16xi32>
      %gather3A_842 = tpu.dynamic_gather %add3A_829[%gather3A_841] in [0] : vector<16xf32>, vector<16xi32> -> vector<16xf32>
      %add3A_843 = arith.addf %add3A_829, %gather3A_842 : vector<16xf32>
      %xor3A_844 = arith.constant 4 : i32
      %xor3A_845 = vector.broadcast %xor3A_844 : i32 to vector<16xi32>
      %xor3A_846 = arith.xori %iota3A, %xor3A_845 : vector<16xi32>
      %lt3A_847 = arith.constant 0 : i32
      %lt3A_848 = vector.broadcast %lt3A_847 : i32 to vector<16xi32>
      %lt3A_849 = arith.cmpi slt, %xor3A_846, %lt3A_848 : vector<16xi32>
      %add3A_850 = arith.constant 16 : i32
      %add3A_851 = vector.broadcast %add3A_850 : i32 to vector<16xi32>
      %add3A_852 = arith.addi %xor3A_846, %add3A_851 : vector<16xi32>
      %select_n3A_853 = arith.select %lt3A_849, %add3A_852, %xor3A_846 : vector<16xi1>, vector<16xi32>
      %broadcast_in_dim3A_854 = vector.shape_cast %select_n3A_853 : vector<16xi32> to vector<16x1xi32>
      %gather3A_855 = vector.shape_cast %broadcast_in_dim3A_854 : vector<16x1xi32> to vector<16xi32>
      %gather3A_856 = tpu.dynamic_gather %add3A_843[%gather3A_855] in [0] : vector<16xf32>, vector<16xi32> -> vector<16xf32>
      %add3A_857 = arith.addf %add3A_843, %gather3A_856 : vector<16xf32>
      %xor3A_858 = arith.constant 2 : i32
      %xor3A_859 = vector.broadcast %xor3A_858 : i32 to vector<16xi32>
      %xor3A_860 = arith.xori %iota3A, %xor3A_859 : vector<16xi32>
      %lt3A_861 = arith.constant 0 : i32
      %lt3A_862 = vector.broadcast %lt3A_861 : i32 to vector<16xi32>
      %lt3A_863 = arith.cmpi slt, %xor3A_860, %lt3A_862 : vector<16xi32>
      %add3A_864 = arith.constant 16 : i32
      %add3A_865 = vector.broadcast %add3A_864 : i32 to vector<16xi32>
      %add3A_866 = arith.addi %xor3A_860, %add3A_865 : vector<16xi32>
      %select_n3A_867 = arith.select %lt3A_863, %add3A_866, %xor3A_860 : vector<16xi1>, vector<16xi32>
      %broadcast_in_dim3A_868 = vector.shape_cast %select_n3A_867 : vector<16xi32> to vector<16x1xi32>
      %gather3A_869 = vector.shape_cast %broadcast_in_dim3A_868 : vector<16x1xi32> to vector<16xi32>
      %gather3A_870 = tpu.dynamic_gather %add3A_857[%gather3A_869] in [0] : vector<16xf32>, vector<16xi32> -> vector<16xf32>
      %add3A_871 = arith.addf %add3A_857, %gather3A_870 : vector<16xf32>
      %xor3A_872 = arith.constant 1 : i32
      %xor3A_873 = vector.broadcast %xor3A_872 : i32 to vector<16xi32>
      %xor3A_874 = arith.xori %iota3A, %xor3A_873 : vector<16xi32>
      %lt3A_875 = arith.constant 0 : i32
      %lt3A_876 = vector.broadcast %lt3A_875 : i32 to vector<16xi32>
      %lt3A_877 = arith.cmpi slt, %xor3A_874, %lt3A_876 : vector<16xi32>
      %add3A_878 = arith.constant 16 : i32
      %add3A_879 = vector.broadcast %add3A_878 : i32 to vector<16xi32>
      %add3A_880 = arith.addi %xor3A_874, %add3A_879 : vector<16xi32>
      %select_n3A_881 = arith.select %lt3A_877, %add3A_880, %xor3A_874 : vector<16xi1>, vector<16xi32>
      %broadcast_in_dim3A_882 = vector.shape_cast %select_n3A_881 : vector<16xi32> to vector<16x1xi32>
      %gather3A_883 = vector.shape_cast %broadcast_in_dim3A_882 : vector<16x1xi32> to vector<16xi32>
      %gather3A_884 = tpu.dynamic_gather %add3A_871[%gather3A_883] in [0] : vector<16xf32>, vector<16xi32> -> vector<16xf32>
      %add3A_885 = arith.addf %add3A_871, %gather3A_884 : vector<16xf32>
      %eq3A_886 = arith.constant 5 : i32
      %eq3A_887 = vector.broadcast %eq3A_886 : i32 to vector<16xi32>
      %eq3A_888 = arith.cmpi eq, %iota3A, %eq3A_887 : vector<16xi32>
      %select_n3A_889 = arith.select %eq3A_888, %add3A_885, %select_n3A_743 : vector<16xi1>, vector<16xf32>
      %mul3A_890 = arith.constant 16 : i32
      %mul3A_891 = arith.muli %scan3A_18, %mul3A_890 : i32
      %add3A_892 = arith.constant 6 : i32
      %add3A_893 = arith.addi %mul3A_891, %add3A_892 : i32
      %broadcast_in_dim3A_894 = arith.constant 0.000000e+00 : f32
      %broadcast_in_dim3A_895 = vector.broadcast %broadcast_in_dim3A_894 : f32 to vector<16xf32>
      %get3A_896 = arith.index_cast %add3A_893 : i32 to index
      %get3A_897 = arith.constant 0 : index
      %get3A_898 = tpu.vector_load %arg9[%get3A_896, %get3A_897] {strides = array<i32>} : memref<128x128xf32, #tpu.memory_space<vmem>>, vector<1x16xf32>,
      %get3A_899 = vector.shape_cast %get3A_898 : vector<1x16xf32> to vector<16xf32>
      %get3A_900 = arith.index_cast %add3A_893 : i32 to index
      %get3A_901 = arith.constant 0 : index
      %get3A_902 = tpu.vector_load %arg10[%get3A_900, %get3A_901] {strides = array<i32>} : memref<128x128xf32, #tpu.memory_space<vmem>>, vector<1x16xf32>,
      %get3A_903 = vector.shape_cast %get3A_902 : vector<1x16xf32> to vector<16xf32>
      %mul3A_904 = arith.mulf %get3A_899, %get3A_903 : vector<16xf32>
      %add3A_905 = arith.addf %broadcast_in_dim3A_895, %mul3A_904 : vector<16xf32>
      %get3A_906 = arith.index_cast %add3A_893 : i32 to index
      %get3A_907 = arith.constant 16 : index
      %get3A_908 = tpu.vector_load %arg9[%get3A_906, %get3A_907] {strides = array<i32>} : memref<128x128xf32, #tpu.memory_space<vmem>>, vector<1x16xf32>,
      %get3A_909 = vector.shape_cast %get3A_908 : vector<1x16xf32> to vector<16xf32>
      %get3A_910 = arith.index_cast %add3A_893 : i32 to index
      %get3A_911 = arith.constant 16 : index
      %get3A_912 = tpu.vector_load %arg10[%get3A_910, %get3A_911] {strides = array<i32>} : memref<128x128xf32, #tpu.memory_space<vmem>>, vector<1x16xf32>,
      %get3A_913 = vector.shape_cast %get3A_912 : vector<1x16xf32> to vector<16xf32>
      %mul3A_914 = arith.mulf %get3A_909, %get3A_913 : vector<16xf32>
      %add3A_915 = arith.addf %add3A_905, %mul3A_914 : vector<16xf32>
      %get3A_916 = arith.index_cast %add3A_893 : i32 to index
      %get3A_917 = arith.constant 32 : index
      %get3A_918 = tpu.vector_load %arg9[%get3A_916, %get3A_917] {strides = array<i32>} : memref<128x128xf32, #tpu.memory_space<vmem>>, vector<1x16xf32>,
      %get3A_919 = vector.shape_cast %get3A_918 : vector<1x16xf32> to vector<16xf32>
      %get3A_920 = arith.index_cast %add3A_893 : i32 to index
      %get3A_921 = arith.constant 32 : index
      %get3A_922 = tpu.vector_load %arg10[%get3A_920, %get3A_921] {strides = array<i32>} : memref<128x128xf32, #tpu.memory_space<vmem>>, vector<1x16xf32>,
      %get3A_923 = vector.shape_cast %get3A_922 : vector<1x16xf32> to vector<16xf32>
      %mul3A_924 = arith.mulf %get3A_919, %get3A_923 : vector<16xf32>
      %add3A_925 = arith.addf %add3A_915, %mul3A_924 : vector<16xf32>
      %get3A_926 = arith.index_cast %add3A_893 : i32 to index
      %get3A_927 = arith.constant 48 : index
      %get3A_928 = tpu.vector_load %arg9[%get3A_926, %get3A_927] {strides = array<i32>} : memref<128x128xf32, #tpu.memory_space<vmem>>, vector<1x16xf32>,
      %get3A_929 = vector.shape_cast %get3A_928 : vector<1x16xf32> to vector<16xf32>
      %get3A_930 = arith.index_cast %add3A_893 : i32 to index
      %get3A_931 = arith.constant 48 : index
      %get3A_932 = tpu.vector_load %arg10[%get3A_930, %get3A_931] {strides = array<i32>} : memref<128x128xf32, #tpu.memory_space<vmem>>, vector<1x16xf32>,
      %get3A_933 = vector.shape_cast %get3A_932 : vector<1x16xf32> to vector<16xf32>
      %mul3A_934 = arith.mulf %get3A_929, %get3A_933 : vector<16xf32>
      %add3A_935 = arith.addf %add3A_925, %mul3A_934 : vector<16xf32>
      %get3A_936 = arith.index_cast %add3A_893 : i32 to index
      %get3A_937 = arith.constant 64 : index
      %get3A_938 = tpu.vector_load %arg9[%get3A_936, %get3A_937] {strides = array<i32>} : memref<128x128xf32, #tpu.memory_space<vmem>>, vector<1x16xf32>,
      %get3A_939 = vector.shape_cast %get3A_938 : vector<1x16xf32> to vector<16xf32>
      %get3A_940 = arith.index_cast %add3A_893 : i32 to index
      %get3A_941 = arith.constant 64 : index
      %get3A_942 = tpu.vector_load %arg10[%get3A_940, %get3A_941] {strides = array<i32>} : memref<128x128xf32, #tpu.memory_space<vmem>>, vector<1x16xf32>,
      %get3A_943 = vector.shape_cast %get3A_942 : vector<1x16xf32> to vector<16xf32>
      %mul3A_944 = arith.mulf %get3A_939, %get3A_943 : vector<16xf32>
      %add3A_945 = arith.addf %add3A_935, %mul3A_944 : vector<16xf32>
      %get3A_946 = arith.index_cast %add3A_893 : i32 to index
      %get3A_947 = arith.constant 80 : index
      %get3A_948 = tpu.vector_load %arg9[%get3A_946, %get3A_947] {strides = array<i32>} : memref<128x128xf32, #tpu.memory_space<vmem>>, vector<1x16xf32>,
      %get3A_949 = vector.shape_cast %get3A_948 : vector<1x16xf32> to vector<16xf32>
      %get3A_950 = arith.index_cast %add3A_893 : i32 to index
      %get3A_951 = arith.constant 80 : index
      %get3A_952 = tpu.vector_load %arg10[%get3A_950, %get3A_951] {strides = array<i32>} : memref<128x128xf32, #tpu.memory_space<vmem>>, vector<1x16xf32>,
      %get3A_953 = vector.shape_cast %get3A_952 : vector<1x16xf32> to vector<16xf32>
      %mul3A_954 = arith.mulf %get3A_949, %get3A_953 : vector<16xf32>
      %add3A_955 = arith.addf %add3A_945, %mul3A_954 : vector<16xf32>
      %get3A_956 = arith.index_cast %add3A_893 : i32 to index
      %get3A_957 = arith.constant 96 : index
      %get3A_958 = tpu.vector_load %arg9[%get3A_956, %get3A_957] {strides = array<i32>} : memref<128x128xf32, #tpu.memory_space<vmem>>, vector<1x16xf32>,
      %get3A_959 = vector.shape_cast %get3A_958 : vector<1x16xf32> to vector<16xf32>
      %get3A_960 = arith.index_cast %add3A_893 : i32 to index
      %get3A_961 = arith.constant 96 : index
      %get3A_962 = tpu.vector_load %arg10[%get3A_960, %get3A_961] {strides = array<i32>} : memref<128x128xf32, #tpu.memory_space<vmem>>, vector<1x16xf32>,
      %get3A_963 = vector.shape_cast %get3A_962 : vector<1x16xf32> to vector<16xf32>
      %mul3A_964 = arith.mulf %get3A_959, %get3A_963 : vector<16xf32>
      %add3A_965 = arith.addf %add3A_955, %mul3A_964 : vector<16xf32>
      %get3A_966 = arith.index_cast %add3A_893 : i32 to index
      %get3A_967 = arith.constant 112 : index
      %get3A_968 = tpu.vector_load %arg9[%get3A_966, %get3A_967] {strides = array<i32>} : memref<128x128xf32, #tpu.memory_space<vmem>>, vector<1x16xf32>,
      %get3A_969 = vector.shape_cast %get3A_968 : vector<1x16xf32> to vector<16xf32>
      %get3A_970 = arith.index_cast %add3A_893 : i32 to index
      %get3A_971 = arith.constant 112 : index
      %get3A_972 = tpu.vector_load %arg10[%get3A_970, %get3A_971] {strides = array<i32>} : memref<128x128xf32, #tpu.memory_space<vmem>>, vector<1x16xf32>,
      %get3A_973 = vector.shape_cast %get3A_972 : vector<1x16xf32> to vector<16xf32>
      %mul3A_974 = arith.mulf %get3A_969, %get3A_973 : vector<16xf32>
      %add3A_975 = arith.addf %add3A_965, %mul3A_974 : vector<16xf32>
      %xor3A_976 = arith.constant 8 : i32
      %xor3A_977 = vector.broadcast %xor3A_976 : i32 to vector<16xi32>
      %xor3A_978 = arith.xori %iota3A, %xor3A_977 : vector<16xi32>
      %lt3A_979 = arith.constant 0 : i32
      %lt3A_980 = vector.broadcast %lt3A_979 : i32 to vector<16xi32>
      %lt3A_981 = arith.cmpi slt, %xor3A_978, %lt3A_980 : vector<16xi32>
      %add3A_982 = arith.constant 16 : i32
      %add3A_983 = vector.broadcast %add3A_982 : i32 to vector<16xi32>
      %add3A_984 = arith.addi %xor3A_978, %add3A_983 : vector<16xi32>
      %select_n3A_985 = arith.select %lt3A_981, %add3A_984, %xor3A_978 : vector<16xi1>, vector<16xi32>
      %broadcast_in_dim3A_986 = vector.shape_cast %select_n3A_985 : vector<16xi32> to vector<16x1xi32>
      %gather3A_987 = vector.shape_cast %broadcast_in_dim3A_986 : vector<16x1xi32> to vector<16xi32>
      %gather3A_988 = tpu.dynamic_gather %add3A_975[%gather3A_987] in [0] : vector<16xf32>, vector<16xi32> -> vector<16xf32>
      %add3A_989 = arith.addf %add3A_975, %gather3A_988 : vector<16xf32>
      %xor3A_990 = arith.constant 4 : i32
      %xor3A_991 = vector.broadcast %xor3A_990 : i32 to vector<16xi32>
      %xor3A_992 = arith.xori %iota3A, %xor3A_991 : vector<16xi32>
      %lt3A_993 = arith.constant 0 : i32
      %lt3A_994 = vector.broadcast %lt3A_993 : i32 to vector<16xi32>
      %lt3A_995 = arith.cmpi slt, %xor3A_992, %lt3A_994 : vector<16xi32>
      %add3A_996 = arith.constant 16 : i32
      %add3A_997 = vector.broadcast %add3A_996 : i32 to vector<16xi32>
      %add3A_998 = arith.addi %xor3A_992, %add3A_997 : vector<16xi32>
      %select_n3A_999 = arith.select %lt3A_995, %add3A_998, %xor3A_992 : vector<16xi1>, vector<16xi32>
      %broadcast_in_dim3A_1000 = vector.shape_cast %select_n3A_999 : vector<16xi32> to vector<16x1xi32>
      %gather3A_1001 = vector.shape_cast %broadcast_in_dim3A_1000 : vector<16x1xi32> to vector<16xi32>
      %gather3A_1002 = tpu.dynamic_gather %add3A_989[%gather3A_1001] in [0] : vector<16xf32>, vector<16xi32> -> vector<16xf32>
      %add3A_1003 = arith.addf %add3A_989, %gather3A_1002 : vector<16xf32>
      %xor3A_1004 = arith.constant 2 : i32
      %xor3A_1005 = vector.broadcast %xor3A_1004 : i32 to vector<16xi32>
      %xor3A_1006 = arith.xori %iota3A, %xor3A_1005 : vector<16xi32>
      %lt3A_1007 = arith.constant 0 : i32
      %lt3A_1008 = vector.broadcast %lt3A_1007 : i32 to vector<16xi32>
      %lt3A_1009 = arith.cmpi slt, %xor3A_1006, %lt3A_1008 : vector<16xi32>
      %add3A_1010 = arith.constant 16 : i32
      %add3A_1011 = vector.broadcast %add3A_1010 : i32 to vector<16xi32>
      %add3A_1012 = arith.addi %xor3A_1006, %add3A_1011 : vector<16xi32>
      %select_n3A_1013 = arith.select %lt3A_1009, %add3A_1012, %xor3A_1006 : vector<16xi1>, vector<16xi32>
      %broadcast_in_dim3A_1014 = vector.shape_cast %select_n3A_1013 : vector<16xi32> to vector<16x1xi32>
      %gather3A_1015 = vector.shape_cast %broadcast_in_dim3A_1014 : vector<16x1xi32> to vector<16xi32>
      %gather3A_1016 = tpu.dynamic_gather %add3A_1003[%gather3A_1015] in [0] : vector<16xf32>, vector<16xi32> -> vector<16xf32>
      %add3A_1017 = arith.addf %add3A_1003, %gather3A_1016 : vector<16xf32>
      %xor3A_1018 = arith.constant 1 : i32
      %xor3A_1019 = vector.broadcast %xor3A_1018 : i32 to vector<16xi32>
      %xor3A_1020 = arith.xori %iota3A, %xor3A_1019 : vector<16xi32>
      %lt3A_1021 = arith.constant 0 : i32
      %lt3A_1022 = vector.broadcast %lt3A_1021 : i32 to vector<16xi32>
      %lt3A_1023 = arith.cmpi slt, %xor3A_1020, %lt3A_1022 : vector<16xi32>
      %add3A_1024 = arith.constant 16 : i32
      %add3A_1025 = vector.broadcast %add3A_1024 : i32 to vector<16xi32>
      %add3A_1026 = arith.addi %xor3A_1020, %add3A_1025 : vector<16xi32>
      %select_n3A_1027 = arith.select %lt3A_1023, %add3A_1026, %xor3A_1020 : vector<16xi1>, vector<16xi32>
      %broadcast_in_dim3A_1028 = vector.shape_cast %select_n3A_1027 : vector<16xi32> to vector<16x1xi32>
      %gather3A_1029 = vector.shape_cast %broadcast_in_dim3A_1028 : vector<16x1xi32> to vector<16xi32>
      %gather3A_1030 = tpu.dynamic_gather %add3A_1017[%gather3A_1029] in [0] : vector<16xf32>, vector<16xi32> -> vector<16xf32>
      %add3A_1031 = arith.addf %add3A_1017, %gather3A_1030 : vector<16xf32>
      %eq3A_1032 = arith.constant 6 : i32
      %eq3A_1033 = vector.broadcast %eq3A_1032 : i32 to vector<16xi32>
      %eq3A_1034 = arith.cmpi eq, %iota3A, %eq3A_1033 : vector<16xi32>
      %select_n3A_1035 = arith.select %eq3A_1034, %add3A_1031, %select_n3A_889 : vector<16xi1>, vector<16xf32>
      %mul3A_1036 = arith.constant 16 : i32
      %mul3A_1037 = arith.muli %scan3A_18, %mul3A_1036 : i32
      %add3A_1038 = arith.constant 7 : i32
      %add3A_1039 = arith.addi %mul3A_1037, %add3A_1038 : i32
      %broadcast_in_dim3A_1040 = arith.constant 0.000000e+00 : f32
      %broadcast_in_dim3A_1041 = vector.broadcast %broadcast_in_dim3A_1040 : f32 to vector<16xf32>
      %get3A_1042 = arith.index_cast %add3A_1039 : i32 to index
      %get3A_1043 = arith.constant 0 : index
      %get3A_1044 = tpu.vector_load %arg9[%get3A_1042, %get3A_1043] {strides = array<i32>} : memref<128x128xf32, #tpu.memory_space<vmem>>, vector<1x16xf32>,
      %get3A_1045 = vector.shape_cast %get3A_1044 : vector<1x16xf32> to vector<16xf32>
      %get3A_1046 = arith.index_cast %add3A_1039 : i32 to index
      %get3A_1047 = arith.constant 0 : index
      %get3A_1048 = tpu.vector_load %arg10[%get3A_1046, %get3A_1047] {strides = array<i32>} : memref<128x128xf32, #tpu.memory_space<vmem>>, vector<1x16xf32>,
      %get3A_1049 = vector.shape_cast %get3A_1048 : vector<1x16xf32> to vector<16xf32>
      %mul3A_1050 = arith.mulf %get3A_1045, %get3A_1049 : vector<16xf32>
      %add3A_1051 = arith.addf %broadcast_in_dim3A_1041, %mul3A_1050 : vector<16xf32>
      %get3A_1052 = arith.index_cast %add3A_1039 : i32 to index
      %get3A_1053 = arith.constant 16 : index
      %get3A_1054 = tpu.vector_load %arg9[%get3A_1052, %get3A_1053] {strides = array<i32>} : memref<128x128xf32, #tpu.memory_space<vmem>>, vector<1x16xf32>,
      %get3A_1055 = vector.shape_cast %get3A_1054 : vector<1x16xf32> to vector<16xf32>
      %get3A_1056 = arith.index_cast %add3A_1039 : i32 to index
      %get3A_1057 = arith.constant 16 : index
      %get3A_1058 = tpu.vector_load %arg10[%get3A_1056, %get3A_1057] {strides = array<i32>} : memref<128x128xf32, #tpu.memory_space<vmem>>, vector<1x16xf32>,
      %get3A_1059 = vector.shape_cast %get3A_1058 : vector<1x16xf32> to vector<16xf32>
      %mul3A_1060 = arith.mulf %get3A_1055, %get3A_1059 : vector<16xf32>
      %add3A_1061 = arith.addf %add3A_1051, %mul3A_1060 : vector<16xf32>
      %get3A_1062 = arith.index_cast %add3A_1039 : i32 to index
      %get3A_1063 = arith.constant 32 : index
      %get3A_1064 = tpu.vector_load %arg9[%get3A_1062, %get3A_1063] {strides = array<i32>} : memref<128x128xf32, #tpu.memory_space<vmem>>, vector<1x16xf32>,
      %get3A_1065 = vector.shape_cast %get3A_1064 : vector<1x16xf32> to vector<16xf32>
      %get3A_1066 = arith.index_cast %add3A_1039 : i32 to index
      %get3A_1067 = arith.constant 32 : index
      %get3A_1068 = tpu.vector_load %arg10[%get3A_1066, %get3A_1067] {strides = array<i32>} : memref<128x128xf32, #tpu.memory_space<vmem>>, vector<1x16xf32>,
      %get3A_1069 = vector.shape_cast %get3A_1068 : vector<1x16xf32> to vector<16xf32>
      %mul3A_1070 = arith.mulf %get3A_1065, %get3A_1069 : vector<16xf32>
      %add3A_1071 = arith.addf %add3A_1061, %mul3A_1070 : vector<16xf32>
      %get3A_1072 = arith.index_cast %add3A_1039 : i32 to index
      %get3A_1073 = arith.constant 48 : index
      %get3A_1074 = tpu.vector_load %arg9[%get3A_1072, %get3A_1073] {strides = array<i32>} : memref<128x128xf32, #tpu.memory_space<vmem>>, vector<1x16xf32>,
      %get3A_1075 = vector.shape_cast %get3A_1074 : vector<1x16xf32> to vector<16xf32>
      %get3A_1076 = arith.index_cast %add3A_1039 : i32 to index
      %get3A_1077 = arith.constant 48 : index
      %get3A_1078 = tpu.vector_load %arg10[%get3A_1076, %get3A_1077] {strides = array<i32>} : memref<128x128xf32, #tpu.memory_space<vmem>>, vector<1x16xf32>,
      %get3A_1079 = vector.shape_cast %get3A_1078 : vector<1x16xf32> to vector<16xf32>
      %mul3A_1080 = arith.mulf %get3A_1075, %get3A_1079 : vector<16xf32>
      %add3A_1081 = arith.addf %add3A_1071, %mul3A_1080 : vector<16xf32>
      %get3A_1082 = arith.index_cast %add3A_1039 : i32 to index
      %get3A_1083 = arith.constant 64 : index
      %get3A_1084 = tpu.vector_load %arg9[%get3A_1082, %get3A_1083] {strides = array<i32>} : memref<128x128xf32, #tpu.memory_space<vmem>>, vector<1x16xf32>,
      %get3A_1085 = vector.shape_cast %get3A_1084 : vector<1x16xf32> to vector<16xf32>
      %get3A_1086 = arith.index_cast %add3A_1039 : i32 to index
      %get3A_1087 = arith.constant 64 : index
      %get3A_1088 = tpu.vector_load %arg10[%get3A_1086, %get3A_1087] {strides = array<i32>} : memref<128x128xf32, #tpu.memory_space<vmem>>, vector<1x16xf32>,
      %get3A_1089 = vector.shape_cast %get3A_1088 : vector<1x16xf32> to vector<16xf32>
      %mul3A_1090 = arith.mulf %get3A_1085, %get3A_1089 : vector<16xf32>
      %add3A_1091 = arith.addf %add3A_1081, %mul3A_1090 : vector<16xf32>
      %get3A_1092 = arith.index_cast %add3A_1039 : i32 to index
      %get3A_1093 = arith.constant 80 : index
      %get3A_1094 = tpu.vector_load %arg9[%get3A_1092, %get3A_1093] {strides = array<i32>} : memref<128x128xf32, #tpu.memory_space<vmem>>, vector<1x16xf32>,
      %get3A_1095 = vector.shape_cast %get3A_1094 : vector<1x16xf32> to vector<16xf32>
      %get3A_1096 = arith.index_cast %add3A_1039 : i32 to index
      %get3A_1097 = arith.constant 80 : index
      %get3A_1098 = tpu.vector_load %arg10[%get3A_1096, %get3A_1097] {strides = array<i32>} : memref<128x128xf32, #tpu.memory_space<vmem>>, vector<1x16xf32>,
      %get3A_1099 = vector.shape_cast %get3A_1098 : vector<1x16xf32> to vector<16xf32>
      %mul3A_1100 = arith.mulf %get3A_1095, %get3A_1099 : vector<16xf32>
      %add3A_1101 = arith.addf %add3A_1091, %mul3A_1100 : vector<16xf32>
      %get3A_1102 = arith.index_cast %add3A_1039 : i32 to index
      %get3A_1103 = arith.constant 96 : index
      %get3A_1104 = tpu.vector_load %arg9[%get3A_1102, %get3A_1103] {strides = array<i32>} : memref<128x128xf32, #tpu.memory_space<vmem>>, vector<1x16xf32>,
      %get3A_1105 = vector.shape_cast %get3A_1104 : vector<1x16xf32> to vector<16xf32>
      %get3A_1106 = arith.index_cast %add3A_1039 : i32 to index
      %get3A_1107 = arith.constant 96 : index
      %get3A_1108 = tpu.vector_load %arg10[%get3A_1106, %get3A_1107] {strides = array<i32>} : memref<128x128xf32, #tpu.memory_space<vmem>>, vector<1x16xf32>,
      %get3A_1109 = vector.shape_cast %get3A_1108 : vector<1x16xf32> to vector<16xf32>
      %mul3A_1110 = arith.mulf %get3A_1105, %get3A_1109 : vector<16xf32>
      %add3A_1111 = arith.addf %add3A_1101, %mul3A_1110 : vector<16xf32>
      %get3A_1112 = arith.index_cast %add3A_1039 : i32 to index
      %get3A_1113 = arith.constant 112 : index
      %get3A_1114 = tpu.vector_load %arg9[%get3A_1112, %get3A_1113] {strides = array<i32>} : memref<128x128xf32, #tpu.memory_space<vmem>>, vector<1x16xf32>,
      %get3A_1115 = vector.shape_cast %get3A_1114 : vector<1x16xf32> to vector<16xf32>
      %get3A_1116 = arith.index_cast %add3A_1039 : i32 to index
      %get3A_1117 = arith.constant 112 : index
      %get3A_1118 = tpu.vector_load %arg10[%get3A_1116, %get3A_1117] {strides = array<i32>} : memref<128x128xf32, #tpu.memory_space<vmem>>, vector<1x16xf32>,
      %get3A_1119 = vector.shape_cast %get3A_1118 : vector<1x16xf32> to vector<16xf32>
      %mul3A_1120 = arith.mulf %get3A_1115, %get3A_1119 : vector<16xf32>
      %add3A_1121 = arith.addf %add3A_1111, %mul3A_1120 : vector<16xf32>
      %xor3A_1122 = arith.constant 8 : i32
      %xor3A_1123 = vector.broadcast %xor3A_1122 : i32 to vector<16xi32>
      %xor3A_1124 = arith.xori %iota3A, %xor3A_1123 : vector<16xi32>
      %lt3A_1125 = arith.constant 0 : i32
      %lt3A_1126 = vector.broadcast %lt3A_1125 : i32 to vector<16xi32>
      %lt3A_1127 = arith.cmpi slt, %xor3A_1124, %lt3A_1126 : vector<16xi32>
      %add3A_1128 = arith.constant 16 : i32
      %add3A_1129 = vector.broadcast %add3A_1128 : i32 to vector<16xi32>
      %add3A_1130 = arith.addi %xor3A_1124, %add3A_1129 : vector<16xi32>
      %select_n3A_1131 = arith.select %lt3A_1127, %add3A_1130, %xor3A_1124 : vector<16xi1>, vector<16xi32>
      %broadcast_in_dim3A_1132 = vector.shape_cast %select_n3A_1131 : vector<16xi32> to vector<16x1xi32>
      %gather3A_1133 = vector.shape_cast %broadcast_in_dim3A_1132 : vector<16x1xi32> to vector<16xi32>
      %gather3A_1134 = tpu.dynamic_gather %add3A_1121[%gather3A_1133] in [0] : vector<16xf32>, vector<16xi32> -> vector<16xf32>
      %add3A_1135 = arith.addf %add3A_1121, %gather3A_1134 : vector<16xf32>
      %xor3A_1136 = arith.constant 4 : i32
      %xor3A_1137 = vector.broadcast %xor3A_1136 : i32 to vector<16xi32>
      %xor3A_1138 = arith.xori %iota3A, %xor3A_1137 : vector<16xi32>
      %lt3A_1139 = arith.constant 0 : i32
      %lt3A_1140 = vector.broadcast %lt3A_1139 : i32 to vector<16xi32>
      %lt3A_1141 = arith.cmpi slt, %xor3A_1138, %lt3A_1140 : vector<16xi32>
      %add3A_1142 = arith.constant 16 : i32
      %add3A_1143 = vector.broadcast %add3A_1142 : i32 to vector<16xi32>
      %add3A_1144 = arith.addi %xor3A_1138, %add3A_1143 : vector<16xi32>
      %select_n3A_1145 = arith.select %lt3A_1141, %add3A_1144, %xor3A_1138 : vector<16xi1>, vector<16xi32>
      %broadcast_in_dim3A_1146 = vector.shape_cast %select_n3A_1145 : vector<16xi32> to vector<16x1xi32>
      %gather3A_1147 = vector.shape_cast %broadcast_in_dim3A_1146 : vector<16x1xi32> to vector<16xi32>
      %gather3A_1148 = tpu.dynamic_gather %add3A_1135[%gather3A_1147] in [0] : vector<16xf32>, vector<16xi32> -> vector<16xf32>
      %add3A_1149 = arith.addf %add3A_1135, %gather3A_1148 : vector<16xf32>
      %xor3A_1150 = arith.constant 2 : i32
      %xor3A_1151 = vector.broadcast %xor3A_1150 : i32 to vector<16xi32>
      %xor3A_1152 = arith.xori %iota3A, %xor3A_1151 : vector<16xi32>
      %lt3A_1153 = arith.constant 0 : i32
      %lt3A_1154 = vector.broadcast %lt3A_1153 : i32 to vector<16xi32>
      %lt3A_1155 = arith.cmpi slt, %xor3A_1152, %lt3A_1154 : vector<16xi32>
      %add3A_1156 = arith.constant 16 : i32
      %add3A_1157 = vector.broadcast %add3A_1156 : i32 to vector<16xi32>
      %add3A_1158 = arith.addi %xor3A_1152, %add3A_1157 : vector<16xi32>
      %select_n3A_1159 = arith.select %lt3A_1155, %add3A_1158, %xor3A_1152 : vector<16xi1>, vector<16xi32>
      %broadcast_in_dim3A_1160 = vector.shape_cast %select_n3A_1159 : vector<16xi32> to vector<16x1xi32>
      %gather3A_1161 = vector.shape_cast %broadcast_in_dim3A_1160 : vector<16x1xi32> to vector<16xi32>
      %gather3A_1162 = tpu.dynamic_gather %add3A_1149[%gather3A_1161] in [0] : vector<16xf32>, vector<16xi32> -> vector<16xf32>
      %add3A_1163 = arith.addf %add3A_1149, %gather3A_1162 : vector<16xf32>
      %xor3A_1164 = arith.constant 1 : i32
      %xor3A_1165 = vector.broadcast %xor3A_1164 : i32 to vector<16xi32>
      %xor3A_1166 = arith.xori %iota3A, %xor3A_1165 : vector<16xi32>
      %lt3A_1167 = arith.constant 0 : i32
      %lt3A_1168 = vector.broadcast %lt3A_1167 : i32 to vector<16xi32>
      %lt3A_1169 = arith.cmpi slt, %xor3A_1166, %lt3A_1168 : vector<16xi32>
      %add3A_1170 = arith.constant 16 : i32
      %add3A_1171 = vector.broadcast %add3A_1170 : i32 to vector<16xi32>
      %add3A_1172 = arith.addi %xor3A_1166, %add3A_1171 : vector<16xi32>
      %select_n3A_1173 = arith.select %lt3A_1169, %add3A_1172, %xor3A_1166 : vector<16xi1>, vector<16xi32>
      %broadcast_in_dim3A_1174 = vector.shape_cast %select_n3A_1173 : vector<16xi32> to vector<16x1xi32>
      %gather3A_1175 = vector.shape_cast %broadcast_in_dim3A_1174 : vector<16x1xi32> to vector<16xi32>
      %gather3A_1176 = tpu.dynamic_gather %add3A_1163[%gather3A_1175] in [0] : vector<16xf32>, vector<16xi32> -> vector<16xf32>
      %add3A_1177 = arith.addf %add3A_1163, %gather3A_1176 : vector<16xf32>
      %eq3A_1178 = arith.constant 7 : i32
      %eq3A_1179 = vector.broadcast %eq3A_1178 : i32 to vector<16xi32>
      %eq3A_1180 = arith.cmpi eq, %iota3A, %eq3A_1179 : vector<16xi32>
      %select_n3A_1181 = arith.select %eq3A_1180, %add3A_1177, %select_n3A_1035 : vector<16xi1>, vector<16xf32>
      %mul3A_1182 = arith.constant 16 : i32
      %mul3A_1183 = arith.muli %scan3A_18, %mul3A_1182 : i32
      %add3A_1184 = arith.constant 8 : i32
      %add3A_1185 = arith.addi %mul3A_1183, %add3A_1184 : i32
      %broadcast_in_dim3A_1186 = arith.constant 0.000000e+00 : f32
      %broadcast_in_dim3A_1187 = vector.broadcast %broadcast_in_dim3A_1186 : f32 to vector<16xf32>
      %get3A_1188 = arith.index_cast %add3A_1185 : i32 to index
      %get3A_1189 = arith.constant 0 : index
      %get3A_1190 = tpu.vector_load %arg9[%get3A_1188, %get3A_1189] {strides = array<i32>} : memref<128x128xf32, #tpu.memory_space<vmem>>, vector<1x16xf32>,
      %get3A_1191 = vector.shape_cast %get3A_1190 : vector<1x16xf32> to vector<16xf32>
      %get3A_1192 = arith.index_cast %add3A_1185 : i32 to index
      %get3A_1193 = arith.constant 0 : index
      %get3A_1194 = tpu.vector_load %arg10[%get3A_1192, %get3A_1193] {strides = array<i32>} : memref<128x128xf32, #tpu.memory_space<vmem>>, vector<1x16xf32>,
      %get3A_1195 = vector.shape_cast %get3A_1194 : vector<1x16xf32> to vector<16xf32>
      %mul3A_1196 = arith.mulf %get3A_1191, %get3A_1195 : vector<16xf32>
      %add3A_1197 = arith.addf %broadcast_in_dim3A_1187, %mul3A_1196 : vector<16xf32>
      %get3A_1198 = arith.index_cast %add3A_1185 : i32 to index
      %get3A_1199 = arith.constant 16 : index
      %get3A_1200 = tpu.vector_load %arg9[%get3A_1198, %get3A_1199] {strides = array<i32>} : memref<128x128xf32, #tpu.memory_space<vmem>>, vector<1x16xf32>,
      %get3A_1201 = vector.shape_cast %get3A_1200 : vector<1x16xf32> to vector<16xf32>
      %get3A_1202 = arith.index_cast %add3A_1185 : i32 to index
      %get3A_1203 = arith.constant 16 : index
      %get3A_1204 = tpu.vector_load %arg10[%get3A_1202, %get3A_1203] {strides = array<i32>} : memref<128x128xf32, #tpu.memory_space<vmem>>, vector<1x16xf32>,
      %get3A_1205 = vector.shape_cast %get3A_1204 : vector<1x16xf32> to vector<16xf32>
      %mul3A_1206 = arith.mulf %get3A_1201, %get3A_1205 : vector<16xf32>
      %add3A_1207 = arith.addf %add3A_1197, %mul3A_1206 : vector<16xf32>
      %get3A_1208 = arith.index_cast %add3A_1185 : i32 to index
      %get3A_1209 = arith.constant 32 : index
      %get3A_1210 = tpu.vector_load %arg9[%get3A_1208, %get3A_1209] {strides = array<i32>} : memref<128x128xf32, #tpu.memory_space<vmem>>, vector<1x16xf32>,
      %get3A_1211 = vector.shape_cast %get3A_1210 : vector<1x16xf32> to vector<16xf32>
      %get3A_1212 = arith.index_cast %add3A_1185 : i32 to index
      %get3A_1213 = arith.constant 32 : index
      %get3A_1214 = tpu.vector_load %arg10[%get3A_1212, %get3A_1213] {strides = array<i32>} : memref<128x128xf32, #tpu.memory_space<vmem>>, vector<1x16xf32>,
      %get3A_1215 = vector.shape_cast %get3A_1214 : vector<1x16xf32> to vector<16xf32>
      %mul3A_1216 = arith.mulf %get3A_1211, %get3A_1215 : vector<16xf32>
      %add3A_1217 = arith.addf %add3A_1207, %mul3A_1216 : vector<16xf32>
      %get3A_1218 = arith.index_cast %add3A_1185 : i32 to index
      %get3A_1219 = arith.constant 48 : index
      %get3A_1220 = tpu.vector_load %arg9[%get3A_1218, %get3A_1219] {strides = array<i32>} : memref<128x128xf32, #tpu.memory_space<vmem>>, vector<1x16xf32>,
      %get3A_1221 = vector.shape_cast %get3A_1220 : vector<1x16xf32> to vector<16xf32>
      %get3A_1222 = arith.index_cast %add3A_1185 : i32 to index
      %get3A_1223 = arith.constant 48 : index
      %get3A_1224 = tpu.vector_load %arg10[%get3A_1222, %get3A_1223] {strides = array<i32>} : memref<128x128xf32, #tpu.memory_space<vmem>>, vector<1x16xf32>,
      %get3A_1225 = vector.shape_cast %get3A_1224 : vector<1x16xf32> to vector<16xf32>
      %mul3A_1226 = arith.mulf %get3A_1221, %get3A_1225 : vector<16xf32>
      %add3A_1227 = arith.addf %add3A_1217, %mul3A_1226 : vector<16xf32>
      %get3A_1228 = arith.index_cast %add3A_1185 : i32 to index
      %get3A_1229 = arith.constant 64 : index
      %get3A_1230 = tpu.vector_load %arg9[%get3A_1228, %get3A_1229] {strides = array<i32>} : memref<128x128xf32, #tpu.memory_space<vmem>>, vector<1x16xf32>,
      %get3A_1231 = vector.shape_cast %get3A_1230 : vector<1x16xf32> to vector<16xf32>
      %get3A_1232 = arith.index_cast %add3A_1185 : i32 to index
      %get3A_1233 = arith.constant 64 : index
      %get3A_1234 = tpu.vector_load %arg10[%get3A_1232, %get3A_1233] {strides = array<i32>} : memref<128x128xf32, #tpu.memory_space<vmem>>, vector<1x16xf32>,
      %get3A_1235 = vector.shape_cast %get3A_1234 : vector<1x16xf32> to vector<16xf32>
      %mul3A_1236 = arith.mulf %get3A_1231, %get3A_1235 : vector<16xf32>
      %add3A_1237 = arith.addf %add3A_1227, %mul3A_1236 : vector<16xf32>
      %get3A_1238 = arith.index_cast %add3A_1185 : i32 to index
      %get3A_1239 = arith.constant 80 : index
      %get3A_1240 = tpu.vector_load %arg9[%get3A_1238, %get3A_1239] {strides = array<i32>} : memref<128x128xf32, #tpu.memory_space<vmem>>, vector<1x16xf32>,
      %get3A_1241 = vector.shape_cast %get3A_1240 : vector<1x16xf32> to vector<16xf32>
      %get3A_1242 = arith.index_cast %add3A_1185 : i32 to index
      %get3A_1243 = arith.constant 80 : index
      %get3A_1244 = tpu.vector_load %arg10[%get3A_1242, %get3A_1243] {strides = array<i32>} : memref<128x128xf32, #tpu.memory_space<vmem>>, vector<1x16xf32>,
      %get3A_1245 = vector.shape_cast %get3A_1244 : vector<1x16xf32> to vector<16xf32>
      %mul3A_1246 = arith.mulf %get3A_1241, %get3A_1245 : vector<16xf32>
      %add3A_1247 = arith.addf %add3A_1237, %mul3A_1246 : vector<16xf32>
      %get3A_1248 = arith.index_cast %add3A_1185 : i32 to index
      %get3A_1249 = arith.constant 96 : index
      %get3A_1250 = tpu.vector_load %arg9[%get3A_1248, %get3A_1249] {strides = array<i32>} : memref<128x128xf32, #tpu.memory_space<vmem>>, vector<1x16xf32>,
      %get3A_1251 = vector.shape_cast %get3A_1250 : vector<1x16xf32> to vector<16xf32>
      %get3A_1252 = arith.index_cast %add3A_1185 : i32 to index
      %get3A_1253 = arith.constant 96 : index
      %get3A_1254 = tpu.vector_load %arg10[%get3A_1252, %get3A_1253] {strides = array<i32>} : memref<128x128xf32, #tpu.memory_space<vmem>>, vector<1x16xf32>,
      %get3A_1255 = vector.shape_cast %get3A_1254 : vector<1x16xf32> to vector<16xf32>
      %mul3A_1256 = arith.mulf %get3A_1251, %get3A_1255 : vector<16xf32>
      %add3A_1257 = arith.addf %add3A_1247, %mul3A_1256 : vector<16xf32>
      %get3A_1258 = arith.index_cast %add3A_1185 : i32 to index
      %get3A_1259 = arith.constant 112 : index
      %get3A_1260 = tpu.vector_load %arg9[%get3A_1258, %get3A_1259] {strides = array<i32>} : memref<128x128xf32, #tpu.memory_space<vmem>>, vector<1x16xf32>,
      %get3A_1261 = vector.shape_cast %get3A_1260 : vector<1x16xf32> to vector<16xf32>
      %get3A_1262 = arith.index_cast %add3A_1185 : i32 to index
      %get3A_1263 = arith.constant 112 : index
      %get3A_1264 = tpu.vector_load %arg10[%get3A_1262, %get3A_1263] {strides = array<i32>} : memref<128x128xf32, #tpu.memory_space<vmem>>, vector<1x16xf32>,
      %get3A_1265 = vector.shape_cast %get3A_1264 : vector<1x16xf32> to vector<16xf32>
      %mul3A_1266 = arith.mulf %get3A_1261, %get3A_1265 : vector<16xf32>
      %add3A_1267 = arith.addf %add3A_1257, %mul3A_1266 : vector<16xf32>
      %xor3A_1268 = arith.constant 8 : i32
      %xor3A_1269 = vector.broadcast %xor3A_1268 : i32 to vector<16xi32>
      %xor3A_1270 = arith.xori %iota3A, %xor3A_1269 : vector<16xi32>
      %lt3A_1271 = arith.constant 0 : i32
      %lt3A_1272 = vector.broadcast %lt3A_1271 : i32 to vector<16xi32>
      %lt3A_1273 = arith.cmpi slt, %xor3A_1270, %lt3A_1272 : vector<16xi32>
      %add3A_1274 = arith.constant 16 : i32
      %add3A_1275 = vector.broadcast %add3A_1274 : i32 to vector<16xi32>
      %add3A_1276 = arith.addi %xor3A_1270, %add3A_1275 : vector<16xi32>
      %select_n3A_1277 = arith.select %lt3A_1273, %add3A_1276, %xor3A_1270 : vector<16xi1>, vector<16xi32>
      %broadcast_in_dim3A_1278 = vector.shape_cast %select_n3A_1277 : vector<16xi32> to vector<16x1xi32>
      %gather3A_1279 = vector.shape_cast %broadcast_in_dim3A_1278 : vector<16x1xi32> to vector<16xi32>
      %gather3A_1280 = tpu.dynamic_gather %add3A_1267[%gather3A_1279] in [0] : vector<16xf32>, vector<16xi32> -> vector<16xf32>
      %add3A_1281 = arith.addf %add3A_1267, %gather3A_1280 : vector<16xf32>
      %xor3A_1282 = arith.constant 4 : i32
      %xor3A_1283 = vector.broadcast %xor3A_1282 : i32 to vector<16xi32>
      %xor3A_1284 = arith.xori %iota3A, %xor3A_1283 : vector<16xi32>
      %lt3A_1285 = arith.constant 0 : i32
      %lt3A_1286 = vector.broadcast %lt3A_1285 : i32 to vector<16xi32>
      %lt3A_1287 = arith.cmpi slt, %xor3A_1284, %lt3A_1286 : vector<16xi32>
      %add3A_1288 = arith.constant 16 : i32
      %add3A_1289 = vector.broadcast %add3A_1288 : i32 to vector<16xi32>
      %add3A_1290 = arith.addi %xor3A_1284, %add3A_1289 : vector<16xi32>
      %select_n3A_1291 = arith.select %lt3A_1287, %add3A_1290, %xor3A_1284 : vector<16xi1>, vector<16xi32>
      %broadcast_in_dim3A_1292 = vector.shape_cast %select_n3A_1291 : vector<16xi32> to vector<16x1xi32>
      %gather3A_1293 = vector.shape_cast %broadcast_in_dim3A_1292 : vector<16x1xi32> to vector<16xi32>
      %gather3A_1294 = tpu.dynamic_gather %add3A_1281[%gather3A_1293] in [0] : vector<16xf32>, vector<16xi32> -> vector<16xf32>
      %add3A_1295 = arith.addf %add3A_1281, %gather3A_1294 : vector<16xf32>
      %xor3A_1296 = arith.constant 2 : i32
      %xor3A_1297 = vector.broadcast %xor3A_1296 : i32 to vector<16xi32>
      %xor3A_1298 = arith.xori %iota3A, %xor3A_1297 : vector<16xi32>
      %lt3A_1299 = arith.constant 0 : i32
      %lt3A_1300 = vector.broadcast %lt3A_1299 : i32 to vector<16xi32>
      %lt3A_1301 = arith.cmpi slt, %xor3A_1298, %lt3A_1300 : vector<16xi32>
      %add3A_1302 = arith.constant 16 : i32
      %add3A_1303 = vector.broadcast %add3A_1302 : i32 to vector<16xi32>
      %add3A_1304 = arith.addi %xor3A_1298, %add3A_1303 : vector<16xi32>
      %select_n3A_1305 = arith.select %lt3A_1301, %add3A_1304, %xor3A_1298 : vector<16xi1>, vector<16xi32>
      %broadcast_in_dim3A_1306 = vector.shape_cast %select_n3A_1305 : vector<16xi32> to vector<16x1xi32>
      %gather3A_1307 = vector.shape_cast %broadcast_in_dim3A_1306 : vector<16x1xi32> to vector<16xi32>
      %gather3A_1308 = tpu.dynamic_gather %add3A_1295[%gather3A_1307] in [0] : vector<16xf32>, vector<16xi32> -> vector<16xf32>
      %add3A_1309 = arith.addf %add3A_1295, %gather3A_1308 : vector<16xf32>
      %xor3A_1310 = arith.constant 1 : i32
      %xor3A_1311 = vector.broadcast %xor3A_1310 : i32 to vector<16xi32>
      %xor3A_1312 = arith.xori %iota3A, %xor3A_1311 : vector<16xi32>
      %lt3A_1313 = arith.constant 0 : i32
      %lt3A_1314 = vector.broadcast %lt3A_1313 : i32 to vector<16xi32>
      %lt3A_1315 = arith.cmpi slt, %xor3A_1312, %lt3A_1314 : vector<16xi32>
      %add3A_1316 = arith.constant 16 : i32
      %add3A_1317 = vector.broadcast %add3A_1316 : i32 to vector<16xi32>
      %add3A_1318 = arith.addi %xor3A_1312, %add3A_1317 : vector<16xi32>
      %select_n3A_1319 = arith.select %lt3A_1315, %add3A_1318, %xor3A_1312 : vector<16xi1>, vector<16xi32>
      %broadcast_in_dim3A_1320 = vector.shape_cast %select_n3A_1319 : vector<16xi32> to vector<16x1xi32>
      %gather3A_1321 = vector.shape_cast %broadcast_in_dim3A_1320 : vector<16x1xi32> to vector<16xi32>
      %gather3A_1322 = tpu.dynamic_gather %add3A_1309[%gather3A_1321] in [0] : vector<16xf32>, vector<16xi32> -> vector<16xf32>
      %add3A_1323 = arith.addf %add3A_1309, %gather3A_1322 : vector<16xf32>
      %eq3A_1324 = arith.constant 8 : i32
      %eq3A_1325 = vector.broadcast %eq3A_1324 : i32 to vector<16xi32>
      %eq3A_1326 = arith.cmpi eq, %iota3A, %eq3A_1325 : vector<16xi32>
      %select_n3A_1327 = arith.select %eq3A_1326, %add3A_1323, %select_n3A_1181 : vector<16xi1>, vector<16xf32>
      %mul3A_1328 = arith.constant 16 : i32
      %mul3A_1329 = arith.muli %scan3A_18, %mul3A_1328 : i32
      %add3A_1330 = arith.constant 9 : i32
      %add3A_1331 = arith.addi %mul3A_1329, %add3A_1330 : i32
      %broadcast_in_dim3A_1332 = arith.constant 0.000000e+00 : f32
      %broadcast_in_dim3A_1333 = vector.broadcast %broadcast_in_dim3A_1332 : f32 to vector<16xf32>
      %get3A_1334 = arith.index_cast %add3A_1331 : i32 to index
      %get3A_1335 = arith.constant 0 : index
      %get3A_1336 = tpu.vector_load %arg9[%get3A_1334, %get3A_1335] {strides = array<i32>} : memref<128x128xf32, #tpu.memory_space<vmem>>, vector<1x16xf32>,
      %get3A_1337 = vector.shape_cast %get3A_1336 : vector<1x16xf32> to vector<16xf32>
      %get3A_1338 = arith.index_cast %add3A_1331 : i32 to index
      %get3A_1339 = arith.constant 0 : index
      %get3A_1340 = tpu.vector_load %arg10[%get3A_1338, %get3A_1339] {strides = array<i32>} : memref<128x128xf32, #tpu.memory_space<vmem>>, vector<1x16xf32>,
      %get3A_1341 = vector.shape_cast %get3A_1340 : vector<1x16xf32> to vector<16xf32>
      %mul3A_1342 = arith.mulf %get3A_1337, %get3A_1341 : vector<16xf32>
      %add3A_1343 = arith.addf %broadcast_in_dim3A_1333, %mul3A_1342 : vector<16xf32>
      %get3A_1344 = arith.index_cast %add3A_1331 : i32 to index
      %get3A_1345 = arith.constant 16 : index
      %get3A_1346 = tpu.vector_load %arg9[%get3A_1344, %get3A_1345] {strides = array<i32>} : memref<128x128xf32, #tpu.memory_space<vmem>>, vector<1x16xf32>,
      %get3A_1347 = vector.shape_cast %get3A_1346 : vector<1x16xf32> to vector<16xf32>
      %get3A_1348 = arith.index_cast %add3A_1331 : i32 to index
      %get3A_1349 = arith.constant 16 : index
      %get3A_1350 = tpu.vector_load %arg10[%get3A_1348, %get3A_1349] {strides = array<i32>} : memref<128x128xf32, #tpu.memory_space<vmem>>, vector<1x16xf32>,
      %get3A_1351 = vector.shape_cast %get3A_1350 : vector<1x16xf32> to vector<16xf32>
      %mul3A_1352 = arith.mulf %get3A_1347, %get3A_1351 : vector<16xf32>
      %add3A_1353 = arith.addf %add3A_1343, %mul3A_1352 : vector<16xf32>
      %get3A_1354 = arith.index_cast %add3A_1331 : i32 to index
      %get3A_1355 = arith.constant 32 : index
      %get3A_1356 = tpu.vector_load %arg9[%get3A_1354, %get3A_1355] {strides = array<i32>} : memref<128x128xf32, #tpu.memory_space<vmem>>, vector<1x16xf32>,
      %get3A_1357 = vector.shape_cast %get3A_1356 : vector<1x16xf32> to vector<16xf32>
      %get3A_1358 = arith.index_cast %add3A_1331 : i32 to index
      %get3A_1359 = arith.constant 32 : index
      %get3A_1360 = tpu.vector_load %arg10[%get3A_1358, %get3A_1359] {strides = array<i32>} : memref<128x128xf32, #tpu.memory_space<vmem>>, vector<1x16xf32>,
      %get3A_1361 = vector.shape_cast %get3A_1360 : vector<1x16xf32> to vector<16xf32>
      %mul3A_1362 = arith.mulf %get3A_1357, %get3A_1361 : vector<16xf32>
      %add3A_1363 = arith.addf %add3A_1353, %mul3A_1362 : vector<16xf32>
      %get3A_1364 = arith.index_cast %add3A_1331 : i32 to index
      %get3A_1365 = arith.constant 48 : index
      %get3A_1366 = tpu.vector_load %arg9[%get3A_1364, %get3A_1365] {strides = array<i32>} : memref<128x128xf32, #tpu.memory_space<vmem>>, vector<1x16xf32>,
      %get3A_1367 = vector.shape_cast %get3A_1366 : vector<1x16xf32> to vector<16xf32>
      %get3A_1368 = arith.index_cast %add3A_1331 : i32 to index
      %get3A_1369 = arith.constant 48 : index
      %get3A_1370 = tpu.vector_load %arg10[%get3A_1368, %get3A_1369] {strides = array<i32>} : memref<128x128xf32, #tpu.memory_space<vmem>>, vector<1x16xf32>,
      %get3A_1371 = vector.shape_cast %get3A_1370 : vector<1x16xf32> to vector<16xf32>
      %mul3A_1372 = arith.mulf %get3A_1367, %get3A_1371 : vector<16xf32>
      %add3A_1373 = arith.addf %add3A_1363, %mul3A_1372 : vector<16xf32>
      %get3A_1374 = arith.index_cast %add3A_1331 : i32 to index
      %get3A_1375 = arith.constant 64 : index
      %get3A_1376 = tpu.vector_load %arg9[%get3A_1374, %get3A_1375] {strides = array<i32>} : memref<128x128xf32, #tpu.memory_space<vmem>>, vector<1x16xf32>,
      %get3A_1377 = vector.shape_cast %get3A_1376 : vector<1x16xf32> to vector<16xf32>
      %get3A_1378 = arith.index_cast %add3A_1331 : i32 to index
      %get3A_1379 = arith.constant 64 : index
      %get3A_1380 = tpu.vector_load %arg10[%get3A_1378, %get3A_1379] {strides = array<i32>} : memref<128x128xf32, #tpu.memory_space<vmem>>, vector<1x16xf32>,
      %get3A_1381 = vector.shape_cast %get3A_1380 : vector<1x16xf32> to vector<16xf32>
      %mul3A_1382 = arith.mulf %get3A_1377, %get3A_1381 : vector<16xf32>
      %add3A_1383 = arith.addf %add3A_1373, %mul3A_1382 : vector<16xf32>
      %get3A_1384 = arith.index_cast %add3A_1331 : i32 to index
      %get3A_1385 = arith.constant 80 : index
      %get3A_1386 = tpu.vector_load %arg9[%get3A_1384, %get3A_1385] {strides = array<i32>} : memref<128x128xf32, #tpu.memory_space<vmem>>, vector<1x16xf32>,
      %get3A_1387 = vector.shape_cast %get3A_1386 : vector<1x16xf32> to vector<16xf32>
      %get3A_1388 = arith.index_cast %add3A_1331 : i32 to index
      %get3A_1389 = arith.constant 80 : index
      %get3A_1390 = tpu.vector_load %arg10[%get3A_1388, %get3A_1389] {strides = array<i32>} : memref<128x128xf32, #tpu.memory_space<vmem>>, vector<1x16xf32>,
      %get3A_1391 = vector.shape_cast %get3A_1390 : vector<1x16xf32> to vector<16xf32>
      %mul3A_1392 = arith.mulf %get3A_1387, %get3A_1391 : vector<16xf32>
      %add3A_1393 = arith.addf %add3A_1383, %mul3A_1392 : vector<16xf32>
      %get3A_1394 = arith.index_cast %add3A_1331 : i32 to index
      %get3A_1395 = arith.constant 96 : index
      %get3A_1396 = tpu.vector_load %arg9[%get3A_1394, %get3A_1395] {strides = array<i32>} : memref<128x128xf32, #tpu.memory_space<vmem>>, vector<1x16xf32>,
      %get3A_1397 = vector.shape_cast %get3A_1396 : vector<1x16xf32> to vector<16xf32>
      %get3A_1398 = arith.index_cast %add3A_1331 : i32 to index
      %get3A_1399 = arith.constant 96 : index
      %get3A_1400 = tpu.vector_load %arg10[%get3A_1398, %get3A_1399] {strides = array<i32>} : memref<128x128xf32, #tpu.memory_space<vmem>>, vector<1x16xf32>,
      %get3A_1401 = vector.shape_cast %get3A_1400 : vector<1x16xf32> to vector<16xf32>
      %mul3A_1402 = arith.mulf %get3A_1397, %get3A_1401 : vector<16xf32>
      %add3A_1403 = arith.addf %add3A_1393, %mul3A_1402 : vector<16xf32>
      %get3A_1404 = arith.index_cast %add3A_1331 : i32 to index
      %get3A_1405 = arith.constant 112 : index
      %get3A_1406 = tpu.vector_load %arg9[%get3A_1404, %get3A_1405] {strides = array<i32>} : memref<128x128xf32, #tpu.memory_space<vmem>>, vector<1x16xf32>,
      %get3A_1407 = vector.shape_cast %get3A_1406 : vector<1x16xf32> to vector<16xf32>
      %get3A_1408 = arith.index_cast %add3A_1331 : i32 to index
      %get3A_1409 = arith.constant 112 : index
      %get3A_1410 = tpu.vector_load %arg10[%get3A_1408, %get3A_1409] {strides = array<i32>} : memref<128x128xf32, #tpu.memory_space<vmem>>, vector<1x16xf32>,
      %get3A_1411 = vector.shape_cast %get3A_1410 : vector<1x16xf32> to vector<16xf32>
      %mul3A_1412 = arith.mulf %get3A_1407, %get3A_1411 : vector<16xf32>
      %add3A_1413 = arith.addf %add3A_1403, %mul3A_1412 : vector<16xf32>
      %xor3A_1414 = arith.constant 8 : i32
      %xor3A_1415 = vector.broadcast %xor3A_1414 : i32 to vector<16xi32>
      %xor3A_1416 = arith.xori %iota3A, %xor3A_1415 : vector<16xi32>
      %lt3A_1417 = arith.constant 0 : i32
      %lt3A_1418 = vector.broadcast %lt3A_1417 : i32 to vector<16xi32>
      %lt3A_1419 = arith.cmpi slt, %xor3A_1416, %lt3A_1418 : vector<16xi32>
      %add3A_1420 = arith.constant 16 : i32
      %add3A_1421 = vector.broadcast %add3A_1420 : i32 to vector<16xi32>
      %add3A_1422 = arith.addi %xor3A_1416, %add3A_1421 : vector<16xi32>
      %select_n3A_1423 = arith.select %lt3A_1419, %add3A_1422, %xor3A_1416 : vector<16xi1>, vector<16xi32>
      %broadcast_in_dim3A_1424 = vector.shape_cast %select_n3A_1423 : vector<16xi32> to vector<16x1xi32>
      %gather3A_1425 = vector.shape_cast %broadcast_in_dim3A_1424 : vector<16x1xi32> to vector<16xi32>
      %gather3A_1426 = tpu.dynamic_gather %add3A_1413[%gather3A_1425] in [0] : vector<16xf32>, vector<16xi32> -> vector<16xf32>
      %add3A_1427 = arith.addf %add3A_1413, %gather3A_1426 : vector<16xf32>
      %xor3A_1428 = arith.constant 4 : i32
      %xor3A_1429 = vector.broadcast %xor3A_1428 : i32 to vector<16xi32>
      %xor3A_1430 = arith.xori %iota3A, %xor3A_1429 : vector<16xi32>
      %lt3A_1431 = arith.constant 0 : i32
      %lt3A_1432 = vector.broadcast %lt3A_1431 : i32 to vector<16xi32>
      %lt3A_1433 = arith.cmpi slt, %xor3A_1430, %lt3A_1432 : vector<16xi32>
      %add3A_1434 = arith.constant 16 : i32
      %add3A_1435 = vector.broadcast %add3A_1434 : i32 to vector<16xi32>
      %add3A_1436 = arith.addi %xor3A_1430, %add3A_1435 : vector<16xi32>
      %select_n3A_1437 = arith.select %lt3A_1433, %add3A_1436, %xor3A_1430 : vector<16xi1>, vector<16xi32>
      %broadcast_in_dim3A_1438 = vector.shape_cast %select_n3A_1437 : vector<16xi32> to vector<16x1xi32>
      %gather3A_1439 = vector.shape_cast %broadcast_in_dim3A_1438 : vector<16x1xi32> to vector<16xi32>
      %gather3A_1440 = tpu.dynamic_gather %add3A_1427[%gather3A_1439] in [0] : vector<16xf32>, vector<16xi32> -> vector<16xf32>
      %add3A_1441 = arith.addf %add3A_1427, %gather3A_1440 : vector<16xf32>
      %xor3A_1442 = arith.constant 2 : i32
      %xor3A_1443 = vector.broadcast %xor3A_1442 : i32 to vector<16xi32>
      %xor3A_1444 = arith.xori %iota3A, %xor3A_1443 : vector<16xi32>
      %lt3A_1445 = arith.constant 0 : i32
      %lt3A_1446 = vector.broadcast %lt3A_1445 : i32 to vector<16xi32>
      %lt3A_1447 = arith.cmpi slt, %xor3A_1444, %lt3A_1446 : vector<16xi32>
      %add3A_1448 = arith.constant 16 : i32
      %add3A_1449 = vector.broadcast %add3A_1448 : i32 to vector<16xi32>
      %add3A_1450 = arith.addi %xor3A_1444, %add3A_1449 : vector<16xi32>
      %select_n3A_1451 = arith.select %lt3A_1447, %add3A_1450, %xor3A_1444 : vector<16xi1>, vector<16xi32>
      %broadcast_in_dim3A_1452 = vector.shape_cast %select_n3A_1451 : vector<16xi32> to vector<16x1xi32>
      %gather3A_1453 = vector.shape_cast %broadcast_in_dim3A_1452 : vector<16x1xi32> to vector<16xi32>
      %gather3A_1454 = tpu.dynamic_gather %add3A_1441[%gather3A_1453] in [0] : vector<16xf32>, vector<16xi32> -> vector<16xf32>
      %add3A_1455 = arith.addf %add3A_1441, %gather3A_1454 : vector<16xf32>
      %xor3A_1456 = arith.constant 1 : i32
      %xor3A_1457 = vector.broadcast %xor3A_1456 : i32 to vector<16xi32>
      %xor3A_1458 = arith.xori %iota3A, %xor3A_1457 : vector<16xi32>
      %lt3A_1459 = arith.constant 0 : i32
      %lt3A_1460 = vector.broadcast %lt3A_1459 : i32 to vector<16xi32>
      %lt3A_1461 = arith.cmpi slt, %xor3A_1458, %lt3A_1460 : vector<16xi32>
      %add3A_1462 = arith.constant 16 : i32
      %add3A_1463 = vector.broadcast %add3A_1462 : i32 to vector<16xi32>
      %add3A_1464 = arith.addi %xor3A_1458, %add3A_1463 : vector<16xi32>
      %select_n3A_1465 = arith.select %lt3A_1461, %add3A_1464, %xor3A_1458 : vector<16xi1>, vector<16xi32>
      %broadcast_in_dim3A_1466 = vector.shape_cast %select_n3A_1465 : vector<16xi32> to vector<16x1xi32>
      %gather3A_1467 = vector.shape_cast %broadcast_in_dim3A_1466 : vector<16x1xi32> to vector<16xi32>
      %gather3A_1468 = tpu.dynamic_gather %add3A_1455[%gather3A_1467] in [0] : vector<16xf32>, vector<16xi32> -> vector<16xf32>
      %add3A_1469 = arith.addf %add3A_1455, %gather3A_1468 : vector<16xf32>
      %eq3A_1470 = arith.constant 9 : i32
      %eq3A_1471 = vector.broadcast %eq3A_1470 : i32 to vector<16xi32>
      %eq3A_1472 = arith.cmpi eq, %iota3A, %eq3A_1471 : vector<16xi32>
      %select_n3A_1473 = arith.select %eq3A_1472, %add3A_1469, %select_n3A_1327 : vector<16xi1>, vector<16xf32>
      %mul3A_1474 = arith.constant 16 : i32
      %mul3A_1475 = arith.muli %scan3A_18, %mul3A_1474 : i32
      %add3A_1476 = arith.constant 10 : i32
      %add3A_1477 = arith.addi %mul3A_1475, %add3A_1476 : i32
      %broadcast_in_dim3A_1478 = arith.constant 0.000000e+00 : f32
      %broadcast_in_dim3A_1479 = vector.broadcast %broadcast_in_dim3A_1478 : f32 to vector<16xf32>
      %get3A_1480 = arith.index_cast %add3A_1477 : i32 to index
      %get3A_1481 = arith.constant 0 : index
      %get3A_1482 = tpu.vector_load %arg9[%get3A_1480, %get3A_1481] {strides = array<i32>} : memref<128x128xf32, #tpu.memory_space<vmem>>, vector<1x16xf32>,
      %get3A_1483 = vector.shape_cast %get3A_1482 : vector<1x16xf32> to vector<16xf32>
      %get3A_1484 = arith.index_cast %add3A_1477 : i32 to index
      %get3A_1485 = arith.constant 0 : index
      %get3A_1486 = tpu.vector_load %arg10[%get3A_1484, %get3A_1485] {strides = array<i32>} : memref<128x128xf32, #tpu.memory_space<vmem>>, vector<1x16xf32>,
      %get3A_1487 = vector.shape_cast %get3A_1486 : vector<1x16xf32> to vector<16xf32>
      %mul3A_1488 = arith.mulf %get3A_1483, %get3A_1487 : vector<16xf32>
      %add3A_1489 = arith.addf %broadcast_in_dim3A_1479, %mul3A_1488 : vector<16xf32>
      %get3A_1490 = arith.index_cast %add3A_1477 : i32 to index
      %get3A_1491 = arith.constant 16 : index
      %get3A_1492 = tpu.vector_load %arg9[%get3A_1490, %get3A_1491] {strides = array<i32>} : memref<128x128xf32, #tpu.memory_space<vmem>>, vector<1x16xf32>,
      %get3A_1493 = vector.shape_cast %get3A_1492 : vector<1x16xf32> to vector<16xf32>
      %get3A_1494 = arith.index_cast %add3A_1477 : i32 to index
      %get3A_1495 = arith.constant 16 : index
      %get3A_1496 = tpu.vector_load %arg10[%get3A_1494, %get3A_1495] {strides = array<i32>} : memref<128x128xf32, #tpu.memory_space<vmem>>, vector<1x16xf32>,
      %get3A_1497 = vector.shape_cast %get3A_1496 : vector<1x16xf32> to vector<16xf32>
      %mul3A_1498 = arith.mulf %get3A_1493, %get3A_1497 : vector<16xf32>
      %add3A_1499 = arith.addf %add3A_1489, %mul3A_1498 : vector<16xf32>
      %get3A_1500 = arith.index_cast %add3A_1477 : i32 to index
      %get3A_1501 = arith.constant 32 : index
      %get3A_1502 = tpu.vector_load %arg9[%get3A_1500, %get3A_1501] {strides = array<i32>} : memref<128x128xf32, #tpu.memory_space<vmem>>, vector<1x16xf32>,
      %get3A_1503 = vector.shape_cast %get3A_1502 : vector<1x16xf32> to vector<16xf32>
      %get3A_1504 = arith.index_cast %add3A_1477 : i32 to index
      %get3A_1505 = arith.constant 32 : index
      %get3A_1506 = tpu.vector_load %arg10[%get3A_1504, %get3A_1505] {strides = array<i32>} : memref<128x128xf32, #tpu.memory_space<vmem>>, vector<1x16xf32>,
      %get3A_1507 = vector.shape_cast %get3A_1506 : vector<1x16xf32> to vector<16xf32>
      %mul3A_1508 = arith.mulf %get3A_1503, %get3A_1507 : vector<16xf32>
      %add3A_1509 = arith.addf %add3A_1499, %mul3A_1508 : vector<16xf32>
      %get3A_1510 = arith.index_cast %add3A_1477 : i32 to index
      %get3A_1511 = arith.constant 48 : index
      %get3A_1512 = tpu.vector_load %arg9[%get3A_1510, %get3A_1511] {strides = array<i32>} : memref<128x128xf32, #tpu.memory_space<vmem>>, vector<1x16xf32>,
      %get3A_1513 = vector.shape_cast %get3A_1512 : vector<1x16xf32> to vector<16xf32>
      %get3A_1514 = arith.index_cast %add3A_1477 : i32 to index
      %get3A_1515 = arith.constant 48 : index
      %get3A_1516 = tpu.vector_load %arg10[%get3A_1514, %get3A_1515] {strides = array<i32>} : memref<128x128xf32, #tpu.memory_space<vmem>>, vector<1x16xf32>,
      %get3A_1517 = vector.shape_cast %get3A_1516 : vector<1x16xf32> to vector<16xf32>
      %mul3A_1518 = arith.mulf %get3A_1513, %get3A_1517 : vector<16xf32>
      %add3A_1519 = arith.addf %add3A_1509, %mul3A_1518 : vector<16xf32>
      %get3A_1520 = arith.index_cast %add3A_1477 : i32 to index
      %get3A_1521 = arith.constant 64 : index
      %get3A_1522 = tpu.vector_load %arg9[%get3A_1520, %get3A_1521] {strides = array<i32>} : memref<128x128xf32, #tpu.memory_space<vmem>>, vector<1x16xf32>,
      %get3A_1523 = vector.shape_cast %get3A_1522 : vector<1x16xf32> to vector<16xf32>
      %get3A_1524 = arith.index_cast %add3A_1477 : i32 to index
      %get3A_1525 = arith.constant 64 : index
      %get3A_1526 = tpu.vector_load %arg10[%get3A_1524, %get3A_1525] {strides = array<i32>} : memref<128x128xf32, #tpu.memory_space<vmem>>, vector<1x16xf32>,
      %get3A_1527 = vector.shape_cast %get3A_1526 : vector<1x16xf32> to vector<16xf32>
      %mul3A_1528 = arith.mulf %get3A_1523, %get3A_1527 : vector<16xf32>
      %add3A_1529 = arith.addf %add3A_1519, %mul3A_1528 : vector<16xf32>
      %get3A_1530 = arith.index_cast %add3A_1477 : i32 to index
      %get3A_1531 = arith.constant 80 : index
      %get3A_1532 = tpu.vector_load %arg9[%get3A_1530, %get3A_1531] {strides = array<i32>} : memref<128x128xf32, #tpu.memory_space<vmem>>, vector<1x16xf32>,
      %get3A_1533 = vector.shape_cast %get3A_1532 : vector<1x16xf32> to vector<16xf32>
      %get3A_1534 = arith.index_cast %add3A_1477 : i32 to index
      %get3A_1535 = arith.constant 80 : index
      %get3A_1536 = tpu.vector_load %arg10[%get3A_1534, %get3A_1535] {strides = array<i32>} : memref<128x128xf32, #tpu.memory_space<vmem>>, vector<1x16xf32>,
      %get3A_1537 = vector.shape_cast %get3A_1536 : vector<1x16xf32> to vector<16xf32>
      %mul3A_1538 = arith.mulf %get3A_1533, %get3A_1537 : vector<16xf32>
      %add3A_1539 = arith.addf %add3A_1529, %mul3A_1538 : vector<16xf32>
      %get3A_1540 = arith.index_cast %add3A_1477 : i32 to index
      %get3A_1541 = arith.constant 96 : index
      %get3A_1542 = tpu.vector_load %arg9[%get3A_1540, %get3A_1541] {strides = array<i32>} : memref<128x128xf32, #tpu.memory_space<vmem>>, vector<1x16xf32>,
      %get3A_1543 = vector.shape_cast %get3A_1542 : vector<1x16xf32> to vector<16xf32>
      %get3A_1544 = arith.index_cast %add3A_1477 : i32 to index
      %get3A_1545 = arith.constant 96 : index
      %get3A_1546 = tpu.vector_load %arg10[%get3A_1544, %get3A_1545] {strides = array<i32>} : memref<128x128xf32, #tpu.memory_space<vmem>>, vector<1x16xf32>,
      %get3A_1547 = vector.shape_cast %get3A_1546 : vector<1x16xf32> to vector<16xf32>
      %mul3A_1548 = arith.mulf %get3A_1543, %get3A_1547 : vector<16xf32>
      %add3A_1549 = arith.addf %add3A_1539, %mul3A_1548 : vector<16xf32>
      %get3A_1550 = arith.index_cast %add3A_1477 : i32 to index
      %get3A_1551 = arith.constant 112 : index
      %get3A_1552 = tpu.vector_load %arg9[%get3A_1550, %get3A_1551] {strides = array<i32>} : memref<128x128xf32, #tpu.memory_space<vmem>>, vector<1x16xf32>,
      %get3A_1553 = vector.shape_cast %get3A_1552 : vector<1x16xf32> to vector<16xf32>
      %get3A_1554 = arith.index_cast %add3A_1477 : i32 to index
      %get3A_1555 = arith.constant 112 : index
      %get3A_1556 = tpu.vector_load %arg10[%get3A_1554, %get3A_1555] {strides = array<i32>} : memref<128x128xf32, #tpu.memory_space<vmem>>, vector<1x16xf32>,
      %get3A_1557 = vector.shape_cast %get3A_1556 : vector<1x16xf32> to vector<16xf32>
      %mul3A_1558 = arith.mulf %get3A_1553, %get3A_1557 : vector<16xf32>
      %add3A_1559 = arith.addf %add3A_1549, %mul3A_1558 : vector<16xf32>
      %xor3A_1560 = arith.constant 8 : i32
      %xor3A_1561 = vector.broadcast %xor3A_1560 : i32 to vector<16xi32>
      %xor3A_1562 = arith.xori %iota3A, %xor3A_1561 : vector<16xi32>
      %lt3A_1563 = arith.constant 0 : i32
      %lt3A_1564 = vector.broadcast %lt3A_1563 : i32 to vector<16xi32>
      %lt3A_1565 = arith.cmpi slt, %xor3A_1562, %lt3A_1564 : vector<16xi32>
      %add3A_1566 = arith.constant 16 : i32
      %add3A_1567 = vector.broadcast %add3A_1566 : i32 to vector<16xi32>
      %add3A_1568 = arith.addi %xor3A_1562, %add3A_1567 : vector<16xi32>
      %select_n3A_1569 = arith.select %lt3A_1565, %add3A_1568, %xor3A_1562 : vector<16xi1>, vector<16xi32>
      %broadcast_in_dim3A_1570 = vector.shape_cast %select_n3A_1569 : vector<16xi32> to vector<16x1xi32>
      %gather3A_1571 = vector.shape_cast %broadcast_in_dim3A_1570 : vector<16x1xi32> to vector<16xi32>
      %gather3A_1572 = tpu.dynamic_gather %add3A_1559[%gather3A_1571] in [0] : vector<16xf32>, vector<16xi32> -> vector<16xf32>
      %add3A_1573 = arith.addf %add3A_1559, %gather3A_1572 : vector<16xf32>
      %xor3A_1574 = arith.constant 4 : i32
      %xor3A_1575 = vector.broadcast %xor3A_1574 : i32 to vector<16xi32>
      %xor3A_1576 = arith.xori %iota3A, %xor3A_1575 : vector<16xi32>
      %lt3A_1577 = arith.constant 0 : i32
      %lt3A_1578 = vector.broadcast %lt3A_1577 : i32 to vector<16xi32>
      %lt3A_1579 = arith.cmpi slt, %xor3A_1576, %lt3A_1578 : vector<16xi32>
      %add3A_1580 = arith.constant 16 : i32
      %add3A_1581 = vector.broadcast %add3A_1580 : i32 to vector<16xi32>
      %add3A_1582 = arith.addi %xor3A_1576, %add3A_1581 : vector<16xi32>
      %select_n3A_1583 = arith.select %lt3A_1579, %add3A_1582, %xor3A_1576 : vector<16xi1>, vector<16xi32>
      %broadcast_in_dim3A_1584 = vector.shape_cast %select_n3A_1583 : vector<16xi32> to vector<16x1xi32>
      %gather3A_1585 = vector.shape_cast %broadcast_in_dim3A_1584 : vector<16x1xi32> to vector<16xi32>
      %gather3A_1586 = tpu.dynamic_gather %add3A_1573[%gather3A_1585] in [0] : vector<16xf32>, vector<16xi32> -> vector<16xf32>
      %add3A_1587 = arith.addf %add3A_1573, %gather3A_1586 : vector<16xf32>
      %xor3A_1588 = arith.constant 2 : i32
      %xor3A_1589 = vector.broadcast %xor3A_1588 : i32 to vector<16xi32>
      %xor3A_1590 = arith.xori %iota3A, %xor3A_1589 : vector<16xi32>
      %lt3A_1591 = arith.constant 0 : i32
      %lt3A_1592 = vector.broadcast %lt3A_1591 : i32 to vector<16xi32>
      %lt3A_1593 = arith.cmpi slt, %xor3A_1590, %lt3A_1592 : vector<16xi32>
      %add3A_1594 = arith.constant 16 : i32
      %add3A_1595 = vector.broadcast %add3A_1594 : i32 to vector<16xi32>
      %add3A_1596 = arith.addi %xor3A_1590, %add3A_1595 : vector<16xi32>
      %select_n3A_1597 = arith.select %lt3A_1593, %add3A_1596, %xor3A_1590 : vector<16xi1>, vector<16xi32>
      %broadcast_in_dim3A_1598 = vector.shape_cast %select_n3A_1597 : vector<16xi32> to vector<16x1xi32>
      %gather3A_1599 = vector.shape_cast %broadcast_in_dim3A_1598 : vector<16x1xi32> to vector<16xi32>
      %gather3A_1600 = tpu.dynamic_gather %add3A_1587[%gather3A_1599] in [0] : vector<16xf32>, vector<16xi32> -> vector<16xf32>
      %add3A_1601 = arith.addf %add3A_1587, %gather3A_1600 : vector<16xf32>
      %xor3A_1602 = arith.constant 1 : i32
      %xor3A_1603 = vector.broadcast %xor3A_1602 : i32 to vector<16xi32>
      %xor3A_1604 = arith.xori %iota3A, %xor3A_1603 : vector<16xi32>
      %lt3A_1605 = arith.constant 0 : i32
      %lt3A_1606 = vector.broadcast %lt3A_1605 : i32 to vector<16xi32>
      %lt3A_1607 = arith.cmpi slt, %xor3A_1604, %lt3A_1606 : vector<16xi32>
      %add3A_1608 = arith.constant 16 : i32
      %add3A_1609 = vector.broadcast %add3A_1608 : i32 to vector<16xi32>
      %add3A_1610 = arith.addi %xor3A_1604, %add3A_1609 : vector<16xi32>
      %select_n3A_1611 = arith.select %lt3A_1607, %add3A_1610, %xor3A_1604 : vector<16xi1>, vector<16xi32>
      %broadcast_in_dim3A_1612 = vector.shape_cast %select_n3A_1611 : vector<16xi32> to vector<16x1xi32>
      %gather3A_1613 = vector.shape_cast %broadcast_in_dim3A_1612 : vector<16x1xi32> to vector<16xi32>
      %gather3A_1614 = tpu.dynamic_gather %add3A_1601[%gather3A_1613] in [0] : vector<16xf32>, vector<16xi32> -> vector<16xf32>
      %add3A_1615 = arith.addf %add3A_1601, %gather3A_1614 : vector<16xf32>
      %eq3A_1616 = arith.constant 10 : i32
      %eq3A_1617 = vector.broadcast %eq3A_1616 : i32 to vector<16xi32>
      %eq3A_1618 = arith.cmpi eq, %iota3A, %eq3A_1617 : vector<16xi32>
      %select_n3A_1619 = arith.select %eq3A_1618, %add3A_1615, %select_n3A_1473 : vector<16xi1>, vector<16xf32>
      %mul3A_1620 = arith.constant 16 : i32
      %mul3A_1621 = arith.muli %scan3A_18, %mul3A_1620 : i32
      %add3A_1622 = arith.constant 11 : i32
      %add3A_1623 = arith.addi %mul3A_1621, %add3A_1622 : i32
      %broadcast_in_dim3A_1624 = arith.constant 0.000000e+00 : f32
      %broadcast_in_dim3A_1625 = vector.broadcast %broadcast_in_dim3A_1624 : f32 to vector<16xf32>
      %get3A_1626 = arith.index_cast %add3A_1623 : i32 to index
      %get3A_1627 = arith.constant 0 : index
      %get3A_1628 = tpu.vector_load %arg9[%get3A_1626, %get3A_1627] {strides = array<i32>} : memref<128x128xf32, #tpu.memory_space<vmem>>, vector<1x16xf32>,
      %get3A_1629 = vector.shape_cast %get3A_1628 : vector<1x16xf32> to vector<16xf32>
      %get3A_1630 = arith.index_cast %add3A_1623 : i32 to index
      %get3A_1631 = arith.constant 0 : index
      %get3A_1632 = tpu.vector_load %arg10[%get3A_1630, %get3A_1631] {strides = array<i32>} : memref<128x128xf32, #tpu.memory_space<vmem>>, vector<1x16xf32>,
      %get3A_1633 = vector.shape_cast %get3A_1632 : vector<1x16xf32> to vector<16xf32>
      %mul3A_1634 = arith.mulf %get3A_1629, %get3A_1633 : vector<16xf32>
      %add3A_1635 = arith.addf %broadcast_in_dim3A_1625, %mul3A_1634 : vector<16xf32>
      %get3A_1636 = arith.index_cast %add3A_1623 : i32 to index
      %get3A_1637 = arith.constant 16 : index
      %get3A_1638 = tpu.vector_load %arg9[%get3A_1636, %get3A_1637] {strides = array<i32>} : memref<128x128xf32, #tpu.memory_space<vmem>>, vector<1x16xf32>,
      %get3A_1639 = vector.shape_cast %get3A_1638 : vector<1x16xf32> to vector<16xf32>
      %get3A_1640 = arith.index_cast %add3A_1623 : i32 to index
      %get3A_1641 = arith.constant 16 : index
      %get3A_1642 = tpu.vector_load %arg10[%get3A_1640, %get3A_1641] {strides = array<i32>} : memref<128x128xf32, #tpu.memory_space<vmem>>, vector<1x16xf32>,
      %get3A_1643 = vector.shape_cast %get3A_1642 : vector<1x16xf32> to vector<16xf32>
      %mul3A_1644 = arith.mulf %get3A_1639, %get3A_1643 : vector<16xf32>
      %add3A_1645 = arith.addf %add3A_1635, %mul3A_1644 : vector<16xf32>
      %get3A_1646 = arith.index_cast %add3A_1623 : i32 to index
      %get3A_1647 = arith.constant 32 : index
      %get3A_1648 = tpu.vector_load %arg9[%get3A_1646, %get3A_1647] {strides = array<i32>} : memref<128x128xf32, #tpu.memory_space<vmem>>, vector<1x16xf32>,
      %get3A_1649 = vector.shape_cast %get3A_1648 : vector<1x16xf32> to vector<16xf32>
      %get3A_1650 = arith.index_cast %add3A_1623 : i32 to index
      %get3A_1651 = arith.constant 32 : index
      %get3A_1652 = tpu.vector_load %arg10[%get3A_1650, %get3A_1651] {strides = array<i32>} : memref<128x128xf32, #tpu.memory_space<vmem>>, vector<1x16xf32>,
      %get3A_1653 = vector.shape_cast %get3A_1652 : vector<1x16xf32> to vector<16xf32>
      %mul3A_1654 = arith.mulf %get3A_1649, %get3A_1653 : vector<16xf32>
      %add3A_1655 = arith.addf %add3A_1645, %mul3A_1654 : vector<16xf32>
      %get3A_1656 = arith.index_cast %add3A_1623 : i32 to index
      %get3A_1657 = arith.constant 48 : index
      %get3A_1658 = tpu.vector_load %arg9[%get3A_1656, %get3A_1657] {strides = array<i32>} : memref<128x128xf32, #tpu.memory_space<vmem>>, vector<1x16xf32>,
      %get3A_1659 = vector.shape_cast %get3A_1658 : vector<1x16xf32> to vector<16xf32>
      %get3A_1660 = arith.index_cast %add3A_1623 : i32 to index
      %get3A_1661 = arith.constant 48 : index
      %get3A_1662 = tpu.vector_load %arg10[%get3A_1660, %get3A_1661] {strides = array<i32>} : memref<128x128xf32, #tpu.memory_space<vmem>>, vector<1x16xf32>,
      %get3A_1663 = vector.shape_cast %get3A_1662 : vector<1x16xf32> to vector<16xf32>
      %mul3A_1664 = arith.mulf %get3A_1659, %get3A_1663 : vector<16xf32>
      %add3A_1665 = arith.addf %add3A_1655, %mul3A_1664 : vector<16xf32>
      %get3A_1666 = arith.index_cast %add3A_1623 : i32 to index
      %get3A_1667 = arith.constant 64 : index
      %get3A_1668 = tpu.vector_load %arg9[%get3A_1666, %get3A_1667] {strides = array<i32>} : memref<128x128xf32, #tpu.memory_space<vmem>>, vector<1x16xf32>,
      %get3A_1669 = vector.shape_cast %get3A_1668 : vector<1x16xf32> to vector<16xf32>
      %get3A_1670 = arith.index_cast %add3A_1623 : i32 to index
      %get3A_1671 = arith.constant 64 : index
      %get3A_1672 = tpu.vector_load %arg10[%get3A_1670, %get3A_1671] {strides = array<i32>} : memref<128x128xf32, #tpu.memory_space<vmem>>, vector<1x16xf32>,
      %get3A_1673 = vector.shape_cast %get3A_1672 : vector<1x16xf32> to vector<16xf32>
      %mul3A_1674 = arith.mulf %get3A_1669, %get3A_1673 : vector<16xf32>
      %add3A_1675 = arith.addf %add3A_1665, %mul3A_1674 : vector<16xf32>
      %get3A_1676 = arith.index_cast %add3A_1623 : i32 to index
      %get3A_1677 = arith.constant 80 : index
      %get3A_1678 = tpu.vector_load %arg9[%get3A_1676, %get3A_1677] {strides = array<i32>} : memref<128x128xf32, #tpu.memory_space<vmem>>, vector<1x16xf32>,
      %get3A_1679 = vector.shape_cast %get3A_1678 : vector<1x16xf32> to vector<16xf32>
      %get3A_1680 = arith.index_cast %add3A_1623 : i32 to index
      %get3A_1681 = arith.constant 80 : index
      %get3A_1682 = tpu.vector_load %arg10[%get3A_1680, %get3A_1681] {strides = array<i32>} : memref<128x128xf32, #tpu.memory_space<vmem>>, vector<1x16xf32>,
      %get3A_1683 = vector.shape_cast %get3A_1682 : vector<1x16xf32> to vector<16xf32>
      %mul3A_1684 = arith.mulf %get3A_1679, %get3A_1683 : vector<16xf32>
      %add3A_1685 = arith.addf %add3A_1675, %mul3A_1684 : vector<16xf32>
      %get3A_1686 = arith.index_cast %add3A_1623 : i32 to index
      %get3A_1687 = arith.constant 96 : index
      %get3A_1688 = tpu.vector_load %arg9[%get3A_1686, %get3A_1687] {strides = array<i32>} : memref<128x128xf32, #tpu.memory_space<vmem>>, vector<1x16xf32>,
      %get3A_1689 = vector.shape_cast %get3A_1688 : vector<1x16xf32> to vector<16xf32>
      %get3A_1690 = arith.index_cast %add3A_1623 : i32 to index
      %get3A_1691 = arith.constant 96 : index
      %get3A_1692 = tpu.vector_load %arg10[%get3A_1690, %get3A_1691] {strides = array<i32>} : memref<128x128xf32, #tpu.memory_space<vmem>>, vector<1x16xf32>,
      %get3A_1693 = vector.shape_cast %get3A_1692 : vector<1x16xf32> to vector<16xf32>
      %mul3A_1694 = arith.mulf %get3A_1689, %get3A_1693 : vector<16xf32>
      %add3A_1695 = arith.addf %add3A_1685, %mul3A_1694 : vector<16xf32>
      %get3A_1696 = arith.index_cast %add3A_1623 : i32 to index
      %get3A_1697 = arith.constant 112 : index
      %get3A_1698 = tpu.vector_load %arg9[%get3A_1696, %get3A_1697] {strides = array<i32>} : memref<128x128xf32, #tpu.memory_space<vmem>>, vector<1x16xf32>,
      %get3A_1699 = vector.shape_cast %get3A_1698 : vector<1x16xf32> to vector<16xf32>
      %get3A_1700 = arith.index_cast %add3A_1623 : i32 to index
      %get3A_1701 = arith.constant 112 : index
      %get3A_1702 = tpu.vector_load %arg10[%get3A_1700, %get3A_1701] {strides = array<i32>} : memref<128x128xf32, #tpu.memory_space<vmem>>, vector<1x16xf32>,
      %get3A_1703 = vector.shape_cast %get3A_1702 : vector<1x16xf32> to vector<16xf32>
      %mul3A_1704 = arith.mulf %get3A_1699, %get3A_1703 : vector<16xf32>
      %add3A_1705 = arith.addf %add3A_1695, %mul3A_1704 : vector<16xf32>
      %xor3A_1706 = arith.constant 8 : i32
      %xor3A_1707 = vector.broadcast %xor3A_1706 : i32 to vector<16xi32>
      %xor3A_1708 = arith.xori %iota3A, %xor3A_1707 : vector<16xi32>
      %lt3A_1709 = arith.constant 0 : i32
      %lt3A_1710 = vector.broadcast %lt3A_1709 : i32 to vector<16xi32>
      %lt3A_1711 = arith.cmpi slt, %xor3A_1708, %lt3A_1710 : vector<16xi32>
      %add3A_1712 = arith.constant 16 : i32
      %add3A_1713 = vector.broadcast %add3A_1712 : i32 to vector<16xi32>
      %add3A_1714 = arith.addi %xor3A_1708, %add3A_1713 : vector<16xi32>
      %select_n3A_1715 = arith.select %lt3A_1711, %add3A_1714, %xor3A_1708 : vector<16xi1>, vector<16xi32>
      %broadcast_in_dim3A_1716 = vector.shape_cast %select_n3A_1715 : vector<16xi32> to vector<16x1xi32>
      %gather3A_1717 = vector.shape_cast %broadcast_in_dim3A_1716 : vector<16x1xi32> to vector<16xi32>
      %gather3A_1718 = tpu.dynamic_gather %add3A_1705[%gather3A_1717] in [0] : vector<16xf32>, vector<16xi32> -> vector<16xf32>
      %add3A_1719 = arith.addf %add3A_1705, %gather3A_1718 : vector<16xf32>
      %xor3A_1720 = arith.constant 4 : i32
      %xor3A_1721 = vector.broadcast %xor3A_1720 : i32 to vector<16xi32>
      %xor3A_1722 = arith.xori %iota3A, %xor3A_1721 : vector<16xi32>
      %lt3A_1723 = arith.constant 0 : i32
      %lt3A_1724 = vector.broadcast %lt3A_1723 : i32 to vector<16xi32>
      %lt3A_1725 = arith.cmpi slt, %xor3A_1722, %lt3A_1724 : vector<16xi32>
      %add3A_1726 = arith.constant 16 : i32
      %add3A_1727 = vector.broadcast %add3A_1726 : i32 to vector<16xi32>
      %add3A_1728 = arith.addi %xor3A_1722, %add3A_1727 : vector<16xi32>
      %select_n3A_1729 = arith.select %lt3A_1725, %add3A_1728, %xor3A_1722 : vector<16xi1>, vector<16xi32>
      %broadcast_in_dim3A_1730 = vector.shape_cast %select_n3A_1729 : vector<16xi32> to vector<16x1xi32>
      %gather3A_1731 = vector.shape_cast %broadcast_in_dim3A_1730 : vector<16x1xi32> to vector<16xi32>
      %gather3A_1732 = tpu.dynamic_gather %add3A_1719[%gather3A_1731] in [0] : vector<16xf32>, vector<16xi32> -> vector<16xf32>
      %add3A_1733 = arith.addf %add3A_1719, %gather3A_1732 : vector<16xf32>
      %xor3A_1734 = arith.constant 2 : i32
      %xor3A_1735 = vector.broadcast %xor3A_1734 : i32 to vector<16xi32>
      %xor3A_1736 = arith.xori %iota3A, %xor3A_1735 : vector<16xi32>
      %lt3A_1737 = arith.constant 0 : i32
      %lt3A_1738 = vector.broadcast %lt3A_1737 : i32 to vector<16xi32>
      %lt3A_1739 = arith.cmpi slt, %xor3A_1736, %lt3A_1738 : vector<16xi32>
      %add3A_1740 = arith.constant 16 : i32
      %add3A_1741 = vector.broadcast %add3A_1740 : i32 to vector<16xi32>
      %add3A_1742 = arith.addi %xor3A_1736, %add3A_1741 : vector<16xi32>
      %select_n3A_1743 = arith.select %lt3A_1739, %add3A_1742, %xor3A_1736 : vector<16xi1>, vector<16xi32>
      %broadcast_in_dim3A_1744 = vector.shape_cast %select_n3A_1743 : vector<16xi32> to vector<16x1xi32>
      %gather3A_1745 = vector.shape_cast %broadcast_in_dim3A_1744 : vector<16x1xi32> to vector<16xi32>
      %gather3A_1746 = tpu.dynamic_gather %add3A_1733[%gather3A_1745] in [0] : vector<16xf32>, vector<16xi32> -> vector<16xf32>
      %add3A_1747 = arith.addf %add3A_1733, %gather3A_1746 : vector<16xf32>
      %xor3A_1748 = arith.constant 1 : i32
      %xor3A_1749 = vector.broadcast %xor3A_1748 : i32 to vector<16xi32>
      %xor3A_1750 = arith.xori %iota3A, %xor3A_1749 : vector<16xi32>
      %lt3A_1751 = arith.constant 0 : i32
      %lt3A_1752 = vector.broadcast %lt3A_1751 : i32 to vector<16xi32>
      %lt3A_1753 = arith.cmpi slt, %xor3A_1750, %lt3A_1752 : vector<16xi32>
      %add3A_1754 = arith.constant 16 : i32
      %add3A_1755 = vector.broadcast %add3A_1754 : i32 to vector<16xi32>
      %add3A_1756 = arith.addi %xor3A_1750, %add3A_1755 : vector<16xi32>
      %select_n3A_1757 = arith.select %lt3A_1753, %add3A_1756, %xor3A_1750 : vector<16xi1>, vector<16xi32>
      %broadcast_in_dim3A_1758 = vector.shape_cast %select_n3A_1757 : vector<16xi32> to vector<16x1xi32>
      %gather3A_1759 = vector.shape_cast %broadcast_in_dim3A_1758 : vector<16x1xi32> to vector<16xi32>
      %gather3A_1760 = tpu.dynamic_gather %add3A_1747[%gather3A_1759] in [0] : vector<16xf32>, vector<16xi32> -> vector<16xf32>
      %add3A_1761 = arith.addf %add3A_1747, %gather3A_1760 : vector<16xf32>
      %eq3A_1762 = arith.constant 11 : i32
      %eq3A_1763 = vector.broadcast %eq3A_1762 : i32 to vector<16xi32>
      %eq3A_1764 = arith.cmpi eq, %iota3A, %eq3A_1763 : vector<16xi32>
      %select_n3A_1765 = arith.select %eq3A_1764, %add3A_1761, %select_n3A_1619 : vector<16xi1>, vector<16xf32>
      %mul3A_1766 = arith.constant 16 : i32
      %mul3A_1767 = arith.muli %scan3A_18, %mul3A_1766 : i32
      %add3A_1768 = arith.constant 12 : i32
      %add3A_1769 = arith.addi %mul3A_1767, %add3A_1768 : i32
      %broadcast_in_dim3A_1770 = arith.constant 0.000000e+00 : f32
      %broadcast_in_dim3A_1771 = vector.broadcast %broadcast_in_dim3A_1770 : f32 to vector<16xf32>
      %get3A_1772 = arith.index_cast %add3A_1769 : i32 to index
      %get3A_1773 = arith.constant 0 : index
      %get3A_1774 = tpu.vector_load %arg9[%get3A_1772, %get3A_1773] {strides = array<i32>} : memref<128x128xf32, #tpu.memory_space<vmem>>, vector<1x16xf32>,
      %get3A_1775 = vector.shape_cast %get3A_1774 : vector<1x16xf32> to vector<16xf32>
      %get3A_1776 = arith.index_cast %add3A_1769 : i32 to index
      %get3A_1777 = arith.constant 0 : index
      %get3A_1778 = tpu.vector_load %arg10[%get3A_1776, %get3A_1777] {strides = array<i32>} : memref<128x128xf32, #tpu.memory_space<vmem>>, vector<1x16xf32>,
      %get3A_1779 = vector.shape_cast %get3A_1778 : vector<1x16xf32> to vector<16xf32>
      %mul3A_1780 = arith.mulf %get3A_1775, %get3A_1779 : vector<16xf32>
      %add3A_1781 = arith.addf %broadcast_in_dim3A_1771, %mul3A_1780 : vector<16xf32>
      %get3A_1782 = arith.index_cast %add3A_1769 : i32 to index
      %get3A_1783 = arith.constant 16 : index
      %get3A_1784 = tpu.vector_load %arg9[%get3A_1782, %get3A_1783] {strides = array<i32>} : memref<128x128xf32, #tpu.memory_space<vmem>>, vector<1x16xf32>,
      %get3A_1785 = vector.shape_cast %get3A_1784 : vector<1x16xf32> to vector<16xf32>
      %get3A_1786 = arith.index_cast %add3A_1769 : i32 to index
      %get3A_1787 = arith.constant 16 : index
      %get3A_1788 = tpu.vector_load %arg10[%get3A_1786, %get3A_1787] {strides = array<i32>} : memref<128x128xf32, #tpu.memory_space<vmem>>, vector<1x16xf32>,
      %get3A_1789 = vector.shape_cast %get3A_1788 : vector<1x16xf32> to vector<16xf32>
      %mul3A_1790 = arith.mulf %get3A_1785, %get3A_1789 : vector<16xf32>
      %add3A_1791 = arith.addf %add3A_1781, %mul3A_1790 : vector<16xf32>
      %get3A_1792 = arith.index_cast %add3A_1769 : i32 to index
      %get3A_1793 = arith.constant 32 : index
      %get3A_1794 = tpu.vector_load %arg9[%get3A_1792, %get3A_1793] {strides = array<i32>} : memref<128x128xf32, #tpu.memory_space<vmem>>, vector<1x16xf32>,
      %get3A_1795 = vector.shape_cast %get3A_1794 : vector<1x16xf32> to vector<16xf32>
      %get3A_1796 = arith.index_cast %add3A_1769 : i32 to index
      %get3A_1797 = arith.constant 32 : index
      %get3A_1798 = tpu.vector_load %arg10[%get3A_1796, %get3A_1797] {strides = array<i32>} : memref<128x128xf32, #tpu.memory_space<vmem>>, vector<1x16xf32>,
      %get3A_1799 = vector.shape_cast %get3A_1798 : vector<1x16xf32> to vector<16xf32>
      %mul3A_1800 = arith.mulf %get3A_1795, %get3A_1799 : vector<16xf32>
      %add3A_1801 = arith.addf %add3A_1791, %mul3A_1800 : vector<16xf32>
      %get3A_1802 = arith.index_cast %add3A_1769 : i32 to index
      %get3A_1803 = arith.constant 48 : index
      %get3A_1804 = tpu.vector_load %arg9[%get3A_1802, %get3A_1803] {strides = array<i32>} : memref<128x128xf32, #tpu.memory_space<vmem>>, vector<1x16xf32>,
      %get3A_1805 = vector.shape_cast %get3A_1804 : vector<1x16xf32> to vector<16xf32>
      %get3A_1806 = arith.index_cast %add3A_1769 : i32 to index
      %get3A_1807 = arith.constant 48 : index
      %get3A_1808 = tpu.vector_load %arg10[%get3A_1806, %get3A_1807] {strides = array<i32>} : memref<128x128xf32, #tpu.memory_space<vmem>>, vector<1x16xf32>,
      %get3A_1809 = vector.shape_cast %get3A_1808 : vector<1x16xf32> to vector<16xf32>
      %mul3A_1810 = arith.mulf %get3A_1805, %get3A_1809 : vector<16xf32>
      %add3A_1811 = arith.addf %add3A_1801, %mul3A_1810 : vector<16xf32>
      %get3A_1812 = arith.index_cast %add3A_1769 : i32 to index
      %get3A_1813 = arith.constant 64 : index
      %get3A_1814 = tpu.vector_load %arg9[%get3A_1812, %get3A_1813] {strides = array<i32>} : memref<128x128xf32, #tpu.memory_space<vmem>>, vector<1x16xf32>,
      %get3A_1815 = vector.shape_cast %get3A_1814 : vector<1x16xf32> to vector<16xf32>
      %get3A_1816 = arith.index_cast %add3A_1769 : i32 to index
      %get3A_1817 = arith.constant 64 : index
      %get3A_1818 = tpu.vector_load %arg10[%get3A_1816, %get3A_1817] {strides = array<i32>} : memref<128x128xf32, #tpu.memory_space<vmem>>, vector<1x16xf32>,
      %get3A_1819 = vector.shape_cast %get3A_1818 : vector<1x16xf32> to vector<16xf32>
      %mul3A_1820 = arith.mulf %get3A_1815, %get3A_1819 : vector<16xf32>
      %add3A_1821 = arith.addf %add3A_1811, %mul3A_1820 : vector<16xf32>
      %get3A_1822 = arith.index_cast %add3A_1769 : i32 to index
      %get3A_1823 = arith.constant 80 : index
      %get3A_1824 = tpu.vector_load %arg9[%get3A_1822, %get3A_1823] {strides = array<i32>} : memref<128x128xf32, #tpu.memory_space<vmem>>, vector<1x16xf32>,
      %get3A_1825 = vector.shape_cast %get3A_1824 : vector<1x16xf32> to vector<16xf32>
      %get3A_1826 = arith.index_cast %add3A_1769 : i32 to index
      %get3A_1827 = arith.constant 80 : index
      %get3A_1828 = tpu.vector_load %arg10[%get3A_1826, %get3A_1827] {strides = array<i32>} : memref<128x128xf32, #tpu.memory_space<vmem>>, vector<1x16xf32>,
      %get3A_1829 = vector.shape_cast %get3A_1828 : vector<1x16xf32> to vector<16xf32>
      %mul3A_1830 = arith.mulf %get3A_1825, %get3A_1829 : vector<16xf32>
      %add3A_1831 = arith.addf %add3A_1821, %mul3A_1830 : vector<16xf32>
      %get3A_1832 = arith.index_cast %add3A_1769 : i32 to index
      %get3A_1833 = arith.constant 96 : index
      %get3A_1834 = tpu.vector_load %arg9[%get3A_1832, %get3A_1833] {strides = array<i32>} : memref<128x128xf32, #tpu.memory_space<vmem>>, vector<1x16xf32>,
      %get3A_1835 = vector.shape_cast %get3A_1834 : vector<1x16xf32> to vector<16xf32>
      %get3A_1836 = arith.index_cast %add3A_1769 : i32 to index
      %get3A_1837 = arith.constant 96 : index
      %get3A_1838 = tpu.vector_load %arg10[%get3A_1836, %get3A_1837] {strides = array<i32>} : memref<128x128xf32, #tpu.memory_space<vmem>>, vector<1x16xf32>,
      %get3A_1839 = vector.shape_cast %get3A_1838 : vector<1x16xf32> to vector<16xf32>
      %mul3A_1840 = arith.mulf %get3A_1835, %get3A_1839 : vector<16xf32>
      %add3A_1841 = arith.addf %add3A_1831, %mul3A_1840 : vector<16xf32>
      %get3A_1842 = arith.index_cast %add3A_1769 : i32 to index
      %get3A_1843 = arith.constant 112 : index
      %get3A_1844 = tpu.vector_load %arg9[%get3A_1842, %get3A_1843] {strides = array<i32>} : memref<128x128xf32, #tpu.memory_space<vmem>>, vector<1x16xf32>,
      %get3A_1845 = vector.shape_cast %get3A_1844 : vector<1x16xf32> to vector<16xf32>
      %get3A_1846 = arith.index_cast %add3A_1769 : i32 to index
      %get3A_1847 = arith.constant 112 : index
      %get3A_1848 = tpu.vector_load %arg10[%get3A_1846, %get3A_1847] {strides = array<i32>} : memref<128x128xf32, #tpu.memory_space<vmem>>, vector<1x16xf32>,
      %get3A_1849 = vector.shape_cast %get3A_1848 : vector<1x16xf32> to vector<16xf32>
      %mul3A_1850 = arith.mulf %get3A_1845, %get3A_1849 : vector<16xf32>
      %add3A_1851 = arith.addf %add3A_1841, %mul3A_1850 : vector<16xf32>
      %xor3A_1852 = arith.constant 8 : i32
      %xor3A_1853 = vector.broadcast %xor3A_1852 : i32 to vector<16xi32>
      %xor3A_1854 = arith.xori %iota3A, %xor3A_1853 : vector<16xi32>
      %lt3A_1855 = arith.constant 0 : i32
      %lt3A_1856 = vector.broadcast %lt3A_1855 : i32 to vector<16xi32>
      %lt3A_1857 = arith.cmpi slt, %xor3A_1854, %lt3A_1856 : vector<16xi32>
      %add3A_1858 = arith.constant 16 : i32
      %add3A_1859 = vector.broadcast %add3A_1858 : i32 to vector<16xi32>
      %add3A_1860 = arith.addi %xor3A_1854, %add3A_1859 : vector<16xi32>
      %select_n3A_1861 = arith.select %lt3A_1857, %add3A_1860, %xor3A_1854 : vector<16xi1>, vector<16xi32>
      %broadcast_in_dim3A_1862 = vector.shape_cast %select_n3A_1861 : vector<16xi32> to vector<16x1xi32>
      %gather3A_1863 = vector.shape_cast %broadcast_in_dim3A_1862 : vector<16x1xi32> to vector<16xi32>
      %gather3A_1864 = tpu.dynamic_gather %add3A_1851[%gather3A_1863] in [0] : vector<16xf32>, vector<16xi32> -> vector<16xf32>
      %add3A_1865 = arith.addf %add3A_1851, %gather3A_1864 : vector<16xf32>
      %xor3A_1866 = arith.constant 4 : i32
      %xor3A_1867 = vector.broadcast %xor3A_1866 : i32 to vector<16xi32>
      %xor3A_1868 = arith.xori %iota3A, %xor3A_1867 : vector<16xi32>
      %lt3A_1869 = arith.constant 0 : i32
      %lt3A_1870 = vector.broadcast %lt3A_1869 : i32 to vector<16xi32>
      %lt3A_1871 = arith.cmpi slt, %xor3A_1868, %lt3A_1870 : vector<16xi32>
      %add3A_1872 = arith.constant 16 : i32
      %add3A_1873 = vector.broadcast %add3A_1872 : i32 to vector<16xi32>
      %add3A_1874 = arith.addi %xor3A_1868, %add3A_1873 : vector<16xi32>
      %select_n3A_1875 = arith.select %lt3A_1871, %add3A_1874, %xor3A_1868 : vector<16xi1>, vector<16xi32>
      %broadcast_in_dim3A_1876 = vector.shape_cast %select_n3A_1875 : vector<16xi32> to vector<16x1xi32>
      %gather3A_1877 = vector.shape_cast %broadcast_in_dim3A_1876 : vector<16x1xi32> to vector<16xi32>
      %gather3A_1878 = tpu.dynamic_gather %add3A_1865[%gather3A_1877] in [0] : vector<16xf32>, vector<16xi32> -> vector<16xf32>
      %add3A_1879 = arith.addf %add3A_1865, %gather3A_1878 : vector<16xf32>
      %xor3A_1880 = arith.constant 2 : i32
      %xor3A_1881 = vector.broadcast %xor3A_1880 : i32 to vector<16xi32>
      %xor3A_1882 = arith.xori %iota3A, %xor3A_1881 : vector<16xi32>
      %lt3A_1883 = arith.constant 0 : i32
      %lt3A_1884 = vector.broadcast %lt3A_1883 : i32 to vector<16xi32>
      %lt3A_1885 = arith.cmpi slt, %xor3A_1882, %lt3A_1884 : vector<16xi32>
      %add3A_1886 = arith.constant 16 : i32
      %add3A_1887 = vector.broadcast %add3A_1886 : i32 to vector<16xi32>
      %add3A_1888 = arith.addi %xor3A_1882, %add3A_1887 : vector<16xi32>
      %select_n3A_1889 = arith.select %lt3A_1885, %add3A_1888, %xor3A_1882 : vector<16xi1>, vector<16xi32>
      %broadcast_in_dim3A_1890 = vector.shape_cast %select_n3A_1889 : vector<16xi32> to vector<16x1xi32>
      %gather3A_1891 = vector.shape_cast %broadcast_in_dim3A_1890 : vector<16x1xi32> to vector<16xi32>
      %gather3A_1892 = tpu.dynamic_gather %add3A_1879[%gather3A_1891] in [0] : vector<16xf32>, vector<16xi32> -> vector<16xf32>
      %add3A_1893 = arith.addf %add3A_1879, %gather3A_1892 : vector<16xf32>
      %xor3A_1894 = arith.constant 1 : i32
      %xor3A_1895 = vector.broadcast %xor3A_1894 : i32 to vector<16xi32>
      %xor3A_1896 = arith.xori %iota3A, %xor3A_1895 : vector<16xi32>
      %lt3A_1897 = arith.constant 0 : i32
      %lt3A_1898 = vector.broadcast %lt3A_1897 : i32 to vector<16xi32>
      %lt3A_1899 = arith.cmpi slt, %xor3A_1896, %lt3A_1898 : vector<16xi32>
      %add3A_1900 = arith.constant 16 : i32
      %add3A_1901 = vector.broadcast %add3A_1900 : i32 to vector<16xi32>
      %add3A_1902 = arith.addi %xor3A_1896, %add3A_1901 : vector<16xi32>
      %select_n3A_1903 = arith.select %lt3A_1899, %add3A_1902, %xor3A_1896 : vector<16xi1>, vector<16xi32>
      %broadcast_in_dim3A_1904 = vector.shape_cast %select_n3A_1903 : vector<16xi32> to vector<16x1xi32>
      %gather3A_1905 = vector.shape_cast %broadcast_in_dim3A_1904 : vector<16x1xi32> to vector<16xi32>
      %gather3A_1906 = tpu.dynamic_gather %add3A_1893[%gather3A_1905] in [0] : vector<16xf32>, vector<16xi32> -> vector<16xf32>
      %add3A_1907 = arith.addf %add3A_1893, %gather3A_1906 : vector<16xf32>
      %eq3A_1908 = arith.constant 12 : i32
      %eq3A_1909 = vector.broadcast %eq3A_1908 : i32 to vector<16xi32>
      %eq3A_1910 = arith.cmpi eq, %iota3A, %eq3A_1909 : vector<16xi32>
      %select_n3A_1911 = arith.select %eq3A_1910, %add3A_1907, %select_n3A_1765 : vector<16xi1>, vector<16xf32>
      %mul3A_1912 = arith.constant 16 : i32
      %mul3A_1913 = arith.muli %scan3A_18, %mul3A_1912 : i32
      %add3A_1914 = arith.constant 13 : i32
      %add3A_1915 = arith.addi %mul3A_1913, %add3A_1914 : i32
      %broadcast_in_dim3A_1916 = arith.constant 0.000000e+00 : f32
      %broadcast_in_dim3A_1917 = vector.broadcast %broadcast_in_dim3A_1916 : f32 to vector<16xf32>
      %get3A_1918 = arith.index_cast %add3A_1915 : i32 to index
      %get3A_1919 = arith.constant 0 : index
      %get3A_1920 = tpu.vector_load %arg9[%get3A_1918, %get3A_1919] {strides = array<i32>} : memref<128x128xf32, #tpu.memory_space<vmem>>, vector<1x16xf32>,
      %get3A_1921 = vector.shape_cast %get3A_1920 : vector<1x16xf32> to vector<16xf32>
      %get3A_1922 = arith.index_cast %add3A_1915 : i32 to index
      %get3A_1923 = arith.constant 0 : index
      %get3A_1924 = tpu.vector_load %arg10[%get3A_1922, %get3A_1923] {strides = array<i32>} : memref<128x128xf32, #tpu.memory_space<vmem>>, vector<1x16xf32>,
      %get3A_1925 = vector.shape_cast %get3A_1924 : vector<1x16xf32> to vector<16xf32>
      %mul3A_1926 = arith.mulf %get3A_1921, %get3A_1925 : vector<16xf32>
      %add3A_1927 = arith.addf %broadcast_in_dim3A_1917, %mul3A_1926 : vector<16xf32>
      %get3A_1928 = arith.index_cast %add3A_1915 : i32 to index
      %get3A_1929 = arith.constant 16 : index
      %get3A_1930 = tpu.vector_load %arg9[%get3A_1928, %get3A_1929] {strides = array<i32>} : memref<128x128xf32, #tpu.memory_space<vmem>>, vector<1x16xf32>,
      %get3A_1931 = vector.shape_cast %get3A_1930 : vector<1x16xf32> to vector<16xf32>
      %get3A_1932 = arith.index_cast %add3A_1915 : i32 to index
      %get3A_1933 = arith.constant 16 : index
      %get3A_1934 = tpu.vector_load %arg10[%get3A_1932, %get3A_1933] {strides = array<i32>} : memref<128x128xf32, #tpu.memory_space<vmem>>, vector<1x16xf32>,
      %get3A_1935 = vector.shape_cast %get3A_1934 : vector<1x16xf32> to vector<16xf32>
      %mul3A_1936 = arith.mulf %get3A_1931, %get3A_1935 : vector<16xf32>
      %add3A_1937 = arith.addf %add3A_1927, %mul3A_1936 : vector<16xf32>
      %get3A_1938 = arith.index_cast %add3A_1915 : i32 to index
      %get3A_1939 = arith.constant 32 : index
      %get3A_1940 = tpu.vector_load %arg9[%get3A_1938, %get3A_1939] {strides = array<i32>} : memref<128x128xf32, #tpu.memory_space<vmem>>, vector<1x16xf32>,
      %get3A_1941 = vector.shape_cast %get3A_1940 : vector<1x16xf32> to vector<16xf32>
      %get3A_1942 = arith.index_cast %add3A_1915 : i32 to index
      %get3A_1943 = arith.constant 32 : index
      %get3A_1944 = tpu.vector_load %arg10[%get3A_1942, %get3A_1943] {strides = array<i32>} : memref<128x128xf32, #tpu.memory_space<vmem>>, vector<1x16xf32>,
      %get3A_1945 = vector.shape_cast %get3A_1944 : vector<1x16xf32> to vector<16xf32>
      %mul3A_1946 = arith.mulf %get3A_1941, %get3A_1945 : vector<16xf32>
      %add3A_1947 = arith.addf %add3A_1937, %mul3A_1946 : vector<16xf32>
      %get3A_1948 = arith.index_cast %add3A_1915 : i32 to index
      %get3A_1949 = arith.constant 48 : index
      %get3A_1950 = tpu.vector_load %arg9[%get3A_1948, %get3A_1949] {strides = array<i32>} : memref<128x128xf32, #tpu.memory_space<vmem>>, vector<1x16xf32>,
      %get3A_1951 = vector.shape_cast %get3A_1950 : vector<1x16xf32> to vector<16xf32>
      %get3A_1952 = arith.index_cast %add3A_1915 : i32 to index
      %get3A_1953 = arith.constant 48 : index
      %get3A_1954 = tpu.vector_load %arg10[%get3A_1952, %get3A_1953] {strides = array<i32>} : memref<128x128xf32, #tpu.memory_space<vmem>>, vector<1x16xf32>,
      %get3A_1955 = vector.shape_cast %get3A_1954 : vector<1x16xf32> to vector<16xf32>
      %mul3A_1956 = arith.mulf %get3A_1951, %get3A_1955 : vector<16xf32>
      %add3A_1957 = arith.addf %add3A_1947, %mul3A_1956 : vector<16xf32>
      %get3A_1958 = arith.index_cast %add3A_1915 : i32 to index
      %get3A_1959 = arith.constant 64 : index
      %get3A_1960 = tpu.vector_load %arg9[%get3A_1958, %get3A_1959] {strides = array<i32>} : memref<128x128xf32, #tpu.memory_space<vmem>>, vector<1x16xf32>,
      %get3A_1961 = vector.shape_cast %get3A_1960 : vector<1x16xf32> to vector<16xf32>
      %get3A_1962 = arith.index_cast %add3A_1915 : i32 to index
      %get3A_1963 = arith.constant 64 : index
      %get3A_1964 = tpu.vector_load %arg10[%get3A_1962, %get3A_1963] {strides = array<i32>} : memref<128x128xf32, #tpu.memory_space<vmem>>, vector<1x16xf32>,
      %get3A_1965 = vector.shape_cast %get3A_1964 : vector<1x16xf32> to vector<16xf32>
      %mul3A_1966 = arith.mulf %get3A_1961, %get3A_1965 : vector<16xf32>
      %add3A_1967 = arith.addf %add3A_1957, %mul3A_1966 : vector<16xf32>
      %get3A_1968 = arith.index_cast %add3A_1915 : i32 to index
      %get3A_1969 = arith.constant 80 : index
      %get3A_1970 = tpu.vector_load %arg9[%get3A_1968, %get3A_1969] {strides = array<i32>} : memref<128x128xf32, #tpu.memory_space<vmem>>, vector<1x16xf32>,
      %get3A_1971 = vector.shape_cast %get3A_1970 : vector<1x16xf32> to vector<16xf32>
      %get3A_1972 = arith.index_cast %add3A_1915 : i32 to index
      %get3A_1973 = arith.constant 80 : index
      %get3A_1974 = tpu.vector_load %arg10[%get3A_1972, %get3A_1973] {strides = array<i32>} : memref<128x128xf32, #tpu.memory_space<vmem>>, vector<1x16xf32>,
      %get3A_1975 = vector.shape_cast %get3A_1974 : vector<1x16xf32> to vector<16xf32>
      %mul3A_1976 = arith.mulf %get3A_1971, %get3A_1975 : vector<16xf32>
      %add3A_1977 = arith.addf %add3A_1967, %mul3A_1976 : vector<16xf32>
      %get3A_1978 = arith.index_cast %add3A_1915 : i32 to index
      %get3A_1979 = arith.constant 96 : index
      %get3A_1980 = tpu.vector_load %arg9[%get3A_1978, %get3A_1979] {strides = array<i32>} : memref<128x128xf32, #tpu.memory_space<vmem>>, vector<1x16xf32>,
      %get3A_1981 = vector.shape_cast %get3A_1980 : vector<1x16xf32> to vector<16xf32>
      %get3A_1982 = arith.index_cast %add3A_1915 : i32 to index
      %get3A_1983 = arith.constant 96 : index
      %get3A_1984 = tpu.vector_load %arg10[%get3A_1982, %get3A_1983] {strides = array<i32>} : memref<128x128xf32, #tpu.memory_space<vmem>>, vector<1x16xf32>,
      %get3A_1985 = vector.shape_cast %get3A_1984 : vector<1x16xf32> to vector<16xf32>
      %mul3A_1986 = arith.mulf %get3A_1981, %get3A_1985 : vector<16xf32>
      %add3A_1987 = arith.addf %add3A_1977, %mul3A_1986 : vector<16xf32>
      %get3A_1988 = arith.index_cast %add3A_1915 : i32 to index
      %get3A_1989 = arith.constant 112 : index
      %get3A_1990 = tpu.vector_load %arg9[%get3A_1988, %get3A_1989] {strides = array<i32>} : memref<128x128xf32, #tpu.memory_space<vmem>>, vector<1x16xf32>,
      %get3A_1991 = vector.shape_cast %get3A_1990 : vector<1x16xf32> to vector<16xf32>
      %get3A_1992 = arith.index_cast %add3A_1915 : i32 to index
      %get3A_1993 = arith.constant 112 : index
      %get3A_1994 = tpu.vector_load %arg10[%get3A_1992, %get3A_1993] {strides = array<i32>} : memref<128x128xf32, #tpu.memory_space<vmem>>, vector<1x16xf32>,
      %get3A_1995 = vector.shape_cast %get3A_1994 : vector<1x16xf32> to vector<16xf32>
      %mul3A_1996 = arith.mulf %get3A_1991, %get3A_1995 : vector<16xf32>
      %add3A_1997 = arith.addf %add3A_1987, %mul3A_1996 : vector<16xf32>
      %xor3A_1998 = arith.constant 8 : i32
      %xor3A_1999 = vector.broadcast %xor3A_1998 : i32 to vector<16xi32>
      %xor3A_2000 = arith.xori %iota3A, %xor3A_1999 : vector<16xi32>
      %lt3A_2001 = arith.constant 0 : i32
      %lt3A_2002 = vector.broadcast %lt3A_2001 : i32 to vector<16xi32>
      %lt3A_2003 = arith.cmpi slt, %xor3A_2000, %lt3A_2002 : vector<16xi32>
      %add3A_2004 = arith.constant 16 : i32
      %add3A_2005 = vector.broadcast %add3A_2004 : i32 to vector<16xi32>
      %add3A_2006 = arith.addi %xor3A_2000, %add3A_2005 : vector<16xi32>
      %select_n3A_2007 = arith.select %lt3A_2003, %add3A_2006, %xor3A_2000 : vector<16xi1>, vector<16xi32>
      %broadcast_in_dim3A_2008 = vector.shape_cast %select_n3A_2007 : vector<16xi32> to vector<16x1xi32>
      %gather3A_2009 = vector.shape_cast %broadcast_in_dim3A_2008 : vector<16x1xi32> to vector<16xi32>
      %gather3A_2010 = tpu.dynamic_gather %add3A_1997[%gather3A_2009] in [0] : vector<16xf32>, vector<16xi32> -> vector<16xf32>
      %add3A_2011 = arith.addf %add3A_1997, %gather3A_2010 : vector<16xf32>
      %xor3A_2012 = arith.constant 4 : i32
      %xor3A_2013 = vector.broadcast %xor3A_2012 : i32 to vector<16xi32>
      %xor3A_2014 = arith.xori %iota3A, %xor3A_2013 : vector<16xi32>
      %lt3A_2015 = arith.constant 0 : i32
      %lt3A_2016 = vector.broadcast %lt3A_2015 : i32 to vector<16xi32>
      %lt3A_2017 = arith.cmpi slt, %xor3A_2014, %lt3A_2016 : vector<16xi32>
      %add3A_2018 = arith.constant 16 : i32
      %add3A_2019 = vector.broadcast %add3A_2018 : i32 to vector<16xi32>
      %add3A_2020 = arith.addi %xor3A_2014, %add3A_2019 : vector<16xi32>
      %select_n3A_2021 = arith.select %lt3A_2017, %add3A_2020, %xor3A_2014 : vector<16xi1>, vector<16xi32>
      %broadcast_in_dim3A_2022 = vector.shape_cast %select_n3A_2021 : vector<16xi32> to vector<16x1xi32>
      %gather3A_2023 = vector.shape_cast %broadcast_in_dim3A_2022 : vector<16x1xi32> to vector<16xi32>
      %gather3A_2024 = tpu.dynamic_gather %add3A_2011[%gather3A_2023] in [0] : vector<16xf32>, vector<16xi32> -> vector<16xf32>
      %add3A_2025 = arith.addf %add3A_2011, %gather3A_2024 : vector<16xf32>
      %xor3A_2026 = arith.constant 2 : i32
      %xor3A_2027 = vector.broadcast %xor3A_2026 : i32 to vector<16xi32>
      %xor3A_2028 = arith.xori %iota3A, %xor3A_2027 : vector<16xi32>
      %lt3A_2029 = arith.constant 0 : i32
      %lt3A_2030 = vector.broadcast %lt3A_2029 : i32 to vector<16xi32>
      %lt3A_2031 = arith.cmpi slt, %xor3A_2028, %lt3A_2030 : vector<16xi32>
      %add3A_2032 = arith.constant 16 : i32
      %add3A_2033 = vector.broadcast %add3A_2032 : i32 to vector<16xi32>
      %add3A_2034 = arith.addi %xor3A_2028, %add3A_2033 : vector<16xi32>
      %select_n3A_2035 = arith.select %lt3A_2031, %add3A_2034, %xor3A_2028 : vector<16xi1>, vector<16xi32>
      %broadcast_in_dim3A_2036 = vector.shape_cast %select_n3A_2035 : vector<16xi32> to vector<16x1xi32>
      %gather3A_2037 = vector.shape_cast %broadcast_in_dim3A_2036 : vector<16x1xi32> to vector<16xi32>
      %gather3A_2038 = tpu.dynamic_gather %add3A_2025[%gather3A_2037] in [0] : vector<16xf32>, vector<16xi32> -> vector<16xf32>
      %add3A_2039 = arith.addf %add3A_2025, %gather3A_2038 : vector<16xf32>
      %xor3A_2040 = arith.constant 1 : i32
      %xor3A_2041 = vector.broadcast %xor3A_2040 : i32 to vector<16xi32>
      %xor3A_2042 = arith.xori %iota3A, %xor3A_2041 : vector<16xi32>
      %lt3A_2043 = arith.constant 0 : i32
      %lt3A_2044 = vector.broadcast %lt3A_2043 : i32 to vector<16xi32>
      %lt3A_2045 = arith.cmpi slt, %xor3A_2042, %lt3A_2044 : vector<16xi32>
      %add3A_2046 = arith.constant 16 : i32
      %add3A_2047 = vector.broadcast %add3A_2046 : i32 to vector<16xi32>
      %add3A_2048 = arith.addi %xor3A_2042, %add3A_2047 : vector<16xi32>
      %select_n3A_2049 = arith.select %lt3A_2045, %add3A_2048, %xor3A_2042 : vector<16xi1>, vector<16xi32>
      %broadcast_in_dim3A_2050 = vector.shape_cast %select_n3A_2049 : vector<16xi32> to vector<16x1xi32>
      %gather3A_2051 = vector.shape_cast %broadcast_in_dim3A_2050 : vector<16x1xi32> to vector<16xi32>
      %gather3A_2052 = tpu.dynamic_gather %add3A_2039[%gather3A_2051] in [0] : vector<16xf32>, vector<16xi32> -> vector<16xf32>
      %add3A_2053 = arith.addf %add3A_2039, %gather3A_2052 : vector<16xf32>
      %eq3A_2054 = arith.constant 13 : i32
      %eq3A_2055 = vector.broadcast %eq3A_2054 : i32 to vector<16xi32>
      %eq3A_2056 = arith.cmpi eq, %iota3A, %eq3A_2055 : vector<16xi32>
      %select_n3A_2057 = arith.select %eq3A_2056, %add3A_2053, %select_n3A_1911 : vector<16xi1>, vector<16xf32>
      %mul3A_2058 = arith.constant 16 : i32
      %mul3A_2059 = arith.muli %scan3A_18, %mul3A_2058 : i32
      %add3A_2060 = arith.constant 14 : i32
      %add3A_2061 = arith.addi %mul3A_2059, %add3A_2060 : i32
      %broadcast_in_dim3A_2062 = arith.constant 0.000000e+00 : f32
      %broadcast_in_dim3A_2063 = vector.broadcast %broadcast_in_dim3A_2062 : f32 to vector<16xf32>
      %get3A_2064 = arith.index_cast %add3A_2061 : i32 to index
      %get3A_2065 = arith.constant 0 : index
      %get3A_2066 = tpu.vector_load %arg9[%get3A_2064, %get3A_2065] {strides = array<i32>} : memref<128x128xf32, #tpu.memory_space<vmem>>, vector<1x16xf32>,
      %get3A_2067 = vector.shape_cast %get3A_2066 : vector<1x16xf32> to vector<16xf32>
      %get3A_2068 = arith.index_cast %add3A_2061 : i32 to index
      %get3A_2069 = arith.constant 0 : index
      %get3A_2070 = tpu.vector_load %arg10[%get3A_2068, %get3A_2069] {strides = array<i32>} : memref<128x128xf32, #tpu.memory_space<vmem>>, vector<1x16xf32>,
      %get3A_2071 = vector.shape_cast %get3A_2070 : vector<1x16xf32> to vector<16xf32>
      %mul3A_2072 = arith.mulf %get3A_2067, %get3A_2071 : vector<16xf32>
      %add3A_2073 = arith.addf %broadcast_in_dim3A_2063, %mul3A_2072 : vector<16xf32>
      %get3A_2074 = arith.index_cast %add3A_2061 : i32 to index
      %get3A_2075 = arith.constant 16 : index
      %get3A_2076 = tpu.vector_load %arg9[%get3A_2074, %get3A_2075] {strides = array<i32>} : memref<128x128xf32, #tpu.memory_space<vmem>>, vector<1x16xf32>,
      %get3A_2077 = vector.shape_cast %get3A_2076 : vector<1x16xf32> to vector<16xf32>
      %get3A_2078 = arith.index_cast %add3A_2061 : i32 to index
      %get3A_2079 = arith.constant 16 : index
      %get3A_2080 = tpu.vector_load %arg10[%get3A_2078, %get3A_2079] {strides = array<i32>} : memref<128x128xf32, #tpu.memory_space<vmem>>, vector<1x16xf32>,
      %get3A_2081 = vector.shape_cast %get3A_2080 : vector<1x16xf32> to vector<16xf32>
      %mul3A_2082 = arith.mulf %get3A_2077, %get3A_2081 : vector<16xf32>
      %add3A_2083 = arith.addf %add3A_2073, %mul3A_2082 : vector<16xf32>
      %get3A_2084 = arith.index_cast %add3A_2061 : i32 to index
      %get3A_2085 = arith.constant 32 : index
      %get3A_2086 = tpu.vector_load %arg9[%get3A_2084, %get3A_2085] {strides = array<i32>} : memref<128x128xf32, #tpu.memory_space<vmem>>, vector<1x16xf32>,
      %get3A_2087 = vector.shape_cast %get3A_2086 : vector<1x16xf32> to vector<16xf32>
      %get3A_2088 = arith.index_cast %add3A_2061 : i32 to index
      %get3A_2089 = arith.constant 32 : index
      %get3A_2090 = tpu.vector_load %arg10[%get3A_2088, %get3A_2089] {strides = array<i32>} : memref<128x128xf32, #tpu.memory_space<vmem>>, vector<1x16xf32>,
      %get3A_2091 = vector.shape_cast %get3A_2090 : vector<1x16xf32> to vector<16xf32>
      %mul3A_2092 = arith.mulf %get3A_2087, %get3A_2091 : vector<16xf32>
      %add3A_2093 = arith.addf %add3A_2083, %mul3A_2092 : vector<16xf32>
      %get3A_2094 = arith.index_cast %add3A_2061 : i32 to index
      %get3A_2095 = arith.constant 48 : index
      %get3A_2096 = tpu.vector_load %arg9[%get3A_2094, %get3A_2095] {strides = array<i32>} : memref<128x128xf32, #tpu.memory_space<vmem>>, vector<1x16xf32>,
      %get3A_2097 = vector.shape_cast %get3A_2096 : vector<1x16xf32> to vector<16xf32>
      %get3A_2098 = arith.index_cast %add3A_2061 : i32 to index
      %get3A_2099 = arith.constant 48 : index
      %get3A_2100 = tpu.vector_load %arg10[%get3A_2098, %get3A_2099] {strides = array<i32>} : memref<128x128xf32, #tpu.memory_space<vmem>>, vector<1x16xf32>,
      %get3A_2101 = vector.shape_cast %get3A_2100 : vector<1x16xf32> to vector<16xf32>
      %mul3A_2102 = arith.mulf %get3A_2097, %get3A_2101 : vector<16xf32>
      %add3A_2103 = arith.addf %add3A_2093, %mul3A_2102 : vector<16xf32>
      %get3A_2104 = arith.index_cast %add3A_2061 : i32 to index
      %get3A_2105 = arith.constant 64 : index
      %get3A_2106 = tpu.vector_load %arg9[%get3A_2104, %get3A_2105] {strides = array<i32>} : memref<128x128xf32, #tpu.memory_space<vmem>>, vector<1x16xf32>,
      %get3A_2107 = vector.shape_cast %get3A_2106 : vector<1x16xf32> to vector<16xf32>
      %get3A_2108 = arith.index_cast %add3A_2061 : i32 to index
      %get3A_2109 = arith.constant 64 : index
      %get3A_2110 = tpu.vector_load %arg10[%get3A_2108, %get3A_2109] {strides = array<i32>} : memref<128x128xf32, #tpu.memory_space<vmem>>, vector<1x16xf32>,
      %get3A_2111 = vector.shape_cast %get3A_2110 : vector<1x16xf32> to vector<16xf32>
      %mul3A_2112 = arith.mulf %get3A_2107, %get3A_2111 : vector<16xf32>
      %add3A_2113 = arith.addf %add3A_2103, %mul3A_2112 : vector<16xf32>
      %get3A_2114 = arith.index_cast %add3A_2061 : i32 to index
      %get3A_2115 = arith.constant 80 : index
      %get3A_2116 = tpu.vector_load %arg9[%get3A_2114, %get3A_2115] {strides = array<i32>} : memref<128x128xf32, #tpu.memory_space<vmem>>, vector<1x16xf32>,
      %get3A_2117 = vector.shape_cast %get3A_2116 : vector<1x16xf32> to vector<16xf32>
      %get3A_2118 = arith.index_cast %add3A_2061 : i32 to index
      %get3A_2119 = arith.constant 80 : index
      %get3A_2120 = tpu.vector_load %arg10[%get3A_2118, %get3A_2119] {strides = array<i32>} : memref<128x128xf32, #tpu.memory_space<vmem>>, vector<1x16xf32>,
      %get3A_2121 = vector.shape_cast %get3A_2120 : vector<1x16xf32> to vector<16xf32>
      %mul3A_2122 = arith.mulf %get3A_2117, %get3A_2121 : vector<16xf32>
      %add3A_2123 = arith.addf %add3A_2113, %mul3A_2122 : vector<16xf32>
      %get3A_2124 = arith.index_cast %add3A_2061 : i32 to index
      %get3A_2125 = arith.constant 96 : index
      %get3A_2126 = tpu.vector_load %arg9[%get3A_2124, %get3A_2125] {strides = array<i32>} : memref<128x128xf32, #tpu.memory_space<vmem>>, vector<1x16xf32>,
      %get3A_2127 = vector.shape_cast %get3A_2126 : vector<1x16xf32> to vector<16xf32>
      %get3A_2128 = arith.index_cast %add3A_2061 : i32 to index
      %get3A_2129 = arith.constant 96 : index
      %get3A_2130 = tpu.vector_load %arg10[%get3A_2128, %get3A_2129] {strides = array<i32>} : memref<128x128xf32, #tpu.memory_space<vmem>>, vector<1x16xf32>,
      %get3A_2131 = vector.shape_cast %get3A_2130 : vector<1x16xf32> to vector<16xf32>
      %mul3A_2132 = arith.mulf %get3A_2127, %get3A_2131 : vector<16xf32>
      %add3A_2133 = arith.addf %add3A_2123, %mul3A_2132 : vector<16xf32>
      %get3A_2134 = arith.index_cast %add3A_2061 : i32 to index
      %get3A_2135 = arith.constant 112 : index
      %get3A_2136 = tpu.vector_load %arg9[%get3A_2134, %get3A_2135] {strides = array<i32>} : memref<128x128xf32, #tpu.memory_space<vmem>>, vector<1x16xf32>,
      %get3A_2137 = vector.shape_cast %get3A_2136 : vector<1x16xf32> to vector<16xf32>
      %get3A_2138 = arith.index_cast %add3A_2061 : i32 to index
      %get3A_2139 = arith.constant 112 : index
      %get3A_2140 = tpu.vector_load %arg10[%get3A_2138, %get3A_2139] {strides = array<i32>} : memref<128x128xf32, #tpu.memory_space<vmem>>, vector<1x16xf32>,
      %get3A_2141 = vector.shape_cast %get3A_2140 : vector<1x16xf32> to vector<16xf32>
      %mul3A_2142 = arith.mulf %get3A_2137, %get3A_2141 : vector<16xf32>
      %add3A_2143 = arith.addf %add3A_2133, %mul3A_2142 : vector<16xf32>
      %xor3A_2144 = arith.constant 8 : i32
      %xor3A_2145 = vector.broadcast %xor3A_2144 : i32 to vector<16xi32>
      %xor3A_2146 = arith.xori %iota3A, %xor3A_2145 : vector<16xi32>
      %lt3A_2147 = arith.constant 0 : i32
      %lt3A_2148 = vector.broadcast %lt3A_2147 : i32 to vector<16xi32>
      %lt3A_2149 = arith.cmpi slt, %xor3A_2146, %lt3A_2148 : vector<16xi32>
      %add3A_2150 = arith.constant 16 : i32
      %add3A_2151 = vector.broadcast %add3A_2150 : i32 to vector<16xi32>
      %add3A_2152 = arith.addi %xor3A_2146, %add3A_2151 : vector<16xi32>
      %select_n3A_2153 = arith.select %lt3A_2149, %add3A_2152, %xor3A_2146 : vector<16xi1>, vector<16xi32>
      %broadcast_in_dim3A_2154 = vector.shape_cast %select_n3A_2153 : vector<16xi32> to vector<16x1xi32>
      %gather3A_2155 = vector.shape_cast %broadcast_in_dim3A_2154 : vector<16x1xi32> to vector<16xi32>
      %gather3A_2156 = tpu.dynamic_gather %add3A_2143[%gather3A_2155] in [0] : vector<16xf32>, vector<16xi32> -> vector<16xf32>
      %add3A_2157 = arith.addf %add3A_2143, %gather3A_2156 : vector<16xf32>
      %xor3A_2158 = arith.constant 4 : i32
      %xor3A_2159 = vector.broadcast %xor3A_2158 : i32 to vector<16xi32>
      %xor3A_2160 = arith.xori %iota3A, %xor3A_2159 : vector<16xi32>
      %lt3A_2161 = arith.constant 0 : i32
      %lt3A_2162 = vector.broadcast %lt3A_2161 : i32 to vector<16xi32>
      %lt3A_2163 = arith.cmpi slt, %xor3A_2160, %lt3A_2162 : vector<16xi32>
      %add3A_2164 = arith.constant 16 : i32
      %add3A_2165 = vector.broadcast %add3A_2164 : i32 to vector<16xi32>
      %add3A_2166 = arith.addi %xor3A_2160, %add3A_2165 : vector<16xi32>
      %select_n3A_2167 = arith.select %lt3A_2163, %add3A_2166, %xor3A_2160 : vector<16xi1>, vector<16xi32>
      %broadcast_in_dim3A_2168 = vector.shape_cast %select_n3A_2167 : vector<16xi32> to vector<16x1xi32>
      %gather3A_2169 = vector.shape_cast %broadcast_in_dim3A_2168 : vector<16x1xi32> to vector<16xi32>
      %gather3A_2170 = tpu.dynamic_gather %add3A_2157[%gather3A_2169] in [0] : vector<16xf32>, vector<16xi32> -> vector<16xf32>
      %add3A_2171 = arith.addf %add3A_2157, %gather3A_2170 : vector<16xf32>
      %xor3A_2172 = arith.constant 2 : i32
      %xor3A_2173 = vector.broadcast %xor3A_2172 : i32 to vector<16xi32>
      %xor3A_2174 = arith.xori %iota3A, %xor3A_2173 : vector<16xi32>
      %lt3A_2175 = arith.constant 0 : i32
      %lt3A_2176 = vector.broadcast %lt3A_2175 : i32 to vector<16xi32>
      %lt3A_2177 = arith.cmpi slt, %xor3A_2174, %lt3A_2176 : vector<16xi32>
      %add3A_2178 = arith.constant 16 : i32
      %add3A_2179 = vector.broadcast %add3A_2178 : i32 to vector<16xi32>
      %add3A_2180 = arith.addi %xor3A_2174, %add3A_2179 : vector<16xi32>
      %select_n3A_2181 = arith.select %lt3A_2177, %add3A_2180, %xor3A_2174 : vector<16xi1>, vector<16xi32>
      %broadcast_in_dim3A_2182 = vector.shape_cast %select_n3A_2181 : vector<16xi32> to vector<16x1xi32>
      %gather3A_2183 = vector.shape_cast %broadcast_in_dim3A_2182 : vector<16x1xi32> to vector<16xi32>
      %gather3A_2184 = tpu.dynamic_gather %add3A_2171[%gather3A_2183] in [0] : vector<16xf32>, vector<16xi32> -> vector<16xf32>
      %add3A_2185 = arith.addf %add3A_2171, %gather3A_2184 : vector<16xf32>
      %xor3A_2186 = arith.constant 1 : i32
      %xor3A_2187 = vector.broadcast %xor3A_2186 : i32 to vector<16xi32>
      %xor3A_2188 = arith.xori %iota3A, %xor3A_2187 : vector<16xi32>
      %lt3A_2189 = arith.constant 0 : i32
      %lt3A_2190 = vector.broadcast %lt3A_2189 : i32 to vector<16xi32>
      %lt3A_2191 = arith.cmpi slt, %xor3A_2188, %lt3A_2190 : vector<16xi32>
      %add3A_2192 = arith.constant 16 : i32
      %add3A_2193 = vector.broadcast %add3A_2192 : i32 to vector<16xi32>
      %add3A_2194 = arith.addi %xor3A_2188, %add3A_2193 : vector<16xi32>
      %select_n3A_2195 = arith.select %lt3A_2191, %add3A_2194, %xor3A_2188 : vector<16xi1>, vector<16xi32>
      %broadcast_in_dim3A_2196 = vector.shape_cast %select_n3A_2195 : vector<16xi32> to vector<16x1xi32>
      %gather3A_2197 = vector.shape_cast %broadcast_in_dim3A_2196 : vector<16x1xi32> to vector<16xi32>
      %gather3A_2198 = tpu.dynamic_gather %add3A_2185[%gather3A_2197] in [0] : vector<16xf32>, vector<16xi32> -> vector<16xf32>
      %add3A_2199 = arith.addf %add3A_2185, %gather3A_2198 : vector<16xf32>
      %eq3A_2200 = arith.constant 14 : i32
      %eq3A_2201 = vector.broadcast %eq3A_2200 : i32 to vector<16xi32>
      %eq3A_2202 = arith.cmpi eq, %iota3A, %eq3A_2201 : vector<16xi32>
      %select_n3A_2203 = arith.select %eq3A_2202, %add3A_2199, %select_n3A_2057 : vector<16xi1>, vector<16xf32>
      %mul3A_2204 = arith.constant 16 : i32
      %mul3A_2205 = arith.muli %scan3A_18, %mul3A_2204 : i32
      %add3A_2206 = arith.constant 15 : i32
      %add3A_2207 = arith.addi %mul3A_2205, %add3A_2206 : i32
      %broadcast_in_dim3A_2208 = arith.constant 0.000000e+00 : f32
      %broadcast_in_dim3A_2209 = vector.broadcast %broadcast_in_dim3A_2208 : f32 to vector<16xf32>
      %get3A_2210 = arith.index_cast %add3A_2207 : i32 to index
      %get3A_2211 = arith.constant 0 : index
      %get3A_2212 = tpu.vector_load %arg9[%get3A_2210, %get3A_2211] {strides = array<i32>} : memref<128x128xf32, #tpu.memory_space<vmem>>, vector<1x16xf32>,
      %get3A_2213 = vector.shape_cast %get3A_2212 : vector<1x16xf32> to vector<16xf32>
      %get3A_2214 = arith.index_cast %add3A_2207 : i32 to index
      %get3A_2215 = arith.constant 0 : index
      %get3A_2216 = tpu.vector_load %arg10[%get3A_2214, %get3A_2215] {strides = array<i32>} : memref<128x128xf32, #tpu.memory_space<vmem>>, vector<1x16xf32>,
      %get3A_2217 = vector.shape_cast %get3A_2216 : vector<1x16xf32> to vector<16xf32>
      %mul3A_2218 = arith.mulf %get3A_2213, %get3A_2217 : vector<16xf32>
      %add3A_2219 = arith.addf %broadcast_in_dim3A_2209, %mul3A_2218 : vector<16xf32>
      %get3A_2220 = arith.index_cast %add3A_2207 : i32 to index
      %get3A_2221 = arith.constant 16 : index
      %get3A_2222 = tpu.vector_load %arg9[%get3A_2220, %get3A_2221] {strides = array<i32>} : memref<128x128xf32, #tpu.memory_space<vmem>>, vector<1x16xf32>,
      %get3A_2223 = vector.shape_cast %get3A_2222 : vector<1x16xf32> to vector<16xf32>
      %get3A_2224 = arith.index_cast %add3A_2207 : i32 to index
      %get3A_2225 = arith.constant 16 : index
      %get3A_2226 = tpu.vector_load %arg10[%get3A_2224, %get3A_2225] {strides = array<i32>} : memref<128x128xf32, #tpu.memory_space<vmem>>, vector<1x16xf32>,
      %get3A_2227 = vector.shape_cast %get3A_2226 : vector<1x16xf32> to vector<16xf32>
      %mul3A_2228 = arith.mulf %get3A_2223, %get3A_2227 : vector<16xf32>
      %add3A_2229 = arith.addf %add3A_2219, %mul3A_2228 : vector<16xf32>
      %get3A_2230 = arith.index_cast %add3A_2207 : i32 to index
      %get3A_2231 = arith.constant 32 : index
      %get3A_2232 = tpu.vector_load %arg9[%get3A_2230, %get3A_2231] {strides = array<i32>} : memref<128x128xf32, #tpu.memory_space<vmem>>, vector<1x16xf32>,
      %get3A_2233 = vector.shape_cast %get3A_2232 : vector<1x16xf32> to vector<16xf32>
      %get3A_2234 = arith.index_cast %add3A_2207 : i32 to index
      %get3A_2235 = arith.constant 32 : index
      %get3A_2236 = tpu.vector_load %arg10[%get3A_2234, %get3A_2235] {strides = array<i32>} : memref<128x128xf32, #tpu.memory_space<vmem>>, vector<1x16xf32>,
      %get3A_2237 = vector.shape_cast %get3A_2236 : vector<1x16xf32> to vector<16xf32>
      %mul3A_2238 = arith.mulf %get3A_2233, %get3A_2237 : vector<16xf32>
      %add3A_2239 = arith.addf %add3A_2229, %mul3A_2238 : vector<16xf32>
      %get3A_2240 = arith.index_cast %add3A_2207 : i32 to index
      %get3A_2241 = arith.constant 48 : index
      %get3A_2242 = tpu.vector_load %arg9[%get3A_2240, %get3A_2241] {strides = array<i32>} : memref<128x128xf32, #tpu.memory_space<vmem>>, vector<1x16xf32>,
      %get3A_2243 = vector.shape_cast %get3A_2242 : vector<1x16xf32> to vector<16xf32>
      %get3A_2244 = arith.index_cast %add3A_2207 : i32 to index
      %get3A_2245 = arith.constant 48 : index
      %get3A_2246 = tpu.vector_load %arg10[%get3A_2244, %get3A_2245] {strides = array<i32>} : memref<128x128xf32, #tpu.memory_space<vmem>>, vector<1x16xf32>,
      %get3A_2247 = vector.shape_cast %get3A_2246 : vector<1x16xf32> to vector<16xf32>
      %mul3A_2248 = arith.mulf %get3A_2243, %get3A_2247 : vector<16xf32>
      %add3A_2249 = arith.addf %add3A_2239, %mul3A_2248 : vector<16xf32>
      %get3A_2250 = arith.index_cast %add3A_2207 : i32 to index
      %get3A_2251 = arith.constant 64 : index
      %get3A_2252 = tpu.vector_load %arg9[%get3A_2250, %get3A_2251] {strides = array<i32>} : memref<128x128xf32, #tpu.memory_space<vmem>>, vector<1x16xf32>,
      %get3A_2253 = vector.shape_cast %get3A_2252 : vector<1x16xf32> to vector<16xf32>
      %get3A_2254 = arith.index_cast %add3A_2207 : i32 to index
      %get3A_2255 = arith.constant 64 : index
      %get3A_2256 = tpu.vector_load %arg10[%get3A_2254, %get3A_2255] {strides = array<i32>} : memref<128x128xf32, #tpu.memory_space<vmem>>, vector<1x16xf32>,
      %get3A_2257 = vector.shape_cast %get3A_2256 : vector<1x16xf32> to vector<16xf32>
      %mul3A_2258 = arith.mulf %get3A_2253, %get3A_2257 : vector<16xf32>
      %add3A_2259 = arith.addf %add3A_2249, %mul3A_2258 : vector<16xf32>
      %get3A_2260 = arith.index_cast %add3A_2207 : i32 to index
      %get3A_2261 = arith.constant 80 : index
      %get3A_2262 = tpu.vector_load %arg9[%get3A_2260, %get3A_2261] {strides = array<i32>} : memref<128x128xf32, #tpu.memory_space<vmem>>, vector<1x16xf32>,
      %get3A_2263 = vector.shape_cast %get3A_2262 : vector<1x16xf32> to vector<16xf32>
      %get3A_2264 = arith.index_cast %add3A_2207 : i32 to index
      %get3A_2265 = arith.constant 80 : index
      %get3A_2266 = tpu.vector_load %arg10[%get3A_2264, %get3A_2265] {strides = array<i32>} : memref<128x128xf32, #tpu.memory_space<vmem>>, vector<1x16xf32>,
      %get3A_2267 = vector.shape_cast %get3A_2266 : vector<1x16xf32> to vector<16xf32>
      %mul3A_2268 = arith.mulf %get3A_2263, %get3A_2267 : vector<16xf32>
      %add3A_2269 = arith.addf %add3A_2259, %mul3A_2268 : vector<16xf32>
      %get3A_2270 = arith.index_cast %add3A_2207 : i32 to index
      %get3A_2271 = arith.constant 96 : index
      %get3A_2272 = tpu.vector_load %arg9[%get3A_2270, %get3A_2271] {strides = array<i32>} : memref<128x128xf32, #tpu.memory_space<vmem>>, vector<1x16xf32>,
      %get3A_2273 = vector.shape_cast %get3A_2272 : vector<1x16xf32> to vector<16xf32>
      %get3A_2274 = arith.index_cast %add3A_2207 : i32 to index
      %get3A_2275 = arith.constant 96 : index
      %get3A_2276 = tpu.vector_load %arg10[%get3A_2274, %get3A_2275] {strides = array<i32>} : memref<128x128xf32, #tpu.memory_space<vmem>>, vector<1x16xf32>,
      %get3A_2277 = vector.shape_cast %get3A_2276 : vector<1x16xf32> to vector<16xf32>
      %mul3A_2278 = arith.mulf %get3A_2273, %get3A_2277 : vector<16xf32>
      %add3A_2279 = arith.addf %add3A_2269, %mul3A_2278 : vector<16xf32>
      %get3A_2280 = arith.index_cast %add3A_2207 : i32 to index
      %get3A_2281 = arith.constant 112 : index
      %get3A_2282 = tpu.vector_load %arg9[%get3A_2280, %get3A_2281] {strides = array<i32>} : memref<128x128xf32, #tpu.memory_space<vmem>>, vector<1x16xf32>,
      %get3A_2283 = vector.shape_cast %get3A_2282 : vector<1x16xf32> to vector<16xf32>
      %get3A_2284 = arith.index_cast %add3A_2207 : i32 to index
      %get3A_2285 = arith.constant 112 : index
      %get3A_2286 = tpu.vector_load %arg10[%get3A_2284, %get3A_2285] {strides = array<i32>} : memref<128x128xf32, #tpu.memory_space<vmem>>, vector<1x16xf32>,
      %get3A_2287 = vector.shape_cast %get3A_2286 : vector<1x16xf32> to vector<16xf32>
      %mul3A_2288 = arith.mulf %get3A_2283, %get3A_2287 : vector<16xf32>
      %add3A_2289 = arith.addf %add3A_2279, %mul3A_2288 : vector<16xf32>
      %xor3A_2290 = arith.constant 8 : i32
      %xor3A_2291 = vector.broadcast %xor3A_2290 : i32 to vector<16xi32>
      %xor3A_2292 = arith.xori %iota3A, %xor3A_2291 : vector<16xi32>
      %lt3A_2293 = arith.constant 0 : i32
      %lt3A_2294 = vector.broadcast %lt3A_2293 : i32 to vector<16xi32>
      %lt3A_2295 = arith.cmpi slt, %xor3A_2292, %lt3A_2294 : vector<16xi32>
      %add3A_2296 = arith.constant 16 : i32
      %add3A_2297 = vector.broadcast %add3A_2296 : i32 to vector<16xi32>
      %add3A_2298 = arith.addi %xor3A_2292, %add3A_2297 : vector<16xi32>
      %select_n3A_2299 = arith.select %lt3A_2295, %add3A_2298, %xor3A_2292 : vector<16xi1>, vector<16xi32>
      %broadcast_in_dim3A_2300 = vector.shape_cast %select_n3A_2299 : vector<16xi32> to vector<16x1xi32>
      %gather3A_2301 = vector.shape_cast %broadcast_in_dim3A_2300 : vector<16x1xi32> to vector<16xi32>
      %gather3A_2302 = tpu.dynamic_gather %add3A_2289[%gather3A_2301] in [0] : vector<16xf32>, vector<16xi32> -> vector<16xf32>
      %add3A_2303 = arith.addf %add3A_2289, %gather3A_2302 : vector<16xf32>
      %xor3A_2304 = arith.constant 4 : i32
      %xor3A_2305 = vector.broadcast %xor3A_2304 : i32 to vector<16xi32>
      %xor3A_2306 = arith.xori %iota3A, %xor3A_2305 : vector<16xi32>
      %lt3A_2307 = arith.constant 0 : i32
      %lt3A_2308 = vector.broadcast %lt3A_2307 : i32 to vector<16xi32>
      %lt3A_2309 = arith.cmpi slt, %xor3A_2306, %lt3A_2308 : vector<16xi32>
      %add3A_2310 = arith.constant 16 : i32
      %add3A_2311 = vector.broadcast %add3A_2310 : i32 to vector<16xi32>
      %add3A_2312 = arith.addi %xor3A_2306, %add3A_2311 : vector<16xi32>
      %select_n3A_2313 = arith.select %lt3A_2309, %add3A_2312, %xor3A_2306 : vector<16xi1>, vector<16xi32>
      %broadcast_in_dim3A_2314 = vector.shape_cast %select_n3A_2313 : vector<16xi32> to vector<16x1xi32>
      %gather3A_2315 = vector.shape_cast %broadcast_in_dim3A_2314 : vector<16x1xi32> to vector<16xi32>
      %gather3A_2316 = tpu.dynamic_gather %add3A_2303[%gather3A_2315] in [0] : vector<16xf32>, vector<16xi32> -> vector<16xf32>
      %add3A_2317 = arith.addf %add3A_2303, %gather3A_2316 : vector<16xf32>
      %xor3A_2318 = arith.constant 2 : i32
      %xor3A_2319 = vector.broadcast %xor3A_2318 : i32 to vector<16xi32>
      %xor3A_2320 = arith.xori %iota3A, %xor3A_2319 : vector<16xi32>
      %lt3A_2321 = arith.constant 0 : i32
      %lt3A_2322 = vector.broadcast %lt3A_2321 : i32 to vector<16xi32>
      %lt3A_2323 = arith.cmpi slt, %xor3A_2320, %lt3A_2322 : vector<16xi32>
      %add3A_2324 = arith.constant 16 : i32
      %add3A_2325 = vector.broadcast %add3A_2324 : i32 to vector<16xi32>
      %add3A_2326 = arith.addi %xor3A_2320, %add3A_2325 : vector<16xi32>
      %select_n3A_2327 = arith.select %lt3A_2323, %add3A_2326, %xor3A_2320 : vector<16xi1>, vector<16xi32>
      %broadcast_in_dim3A_2328 = vector.shape_cast %select_n3A_2327 : vector<16xi32> to vector<16x1xi32>
      %gather3A_2329 = vector.shape_cast %broadcast_in_dim3A_2328 : vector<16x1xi32> to vector<16xi32>
      %gather3A_2330 = tpu.dynamic_gather %add3A_2317[%gather3A_2329] in [0] : vector<16xf32>, vector<16xi32> -> vector<16xf32>
      %add3A_2331 = arith.addf %add3A_2317, %gather3A_2330 : vector<16xf32>
      %xor3A_2332 = arith.constant 1 : i32
      %xor3A_2333 = vector.broadcast %xor3A_2332 : i32 to vector<16xi32>
      %xor3A_2334 = arith.xori %iota3A, %xor3A_2333 : vector<16xi32>
      %lt3A_2335 = arith.constant 0 : i32
      %lt3A_2336 = vector.broadcast %lt3A_2335 : i32 to vector<16xi32>
      %lt3A_2337 = arith.cmpi slt, %xor3A_2334, %lt3A_2336 : vector<16xi32>
      %add3A_2338 = arith.constant 16 : i32
      %add3A_2339 = vector.broadcast %add3A_2338 : i32 to vector<16xi32>
      %add3A_2340 = arith.addi %xor3A_2334, %add3A_2339 : vector<16xi32>
      %select_n3A_2341 = arith.select %lt3A_2337, %add3A_2340, %xor3A_2334 : vector<16xi1>, vector<16xi32>
      %broadcast_in_dim3A_2342 = vector.shape_cast %select_n3A_2341 : vector<16xi32> to vector<16x1xi32>
      %gather3A_2343 = vector.shape_cast %broadcast_in_dim3A_2342 : vector<16x1xi32> to vector<16xi32>
      %gather3A_2344 = tpu.dynamic_gather %add3A_2331[%gather3A_2343] in [0] : vector<16xf32>, vector<16xi32> -> vector<16xf32>
      %add3A_2345 = arith.addf %add3A_2331, %gather3A_2344 : vector<16xf32>
      %eq3A_2346 = arith.constant 15 : i32
      %eq3A_2347 = vector.broadcast %eq3A_2346 : i32 to vector<16xi32>
      %eq3A_2348 = arith.cmpi eq, %iota3A, %eq3A_2347 : vector<16xi32>
      %select_n3A_2349 = arith.select %eq3A_2348, %add3A_2345, %select_n3A_2203 : vector<16xi1>, vector<16xf32>
      %mul3A_2350 = arith.constant 16 : i32
      %mul3A_2351 = arith.muli %scan3A_18, %mul3A_2350 : i32
      %swap3A = arith.index_cast %mul3A_2351 : i32 to index
      %swap3A_2352 = tpu.vector_load %arg11[%swap3A] {strides = array<i32>} : memref<128xf32, #tpu.memory_space<vmem>>, vector<16xf32>,
      %swap3A_2353 = vector.shape_cast %swap3A_2352 : vector<16xf32> to vector<16xf32>
      %swap3A_2354 = vector.shape_cast %select_n3A_2349 : vector<16xf32> to vector<16xf32>
      tpu.vector_store %arg11[%swap3A], %swap3A_2354 {strides = array<i32>} : memref<128xf32, #tpu.memory_space<vmem>>, vector<16xf32>,
    }
    %scan3A_15 = arith.constant 8 : i32
    %mul3A_16 = arith.constant 128 : i32
    %mul3A_17 = arith.muli %add3A, %mul3A_16 : i32
    "tpu.region"() ({
      %run_scoped3A = tpu.sem_alloc : memref<!tpu.dma_semaphore, #tpu.memory_space<semaphore_mem>>
      %dma_start3A_18 = tpu.memref_slice %arg6[%mul3A_17] : memref<4096xf32, #tpu.memory_space<hbm>> -> memref<128xf32, #tpu.memory_space<hbm>>
      %dma_start3A_19 = tpu.memref_slice %arg6[%mul3A_17] : memref<4096xf32, #tpu.memory_space<hbm>> -> memref<128xf32, #tpu.memory_space<hbm>>
      tpu.enqueue_dma source(%arg11 : memref<128xf32, #tpu.memory_space<vmem>>) target(%dma_start3A_19 : memref<128xf32, #tpu.memory_space<hbm>>) target_semaphore(%run_scoped3A : memref<!tpu.dma_semaphore, #tpu.memory_space<semaphore_mem>>)
      %dma_wait3A_20 = tpu.memref_slice %arg6[%mul3A_17] : memref<4096xf32, #tpu.memory_space<hbm>> -> memref<128xf32, #tpu.memory_space<hbm>>
      %dma_wait3A_21 = tpu.memref_slice %arg6[%mul3A_17] : memref<4096xf32, #tpu.memory_space<hbm>> -> memref<128xf32, #tpu.memory_space<hbm>>
      tpu.wait_dma2 semaphore(%run_scoped3A : memref<!tpu.dma_semaphore, #tpu.memory_space<semaphore_mem>>) src(%arg11 : memref<128xf32, #tpu.memory_space<vmem>>) dst(%dma_wait3A_21 : memref<128xf32, #tpu.memory_space<hbm>>)
      tpu.yield
    }) : () -> ()
    return
  }
}

module attributes {stable_mosaic.version = 14 : i64} {
  func.func @_hraw_body(%arg0: i32, %arg1: memref<2000x128xf32, #tpu.memory_space<vmem>>, %arg2: memref<128x128xf32, #tpu.memory_space<vmem>>, %arg3: memref<2000x128xf32, #tpu.memory_space<vmem>>) attributes {dimension_semantics = [#tpu.dimension_semantics<arbitrary>], iteration_bounds = array<i64: 5>, scalar_prefetch = 0 : i64, scratch_operands = 0 : i64, tpu.core_type = #tpu.core_type<tc>, window_params = [{transform_indices = @transform_0, window_bounds = array<i64: 2000, 128>}, {pipeline_mode = #tpu.pipeline_mode<synchronous>, transform_indices = @transform_1, window_bounds = array<i64: 128, 128>}, {transform_indices = @transform_2, window_bounds = array<i64: 2000, 128>}]} {
    %get3A = arith.constant 0 : index
    %get3A_0 = arith.constant 0 : index
    %get3A_1 = vector.load %arg1[%get3A, %get3A_0] : memref<2000x128xf32, #tpu.memory_space<vmem>>, vector<2000x128xf32>
    %get3A_2 = arith.constant 0 : index
    %get3A_3 = arith.constant 0 : index
    %get3A_4 = vector.load %arg2[%get3A_2, %get3A_3] : memref<128x128xf32, #tpu.memory_space<vmem>>, vector<128x128xf32>
    %dot_general3A = arith.constant dense<0.000000e+00> : vector<2000x128xf32>
    %dot_general3A_5 = tpu.matmul %get3A_1, %get3A_4, %dot_general3A {dimension_numbers = #tpu.dot_dimension_numbers<[1], [1], [0], [0], [0, 0, 1, 0], [], []>, transpose_lhs_hint = false} : vector<2000x128xf32>, vector<128x128xf32>, vector<2000x128xf32> -> vector<2000x128xf32>
    %swap3A = arith.constant 0 : index
    %swap3A_6 = arith.constant 0 : index
    %swap3A_7 = vector.load %arg3[%swap3A, %swap3A_6] : memref<2000x128xf32, #tpu.memory_space<vmem>>, vector<2000x128xf32>
    tpu.vector_store %arg3[%swap3A, %swap3A_6], %dot_general3A_5 {strides = array<i32>} : memref<2000x128xf32, #tpu.memory_space<vmem>>, vector<2000x128xf32>,
    return
  }
  func.func @transform_0(%arg0: i32) -> (i32, i32) {
    %c0_i32 = arith.constant 0 : i32
    %c0_i32_0 = arith.constant 0 : i32
    return %arg0, %c0_i32 : i32, i32
  }
  func.func @transform_1(%arg0: i32) -> (i32, i32) {
    %c0_i32 = arith.constant 0 : i32
    %c0_i32_0 = arith.constant 0 : i32
    %c0_i32_1 = arith.constant 0 : i32
    return %c0_i32, %c0_i32_0 : i32, i32
  }
  func.func @transform_2(%arg0: i32) -> (i32, i32) {
    %c0_i32 = arith.constant 0 : i32
    %c0_i32_0 = arith.constant 0 : i32
    return %arg0, %c0_i32 : i32, i32
  }
}

module attributes {stable_mosaic.version = 14 : i64} {
  func.func @_scale_body(%arg0: i32, %arg1: memref<2000x128xf32, #tpu.memory_space<vmem>>, %arg2: memref<2000x1xf32, #tpu.memory_space<vmem>>, %arg3: memref<2000x1xf32, #tpu.memory_space<vmem>>, %arg4: memref<2000x128xf32, #tpu.memory_space<vmem>>, %arg5: memref<2000x1xf32, #tpu.memory_space<vmem>>) attributes {dimension_semantics = [#tpu.dimension_semantics<arbitrary>], iteration_bounds = array<i64: 5>, scalar_prefetch = 0 : i64, scratch_operands = 0 : i64, tpu.core_type = #tpu.core_type<tc>, window_params = [{transform_indices = @transform_0, window_bounds = array<i64: 2000, 128>}, {transform_indices = @transform_1, window_bounds = array<i64: 2000, 1>}, {transform_indices = @transform_2, window_bounds = array<i64: 2000, 1>}, {transform_indices = @transform_3, window_bounds = array<i64: 2000, 128>}, {transform_indices = @transform_4, window_bounds = array<i64: 2000, 1>}]} {
    %get3A = arith.constant 0 : index
    %get3A_0 = arith.constant 0 : index
    %get3A_1 = vector.load %arg2[%get3A, %get3A_0] : memref<2000x1xf32, #tpu.memory_space<vmem>>, vector<2000x1xf32>
    %get3A_2 = arith.constant 0 : index
    %get3A_3 = arith.constant 0 : index
    %get3A_4 = vector.load %arg3[%get3A_2, %get3A_3] : memref<2000x1xf32, #tpu.memory_space<vmem>>, vector<2000x1xf32>
    %add3A = arith.addf %get3A_1, %get3A_4 : vector<2000x1xf32>
    %gt3A = arith.constant 0.000000e+00 : f32
    %gt3A_5 = vector.broadcast %gt3A : f32 to vector<2000x1xf32>
    %gt3A_6 = arith.cmpf ogt, %add3A, %gt3A_5 : vector<2000x1xf32>
    %max3A = arith.constant 9.99999996E-13 : f32
    %max3A_7 = vector.broadcast %max3A : f32 to vector<2000x1xf32>
    %max3A_8 = arith.maximumf %add3A, %max3A_7 : vector<2000x1xf32>
    %rsqrt3A = math.rsqrt %max3A_8 : vector<2000x1xf32>
    %jit3A = arith.constant 0.000000e+00 : f32
    %broadcast_in_dim3A = vector.broadcast %jit3A : f32 to vector<2000x1xf32>
    %select_n3A = arith.select %gt3A_6, %rsqrt3A, %broadcast_in_dim3A : vector<2000x1xi1>, vector<2000x1xf32>
    %swap3A = arith.constant 0 : index
    %swap3A_9 = arith.constant 0 : index
    %swap3A_10 = vector.load %arg5[%swap3A, %swap3A_9] : memref<2000x1xf32, #tpu.memory_space<vmem>>, vector<2000x1xf32>
    tpu.vector_store %arg5[%swap3A, %swap3A_9], %select_n3A {strides = array<i32>} : memref<2000x1xf32, #tpu.memory_space<vmem>>, vector<2000x1xf32>,
    %get3A_11 = arith.constant 0 : index
    %get3A_12 = arith.constant 0 : index
    %get3A_13 = vector.load %arg1[%get3A_11, %get3A_12] : memref<2000x128xf32, #tpu.memory_space<vmem>>, vector<2000x128xf32>
    %mul3A = vector.broadcast %select_n3A : vector<2000x1xf32> to vector<2000x128xf32>
    %mul3A_14 = arith.mulf %get3A_13, %mul3A : vector<2000x128xf32>
    %swap3A_15 = arith.constant 0 : index
    %swap3A_16 = arith.constant 0 : index
    %swap3A_17 = vector.load %arg4[%swap3A_15, %swap3A_16] : memref<2000x128xf32, #tpu.memory_space<vmem>>, vector<2000x128xf32>
    tpu.vector_store %arg4[%swap3A_15, %swap3A_16], %mul3A_14 {strides = array<i32>} : memref<2000x128xf32, #tpu.memory_space<vmem>>, vector<2000x128xf32>,
    return
  }
  func.func @transform_0(%arg0: i32) -> (i32, i32) {
    %c0_i32 = arith.constant 0 : i32
    %c0_i32_0 = arith.constant 0 : i32
    return %arg0, %c0_i32 : i32, i32
  }
  func.func @transform_1(%arg0: i32) -> (i32, i32) {
    %c0_i32 = arith.constant 0 : i32
    %c0_i32_0 = arith.constant 0 : i32
    return %arg0, %c0_i32 : i32, i32
  }
  func.func @transform_2(%arg0: i32) -> (i32, i32) {
    %c0_i32 = arith.constant 0 : i32
    %c0_i32_0 = arith.constant 0 : i32
    return %arg0, %c0_i32 : i32, i32
  }
  func.func @transform_3(%arg0: i32) -> (i32, i32) {
    %c0_i32 = arith.constant 0 : i32
    %c0_i32_0 = arith.constant 0 : i32
    return %arg0, %c0_i32 : i32, i32
  }
  func.func @transform_4(%arg0: i32) -> (i32, i32) {
    %c0_i32 = arith.constant 0 : i32
    %c0_i32_0 = arith.constant 0 : i32
    return %arg0, %c0_i32 : i32, i32
  }
}

module attributes {stable_mosaic.version = 14 : i64} {
  func.func @_emb_body(%arg0: i32, %arg1: memref<2000x128xf32, #tpu.memory_space<vmem>>, %arg2: memref<2000x128xf32, #tpu.memory_space<vmem>>, %arg3: memref<2000x1xf32, #tpu.memory_space<vmem>>, %arg4: memref<128x128xf32, #tpu.memory_space<vmem>>, %arg5: memref<128x128xf32, #tpu.memory_space<vmem>>, %arg6: memref<2000x128xf32, #tpu.memory_space<vmem>>, %arg7: memref<2000x128xf32, #tpu.memory_space<vmem>>) attributes {dimension_semantics = [#tpu.dimension_semantics<arbitrary>], iteration_bounds = array<i64: 5>, scalar_prefetch = 0 : i64, scratch_operands = 0 : i64, tpu.core_type = #tpu.core_type<tc>, window_params = [{transform_indices = @transform_0, window_bounds = array<i64: 2000, 128>}, {transform_indices = @transform_1, window_bounds = array<i64: 2000, 128>}, {transform_indices = @transform_2, window_bounds = array<i64: 2000, 1>}, {pipeline_mode = #tpu.pipeline_mode<synchronous>, transform_indices = @transform_3, window_bounds = array<i64: 128, 128>}, {pipeline_mode = #tpu.pipeline_mode<synchronous>, transform_indices = @transform_4, window_bounds = array<i64: 128, 128>}, {transform_indices = @transform_5, window_bounds = array<i64: 2000, 128>}, {transform_indices = @transform_6, window_bounds = array<i64: 2000, 128>}]} {
    %get3A = arith.constant 0 : index
    %get3A_0 = arith.constant 0 : index
    %get3A_1 = vector.load %arg1[%get3A, %get3A_0] : memref<2000x128xf32, #tpu.memory_space<vmem>>, vector<2000x128xf32>
    %get3A_2 = arith.constant 0 : index
    %get3A_3 = arith.constant 0 : index
    %get3A_4 = vector.load %arg2[%get3A_2, %get3A_3] : memref<2000x128xf32, #tpu.memory_space<vmem>>, vector<2000x128xf32>
    %add3A = arith.addf %get3A_1, %get3A_4 : vector<2000x128xf32>
    %get3A_5 = arith.constant 0 : index
    %get3A_6 = arith.constant 0 : index
    %get3A_7 = vector.load %arg3[%get3A_5, %get3A_6] : memref<2000x1xf32, #tpu.memory_space<vmem>>, vector<2000x1xf32>
    %mul3A = vector.broadcast %get3A_7 : vector<2000x1xf32> to vector<2000x128xf32>
    %mul3A_8 = arith.mulf %add3A, %mul3A : vector<2000x128xf32>
    %max3A = arith.constant 0.000000e+00 : f32
    %max3A_9 = vector.broadcast %max3A : f32 to vector<2000x128xf32>
    %max3A_10 = arith.maximumf %mul3A_8, %max3A_9 : vector<2000x128xf32>
    %get3A_11 = arith.constant 0 : index
    %get3A_12 = arith.constant 0 : index
    %get3A_13 = vector.load %arg4[%get3A_11, %get3A_12] : memref<128x128xf32, #tpu.memory_space<vmem>>, vector<128x128xf32>
    %dot_general3A = arith.constant dense<0.000000e+00> : vector<2000x128xf32>
    %dot_general3A_14 = tpu.matmul %max3A_10, %get3A_13, %dot_general3A {dimension_numbers = #tpu.dot_dimension_numbers<[1], [1], [0], [0], [0, 0, 1, 0], [], []>, transpose_lhs_hint = false} : vector<2000x128xf32>, vector<128x128xf32>, vector<2000x128xf32> -> vector<2000x128xf32>
    %max3A_15 = arith.constant 0.000000e+00 : f32
    %max3A_16 = vector.broadcast %max3A_15 : f32 to vector<2000x128xf32>
    %max3A_17 = arith.maximumf %dot_general3A_14, %max3A_16 : vector<2000x128xf32>
    %swap3A = arith.constant 0 : index
    %swap3A_18 = arith.constant 0 : index
    %swap3A_19 = vector.load %arg6[%swap3A, %swap3A_18] : memref<2000x128xf32, #tpu.memory_space<vmem>>, vector<2000x128xf32>
    tpu.vector_store %arg6[%swap3A, %swap3A_18], %max3A_17 {strides = array<i32>} : memref<2000x128xf32, #tpu.memory_space<vmem>>, vector<2000x128xf32>,
    %get3A_20 = arith.constant 0 : index
    %get3A_21 = arith.constant 0 : index
    %get3A_22 = vector.load %arg5[%get3A_20, %get3A_21] : memref<128x128xf32, #tpu.memory_space<vmem>>, vector<128x128xf32>
    %dot_general3A_23 = arith.constant dense<0.000000e+00> : vector<2000x128xf32>
    %dot_general3A_24 = tpu.matmul %max3A_17, %get3A_22, %dot_general3A_23 {dimension_numbers = #tpu.dot_dimension_numbers<[1], [0], [0], [1], [0, 0, 1, 1], [], []>, transpose_lhs_hint = false} : vector<2000x128xf32>, vector<128x128xf32>, vector<2000x128xf32> -> vector<2000x128xf32>
    %swap3A_25 = arith.constant 0 : index
    %swap3A_26 = arith.constant 0 : index
    %swap3A_27 = vector.load %arg7[%swap3A_25, %swap3A_26] : memref<2000x128xf32, #tpu.memory_space<vmem>>, vector<2000x128xf32>
    tpu.vector_store %arg7[%swap3A_25, %swap3A_26], %dot_general3A_24 {strides = array<i32>} : memref<2000x128xf32, #tpu.memory_space<vmem>>, vector<2000x128xf32>,
    return
  }
  func.func @transform_0(%arg0: i32) -> (i32, i32) {
    %c0_i32 = arith.constant 0 : i32
    %c0_i32_0 = arith.constant 0 : i32
    return %arg0, %c0_i32 : i32, i32
  }
  func.func @transform_1(%arg0: i32) -> (i32, i32) {
    %c0_i32 = arith.constant 0 : i32
    %c0_i32_0 = arith.constant 0 : i32
    return %arg0, %c0_i32 : i32, i32
  }
  func.func @transform_2(%arg0: i32) -> (i32, i32) {
    %c0_i32 = arith.constant 0 : i32
    %c0_i32_0 = arith.constant 0 : i32
    return %arg0, %c0_i32 : i32, i32
  }
  func.func @transform_3(%arg0: i32) -> (i32, i32) {
    %c0_i32 = arith.constant 0 : i32
    %c0_i32_0 = arith.constant 0 : i32
    %c0_i32_1 = arith.constant 0 : i32
    return %c0_i32, %c0_i32_0 : i32, i32
  }
  func.func @transform_4(%arg0: i32) -> (i32, i32) {
    %c0_i32 = arith.constant 0 : i32
    %c0_i32_0 = arith.constant 0 : i32
    %c0_i32_1 = arith.constant 0 : i32
    return %c0_i32, %c0_i32_0 : i32, i32
  }
  func.func @transform_5(%arg0: i32) -> (i32, i32) {
    %c0_i32 = arith.constant 0 : i32
    %c0_i32_0 = arith.constant 0 : i32
    return %arg0, %c0_i32 : i32, i32
  }
  func.func @transform_6(%arg0: i32) -> (i32, i32) {
    %c0_i32 = arith.constant 0 : i32
    %c0_i32_0 = arith.constant 0 : i32
    return %arg0, %c0_i32 : i32, i32
  }
}

</mosaic_0001>

<sc_bundles>
// kernel: kernel.11.cloned.1.call-start
scs
__scs_entry_jumppad:
0x0: {  	(pc) =	sbr.rel $0x88, $3  }
0x1: {  	(tag) =	ssettag $0x0;
	lr =	simm.s32 $0x1  }
0x2: {  	[smem:$0x3F99] =	sst lr;
	_ =	strace $0xD0000000  }
0x3: {  	_ = 	snop  }
0x4: {  	_ = 	snop  }
0x5: {  	_ = 	snop  }
0x6: {  	_ = 	snop  }
0x7: {  	_ = 	snop  }
__scs_overlays_trampoline_lowered:
0x8: {  	[smem:$0x3FA8] =	sst s0  }
0x9: {  	[smem:$0x3FA9] =	sst s1  }
0xa: {  	[smem:$0x3FAA] =	sst s2  }
0xb: {  	[smem:$0x3FAB] =	sst s3  }
0xc: {  	[smem:$0x3FAC] =	sst s4  }
0xd: {  	[smem:$0x3FAD] =	sst s5  }
0xe: {  	[smem:$0x3FAE] =	sst s6  }
0xf: {  	[smem:$0x3FAF] =	sst s7  }
0x10: {  	[smem:$0x3FB0] =	sst s8  }
0x11: {  	[smem:$0x3FB1] =	sst s9;
	s0 =	simm.s32 @!p0 $0x0  }
0x12: {  	s1 =	sld [smem:$0x3F97];
	s0 =	simm.s32 @p0 $0x1  }
0x13: {  	[smem:$0x3FB2] =	sst s0;
	s0 =	simm.s32 @!p1 $0x0  }
0x14: {  	s2 =	sld [smem:$0x3F96];
	s0 =	simm.s32 @p1 $0x1  }
0x15: {  	[smem:$0x3FB3] =	sst s0;
	s0 =	simm.s32 @!p2 $0x0  }
0x16: {  	s3 =	sld [smem:$0x3FDB];
	s0 =	simm.s32 @p2 $0x1  }
0x17: {  	s4 =	simm.s32 $0x1BF5;
	[smem:$0x3FB5] =	sst s0  }
0x18: {  	s0 =	sld [smem:$0x3F98];
	_ =	swait.ge [sflag:s4], $0x0  }
0x19: {  	s7 =	sld [smem:$0x3F99]  }
0x1a: {  	s8 =	sadd.s32 $0xFFFFE003, lr  }
0x1b: {  	s9 =	sadd.s32 $0xFFFFFEF7, lr;
	s5 =	simm.s32 $0xFFFFFFFF;
	p2 =	slt.u32 s8, $0xFFFFF086  }
0x1c: {  	p1 =	slt.u32 s9, $0xF7A;
	s5 =	simm.s32 @!p2 $0x0  }
0x1d: {  	s5 =	simm.s32 @p1 $0x1;
	p0 =	seq.s32 s7, s2  }
0x1e: {  	s7 =	smul.u32 @!p0 $0xF7A, s2;
	p2 =	seq.s32 @!p0 s5, $0x0  }
0x1f: {  	s9 =	smul.u32 $0xF7A, s1;
	s8 =	simm.s32 @!p0 $0x1BF5;
	p2 =	por !p2, p0  }
0x20: {  	[sflag:s8] =	ssyncset.s32 @!p0 $0xFFFFF086;
	s6 =	sadd.s32 @!p0 s3, s7;
	s7 =	simm.s32 @!p0 $0x108  }
0x21: {  	s3 =	sadd.s32 s3, s9;
	s6 =	sadd.s32 @!p0 $0x88, s6;
	s7 =	simm.s32 @p2 $0x1082  }
0x22: {  	[simem:s7], [sflag:s8] =	dma.local @!p0 [hbm:s6], $0xF7A  }
0x23: {  	s9 =	sor.u32 $0xD0000000, s2;
	s6 =	simm.s32 $0x108;
	_ =	swait.ge @!p0 [sflag:s8], $0x0  }
0x24: {  	s3 =	sadd.s32 $0x88, s3;
	s6 =	simm.s32 @!p1 $0x1082;
	[sflag:s4] =	ssyncset.s32 $0xFFFFF086  }
0x25: {  	[simem:s6], [sflag:s4] =	dma.local [hbm:s3], $0xF7A  }
0x26: {  	[smem:$0x3F99] =	sst s1;
	(tag) =	ssettag s2;
	_ =	strace s9  }
0x27: {  	s1 =	sld [smem:$0x3FA9]  }
0x28: {  	s2 =	sld [smem:$0x3FAA]  }
0x29: {  	s4 =	sld [smem:$0x3FAC]  }
0x2a: {  	p0 =	seq.s32 s5, $0x0;
	s5 =	sld [smem:$0x3FAD]  }
0x2b: {  	s6 =	sld [smem:$0x3FAE]  }
0x2c: {  	s7 =	sld [smem:$0x3FAF]  }
0x2d: {  	s3 =	simm.s32 $0x108;
	s8 =	sld [smem:$0x3FB0]  }
0x2e: {  	s3 =	simm.s32 @!p0 $0x1082;
	s9 =	sld [smem:$0x3FB1]  }
0x2f: {  	lr =	sadd.s32 s0, s3;
	s0 =	sld [smem:$0x3FA8]  }
0x30: {  	s3 =	sld [smem:$0x3FAB]  }
0x31: {  	[smem:$0x3FB4] =	sst s10  }
0x32: {  	s10 =	sld [smem:$0x3FB2];
	_ =	sdelay $0x3  }
0x33: {  	p0 =	seq.s32 s10, $0x1;
	s10 =	sld [smem:$0x3FB4];
	_ =	sdelay $0x3  }
0x34: {  	[smem:$0x3FB4] =	sst s10  }
0x35: {  	s10 =	sld [smem:$0x3FB3];
	_ =	sdelay $0x3  }
0x36: {  	p1 =	seq.s32 s10, $0x1;
	s10 =	sld [smem:$0x3FB4];
	_ =	sdelay $0x3  }
0x37: {  	[smem:$0x3FB4] =	sst s10  }
0x38: {  	s10 =	sld [smem:$0x3FB5]  }
0x39: {  	_ = 	snop;
	(pc) =	sbr.ind lr, $3  }
0x3a: {  	_ = 	snop  }
0x3b: {  	_ = 	snop  }
0x3c: {  	p2 =	seq.s32 s10, $0x1;
	s10 =	sld [smem:$0x3FB4]  }
0x3d: {  	_ =	shalt  }
0x3e: {  	_ =	shalt  }
0x3f: {  	_ =	shalt  }
0x40: {  	_ =	shalt  }
0x41: {  	_ =	shalt  }
0x42: {  	_ =	shalt  }
0x43: {  	_ =	shalt  }
0x44: {  	_ =	shalt  }
0x45: {  	_ =	shalt  }
0x46: {  	_ =	shalt  }
0x47: {  	_ =	shalt  }
0x48: {  	_ =	shalt  }
0x49: {  	_ =	shalt  }
0x4a: {  	_ =	shalt  }
0x4b: {  	_ =	shalt  }
0x4c: {  	_ =	shalt  }
0x4d: {  	_ =	shalt  }
0x4e: {  	_ =	shalt  }
0x4f: {  	_ =	shalt  }
0x50: {  	_ =	shalt  }
0x51: {  	_ =	shalt  }
0x52: {  	_ =	shalt  }
0x53: {  	_ =	shalt  }
0x54: {  	_ =	shalt  }
0x55: {  	_ =	shalt  }
0x56: {  	_ =	shalt  }
0x57: {  	_ =	shalt  }
0x58: {  	_ =	shalt  }
0x59: {  	_ =	shalt  }
0x5a: {  	_ =	shalt  }
0x5b: {  	_ =	shalt  }
0x5c: {  	_ =	shalt  }
0x5d: {  	_ =	shalt  }
0x5e: {  	_ =	shalt  }
0x5f: {  	_ =	shalt  }
0x60: {  	_ =	shalt  }
0x61: {  	_ =	shalt  }
0x62: {  	_ =	shalt  }
0x63: {  	_ =	shalt  }
0x64: {  	_ =	shalt  }
0x65: {  	_ =	shalt  }
0x66: {  	_ =	shalt  }
0x67: {  	_ =	shalt  }
0x68: {  	_ =	shalt  }
0x69: {  	_ =	shalt  }
0x6a: {  	_ =	shalt  }
0x6b: {  	_ =	shalt  }
0x6c: {  	_ =	shalt  }
0x6d: {  	_ =	shalt  }
0x6e: {  	_ =	shalt  }
0x6f: {  	_ =	shalt  }
0x70: {  	_ =	shalt  }
0x71: {  	_ =	shalt  }
0x72: {  	_ =	shalt  }
0x73: {  	_ =	shalt  }
0x74: {  	_ =	shalt  }
0x75: {  	_ =	shalt  }
0x76: {  	_ =	shalt  }
0x77: {  	_ =	shalt  }
0x78: {  	_ =	shalt  }
0x79: {  	_ =	shalt  }
0x7a: {  	_ =	shalt  }
0x7b: {  	_ =	shalt  }
0x7c: {  	_ =	shalt  }
0x7d: {  	_ =	shalt  }
0x7e: {  	_ =	shalt  }
0x7f: {  	_ =	shalt  }
0x80: {  	_ =	shalt  }
0x81: {  	_ =	shalt  }
0x82: {  	_ =	shalt  }
0x83: {  	_ =	shalt  }
0x84: {  	_ =	shalt  }
0x85: {  	_ =	shalt  }
0x86: {  	_ =	shalt  }
0x87: {  	_ =	shalt  }
.Lfunc_end0:
.L_simem_size_0:
called_computation.1_lowered:
.L_overlay_start_0:
0x88: {  	s2 =	sld [smem:$0x3FD9]  }
0x89: {  	s3 =	sld [smem:$0x3FFE];
	_ =	sdelay $0x1  }
0x8a: {  	s1 =	srdreg.scid  }
0x8b: {  	s0 =	sand.u32 $0x1, s1  }
0x8c: {  	s16 =	sshll.u32 s0, $0xA;
	s2 =	sadd.s32 s3, s2  }
0x8d: {  	s2 =	sadd.s32 s2, s16  }
0x8e: {  	[smem:$0x3FC0] =	sst s2  }
0x8f: {  	_ = 	snop  }
0x90: {  	(tm) =	ssettm $0x1  }
0x91: {  	s17 =	sld [smem:$0x3FFB];
	_ =	sdelay $0x3  }
0x92: {  	_ =	strace s17  }
0x93: {  	s2 =	sld [smem:$0x3FFC];
	_ =	sdelay $0x3  }
0x94: {  	_ =	strace s2  }
0x95: {  	s2 =	sld [smem:$0x3FFD];
	_ =	sdelay $0x3  }
0x96: {  	_ =	strace s2  }
0x97: {  	_ =	strace $0x8FFFFFFF  }
0x98: {  	s18 =	sld [smem:$0x3FDB];
	_ =	sdelay $0x1  }
0x99: {  	s19 =	simm.s32 $_scs_section_size  }
0x9a: {  	s4 =	simm.s32 $_size__tile_overlayer_lowered;
	s5 =	simm.s32 $_tile_overlayer_lowered  }
0x9b: {  	s22 =	simm.s32 $0x1BFF;
	s21 =	sshll.u32 s5, $0x1;
	s2 =	sadd.s32 s19, s18  }
0x9c: {  	s6 =	simm.s32 $0x0;
	s20 =	sshll.u32 s4, $0x1;
	s4 =	sadd.s32 s21, s2  }
0x9d: {  	[timem:s6], [sflag:s22] =	dma.local [hbm:s4], s20  }
0x9e: {  	_ =	swait.ge [sflag:s22], s20  }
0x9f: {  	s3 =	ssub.s32 $0x0, s20;
	[sflag:s22] =	ssyncset.done $0x0  }
0xa0: {  	[sflag:s22] =	ssyncadd.s32 s3;
	_ =	sdelay $0x1  }
0xa1: {  	s23 =	simm.s32 $0x1B8B  }
0xa2: {  	_ =	swait.ge [sflag:s23], $0x1  }
0xa3: {  	[sflag:s23] =	ssyncset.done $0x0  }
0xa4: {  	s25 =	simm.s32 $0x1B8E;
	s24 =	sld [smem:$0x3FFE];
	[sflag:s23] =	ssyncadd.s32 $0xFFFFFFFF  }
0xa5: {  	s26 =	simm.s32 $execute0_lowered;
	[smem:$0x3FD2] =	sst s25  }
0xa6: {  	s4 =	sshll.u32 s26, $0x1;
	_ =	strace $0x80000049;
	[dreg:$0x1] =	wrdreg $0xFFFFFFFF  }
0xa7: {  	s28 =	simm.s32 $_size_execute0_lowered;
	s2 =	sadd.s32 s2, s4;
	[dreg:$0x0] =	wrdreg $0x0  }
0xa8: {  	s4 =	sshll.u32 s28, $0x1;
	[dreg:$0x2] =	wrdreg s2  }
0xa9: {  	[dreg:$0x3] =	wrdreg s4  }
0xaa: {  	[dreg:$0x4] =	wrdreg $0xC0  }
0xab: {  	_ =	task [dreg:s6], $0x5FFFF  }
0xac: {  	[dreg:$0x1] =	wrdreg $0xFFFFFFFF  }
0xad: {  	[dreg:$0x0] =	wrdreg $0x60  }
0xae: {  	[dreg:$0x2] =	wrdreg s24  }
0xaf: {  	[dreg:$0x3] =	wrdreg $0xC4000  }
0xb0: {  	[dreg:$0x4] =	wrdreg $0x9  }
0xb1: {  	_ =	task.clear_ibuf [dreg:s6], $0x5FFFF;
	_ =	strace $0x90000049  }
0xb2: {  	s29 =	simm.s32 $0x9;
	_ =	strace $0x8000004B  }
0xb3: {  	_ =	swait.ge [sflag:s29], $0x1  }
0xb4: {  	[sflag:s29] =	ssyncadd.s32 $0xFFFFFFFF  }
0xb5: {  	_ =	strace $0x9000004B  }
0xb6: {  	_ =	sfence  }
0xb7: {  	s30 =	sld [smem:$0x0];
	_ =	sdelay $0x2  }
0xb8: {  	s31 =	sshll.u32 s1, $0xD;
	s1 =	sshrl.u32 s1, $0x2  }
0xb9: {  	s3 =	sand.u32 $0x4000, s31;
	s1 =	sadd.s32 s1, s30  }
0xba: {  	s0 =	sor.u32 s3, s0;
	s1 =	sshll.u32 s1, $0x11  }
0xbb: {  	s0 =	sor.u32 s1, s0  }
0xbc: {  	s0 =	sadd.s32 $0x8F2B, s0  }
0xbd: {  	[sflag:s0] =	ssyncadd.remote.s32 $0x1  }
0xbe: {  	_ =	sfence.sel $0xFFFF  }
0xbf: {  	[dreg:$0x0] =	wrdreg $0xFFFFFFFF;
	(pc) =	sbr.abs _section_cstart, $3  }
0xc0: {  	[dreg:$0x1] =	wrdreg $0xFFFFFFFF  }
0xc1: {  	_ =	task.clear_ibuf [dreg:s6], $0x2FFFF;
	_ =	strace $0x9FFFFFFF  }
0xc2: {  	(tm) =	ssettm $0x7FFFFFFF  }
0xc3: {  	_ =	shalt  }
tec
execute0_lowered:
.L_overlay_start_1:
0x0: {  	(tag) =	ssettag $0x1  }
0x1: {  	s0 =	rddreg [dreg:$0x0]  }
0x2: {  	s1 =	rddreg [dreg:$0x1]  }
0x3: {  	s3 =	simm.s32 $0x0;
	s2 =	srdreg.scid;
	s12 =	stileid.u32  }
0x4: {  	s18 =	simm.s32 $0x3D200;
	s20 =	simm.s32 $0x400;
	s21 =	simm.s32 $0x5  }
0x5: {  	s29 =	simm.s32 $0x4;
	[smem:$0x7FF] =	sst s3;
	s5 =	smul.u32 $0x4F000, s12  }
0x6: {  	s6 =	sadd.s32 $0x2400, s0;
	s2 =	sand.u32 $0x1, s2;
	s22 =	smul.u32 $0x4E, s12  }
0x7: {  	s7 =	sadd.s32 $0xC200, s0;
	s4 =	sadd.s32 $0x16000, s0;
	s30 =	smul.u32 $0x2780, s12  }
0x8: {  	s17 =	smin.u32 s12, $0x2;
	p1 =	slt.u32 s12, $0x2;
	s19 =	smul.u32 $0x4E0, s12  }
0x9: {  	_ =	strace $0x8000004A;
	s8 =	ssub.s32 $0x2, s2;
	s9 =	ssub.s32 $0x0, s2  }
0xa: {  	p0 =	seq.s32 s2, $0x0;
	s10 =	sshrl.u32 s8, $0x1;
	s5 =	sshrl.u32 s5, $0x2  }
0xb: {  	s9 =	sand.u32 $0x4E2, s9;
	s18 =	simm.s32 @!p0 $0x64A00;
	s8 =	ssub.s32 s8, s10  }
0xc: {  	s5 =	sadd.s32 s5, s1;
	s10 =	sadd.s32 s22, s17;
	s0 =	sadd.s32 s18, s0  }
0xd: {  	s31 =	sadd.s32 s17, s9;
	s22 =	simm.s32 $0x80;
	s11 =	sadd.s32 $0x4000, s5  }
0xe: {  	s23 =	sadd.s32 $0x8000, s5;
	s24 =	sadd.s32 $0xC000, s5;
	[dreg:$0x5] =	wrdreg s11  }
0xf: {  	s25 =	sadd.s32 $0x10000, s5;
	s26 =	sadd.s32 s9, s10;
	[dreg:$0x6] =	wrdreg s23  }
0x10: {  	s10 =	simm.s32 $0x4F;
	s17 =	sadd.s32 s0, s30;
	[dreg:$0x7] =	wrdreg s24  }
0x11: {  	[dreg:$0x8] =	wrdreg s25;
	s2 =	sshll.u32 s26, $0x4;
	s10 =	simm.s32 @!p1 $0x4E  }
0x12: {  	s26 =	simm.s32 $0x2;
	s11 =	sadd.s32 s6, s2;
	s16 =	sadd.s32 $0xFFFFFFFF, s10  }
0x13: {  	s15 =	sadd.s32 $0x10, s2;
	s28 =	sadd.s32 $0xFFFFFFFE, s10;
	[dreg:$0x3] =	wrdreg s16  }
0x14: {  	s14 =	sadd.s32 s7, s2;
	s13 =	sadd.s32 s6, s15;
	[dreg:$0x4] =	wrdreg s28  }
0x15: {  	s15 =	sadd.s32 s7, s15;
	s16 =	smax.u32 s8, $0x1;
	s7 =	sadd.s32 s19, s7  }
0x16: {  	s8 =	sshll.u32 s31, $0x4;
	s6 =	sadd.s32 s19, s6;
	[dreg:$0x9] =	wrdreg s13  }
0x17: {  	v0 =	vimm.f32 $0.0e+00;
	s13 =	sadd.s32 $0x20, s11;
	s18 =	sadd.s32 s8, s7;
	s19 =	sadd.s32 s8, s6  }
.LBB2_1:
0x18: {  	s0 =	simm.s32 $0x0;
	s2 =	simm.s32 $0x200  }
.LBB2_2:
0x19: {  	p0 =	sne.s32 s2, $0xFE00;
	[tilespmem:s0+$0x470] =	vst v0  }
0x1a: {  	[tilespmem:s0+$0x400] =	vst v0  }
0x1b: {  	[tilespmem:s0+$0x410] =	vst v0  }
.Ltmp0:
0x1c: {  	[tilespmem:s0+$0x420] =	vst v0;
	(pc) =	sbr.rel @p0 .LBB2_2-.Ltmp0, $4  }
0x1d: {  	[tilespmem:s0+$0x430] =	vst v0  }
0x1e: {  	[tilespmem:s0+$0x440] =	vst v0  }
0x1f: {  	[tilespmem:s0+$0x450] =	vst v0  }
0x20: {  	[tilespmem:s0+$0x460] =	vst v0;
	s0 =	sshra.s32 s2, $0x2;
	s2 =	sadd.s32 $0x200, s2  }
0x21: {  	[tilespmem:s0+$0x470] =	vst v0  }
0x22: {  	[tilespmem:s0+$0x400] =	vst v0  }
0x23: {  	[tilespmem:s0+$0x410] =	vst v0  }
0x24: {  	[tilespmem:s0+$0x420] =	vst v0  }
0x25: {  	[tilespmem:s0+$0x430] =	vst v0  }
0x26: {  	[tilespmem:s0+$0x440] =	vst v0  }
0x27: {  	[tilespmem:s0+$0x450] =	vst v0  }
0x28: {  	[tilespmem:s0+$0x460] =	vst v0  }
0x29: {  	[spmem:s5] =	stream.linear.scatter [tilespmem:s20], [sflag:$0x5], $0x4000, $0x38;
	v63 =	vld [tilespmem:$0x0]  }
0x2a: {  	_ =	swait.ge [sflag:s21], $0x4000  }
0x2b: {  	[sflag:s21] =	ssyncset.done $0x0  }
0x2c: {  	s25 =	rddreg [dreg:$0x5];
	[sflag:s21] =	ssyncadd.s32 $0xFFFFC000  }
0x2d: {  	[spmem:s25] =	stream.linear.scatter [tilespmem:s20], [sflag:$0x5], $0x4000, $0x38;
	v63 =	vld [tilespmem:$0x0]  }
0x2e: {  	_ =	swait.ge [sflag:s21], $0x4000  }
0x2f: {  	[sflag:s21] =	ssyncset.done $0x0  }
0x30: {  	s2 =	rddreg [dreg:$0x6];
	[sflag:s21] =	ssyncadd.s32 $0xFFFFC000  }
0x31: {  	[spmem:s2] =	stream.linear.scatter [tilespmem:s20], [sflag:$0x5], $0x4000, $0x38;
	v63 =	vld [tilespmem:$0x0]  }
0x32: {  	_ =	swait.ge [sflag:s21], $0x4000  }
0x33: {  	[sflag:s21] =	ssyncset.done $0x0  }
0x34: {  	s6 =	rddreg [dreg:$0x7];
	[sflag:s21] =	ssyncadd.s32 $0xFFFFC000  }
0x35: {  	[spmem:s6] =	stream.linear.scatter [tilespmem:s20], [sflag:$0x5], $0x4000, $0x38;
	v63 =	vld [tilespmem:$0x0]  }
0x36: {  	_ =	swait.ge [sflag:s21], $0x4000  }
0x37: {  	[sflag:s21] =	ssyncset.done $0x0  }
0x38: {  	s7 =	rddreg [dreg:$0x8];
	[sflag:s21] =	ssyncadd.s32 $0xFFFFC000  }
0x39: {  	[spmem:s7] =	stream.linear.scatter [tilespmem:s20], [sflag:$0x5], $0x3C00, $0x38;
	v63 =	vld [tilespmem:$0x0]  }
0x3a: {  	_ =	swait.ge [sflag:s21], $0x3C00  }
0x3b: {  	[sflag:s21] =	ssyncset.done $0x0  }
0x3c: {  	[sflag:s21] =	ssyncadd.s32 $0xFFFFC400  }
0x3d: {  	s8 =	simm.s32 $0x0;
	[bflag:$0x0] =	sbarrier.arrive $0xFFFF  }
0x3e: {  	[tilespmem:s8], [sflag:$0x2] =	stream.linear.gather [hbm4b:s11+s8], $0x80, $0x38;
	v63 =	vld [tilespmem:$0x0]  }
0x3f: {  	s2 =	rddreg [dreg:$0x9]  }
0x40: {  	[tilespmem:s22], [sflag:$0x2] =	stream.linear.gather [hbm4b:s2+s8], $0x80, $0x38;
	v63 =	vld [tilespmem:$0x0]  }
0x41: {  	s9 =	simm.s32 $0x100  }
0x42: {  	[tilespmem:s9], [sflag:$0x2] =	stream.linear.gather [hbm4b:s13+s8], $0x80, $0x38;
	v63 =	vld [tilespmem:$0x0]  }
0x43: {  	s12 =	simm.s32 $0x200  }
0x44: {  	[tilespmem:s12], [sflag:$0x3] =	stream.linear.gather [hbm4b:s14+s8], $0x80, $0x38;
	v63 =	vld [tilespmem:$0x0]  }
0x45: {  	s23 =	simm.s32 $0x280  }
0x46: {  	[tilespmem:s23], [sflag:$0x3] =	stream.linear.gather [hbm4b:s15+s8], $0x80, $0x38;
	v63 =	vld [tilespmem:$0x0]  }
0x47: {  	_ =	swait.ge [sflag:s26], $0x80  }
0x48: {  	[sflag:s26] =	ssyncset.done $0x0  }
0x49: {  	[sflag:s26] =	ssyncadd.s32 $0xFFFFFF80  }
0x4a: {  	[tilespmem:s20], [sflag:$0x1] =	stream.indirect.gather [hbm4b:s4+s22], $0x80, s8, s22, $0xb8;
	v63 =	vld [tilespmem:$0x0]  }
0x4b: {  	p1 =	sle.u32 s10, $0x0;
	_ =	swait.ge [sflag:s26], $0x80  }
0x4c: {  	p0 =	por p1, p1;
	[sflag:s26] =	ssyncset.done $0x0  }
0x4d: {  	s24 =	simm.s32 $0x4400;
	s0 =	simm.s32 @!p0 $0x1;
	[sflag:s26] =	ssyncadd.s32 $0xFFFFFF80  }
0x4e: {  	[tilespmem:s24], [sflag:$0x1] =	stream.indirect.gather [hbm4b:s4+s22], $0x80, s22, s22, $0xb8;
	v63 =	vld [tilespmem:$0x0]  }
0x4f: {  	_ =	swait.ge @!p0 [sflag:s0], $0x4000  }
0x50: {  	[sflag:s0] =	ssyncset.done @!p0 $0x0  }
0x51: {  	p3 =	por @!p0 $0x1, $0x1;
	s2 =	simm.s32 @!p0 $0x3;
	[sflag:s0] =	ssyncadd.s32 @!p0 $0xFFFFC000  }
0x52: {  	p2 =	sle.u32 @!p1 s10, $0x2;
	p3 =	por p3, p0;
	_ =	swait.ge @!p0 [sflag:s2], $0x80  }
0x53: {  	s6 =	simm.s32 @!p0 $0x80;
	s7 =	simm.s32 @!p3 $0x4;
	[sflag:s2] =	ssyncset.done @!p0 $0x0  }
0x54: {  	s0 =	simm.s32 @!p0 $0x400;
	[sflag:s2] =	ssyncadd.s32 @!p0 $0xFFFFFF80;
	s2 =	simm.s32 @!p0 $0x200  }
0x55: {  	[spmem:s1] =	stream.indirect.scatter.add.f32 @!p0 [tilespmem:s0], [sflag:$0x4], $0x80, s2, s6, $0xb8;
	v63 =	vld [tilespmem:$0x0]  }
0x56: {  	p4 =	sle.u32 @!p1 s10, $0x3;
	p2 =	por p2, p2;
	_ =	swait.ge @!p3 [sflag:s7], $0x4000  }
0x57: {  	p1 =	por p4, p1;
	p2 =	por p2, p0;
	[sflag:s7] =	ssyncset.done @!p3 $0x0  }
0x58: {  	s8 =	simm.s32 @!p2 $0x8400;
	s2 =	simm.s32 @!p2 $0x2;
	[sflag:s7] =	ssyncadd.s32 @!p3 $0xFFFFC000  }
0x59: {  	s0 =	sadd.s32 @!p1 $0x0, s19;
	p0 =	por p1, p1;
	_ =	swait.ge @!p2 [sflag:s2], $0x80  }
0x5a: {  	s6 =	sadd.s32 @!p2 $0x0, s18;
	s7 =	simm.s32 @!p2 $0x100;
	[sflag:s2] =	ssyncset.done @!p2 $0x0  }
0x5b: {  	s9 =	rddreg [dreg:$0x3];
	[sflag:s2] =	ssyncadd.s32 @!p2 $0xFFFFFF80;
	s2 =	simm.s32 @!p2 $0x80  }
0x5c: {  	[tilespmem:s8], [sflag:$0x1] =	stream.indirect.gather @!p2 [hbm4b:s4+s2], $0x80, s7, s2, $0xb8;
	v63 =	vld [tilespmem:$0x0]  }
0x5d: {  	s2 =	sadd.s32 @!p2 $0x20, s6;
	s6 =	simm.s32 @!p2 $0x0;
	s7 =	simm.s32 @!p2 $0x300  }
0x5e: {  	[tilespmem:s7], [sflag:$0x3] =	stream.linear.gather @!p2 [hbm4b:s2+s6], $0x80, $0x38;
	v63 =	vld [tilespmem:$0x0]  }
0x5f: {  	s0 =	sadd.s32 @!p1 $0x30, s0;
	p1 =	sle.u32 s9, $0x0;
	s2 =	simm.s32 @!p0 $0x0  }
0x60: {  	[tilespmem:s2], [sflag:$0x2] =	stream.linear.gather @!p0 [hbm4b:s0+s2], $0x80, $0x38;
	v63 =	vld [tilespmem:$0x0]  }
0x61: {  	s0 =	simm.s32 @!p1 $0x1  }
0x62: {  	_ =	swait.ge @!p1 [sflag:s0], $0x4000  }
0x63: {  	[sflag:s0] =	ssyncset.done @!p1 $0x0  }
0x64: {  	s2 =	simm.s32 @!p1 $0x3;
	[sflag:s0] =	ssyncadd.s32 @!p1 $0xFFFFC000  }
0x65: {  	p3 =	sle.u32 @!p1 s10, $0x3;
	_ =	swait.ge @!p1 [sflag:s2], $0x80  }
0x66: {  	s6 =	simm.s32 @!p1 $0x80;
	s7 =	simm.s32 @!p1 $0x280;
	[sflag:s2] =	ssyncset.done @!p1 $0x0  }
0x67: {  	s0 =	simm.s32 @!p1 $0x4400;
	[sflag:s2] =	ssyncadd.s32 @!p1 $0xFFFFFF80;
	s2 =	simm.s32 @!p1 $0x4  }
0x68: {  	[spmem:s1] =	stream.indirect.scatter.add.f32 @!p1 [tilespmem:s0], [sflag:$0x4], $0x80, s7, s6, $0xb8;
	v63 =	vld [tilespmem:$0x0]  }
0x69: {  	p3 =	por p3, p1;
	_ =	swait.ge @!p1 [sflag:s2], $0x4000  }
0x6a: {  	p2 =	sle.u32 @!p1 s10, $0x4;
	s9 =	simm.s32 @!p3 $0x400;
	[sflag:s2] =	ssyncset.done @!p1 $0x0  }
0x6b: {  	p2 =	por p2, p1;
	s6 =	simm.s32 @!p3 $0x2;
	[sflag:s2] =	ssyncadd.s32 @!p1 $0xFFFFC000  }
0x6c: {  	s23 =	simm.s32 @!p3 $0x80;
	s0 =	sadd.s32 @!p2 $0x0, s19;
	_ =	swait.ge @!p3 [sflag:s6], $0x80  }
0x6d: {  	s7 =	simm.s32 @!p3 $0x0;
	s0 =	sadd.s32 @!p2 $0x40, s0;
	[sflag:s6] =	ssyncset.done @!p3 $0x0  }
0x6e: {  	s2 =	sadd.s32 @!p3 $0x0, s18;
	s25 =	rddreg [dreg:$0x4];
	[sflag:s6] =	ssyncadd.s32 @!p3 $0xFFFFFF80  }
0x6f: {  	[tilespmem:s9], [sflag:$0x1] =	stream.indirect.gather @!p3 [hbm4b:s4+s23], $0x80, s7, s23, $0xb8;
	v63 =	vld [tilespmem:$0x0]  }
0x70: {  	s2 =	sadd.s32 @!p3 $0x30, s2;
	s6 =	simm.s32 @!p3 $0x200;
	p1 =	sle.u32 s25, $0x0  }
0x71: {  	[tilespmem:s6], [sflag:$0x3] =	stream.linear.gather @!p3 [hbm4b:s2+s7], $0x80, $0x38;
	v63 =	vld [tilespmem:$0x0]  }
0x72: {  	s2 =	simm.s32 @!p2 $0x0;
	s6 =	simm.s32 @!p2 $0x80;
	s7 =	simm.s32 @!p1 $0x1  }
0x73: {  	[tilespmem:s6], [sflag:$0x2] =	stream.linear.gather @!p2 [hbm4b:s0+s2], $0x80, $0x38;
	v63 =	vld [tilespmem:$0x0]  }
0x74: {  	_ =	swait.ge @!p1 [sflag:s7], $0x4000  }
0x75: {  	s30 =	simm.s32 $0x30;
	[sflag:s7] =	ssyncset.done @!p1 $0x0  }
0x76: {  	p0 =	sle.u32 s10, $0x3;
	s2 =	simm.s32 @!p1 $0x3;
	[sflag:s7] =	ssyncadd.s32 @!p1 $0xFFFFC000  }
0x77: {  	s31 =	simm.s32 $0x3;
	p3 =	sle.u32 @!p0 s10, $0x5;
	_ =	swait.ge @!p1 [sflag:s2], $0x80  }
0x78: {  	s8 =	simm.s32 @!p1 $0x300;
	p3 =	por p3, p3;
	[sflag:s2] =	ssyncset.done @!p1 $0x0  }
0x79: {  	s6 =	simm.s32 @!p1 $0x8400;
	s7 =	simm.s32 @!p1 $0x80;
	[sflag:s2] =	ssyncadd.s32 @!p1 $0xFFFFFF80  }
0x7a: {  	[spmem:s1] =	stream.indirect.scatter.add.f32 @!p1 [tilespmem:s6], [sflag:$0x4], $0x80, s8, s7, $0xb8;
	v63 =	vld [tilespmem:$0x0]  }
0x7b: {  	s24 =	simm.s32 $0x6;
	p4 =	sle.u32 @!p1 s10, $0x5;
	s6 =	simm.s32 @!p3 $0x0  }
0x7c: {  	s23 =	simm.s32 $0x60;
	p4 =	por p4, p1;
	s6 =	simm.s32 @p3 $0x1  }
0x7d: {  	s28 =	simm.s32 @!p4 $0x0;
	s2 =	simm.s32 @!p1 $0x4;
	[smem:$0x7FD] =	sst s6  }
0x7e: {  	p2 =	sle.u32 @!p0 s10, $0x6;
	p3 =	sle.u32 @!p1 s10, $0x4;
	_ =	swait.ge @!p1 [sflag:s2], $0x4000  }
0x7f: {  	p2 =	por p2, p0;
	p5 =	por p3, p1;
	[sflag:s2] =	ssyncset.done @!p1 $0x0  }
0x80: {  	s0 =	sadd.s32 @!p2 $0x30, s19;
	s6 =	simm.s32 @!p5 $0x2;
	[sflag:s2] =	ssyncadd.s32 @!p1 $0xFFFFC000  }
0x81: {  	p0 =	por p0, p0;
	s0 =	sadd.s32 @!p2 $0x30, s0;
	_ =	swait.ge @!p5 [sflag:s6], $0x80  }
0x82: {  	s7 =	simm.s32 @!p5 $0x80;
	s8 =	simm.s32 @!p5 $0x4400;
	[sflag:s6] =	ssyncset.done @!p5 $0x0  }
0x83: {  	s9 =	simm.s32 @!p5 $0x0;
	s2 =	sadd.s32 @!p4 $0x0, s19;
	[sflag:s6] =	ssyncadd.s32 @!p5 $0xFFFFFF80  }
0x84: {  	[tilespmem:s8], [sflag:$0x1] =	stream.indirect.gather @!p5 [hbm4b:s4+s7], $0x80, s7, s7, $0xb8;
	v63 =	vld [tilespmem:$0x0]  }
0x85: {  	p1 =	por p2, p2;
	s2 =	sadd.s32 @!p4 $0x50, s2;
	s8 =	sadd.s32 @!p5 $0x0, s18  }
0x86: {  	s6 =	simm.s32 @!p4 $0x100;
	s7 =	simm.s32 @!p5 $0x280;
	s8 =	sadd.s32 @!p5 $0x40, s8  }
.LBB2_4:
0x87: {  	[tilespmem:s7], [sflag:$0x3] =	stream.linear.gather @!p5 [hbm4b:s8+s9], $0x80, $0x38;
	v63 =	vld [tilespmem:$0x0]  }
0x88: {  	s25 =	smov.u32 s23  }
0x89: {  	p5 =	sge.u32 s24, s10;
	s23 =	sadd.s32 $0x30, s23;
	s7 =	simm.s32 @!p0 $0x1  }
0x8a: {  	[tilespmem:s6], [sflag:$0x2] =	stream.linear.gather @!p4 [hbm4b:s2+s28], $0x80, $0x38;
	v63 =	vld [tilespmem:$0x0]  }
0x8b: {  	p3 =	sne.s32 s23, $0x510;
	s2 =	sadd.s32 @!p5 $0x2, s24;
	s6 =	sadd.s32 @!p5 $0x3, s24  }
0x8c: {  	_ =	swait.ge @!p0 [sflag:s7], $0x4000;
	p2 =	sge.u32 @!p5 s6, s10;
	s6 =	simm.s32 @!p3 $0x0  }
0x8d: {  	p6 =	sge.u32 @!p5 s2, s10;
	[sflag:s7] =	ssyncset.done @!p0 $0x0;
	s6 =	simm.s32 @p3 $0x1  }
0x8e: {  	s2 =	simm.s32 @!p0 $0x3;
	[smem:$0x7FC] =	sst s6;
	[sflag:s7] =	ssyncadd.s32 @!p0 $0xFFFFC000  }
0x8f: {  	p3 =	seq.s32 @!p0 s30, $0x0;
	s6 =	simm.s32 @!p0 $0x400;
	_ =	swait.ge @!p0 [sflag:s2], $0x80  }
0x90: {  	s7 =	simm.s32 @!p0 $0x80;
	p3 =	por p3, p0;
	[sflag:s2] =	ssyncset.done @!p0 $0x0  }
0x91: {  	s8 =	simm.s32 @!p3 $0x4;
	[sflag:s2] =	ssyncadd.s32 @!p0 $0xFFFFFF80;
	s2 =	simm.s32 @!p0 $0x200  }
0x92: {  	[spmem:s1] =	stream.indirect.scatter.add.f32 @!p0 [tilespmem:s6], [sflag:$0x4], $0x80, s2, s7, $0xb8;
	v63 =	vld [tilespmem:$0x0]  }
0x93: {  	_ =	swait.ge @!p3 [sflag:s8], $0x4000  }
0x94: {  	s12 =	sld [smem:$0x7FD];
	_ =	sdelay $0x2  }
0x95: {  	p4 =	por p2, p5;
	p2 =	seq.s32 s12, $0x1  }
0x96: {  	[sflag:s8] =	ssyncset.done @!p3 $0x0;
	p2 =	por p2, p0  }
0x97: {  	[sflag:s8] =	ssyncadd.s32 @!p3 $0xFFFFC000;
	s6 =	simm.s32 @!p2 $0x2  }
0x98: {  	p3 =	por p6, p6;
	_ =	swait.ge @!p2 [sflag:s6], $0x80  }
0x99: {  	s7 =	sadd.s32 @!p2 s30, s18;
	s8 =	simm.s32 @!p2 $0x100;
	[sflag:s6] =	ssyncset.done @!p2 $0x0  }
0x9a: {  	s9 =	simm.s32 @!p2 $0x8400;
	[sflag:s6] =	ssyncadd.s32 @!p2 $0xFFFFFF80;
	s6 =	simm.s32 @!p2 $0x80  }
0x9b: {  	[tilespmem:s9], [sflag:$0x1] =	stream.indirect.gather @!p2 [hbm4b:s4+s6], $0x80, s8, s6, $0xb8;
	v63 =	vld [tilespmem:$0x0]  }
0x9c: {  	s7 =	sadd.s32 @!p2 $0x20, s7;
	s6 =	simm.s32 @!p2 $0x0;
	s8 =	simm.s32 @!p2 $0x300  }
0x9d: {  	[tilespmem:s8], [sflag:$0x3] =	stream.linear.gather @!p2 [hbm4b:s7+s6], $0x80, $0x38;
	v63 =	vld [tilespmem:$0x0]  }
0x9e: {  	s28 =	rddreg [dreg:$0x3];
	s7 =	simm.s32 @!p3 $0x0  }
0x9f: {  	s6 =	simm.s32 @!p1 $0x0;
	p2 =	sge.u32 s31, s28;
	s7 =	simm.s32 @p3 $0x1  }
0xa0: {  	[tilespmem:s6], [sflag:$0x2] =	stream.linear.gather @!p1 [hbm4b:s0+s6], $0x80, $0x38;
	v63 =	vld [tilespmem:$0x0]  }
0xa1: {  	s2 =	sadd.s32 @!p4 s25, s19;
	[smem:$0x7FD] =	sst s7;
	s0 =	simm.s32 @!p2 $0x1  }
0xa2: {  	s2 =	sadd.s32 @!p4 $0x30, s2;
	_ =	swait.ge @!p2 [sflag:s0], $0x4000  }
0xa3: {  	s8 =	simm.s32 @!p2 $0x80;
	s6 =	sadd.s32 @!p2 $0x3, s31;
	[sflag:s0] =	ssyncset.done @!p2 $0x0  }
0xa4: {  	p6 =	sge.u32 @!p2 s6, s10;
	s6 =	simm.s32 @!p2 $0x3;
	[sflag:s0] =	ssyncadd.s32 @!p2 $0xFFFFC000  }
0xa5: {  	s9 =	simm.s32 @!p2 $0x280;
	s7 =	sadd.s32 @!p2 $0x4, s31;
	_ =	swait.ge @!p2 [sflag:s6], $0x80  }
0xa6: {  	p1 =	sge.u32 @!p2 s7, s10;
	s0 =	smov.u32 s2;
	[sflag:s6] =	ssyncset.done @!p2 $0x0  }
0xa7: {  	s2 =	simm.s32 @!p2 $0x4400;
	[sflag:s6] =	ssyncadd.s32 @!p2 $0xFFFFFF80;
	s6 =	simm.s32 @!p2 $0x4  }
0xa8: {  	[spmem:s1] =	stream.indirect.scatter.add.f32 @!p2 [tilespmem:s2], [sflag:$0x4], $0x80, s9, s8, $0xb8;
	v63 =	vld [tilespmem:$0x0]  }
0xa9: {  	p0 =	por p5, p5;
	p5 =	por p1, p2;
	_ =	swait.ge @!p2 [sflag:s6], $0x4000  }
0xaa: {  	p1 =	por p4, p4;
	p4 =	por p6, p2;
	[sflag:s6] =	ssyncset.done @!p2 $0x0  }
0xab: {  	s7 =	sadd.s32 @!p5 s30, s19;
	s2 =	simm.s32 @!p4 $0x2;
	[sflag:s6] =	ssyncadd.s32 @!p2 $0xFFFFC000  }
0xac: {  	s28 =	simm.s32 @!p4 $0x80;
	s8 =	sadd.s32 @!p4 s30, s18;
	_ =	swait.ge @!p4 [sflag:s2], $0x80  }
0xad: {  	s9 =	simm.s32 @!p4 $0x400;
	s6 =	sadd.s32 @!p4 $0x30, s8;
	[sflag:s2] =	ssyncset.done @!p4 $0x0  }
0xae: {  	s8 =	simm.s32 @!p4 $0x0;
	s12 =	rddreg [dreg:$0x4];
	[sflag:s2] =	ssyncadd.s32 @!p4 $0xFFFFFF80  }
0xaf: {  	[tilespmem:s9], [sflag:$0x1] =	stream.indirect.gather @!p4 [hbm4b:s4+s28], $0x80, s8, s28, $0xb8;
	v63 =	vld [tilespmem:$0x0]  }
0xb0: {  	s7 =	sadd.s32 @!p5 $0x40, s7;
	s2 =	simm.s32 @!p4 $0x200;
	p6 =	sge.u32 s31, s12  }
0xb1: {  	[tilespmem:s2], [sflag:$0x3] =	stream.linear.gather @!p4 [hbm4b:s6+s8], $0x80, $0x38;
	v63 =	vld [tilespmem:$0x0]  }
0xb2: {  	s9 =	simm.s32 @!p5 $0x0;
	s28 =	simm.s32 @!p5 $0x80;
	s2 =	simm.s32 @!p6 $0x1  }
0xb3: {  	[tilespmem:s28], [sflag:$0x2] =	stream.linear.gather @!p5 [hbm4b:s7+s9], $0x80, $0x38;
	v63 =	vld [tilespmem:$0x0]  }
0xb4: {  	_ =	swait.ge @!p6 [sflag:s2], $0x4000  }
0xb5: {  	s6 =	sadd.s32 @!p6 $0x4, s31;
	[sflag:s2] =	ssyncset.done @!p6 $0x0  }
0xb6: {  	p2 =	sge.u32 @!p6 s6, s10;
	s6 =	simm.s32 @!p6 $0x3;
	[sflag:s2] =	ssyncadd.s32 @!p6 $0xFFFFC000  }
0xb7: {  	s12 =	simm.s32 @!p6 $0x4;
	s8 =	sadd.s32 @!p6 $0x5, s31;
	_ =	swait.ge @!p6 [sflag:s6], $0x80  }
0xb8: {  	p3 =	sge.u32 @!p6 s8, s10;
	s8 =	simm.s32 @!p6 $0x80;
	[sflag:s6] =	ssyncset.done @!p6 $0x0  }
0xb9: {  	s7 =	simm.s32 @!p6 $0x8400;
	s9 =	simm.s32 @!p6 $0x300;
	[sflag:s6] =	ssyncadd.s32 @!p6 $0xFFFFFF80  }
0xba: {  	[spmem:s1] =	stream.indirect.scatter.add.f32 @!p6 [tilespmem:s7], [sflag:$0x4], $0x80, s9, s8, $0xb8;
	v63 =	vld [tilespmem:$0x0]  }
0xbb: {  	_ =	swait.ge @!p6 [sflag:s12], $0x4000  }
0xbc: {  	p5 =	por p2, p6;
	[sflag:s12] =	ssyncset.done @!p6 $0x0  }
0xbd: {  	s8 =	simm.s32 @!p5 $0x2;
	[sflag:s12] =	ssyncadd.s32 @!p6 $0xFFFFC000  }
0xbe: {  	p4 =	por p3, p6;
	_ =	swait.ge @!p5 [sflag:s8], $0x80  }
0xbf: {  	s2 =	sadd.s32 @!p4 s30, s19;
	s9 =	sadd.s32 @!p5 s30, s18;
	[sflag:s8] =	ssyncset.done @!p5 $0x0  }
0xc0: {  	s30 =	simm.s32 @!p5 $0x4400;
	s12 =	simm.s32 @!p5 $0x80;
	[sflag:s8] =	ssyncadd.s32 @!p5 $0xFFFFFF80  }
0xc1: {  	[tilespmem:s30], [sflag:$0x1] =	stream.indirect.gather @!p5 [hbm4b:s4+s12], $0x80, s12, s12, $0xb8;
	v63 =	vld [tilespmem:$0x0]  }
0xc2: {  	s30 =	smov.u32 s25;
	s25 =	sld [smem:$0x7FC];
	_ =	sdelay $0x2  }
0xc3: {  	p2 =	seq.s32 s25, $0x1  }
.Ltmp1:
0xc4: {  	_ = 	snop;
	(pc) =	sbr.rel @p2 .LBB2_4-.Ltmp1, $4  }
0xc5: {  	_ = 	snop  }
0xc6: {  	s31 =	smov.u32 s24;
	s24 =	sadd.s32 $0x3, s24  }
0xc7: {  	s28 =	simm.s32 @!p4 $0x0;
	s2 =	sadd.s32 @!p4 $0x50, s2;
	s6 =	simm.s32 @!p4 $0x100  }
0xc8: {  	s7 =	simm.s32 @!p5 $0x280;
	s8 =	sadd.s32 @!p5 $0x40, s9;
	s9 =	simm.s32 @!p5 $0x0  }
0xc9: {  	[tilespmem:s7], [sflag:$0x3] =	stream.linear.gather @!p5 [hbm4b:s8+s9], $0x80, $0x38;
	v63 =	vld [tilespmem:$0x0]  }
0xca: {  	s7 =	simm.s32 @!p0 $0x1  }
0xcb: {  	[tilespmem:s6], [sflag:$0x2] =	stream.linear.gather @!p4 [hbm4b:s2+s28], $0x80, $0x38;
	v63 =	vld [tilespmem:$0x0]  }
0xcc: {  	_ =	swait.ge @!p0 [sflag:s7], $0x4000  }
0xcd: {  	[sflag:s7] =	ssyncset.done @!p0 $0x0  }
0xce: {  	p2 =	seq.s32 @!p0 s30, $0x0;
	s2 =	simm.s32 @!p0 $0x3;
	[sflag:s7] =	ssyncadd.s32 @!p0 $0xFFFFC000  }
0xcf: {  	p2 =	por p2, p0;
	_ =	swait.ge @!p0 [sflag:s2], $0x80  }
0xd0: {  	s6 =	simm.s32 @!p0 $0x400;
	s8 =	simm.s32 @!p2 $0x4;
	[sflag:s2] =	ssyncset.done @!p0 $0x0  }
0xd1: {  	s7 =	simm.s32 @!p0 $0x80;
	[sflag:s2] =	ssyncadd.s32 @!p0 $0xFFFFFF80;
	s2 =	simm.s32 @!p0 $0x200  }
0xd2: {  	[spmem:s1] =	stream.indirect.scatter.add.f32 @!p0 [tilespmem:s6], [sflag:$0x4], $0x80, s2, s7, $0xb8;
	v63 =	vld [tilespmem:$0x0]  }
0xd3: {  	_ =	swait.ge @!p2 [sflag:s8], $0x4000  }
0xd4: {  	s24 =	sld [smem:$0x7FD];
	_ =	sdelay $0x2  }
0xd5: {  	p3 =	seq.s32 s24, $0x1  }
0xd6: {  	[sflag:s8] =	ssyncset.done @!p2 $0x0;
	p0 =	por p3, p0  }
0xd7: {  	[sflag:s8] =	ssyncadd.s32 @!p2 $0xFFFFC000;
	s2 =	simm.s32 @!p0 $0x2  }
0xd8: {  	s6 =	sadd.s32 @!p0 s30, s18;
	_ =	swait.ge @!p0 [sflag:s2], $0x80  }
0xd9: {  	s7 =	simm.s32 @!p0 $0x100;
	s8 =	simm.s32 @!p0 $0x8400;
	[sflag:s2] =	ssyncset.done @!p0 $0x0  }
0xda: {  	s25 =	rddreg [dreg:$0x3];
	[sflag:s2] =	ssyncadd.s32 @!p0 $0xFFFFFF80;
	s2 =	simm.s32 @!p0 $0x80  }
0xdb: {  	[tilespmem:s8], [sflag:$0x1] =	stream.indirect.gather @!p0 [hbm4b:s4+s2], $0x80, s7, s2, $0xb8;
	v63 =	vld [tilespmem:$0x0]  }
0xdc: {  	s2 =	sadd.s32 @!p0 $0x20, s6;
	s6 =	simm.s32 @!p0 $0x0;
	s7 =	simm.s32 @!p0 $0x300  }
0xdd: {  	[tilespmem:s7], [sflag:$0x3] =	stream.linear.gather @!p0 [hbm4b:s2+s6], $0x80, $0x38;
	v63 =	vld [tilespmem:$0x0]  }
0xde: {  	s2 =	simm.s32 @!p1 $0x0;
	p0 =	sge.u32 s31, s25  }
0xdf: {  	[tilespmem:s2], [sflag:$0x2] =	stream.linear.gather @!p1 [hbm4b:s0+s2], $0x80, $0x38;
	v63 =	vld [tilespmem:$0x0]  }
0xe0: {  	s0 =	simm.s32 @!p0 $0x1  }
0xe1: {  	_ =	swait.ge @!p0 [sflag:s0], $0x4000  }
0xe2: {  	[sflag:s0] =	ssyncset.done @!p0 $0x0  }
0xe3: {  	s2 =	simm.s32 @!p0 $0x3;
	[sflag:s0] =	ssyncadd.s32 @!p0 $0xFFFFC000  }
0xe4: {  	s6 =	sadd.s32 @!p0 $0x4, s31;
	s7 =	simm.s32 @!p0 $0x4400;
	_ =	swait.ge @!p0 [sflag:s2], $0x80  }
0xe5: {  	s8 =	simm.s32 @!p0 $0x80;
	s9 =	simm.s32 @!p0 $0x280;
	[sflag:s2] =	ssyncset.done @!p0 $0x0  }
0xe6: {  	s0 =	sadd.s32 @!p0 $0x3, s31;
	[sflag:s2] =	ssyncadd.s32 @!p0 $0xFFFFFF80;
	s2 =	simm.s32 @!p0 $0x4  }
0xe7: {  	[spmem:s1] =	stream.indirect.scatter.add.f32 @!p0 [tilespmem:s7], [sflag:$0x4], $0x80, s9, s8, $0xb8;
	v63 =	vld [tilespmem:$0x0]  }
0xe8: {  	p1 =	sge.u32 @!p0 s6, s10;
	p2 =	sge.u32 @!p0 s0, s10;
	_ =	swait.ge @!p0 [sflag:s2], $0x4000  }
0xe9: {  	p1 =	por p1, p0;
	p2 =	por p2, p0;
	[sflag:s2] =	ssyncset.done @!p0 $0x0  }
0xea: {  	s0 =	sadd.s32 @!p1 s30, s19;
	s6 =	simm.s32 @!p2 $0x2;
	[sflag:s2] =	ssyncadd.s32 @!p0 $0xFFFFC000  }
0xeb: {  	s0 =	sadd.s32 @!p1 $0x40, s0;
	s12 =	simm.s32 @!p2 $0x80;
	_ =	swait.ge @!p2 [sflag:s6], $0x80  }
0xec: {  	s7 =	simm.s32 @!p2 $0x0;
	s9 =	simm.s32 @!p2 $0x400;
	[sflag:s6] =	ssyncset.done @!p2 $0x0  }
0xed: {  	s2 =	sadd.s32 @!p2 s30, s18;
	s28 =	rddreg [dreg:$0x4];
	[sflag:s6] =	ssyncadd.s32 @!p2 $0xFFFFFF80  }
0xee: {  	[tilespmem:s9], [sflag:$0x1] =	stream.indirect.gather @!p2 [hbm4b:s4+s12], $0x80, s7, s12, $0xb8;
	v63 =	vld [tilespmem:$0x0]  }
0xef: {  	s2 =	sadd.s32 @!p2 $0x30, s2;
	s6 =	simm.s32 @!p2 $0x200;
	p0 =	sge.u32 s31, s28  }
0xf0: {  	[tilespmem:s6], [sflag:$0x3] =	stream.linear.gather @!p2 [hbm4b:s2+s7], $0x80, $0x38;
	v63 =	vld [tilespmem:$0x0]  }
0xf1: {  	s2 =	simm.s32 @!p1 $0x0;
	s6 =	simm.s32 @!p1 $0x80;
	s7 =	simm.s32 @!p0 $0x1  }
0xf2: {  	[tilespmem:s6], [sflag:$0x2] =	stream.linear.gather @!p1 [hbm4b:s0+s2], $0x80, $0x38;
	v63 =	vld [tilespmem:$0x0]  }
0xf3: {  	_ =	swait.ge @!p0 [sflag:s7], $0x4000  }
0xf4: {  	[sflag:s7] =	ssyncset.done @!p0 $0x0  }
0xf5: {  	s0 =	simm.s32 @!p0 $0x3;
	[sflag:s7] =	ssyncadd.s32 @!p0 $0xFFFFC000  }
0xf6: {  	s8 =	simm.s32 @!p0 $0x300;
	_ =	swait.ge @!p0 [sflag:s0], $0x80  }
0xf7: {  	s2 =	sadd.s32 @!p0 $0x4, s31;
	s6 =	simm.s32 @!p0 $0x8400;
	[sflag:s0] =	ssyncset.done @!p0 $0x0  }
0xf8: {  	s7 =	simm.s32 @!p0 $0x80;
	[sflag:s0] =	ssyncadd.s32 @!p0 $0xFFFFFF80;
	s0 =	simm.s32 @!p0 $0x4  }
0xf9: {  	[spmem:s1] =	stream.indirect.scatter.add.f32 @!p0 [tilespmem:s6], [sflag:$0x4], $0x80, s8, s7, $0xb8;
	v63 =	vld [tilespmem:$0x0]  }
0xfa: {  	p1 =	sge.u32 @!p0 s2, s10;
	_ =	swait.ge @!p0 [sflag:s0], $0x4000  }
0xfb: {  	s2 =	sadd.s32 @!p0 $0x5, s31;
	p1 =	por p1, p0;
	[sflag:s0] =	ssyncset.done @!p0 $0x0  }
0xfc: {  	p2 =	sge.u32 @!p0 s2, s10;
	s2 =	simm.s32 @!p1 $0x2;
	[sflag:s0] =	ssyncadd.s32 @!p0 $0xFFFFC000  }
0xfd: {  	s6 =	sadd.s32 @!p1 s30, s18;
	_ =	swait.ge @!p1 [sflag:s2], $0x80  }
0xfe: {  	s7 =	simm.s32 @!p1 $0x80;
	s8 =	simm.s32 @!p1 $0x4400;
	[sflag:s2] =	ssyncset.done @!p1 $0x0  }
0xff: {  	s6 =	sadd.s32 @!p1 $0x40, s6;
	p0 =	por p2, p0;
	[sflag:s2] =	ssyncadd.s32 @!p1 $0xFFFFFF80  }
0x100: {  	[tilespmem:s8], [sflag:$0x1] =	stream.indirect.gather @!p1 [hbm4b:s4+s7], $0x80, s7, s7, $0xb8;
	v63 =	vld [tilespmem:$0x0]  }
0x101: {  	s0 =	sadd.s32 @!p0 s30, s19;
	s2 =	simm.s32 @!p1 $0x280;
	s7 =	simm.s32 @!p1 $0x0  }
0x102: {  	[tilespmem:s2], [sflag:$0x3] =	stream.linear.gather @!p1 [hbm4b:s6+s7], $0x80, $0x38;
	v63 =	vld [tilespmem:$0x0]  }
0x103: {  	s0 =	sadd.s32 @!p0 $0x50, s0;
	s2 =	simm.s32 @!p0 $0x0;
	s6 =	simm.s32 @!p0 $0x100  }
0x104: {  	[tilespmem:s6], [sflag:$0x2] =	stream.linear.gather @!p0 [hbm4b:s0+s2], $0x80, $0x38;
	v63 =	vld [tilespmem:$0x0]  }
0x105: {  	s3 =	sadd.s32 $0x1, s3;
	_ =	swait.ge [sflag:s29], $0x4000  }
0x106: {  	s31 =	sshrl.u32 s5, $0x3;
	s30 =	stileid.u32;
	[sflag:s29] =	ssyncset.done $0x0  }
0x107: {  	s0 =	sshll.u32 s30, $0x6;
	p0 =	sne.s32 s3, s16;
	[sflag:s29] =	ssyncadd.s32 $0xFFFFC000  }
.Ltmp2:
0x108: {  	s0 =	sor.u32 $0x1C05, s0;
	[bflag:$0x0] =	sbarrier.arrive $0xFFFF;
	(pc) =	sbr.rel @p0 .LBB2_1-.Ltmp2, $4  }
0x109: {  	[hbm:s17], [sflag:s0] =	dma.local [spmem:s31], $0x2780  }
0x10a: {  	_ =	swait.ge [sflag:s21], $0x2780  }
0x10b: {  	[sflag:s21] =	ssyncset.done $0x0  }
0x10c: {  	[sflag:s21] =	ssyncadd.s32 $0xFFFFD880  }
0x10d: {  	_ =	sfence.sel $0x180000  }
0x10e: {  	[bflag:$0x0] =	sbarrier.arrive $0xFFFF  }
0x10f: {  	_ =	strace $0x9000004A  }
0x110: {  	s0 =	stileid.u32;
	[bflag:$0x2] =	sbarrier.arrive $0xFFFF  }
0x111: {  	p0 =	sne.s32 s0, $0x0;
	s0 =	rddreg [dreg:$0x2]  }
0x112: {  	s0 =	sadd.s32 @!p0 $0x100000, s0  }
0x113: {  	[sflag:s0] =	ssyncadd.tile.s32 @!p0 $0x1;
	_ =	shalt  }
.Lfunc_end2:
_tile_overlayer_lowered:
.L_overlay_start_2:
0x114: {  	(tag) =	ssettag $0x2  }
0x115: {  	s0 =	rddreg [dreg:$0x0];
	s2 =	stileid.u32  }
0x116: {  	s1 =	rddreg [dreg:$0x1];
	p0 =	sne.s32 s2, $0x0  }
0x117: {  	s3 =	rddreg [dreg:$0x2];
	[bflag:$0x3] =	sbarrier.arrive $0xFFFF;
	s2 =	simm.s32 @!p0 $0x1C05  }
0x118: {  	[timem:s3], [sflag:s2] =	dma.local @!p0 [hbm:s0], s1  }
0x119: {  	s0 =	simm.s32 @!p0 $0x5  }
0x11a: {  	_ =	swait.ge @!p0 [sflag:s0], s1  }
0x11b: {  	s1 =	ssub.s32 @!p0 $0x0, s1;
	[sflag:s0] =	ssyncset.done @!p0 $0x0  }
0x11c: {  	[sflag:s0] =	ssyncadd.s32 @!p0 s1  }
0x11d: {  	[bflag:$0x3] =	sbarrier.arrive $0xFFFF  }
0x11e: {  	_ =	shalt  }

// kernel: kernel.14.cloned.1.call-start
scs
__scs_entry_jumppad:
0x0: {  	(pc) =	sbr.rel $0x88, $3  }
0x1: {  	(tag) =	ssettag $0x0;
	lr =	simm.s32 $0x1  }
0x2: {  	[smem:$0x3F99] =	sst lr;
	_ =	strace $0xD0000000  }
0x3: {  	_ = 	snop  }
0x4: {  	_ = 	snop  }
0x5: {  	_ = 	snop  }
0x6: {  	_ = 	snop  }
0x7: {  	_ = 	snop  }
__scs_overlays_trampoline_lowered:
0x8: {  	[smem:$0x3FA8] =	sst s0  }
0x9: {  	[smem:$0x3FA9] =	sst s1  }
0xa: {  	[smem:$0x3FAA] =	sst s2  }
0xb: {  	[smem:$0x3FAB] =	sst s3  }
0xc: {  	[smem:$0x3FAC] =	sst s4  }
0xd: {  	[smem:$0x3FAD] =	sst s5  }
0xe: {  	[smem:$0x3FAE] =	sst s6  }
0xf: {  	[smem:$0x3FAF] =	sst s7  }
0x10: {  	[smem:$0x3FB0] =	sst s8  }
0x11: {  	[smem:$0x3FB1] =	sst s9;
	s0 =	simm.s32 @!p0 $0x0  }
0x12: {  	s1 =	sld [smem:$0x3F97];
	s0 =	simm.s32 @p0 $0x1  }
0x13: {  	[smem:$0x3FB2] =	sst s0;
	s0 =	simm.s32 @!p1 $0x0  }
0x14: {  	s2 =	sld [smem:$0x3F96];
	s0 =	simm.s32 @p1 $0x1  }
0x15: {  	[smem:$0x3FB3] =	sst s0;
	s0 =	simm.s32 @!p2 $0x0  }
0x16: {  	s3 =	sld [smem:$0x3FDB];
	s0 =	simm.s32 @p2 $0x1  }
0x17: {  	s4 =	simm.s32 $0x1BF5;
	[smem:$0x3FB5] =	sst s0  }
0x18: {  	s0 =	sld [smem:$0x3F98];
	_ =	swait.ge [sflag:s4], $0x0  }
0x19: {  	s7 =	sld [smem:$0x3F99]  }
0x1a: {  	s8 =	sadd.s32 $0xFFFFE003, lr  }
0x1b: {  	s9 =	sadd.s32 $0xFFFFFEF7, lr;
	s5 =	simm.s32 $0xFFFFFFFF;
	p2 =	slt.u32 s8, $0xFFFFF086  }
0x1c: {  	p1 =	slt.u32 s9, $0xF7A;
	s5 =	simm.s32 @!p2 $0x0  }
0x1d: {  	s5 =	simm.s32 @p1 $0x1;
	p0 =	seq.s32 s7, s2  }
0x1e: {  	s7 =	smul.u32 @!p0 $0xF7A, s2;
	p2 =	seq.s32 @!p0 s5, $0x0  }
0x1f: {  	s9 =	smul.u32 $0xF7A, s1;
	s8 =	simm.s32 @!p0 $0x1BF5;
	p2 =	por !p2, p0  }
0x20: {  	[sflag:s8] =	ssyncset.s32 @!p0 $0xFFFFF086;
	s6 =	sadd.s32 @!p0 s3, s7;
	s7 =	simm.s32 @!p0 $0x108  }
0x21: {  	s3 =	sadd.s32 s3, s9;
	s6 =	sadd.s32 @!p0 $0x88, s6;
	s7 =	simm.s32 @p2 $0x1082  }
0x22: {  	[simem:s7], [sflag:s8] =	dma.local @!p0 [hbm:s6], $0xF7A  }
0x23: {  	s9 =	sor.u32 $0xD0000000, s2;
	s6 =	simm.s32 $0x108;
	_ =	swait.ge @!p0 [sflag:s8], $0x0  }
0x24: {  	s3 =	sadd.s32 $0x88, s3;
	s6 =	simm.s32 @!p1 $0x1082;
	[sflag:s4] =	ssyncset.s32 $0xFFFFF086  }
0x25: {  	[simem:s6], [sflag:s4] =	dma.local [hbm:s3], $0xF7A  }
0x26: {  	[smem:$0x3F99] =	sst s1;
	(tag) =	ssettag s2;
	_ =	strace s9  }
0x27: {  	s1 =	sld [smem:$0x3FA9]  }
0x28: {  	s2 =	sld [smem:$0x3FAA]  }
0x29: {  	s4 =	sld [smem:$0x3FAC]  }
0x2a: {  	p0 =	seq.s32 s5, $0x0;
	s5 =	sld [smem:$0x3FAD]  }
0x2b: {  	s6 =	sld [smem:$0x3FAE]  }
0x2c: {  	s7 =	sld [smem:$0x3FAF]  }
0x2d: {  	s3 =	simm.s32 $0x108;
	s8 =	sld [smem:$0x3FB0]  }
0x2e: {  	s3 =	simm.s32 @!p0 $0x1082;
	s9 =	sld [smem:$0x3FB1]  }
0x2f: {  	lr =	sadd.s32 s0, s3;
	s0 =	sld [smem:$0x3FA8]  }
0x30: {  	s3 =	sld [smem:$0x3FAB]  }
0x31: {  	[smem:$0x3FB4] =	sst s10  }
0x32: {  	s10 =	sld [smem:$0x3FB2];
	_ =	sdelay $0x3  }
0x33: {  	p0 =	seq.s32 s10, $0x1;
	s10 =	sld [smem:$0x3FB4];
	_ =	sdelay $0x3  }
0x34: {  	[smem:$0x3FB4] =	sst s10  }
0x35: {  	s10 =	sld [smem:$0x3FB3];
	_ =	sdelay $0x3  }
0x36: {  	p1 =	seq.s32 s10, $0x1;
	s10 =	sld [smem:$0x3FB4];
	_ =	sdelay $0x3  }
0x37: {  	[smem:$0x3FB4] =	sst s10  }
0x38: {  	s10 =	sld [smem:$0x3FB5]  }
0x39: {  	_ = 	snop;
	(pc) =	sbr.ind lr, $3  }
0x3a: {  	_ = 	snop  }
0x3b: {  	_ = 	snop  }
0x3c: {  	p2 =	seq.s32 s10, $0x1;
	s10 =	sld [smem:$0x3FB4]  }
0x3d: {  	_ =	shalt  }
0x3e: {  	_ =	shalt  }
0x3f: {  	_ =	shalt  }
0x40: {  	_ =	shalt  }
0x41: {  	_ =	shalt  }
0x42: {  	_ =	shalt  }
0x43: {  	_ =	shalt  }
0x44: {  	_ =	shalt  }
0x45: {  	_ =	shalt  }
0x46: {  	_ =	shalt  }
0x47: {  	_ =	shalt  }
0x48: {  	_ =	shalt  }
0x49: {  	_ =	shalt  }
0x4a: {  	_ =	shalt  }
0x4b: {  	_ =	shalt  }
0x4c: {  	_ =	shalt  }
0x4d: {  	_ =	shalt  }
0x4e: {  	_ =	shalt  }
0x4f: {  	_ =	shalt  }
0x50: {  	_ =	shalt  }
0x51: {  	_ =	shalt  }
0x52: {  	_ =	shalt  }
0x53: {  	_ =	shalt  }
0x54: {  	_ =	shalt  }
0x55: {  	_ =	shalt  }
0x56: {  	_ =	shalt  }
0x57: {  	_ =	shalt  }
0x58: {  	_ =	shalt  }
0x59: {  	_ =	shalt  }
0x5a: {  	_ =	shalt  }
0x5b: {  	_ =	shalt  }
0x5c: {  	_ =	shalt  }
0x5d: {  	_ =	shalt  }
0x5e: {  	_ =	shalt  }
0x5f: {  	_ =	shalt  }
0x60: {  	_ =	shalt  }
0x61: {  	_ =	shalt  }
0x62: {  	_ =	shalt  }
0x63: {  	_ =	shalt  }
0x64: {  	_ =	shalt  }
0x65: {  	_ =	shalt  }
0x66: {  	_ =	shalt  }
0x67: {  	_ =	shalt  }
0x68: {  	_ =	shalt  }
0x69: {  	_ =	shalt  }
0x6a: {  	_ =	shalt  }
0x6b: {  	_ =	shalt  }
0x6c: {  	_ =	shalt  }
0x6d: {  	_ =	shalt  }
0x6e: {  	_ =	shalt  }
0x6f: {  	_ =	shalt  }
0x70: {  	_ =	shalt  }
0x71: {  	_ =	shalt  }
0x72: {  	_ =	shalt  }
0x73: {  	_ =	shalt  }
0x74: {  	_ =	shalt  }
0x75: {  	_ =	shalt  }
0x76: {  	_ =	shalt  }
0x77: {  	_ =	shalt  }
0x78: {  	_ =	shalt  }
0x79: {  	_ =	shalt  }
0x7a: {  	_ =	shalt  }
0x7b: {  	_ =	shalt  }
0x7c: {  	_ =	shalt  }
0x7d: {  	_ =	shalt  }
0x7e: {  	_ =	shalt  }
0x7f: {  	_ =	shalt  }
0x80: {  	_ =	shalt  }
0x81: {  	_ =	shalt  }
0x82: {  	_ =	shalt  }
0x83: {  	_ =	shalt  }
0x84: {  	_ =	shalt  }
0x85: {  	_ =	shalt  }
0x86: {  	_ =	shalt  }
0x87: {  	_ =	shalt  }
.Lfunc_end0:
.L_simem_size_0:
called_computation.2_lowered:
.L_overlay_start_0:
0x88: {  	s2 =	sld [smem:$0x3FD9]  }
0x89: {  	s3 =	sld [smem:$0x3FFE];
	_ =	sdelay $0x1  }
0x8a: {  	s1 =	srdreg.scid  }
0x8b: {  	s0 =	sand.u32 $0x1, s1  }
0x8c: {  	s17 =	sshll.u32 s0, $0xA;
	s2 =	sadd.s32 s3, s2  }
0x8d: {  	s2 =	sadd.s32 s2, s17  }
0x8e: {  	[smem:$0x3FC0] =	sst s2  }
0x8f: {  	_ = 	snop  }
0x90: {  	s2 =	sld [smem:$0x3FC3]  }
0x91: {  	s18 =	sld [smem:$0x3FD0];
	(tm) =	ssettm $0x1  }
0x92: {  	s4 =	sld [smem:$0x3FFB];
	_ =	sdelay $0x3  }
0x93: {  	_ =	strace s4  }
0x94: {  	s4 =	sld [smem:$0x3FFC];
	_ =	sdelay $0x3  }
0x95: {  	_ =	strace s4  }
0x96: {  	s4 =	sld [smem:$0x3FFD];
	_ =	sdelay $0x3  }
0x97: {  	_ =	strace s4  }
0x98: {  	_ =	strace $0x8FFFFFFF  }
0x99: {  	s19 =	sld [smem:$0x3FDB];
	_ =	sdelay $0x1  }
0x9a: {  	s5 =	simm.s32 $_scs_section_size  }
0x9b: {  	s6 =	simm.s32 $_size__tile_overlayer_lowered;
	s7 =	simm.s32 $_tile_overlayer_lowered  }
0x9c: {  	s22 =	simm.s32 $0x1BFF;
	s21 =	sshll.u32 s7, $0x1;
	s4 =	sadd.s32 s5, s19  }
0x9d: {  	s8 =	simm.s32 $0x0;
	s20 =	sshll.u32 s6, $0x1;
	s6 =	sadd.s32 s21, s4  }
0x9e: {  	[timem:s8], [sflag:s22] =	dma.local [hbm:s6], s20  }
0x9f: {  	_ =	swait.ge [sflag:s22], s20  }
0xa0: {  	s5 =	ssub.s32 $0x0, s20;
	[sflag:s22] =	ssyncset.done $0x0  }
0xa1: {  	[sflag:s22] =	ssyncadd.s32 s5;
	_ =	sdelay $0x1  }
0xa2: {  	s23 =	simm.s32 $0x1B8B  }
0xa3: {  	_ =	swait.ge [sflag:s23], $0x1  }
0xa4: {  	[sflag:s23] =	ssyncset.done $0x0  }
0xa5: {  	s25 =	simm.s32 $0x1B8E;
	s24 =	sld [smem:$0x3FFE];
	[sflag:s23] =	ssyncadd.s32 $0xFFFFFFFF  }
0xa6: {  	s26 =	simm.s32 $execute0_lowered;
	[smem:$0x3FD2] =	sst s25  }
0xa7: {  	s6 =	sshll.u32 s26, $0x1;
	_ =	strace $0x8000004C;
	[dreg:$0x1] =	wrdreg $0xFFFFFFFF  }
0xa8: {  	s28 =	simm.s32 $_size_execute0_lowered;
	s4 =	sadd.s32 s4, s6;
	[dreg:$0x0] =	wrdreg $0x0  }
0xa9: {  	s6 =	sshll.u32 s28, $0x1;
	[dreg:$0x2] =	wrdreg s4  }
0xaa: {  	[dreg:$0x3] =	wrdreg s6  }
0xab: {  	[dreg:$0x4] =	wrdreg $0xC0  }
0xac: {  	_ =	task [dreg:s8], $0x5FFFF  }
0xad: {  	[dreg:$0x1] =	wrdreg $0xFFFFFFFF  }
0xae: {  	[dreg:$0x0] =	wrdreg $0x60  }
0xaf: {  	[dreg:$0x2] =	wrdreg s2  }
0xb0: {  	[dreg:$0x3] =	wrdreg s24  }
0xb1: {  	[dreg:$0x4] =	wrdreg s18  }
0xb2: {  	[dreg:$0x5] =	wrdreg $0x9  }
0xb3: {  	_ =	task.clear_ibuf [dreg:s8], $0x6FFFF;
	_ =	strace $0x9000004C  }
0xb4: {  	s29 =	simm.s32 $0x9;
	_ =	strace $0x8000004E  }
0xb5: {  	_ =	swait.ge [sflag:s29], $0x1  }
0xb6: {  	[sflag:s29] =	ssyncadd.s32 $0xFFFFFFFF  }
0xb7: {  	_ =	strace $0x9000004E  }
0xb8: {  	_ =	sfence  }
0xb9: {  	s30 =	sld [smem:$0x0];
	_ =	sdelay $0x2  }
0xba: {  	s31 =	sshll.u32 s1, $0xD;
	s1 =	sshrl.u32 s1, $0x2  }
0xbb: {  	s3 =	sand.u32 $0x4000, s31;
	s1 =	sadd.s32 s1, s30  }
0xbc: {  	s0 =	sor.u32 s3, s0;
	s1 =	sshll.u32 s1, $0x11  }
0xbd: {  	s0 =	sor.u32 s1, s0  }
0xbe: {  	s0 =	sadd.s32 $0x8F2B, s0  }
0xbf: {  	[sflag:s0] =	ssyncadd.remote.s32 $0x1  }
0xc0: {  	_ =	sfence.sel $0xFFFF  }
0xc1: {  	[dreg:$0x0] =	wrdreg $0xFFFFFFFF;
	(pc) =	sbr.abs _section_cstart, $3  }
0xc2: {  	[dreg:$0x1] =	wrdreg $0xFFFFFFFF  }
0xc3: {  	_ =	task.clear_ibuf [dreg:s8], $0x2FFFF;
	_ =	strace $0x9FFFFFFF  }
0xc4: {  	(tm) =	ssettm $0x7FFFFFFF  }
0xc5: {  	_ =	shalt  }
tec
execute0_lowered:
.L_overlay_start_1:
0x0: {  	(tag) =	ssettag $0x1  }
0x1: {  	v0 =	vimm.s32 $0xFEDCBA98;
	v1 =	vimm.s32 $0x76543210  }
0x2: {  	v2 =	vimm.s32 $0xBA98FEDC;
	v3 =	vimm.s32 $0x32107654;
	v4 =	vimm.s32 $0xDCFE98BA  }
0x3: {  	v5 =	vimm.s32 $0x54761032;
	v6 =	vimm.s32 $0xEFCDAB89;
	v7 =	vimm.s32 $0x67452301  }
0x4: {  	vm0 =	vmmov $0x1;
	vm1 =	vmmov $0x3;
	vm2 =	vmmov $0x7  }
0x5: {  	s5 =	rddreg [dreg:$0x0];
	vm3 =	vmmov $0xf;
	vm4 =	vmmov $0x1f;
	v0 =	vunpack.c.l.s4.s8 v0  }
0x6: {  	s4 =	rddreg [dreg:$0x1];
	v1 =	vunpack.c.l.s4.s8 v1;
	v2 =	vunpack.c.l.s4.s8 v2;
	v3 =	vunpack.c.l.s4.s8 v3  }
0x7: {  	s7 =	rddreg [dreg:$0x2];
	s2 =	srdreg.scid;
	v4 =	vunpack.c.l.s4.s8 v4;
	v5 =	vunpack.c.l.s4.s8 v5;
	v6 =	vunpack.c.l.s4.s8 v6  }
0x8: {  	s0 =	rddreg [dreg:$0x3];
	s1 =	stileid.u32;
	s11 =	simm.s32 $0x100;
	v7 =	vunpack.c.l.s4.s8 v7;
	v0 =	vunpack.c.0.s8.s32 v0;
	v2 =	vunpack.c.0.s8.s32 v2  }
0x9: {  	s12 =	simm.s32 $0x4100;
	s13 =	simm.s32 $0x1;
	s14 =	simm.s32 $0x2;
	v3 =	vunpack.c.0.s8.s32 v3;
	v4 =	vunpack.c.0.s8.s32 v4;
	v1 =	vunpack.c.0.s8.s32 v1  }
0xa: {  	s15 =	simm.s32 $0x8100;
	s16 =	simm.s32 $0x0;
	s3 =	sand.u32 $0x1, s2;
	v5 =	vunpack.c.0.s8.s32 v5;
	v6 =	vunpack.c.0.s8.s32 v6;
	v0 =	vand.u32 $0xF, v0  }
0xb: {  	s2 =	simm.s32 $0x0;
	s8 =	sshll.u32 s1, $0x4;
	s6 =	sshll.u32 s3, $0x8;
	v7 =	vunpack.c.0.s8.s32 v7;
	v2 =	vcombine.low v3, v2;
	v0 =	vcombine.low v0, v1  }
0xc: {  	vm5 =	vmmov $0x3f;
	vm6 =	vmmov $0x7f;
	[smem:$0x7FF] =	sst s2;
	s31 =	ssub.s32 $0x2, s3;
	s8 =	sor.u32 s8, s6;
	v59 =	vcombine.low v5, v4  }
0xd: {  	vm7 =	vmmov $0xff;
	s3 =	sadd.s32 $0x2400, s4;
	s10 =	sshrl.u32 s31, $0x1;
	s9 =	sadd.s32 s8, s4;
	v60 =	vcombine.low v7, v6;
	v61 =	vand.u32 $0xF, v2;
	[tilespmem:$0x1FFC0] =	vst v0  }
0xe: {  	vm8 =	vmmov $0x1ff;
	vm9 =	vmmov $0x3ff;
	s4 =	sadd.s32 $0x29600, s4;
	s10 =	ssub.s32 s31, s10;
	v62 =	vand.u32 $0xF, v59;
	_ =	strace $0x8000004D;
	[tilespmem:$0x1FFD0] =	vst v61  }
0xf: {  	vm10 =	vmmov $0x7ff;
	vm11 =	vmmov $0xfff;
	s5 =	sadd.s32 s5, s8;
	s7 =	sadd.s32 s7, s8;
	s6 =	sadd.s32 $0x8C200, s9;
	v63 =	vand.u32 $0xF, v60;
	[tilespmem:$0x1FFE0] =	vst v62  }
0x10: {  	vm12 =	vmmov $0x1fff;
	vm13 =	vmmov $0x3fff;
	vm14 =	vmmov $0x7fff;
	s8 =	smax.u32 s10, $0x1;
	s9 =	simm.s32 $0x3;
	s10 =	simm.s32 $0x80;
	[tilespmem:$0x1FFF0] =	vst v63  }
.LBB2_1:
0x11: {  	[tilespmem:s2], [sflag:$0x3] =	stream.linear.gather [hbm4b:s5+s2], $0x80, $0x38;
	[tilespmem:$0x8180] =	vst v63  }
0x12: {  	_ =	swait.ge [sflag:s9], $0x80  }
0x13: {  	[sflag:s9] =	ssyncset.done $0x0  }
0x14: {  	[sflag:s9] =	ssyncadd.s32 $0xFFFFFF80  }
0x15: {  	[tilespmem:s10], [sflag:$0x3] =	stream.linear.gather [hbm4b:s6+s2], $0x80, $0x38;
	[tilespmem:$0x8180] =	vst v63  }
0x16: {  	_ =	swait.ge [sflag:s9], $0x80  }
0x17: {  	[sflag:s9] =	ssyncset.done $0x0  }
0x18: {  	[sflag:s9] =	ssyncadd.s32 $0xFFFFFF80  }
0x19: {  	[tilespmem:s11], [sflag:$0x1] =	stream.indirect.gather [hbm4b:s3+s10], $0x80, s2, s10, $0xb8;
	[tilespmem:$0x8180] =	vst v63  }
0x1a: {  	_ = 	snop  }
0x1b: {  	[tilespmem:s12], [sflag:$0x2] =	stream.indirect.gather [hbm4b:s4+s10], $0x80, s10, s10, $0xb8;
	[tilespmem:$0x8180] =	vst v63  }
0x1c: {  	_ =	swait.ge [sflag:s13], $0x4000  }
0x1d: {  	[sflag:s13] =	ssyncset.done $0x0  }
0x1e: {  	[sflag:s13] =	ssyncadd.s32 $0xFFFFC000  }
0x1f: {  	_ =	swait.ge [sflag:s14], $0x4000  }
0x20: {  	[sflag:s14] =	ssyncset.done $0x0  }
0x21: {  	s17 =	simm.s32 $0x0;
	[sflag:s14] =	ssyncadd.s32 $0xFFFFC000  }
0x22: {  	v1 =	vld [tilespmem:s17+$0x4F0];
	_ =	sdelay $0x4  }
0x23: {  	[tilespmem:$0x1FA30] =	vst v1;
	v1 =	vld [tilespmem:s17+$0x44F0];
	_ =	sdelay $0x4  }
0x24: {  	[tilespmem:$0x1FA40] =	vst v1;
	v1 =	vld [tilespmem:s17+$0x560];
	_ =	sdelay $0x4  }
0x25: {  	[tilespmem:$0x1FA50] =	vst v1;
	v1 =	vld [tilespmem:s17+$0x4560];
	_ =	sdelay $0x4  }
0x26: {  	[tilespmem:$0x1FA60] =	vst v1;
	v1 =	vld [tilespmem:s17+$0x5D0];
	_ =	sdelay $0x4  }
0x27: {  	[tilespmem:$0x1FA90] =	vst v1;
	v1 =	vld [tilespmem:s17+$0x45D0];
	_ =	sdelay $0x4  }
0x28: {  	[tilespmem:$0x1FAA0] =	vst v1;
	v1 =	vld [tilespmem:s17+$0x640];
	_ =	sdelay $0x4  }
0x29: {  	[tilespmem:$0x1FAD0] =	vst v1;
	v1 =	vld [tilespmem:s17+$0x4640];
	_ =	sdelay $0x4  }
0x2a: {  	[tilespmem:$0x1FAE0] =	vst v1;
	v1 =	vld [tilespmem:s17+$0x6B0];
	_ =	sdelay $0x4  }
0x2b: {  	[tilespmem:$0x1FAF0] =	vst v1;
	v1 =	vld [tilespmem:s17+$0x46B0];
	_ =	sdelay $0x4  }
0x2c: {  	[tilespmem:$0x1FB00] =	vst v1;
	v1 =	vld [tilespmem:s17+$0x720];
	_ =	sdelay $0x4  }
0x2d: {  	[tilespmem:$0x1F9F0] =	vst v1;
	v1 =	vld [tilespmem:s17+$0x4720];
	_ =	sdelay $0x4  }
0x2e: {  	[tilespmem:$0x1FA00] =	vst v1;
	v1 =	vld [tilespmem:s17+$0x470];
	_ =	sdelay $0x4  }
0x2f: {  	[tilespmem:$0x1FB10] =	vst v1;
	v1 =	vld [tilespmem:s17+$0x4470];
	_ =	sdelay $0x4  }
0x30: {  	[tilespmem:$0x1FB20] =	vst v1;
	v1 =	vld [tilespmem:s17+$0x4E0];
	_ =	sdelay $0x4  }
0x31: {  	[tilespmem:$0x1FB30] =	vst v1;
	v1 =	vld [tilespmem:s17+$0x44E0];
	_ =	sdelay $0x4  }
0x32: {  	[tilespmem:$0x1FB40] =	vst v1;
	v1 =	vld [tilespmem:s17+$0x550];
	_ =	sdelay $0x4  }
0x33: {  	[tilespmem:$0x1FB50] =	vst v1;
	v1 =	vld [tilespmem:s17+$0x4550];
	_ =	sdelay $0x4  }
0x34: {  	[tilespmem:$0x1FB60] =	vst v1;
	v1 =	vld [tilespmem:s17+$0x5C0];
	_ =	sdelay $0x4  }
0x35: {  	[tilespmem:$0x1FB80] =	vst v1;
	v1 =	vld [tilespmem:s17+$0x45C0];
	_ =	sdelay $0x4  }
0x36: {  	[tilespmem:$0x1FB90] =	vst v1;
	v1 =	vld [tilespmem:s17+$0x630];
	_ =	sdelay $0x4  }
0x37: {  	[tilespmem:$0x1FBA0] =	vst v1;
	v1 =	vld [tilespmem:s17+$0x4630];
	_ =	sdelay $0x4  }
0x38: {  	[tilespmem:$0x1FBB0] =	vst v1;
	v1 =	vld [tilespmem:s17+$0x6A0];
	_ =	sdelay $0x4  }
0x39: {  	[tilespmem:$0x1FAB0] =	vst v1;
	v1 =	vld [tilespmem:s17+$0x46A0];
	_ =	sdelay $0x4  }
0x3a: {  	[tilespmem:$0x1FAC0] =	vst v1;
	v1 =	vld [tilespmem:s17+$0x3F0];
	_ =	sdelay $0x4  }
0x3b: {  	[tilespmem:$0x1FBD0] =	vst v1;
	v1 =	vld [tilespmem:s17+$0x43F0];
	_ =	sdelay $0x4  }
0x3c: {  	[tilespmem:$0x1FBE0] =	vst v1;
	v1 =	vld [tilespmem:s17+$0x460];
	_ =	sdelay $0x4  }
0x3d: {  	[tilespmem:$0x1FC00] =	vst v1;
	v1 =	vld [tilespmem:s17+$0x4460];
	_ =	sdelay $0x4  }
0x3e: {  	[tilespmem:$0x1FC10] =	vst v1;
	v1 =	vld [tilespmem:s17+$0x4D0];
	_ =	sdelay $0x4  }
0x3f: {  	[tilespmem:$0x1FC40] =	vst v1;
	v1 =	vld [tilespmem:s17+$0x44D0];
	_ =	sdelay $0x4  }
0x40: {  	[tilespmem:$0x1FC50] =	vst v1;
	v1 =	vld [tilespmem:s17+$0x540];
	_ =	sdelay $0x4  }
0x41: {  	[tilespmem:$0x1FC90] =	vst v1;
	v1 =	vld [tilespmem:s17+$0x4540];
	_ =	sdelay $0x4  }
0x42: {  	[tilespmem:$0x1FCA0] =	vst v1;
	v1 =	vld [tilespmem:s17+$0x5B0];
	_ =	sdelay $0x4  }
0x43: {  	[tilespmem:$0x1FCE0] =	vst v1;
	v1 =	vld [tilespmem:s17+$0x45B0];
	_ =	sdelay $0x4  }
0x44: {  	[tilespmem:$0x1FCF0] =	vst v1;
	v1 =	vld [tilespmem:s17+$0x620];
	_ =	sdelay $0x4  }
0x45: {  	[tilespmem:$0x1FC60] =	vst v1;
	v1 =	vld [tilespmem:s17+$0x4620];
	_ =	sdelay $0x4  }
0x46: {  	[tilespmem:$0x1FC70] =	vst v1;
	v1 =	vld [tilespmem:s17+$0x370];
	_ =	sdelay $0x4  }
0x47: {  	[tilespmem:$0x1FD20] =	vst v1;
	v1 =	vld [tilespmem:s17+$0x4370];
	_ =	sdelay $0x4  }
0x48: {  	[tilespmem:$0x1FD30] =	vst v1;
	v1 =	vld [tilespmem:s17+$0x3E0];
	_ =	sdelay $0x4  }
0x49: {  	[tilespmem:$0x1FD50] =	vst v1;
	v1 =	vld [tilespmem:s17+$0x43E0];
	_ =	sdelay $0x4  }
0x4a: {  	[tilespmem:$0x1FD60] =	vst v1;
	v1 =	vld [tilespmem:s17+$0x450];
	_ =	sdelay $0x4  }
0x4b: {  	[tilespmem:$0x1FD80] =	vst v1;
	v1 =	vld [tilespmem:s17+$0x4450];
	_ =	sdelay $0x4  }
0x4c: {  	[tilespmem:$0x1FD90] =	vst v1;
	v1 =	vld [tilespmem:s17+$0x4C0];
	_ =	sdelay $0x4  }
0x4d: {  	[tilespmem:$0x1FDA0] =	vst v1;
	v1 =	vld [tilespmem:s17+$0x44C0];
	_ =	sdelay $0x4  }
0x4e: {  	[tilespmem:$0x1FDB0] =	vst v1;
	v1 =	vld [tilespmem:s17+$0x530];
	_ =	sdelay $0x4  }
0x4f: {  	[tilespmem:$0x1FDE0] =	vst v1;
	v1 =	vld [tilespmem:s17+$0x4530];
	_ =	sdelay $0x4  }
0x50: {  	[tilespmem:$0x1FDF0] =	vst v1;
	v1 =	vld [tilespmem:s17+$0x5A0];
	_ =	sdelay $0x3  }
0x51: {  	v0 =	vld [tilespmem:s17+$0x7E0]  }
0x52: {  	[tilespmem:$0x1FD00] =	vst v1;
	v1 =	vld [tilespmem:s17+$0x45A0];
	_ =	sdelay $0x3  }
0x53: {  	[tilespmem:$0x1F850] =	vst v0;
	v0 =	vld [tilespmem:s17+$0x6E0]  }
0x54: {  	[tilespmem:$0x1FD10] =	vst v1;
	v1 =	vld [tilespmem:s17+$0x610];
	_ =	sdelay $0x3  }
0x55: {  	[tilespmem:$0x1F860] =	vst v0;
	v0 =	vld [tilespmem:s17+$0x750]  }
0x56: {  	[tilespmem:$0x1FC20] =	vst v1;
	v1 =	vld [tilespmem:s17+$0x4610];
	_ =	sdelay $0x3  }
0x57: {  	[tilespmem:$0x1F880] =	vst v0;
	v0 =	vld [tilespmem:s17+$0x4750]  }
0x58: {  	[tilespmem:$0x1FC30] =	vst v1;
	v1 =	vld [tilespmem:s17+$0x2F0];
	_ =	sdelay $0x3  }
0x59: {  	[tilespmem:$0x1F890] =	vst v0;
	v0 =	vld [tilespmem:s17+$0x47C0]  }
0x5a: {  	[tilespmem:$0x1F830] =	vst v1;
	v1 =	vld [tilespmem:s17+$0x360];
	_ =	sdelay $0x3  }
0x5b: {  	[tilespmem:$0x1F8D0] =	vst v0;
	v0 =	vld [tilespmem:s17+$0x830]  }
0x5c: {  	[tilespmem:$0x1FE00] =	vst v1;
	v1 =	vld [tilespmem:s17+$0x4360];
	_ =	sdelay $0x3  }
0x5d: {  	[tilespmem:$0x1F8A0] =	vst v0;
	v0 =	vld [tilespmem:s17+$0x4830]  }
0x5e: {  	[tilespmem:$0x1FE10] =	vst v1;
	v1 =	vld [tilespmem:s17+$0x3D0];
	_ =	sdelay $0x3  }
0x5f: {  	[tilespmem:$0x1F8B0] =	vst v0;
	v0 =	vld [tilespmem:s17+$0x5F0]  }
0x60: {  	[tilespmem:$0x1FE20] =	vst v1;
	v1 =	vld [tilespmem:s17+$0x43D0];
	_ =	sdelay $0x3  }
0x61: {  	[tilespmem:$0x1F900] =	vst v0;
	v0 =	vld [tilespmem:s17+$0x45F0]  }
0x62: {  	[tilespmem:$0x1FE30] =	vst v1;
	v1 =	vld [tilespmem:s17+$0x440];
	_ =	sdelay $0x3  }
0x63: {  	[tilespmem:$0x1F910] =	vst v0;
	v0 =	vld [tilespmem:s17+$0x660]  }
0x64: {  	[tilespmem:$0x1FE90] =	vst v1;
	v1 =	vld [tilespmem:s17+$0x4440];
	_ =	sdelay $0x3  }
0x65: {  	[tilespmem:$0x1F920] =	vst v0;
	v0 =	vld [tilespmem:s17+$0x4660]  }
0x66: {  	[tilespmem:$0x1FEA0] =	vst v1;
	v1 =	vld [tilespmem:s17+$0x4B0];
	_ =	sdelay $0x3  }
0x67: {  	[tilespmem:$0x1F930] =	vst v0;
	v0 =	vld [tilespmem:s17+$0x6D0]  }
0x68: {  	[tilespmem:$0x1FE40] =	vst v1;
	v1 =	vld [tilespmem:s17+$0x44B0];
	_ =	sdelay $0x3  }
0x69: {  	[tilespmem:$0x1F940] =	vst v0;
	v0 =	vld [tilespmem:s17+$0x46D0]  }
0x6a: {  	[tilespmem:$0x1FE50] =	vst v1;
	v1 =	vld [tilespmem:s17+$0x520];
	_ =	sdelay $0x3  }
0x6b: {  	[tilespmem:$0x1F950] =	vst v0;
	v0 =	vld [tilespmem:s17+$0x740]  }
0x6c: {  	[tilespmem:$0x1FDC0] =	vst v1;
	v1 =	vld [tilespmem:s17+$0x4520];
	_ =	sdelay $0x3  }
0x6d: {  	[tilespmem:$0x1F960] =	vst v0;
	v0 =	vld [tilespmem:s17+$0x4740]  }
0x6e: {  	[tilespmem:$0x1FDD0] =	vst v1;
	v1 =	vld [tilespmem:s17+$0x590];
	_ =	sdelay $0x3  }
0x6f: {  	[tilespmem:$0x1F970] =	vst v0;
	v0 =	vld [tilespmem:s17+$0x7B0]  }
0x70: {  	[tilespmem:$0x1FCC0] =	vst v1;
	v1 =	vld [tilespmem:s17+$0x4590];
	_ =	sdelay $0x3  }
0x71: {  	[tilespmem:$0x1F8E0] =	vst v0;
	v0 =	vld [tilespmem:s17+$0x47B0]  }
0x72: {  	[tilespmem:$0x1FCD0] =	vst v1;
	v1 =	vld [tilespmem:s17+$0x270];
	_ =	sdelay $0x3  }
0x73: {  	[tilespmem:$0x1F8F0] =	vst v0;
	v0 =	vld [tilespmem:s17+$0x570]  }
0x74: {  	[tilespmem:$0x1F840] =	vst v1;
	v1 =	vld [tilespmem:s17+$0x2E0];
	_ =	sdelay $0x3  }
0x75: {  	[tilespmem:$0x1F980] =	vst v0;
	v0 =	vld [tilespmem:s17+$0x4570]  }
0x76: {  	[tilespmem:$0x1FED0] =	vst v1;
	v1 =	vld [tilespmem:s17+$0x42E0];
	_ =	sdelay $0x3  }
0x77: {  	[tilespmem:$0x1F990] =	vst v0;
	v0 =	vld [tilespmem:s17+$0x5E0]  }
0x78: {  	[tilespmem:$0x1FEE0] =	vst v1;
	v1 =	vld [tilespmem:s17+$0x4350];
	_ =	sdelay $0x3  }
0x79: {  	[tilespmem:$0x1F9A0] =	vst v0;
	v0 =	vld [tilespmem:s17+$0x45E0]  }
0x7a: {  	[tilespmem:$0x1FEF0] =	vst v1;
	v1 =	vld [tilespmem:s17+$0x3C0];
	_ =	sdelay $0x3  }
0x7b: {  	[tilespmem:$0x1F9B0] =	vst v0;
	v0 =	vld [tilespmem:s17+$0x650]  }
0x7c: {  	[tilespmem:$0x1FF00] =	vst v1;
	v1 =	vld [tilespmem:s17+$0x43C0];
	_ =	sdelay $0x3  }
0x7d: {  	[tilespmem:$0x1F9C0] =	vst v0;
	v0 =	vld [tilespmem:s17+$0x4650]  }
0x7e: {  	[tilespmem:$0x1FF10] =	vst v1;
	v1 =	vld [tilespmem:s17+$0x430];
	_ =	sdelay $0x3  }
0x7f: {  	[tilespmem:$0x1F9D0] =	vst v0;
	v0 =	vld [tilespmem:s17+$0x46C0]  }
0x80: {  	[tilespmem:$0x1FEB0] =	vst v1;
	v1 =	vld [tilespmem:s17+$0x4430];
	_ =	sdelay $0x2  }
0x81: {  	v53 =	vld [tilespmem:s17+$0x8F0]  }
0x82: {  	[tilespmem:$0x1F9E0] =	vst v0;
	v0 =	vld [tilespmem:s17+$0x730]  }
0x83: {  	[tilespmem:$0x1FEC0] =	vst v1;
	v1 =	vld [tilespmem:s17+$0x4A0]  }
0x84: {  	v43 =	vld [tilespmem:s17+$0x48F0]  }
0x85: {  	v61 =	vld [tilespmem:s17+$0x47E0]  }
0x86: {  	v36 =	vld [tilespmem:s17+$0x8C0]  }
0x87: {  	[tilespmem:$0x1FA10] =	vst v0;
	v0 =	vld [tilespmem:s17+$0x4730]  }
0x88: {  	[tilespmem:$0x1FE60] =	vst v1;
	v1 =	vld [tilespmem:s17+$0x44A0]  }
0x89: {  	v10 =	vld [tilespmem:s17+$0x890]  }
0x8a: {  	v9 =	vld [tilespmem:s17+$0x4890]  }
0x8b: {  	v4 =	vld [tilespmem:s17+$0x880]  }
0x8c: {  	[tilespmem:$0x1FA20] =	vst v0;
	v0 =	vld [tilespmem:s17+$0x4880]  }
0x8d: {  	[tilespmem:$0x1FE70] =	vst v1;
	v1 =	vld [tilespmem:$0x1F850]  }
0x8e: {  	v22 =	vld [tilespmem:s17+$0x8B0]  }
0x8f: {  	v40 =	vld [tilespmem:s17+$0x46E0]  }
0x90: {  	v16 =	vld [tilespmem:s17+$0x8A0]  }
0x91: {  	v62 =	vld [tilespmem:s17+$0x48A0];
	v0 =	vmul.f32 v0, v4;
	v4 =	vmul.f32 v9, v10  }
0x92: {  	v9 =	vmul.f32 v43, v53;
	v53 =	vmul.f32 v61, v1;
	v1 =	vld [tilespmem:s17+$0x170]  }
0x93: {  	v20 =	vld [tilespmem:s17+$0x810]  }
0x94: {  	v17 =	vld [tilespmem:s17+$0x4810]  }
0x95: {  	v6 =	vld [tilespmem:s17+$0x780]  }
0x96: {  	v5 =	vld [tilespmem:s17+$0x4780]  }
0x97: {  	[tilespmem:$0x1FF20] =	vst v1;
	v1 =	vld [tilespmem:$0x1F860]  }
0x98: {  	v15 =	vld [tilespmem:s17+$0x48B0]  }
0x99: {  	v32 =	vld [tilespmem:s17+$0x48C0];
	v0 =	vadd.f32 $0.0e+00, v0  }
0x9a: {  	v8 =	vld [tilespmem:s17+$0x800]  }
0x9b: {  	v7 =	vld [tilespmem:s17+$0x4800];
	v5 =	vmul.f32 v5, v6;
	v0 =	vadd.f32 v4, v0;
	v4 =	vmul.f32 v62, v16  }
0x9c: {  	v6 =	vmul.f32 v17, v20;
	v17 =	vmul.f32 v40, v1;
	v1 =	vld [tilespmem:s17+$0x4170]  }
0x9d: {  	v0 =	vadd.f32 v4, v0;
	v4 =	vmul.f32 v15, v22;
	_ =	sdelay $0x1  }
0x9e: {  	v0 =	vadd.f32 v4, v0;
	v4 =	vmul.f32 v32, v36;
	_ =	sdelay $0x1  }
0x9f: {  	v0 =	vadd.f32 v4, v0;
	v4 =	vmul.f32 v7, v8;
	[tilespmem:$0x1FF30] =	vst v1;
	v1 =	vld [tilespmem:s17+$0x1F0];
	_ =	sdelay $0x1  }
0xa0: {  	v12 =	vld [tilespmem:s17+$0x790];
	v4 =	vadd.f32 $0.0e+00, v4  }
0xa1: {  	v11 =	vld [tilespmem:s17+$0x4790]  }
0xa2: {  	v4 =	vadd.f32 v6, v4;
	v6 =	vld [tilespmem:$0x1F890]  }
0xa3: {  	[tilespmem:$0x1F870] =	vst v1;
	v1 =	vld [tilespmem:$0x1F880];
	_ =	sdelay $0x2  }
0xa4: {  	v54 =	vld [tilespmem:s17+$0x870]  }
0xa5: {  	v11 =	vmul.f32 v11, v12;
	v12 =	vld [tilespmem:$0x1F8B0]  }
0xa6: {  	v6 =	vmul.f32 v6, v1;
	v1 =	vld [tilespmem:$0x1F8A0]  }
0xa7: {  	v44 =	vld [tilespmem:s17+$0x4870]  }
0xa8: {  	v46 =	vld [tilespmem:s17+$0x7F0]  }
0xa9: {  	v52 =	vld [tilespmem:s17+$0x47F0]  }
0xaa: {  	v56 =	vld [tilespmem:s17+$0x8D0]  }
0xab: {  	v12 =	vmul.f32 v12, v1;
	v1 =	vld [tilespmem:s17+$0x260]  }
0xac: {  	v47 =	vld [tilespmem:s17+$0x48D0]  }
0xad: {  	v45 =	vld [tilespmem:s17+$0x8E0]  }
0xae: {  	v38 =	vld [tilespmem:s17+$0x48E0]  }
0xaf: {  	v28 =	vld [tilespmem:s17+$0x820]  }
0xb0: {  	[tilespmem:$0x1F8C0] =	vst v1;
	v1 =	vld [tilespmem:s17+$0x2D0]  }
0xb1: {  	v25 =	vld [tilespmem:s17+$0x7A0];
	v62 =	vmul.f32 v52, v46;
	v52 =	vmul.f32 v47, v56  }
0xb2: {  	v23 =	vld [tilespmem:s17+$0x47A0]  }
0xb3: {  	v27 =	vld [tilespmem:s17+$0x4820];
	v10 =	vmul.f32 v44, v54;
	v44 =	vmul.f32 v38, v45;
	v0 =	vadd.f32 v52, v0  }
0xb4: {  	v2 =	vld [tilespmem:s17+$0x7C0]  }
0xb5: {  	v5 =	vadd.f32 $0.0e+00, v5;
	v0 =	vadd.f32 v44, v0;
	[tilespmem:$0x1FF40] =	vst v1;
	v1 =	vld [tilespmem:$0x1F8D0];
	_ =	sdelay $0x1  }
0xb6: {  	v5 =	vadd.f32 v11, v5;
	v0 =	vadd.f32 v9, v0;
	v9 =	vmul.f32 v23, v25  }
0xb7: {  	v8 =	vmul.f32 v27, v28  }
0xb8: {  	v5 =	vadd.f32 v9, v5;
	v9 =	vld [tilespmem:$0x1F8F0]  }
0xb9: {  	v4 =	vadd.f32 v8, v4;
	v8 =	vmul.f32 v1, v2;
	v2 =	vld [tilespmem:$0x1F8E0];
	_ =	sdelay $0x1  }
0xba: {  	v1 =	vld [tilespmem:s17+$0x42D0]  }
0xbb: {  	v63 =	vld [tilespmem:s17+$0x860]  }
0xbc: {  	v55 =	vld [tilespmem:s17+$0x4860]  }
0xbd: {  	v9 =	vmul.f32 v9, v2;
	v2 =	vld [tilespmem:s17+$0x340]  }
0xbe: {  	v41 =	vld [tilespmem:s17+$0x760]  }
0xbf: {  	[tilespmem:$0x1FF50] =	vst v1;
	v1 =	vld [tilespmem:$0x1FFC0]  }
0xc0: {  	v37 =	vld [tilespmem:s17+$0x4760]  }
0xc1: {  	v12 =	vadd.f32 v12, v4;
	v4 =	vld [tilespmem:$0x1F910]  }
0xc2: {  	[tilespmem:$0x1FF60] =	vst v2;
	v2 =	vld [tilespmem:$0x1F900];
	_ =	sdelay $0x1  }
0xc3: {  	v11 =	vperm.xlane v0, v1;
	_ =	sdelay $0x1  }
0xc4: {  	v22 =	vmul.f32 v55, v63;
	v11 =	vadd.f32 v0, v11;
	v0 =	vld [tilespmem:s17+$0x4340]  }
0xc5: {  	v55 =	vmul.f32 v37, v41;
	v41 =	vmul.f32 v4, v2;
	v2 =	vld [tilespmem:$0x1F920]  }
0xc6: {  	v4 =	vld [tilespmem:$0x1F930]  }
0xc7: {  	v35 =	vld [tilespmem:s17+$0x670]  }
0xc8: {  	v30 =	vld [tilespmem:s17+$0x4670]  }
0xc9: {  	v14 =	vld [tilespmem:s17+$0x700]  }
0xca: {  	[tilespmem:$0x1FF70] =	vst v0;
	v0 =	vld [tilespmem:$0x1F940]  }
0xcb: {  	v4 =	vmul.f32 v4, v2;
	v2 =	vld [tilespmem:$0x1F950]  }
0xcc: {  	v13 =	vld [tilespmem:s17+$0x4700];
	v5 =	vadd.f32 v9, v5  }
0xcd: {  	v25 =	vld [tilespmem:$0x1F9B0]  }
0xce: {  	v5 =	vadd.f32 v8, v5;
	v8 =	vld [tilespmem:$0x1F9A0]  }
0xcf: {  	v59 =	vld [tilespmem:s17+$0x850]  }
0xd0: {  	v20 =	vmul.f32 v2, v0;
	v0 =	vld [tilespmem:s17+$0x3B0]  }
0xd1: {  	v60 =	vld [tilespmem:s17+$0x840]  }
0xd2: {  	v51 =	vld [tilespmem:s17+$0x4840];
	v35 =	vmul.f32 v30, v35  }
0xd3: {  	v30 =	vmul.f32 v25, v8;
	v8 =	vmul.f32 v13, v14;
	v13 =	vld [tilespmem:$0x1F9C0]  }
0xd4: {  	v2 =	vld [tilespmem:$0x1F970]  }
0xd5: {  	[tilespmem:$0x1FF80] =	vst v0;
	v0 =	vld [tilespmem:$0x1F960]  }
0xd6: {  	v14 =	vld [tilespmem:$0x1F9D0]  }
0xd7: {  	v58 =	vld [tilespmem:s17+$0x4850]  }
0xd8: {  	v3 =	vld [tilespmem:s17+$0x6C0];
	v7 =	vmul.f32 v51, v60  }
0xd9: {  	v26 =	vld [tilespmem:s17+$0x710]  }
0xda: {  	v7 =	vadd.f32 v7, v12;
	v12 =	vmul.f32 v2, v0;
	v2 =	vld [tilespmem:$0x1FFD0]  }
0xdb: {  	v13 =	vmul.f32 v14, v13;
	v14 =	vld [tilespmem:$0x1F9E0]  }
0xdc: {  	v24 =	vld [tilespmem:s17+$0x4710];
	v54 =	vmul.f32 v58, v59;
	_ =	sdelay $0x1  }
0xdd: {  	v7 =	vadd.f32 v54, v7  }
0xde: {  	v23 =	vperm.xlane v11, v2  }
0xdf: {  	v7 =	vadd.f32 v22, v7;
	v22 =	vmul.f32 v14, v3  }
0xe0: {  	v14 =	vmul.f32 v24, v26;
	v11 =	vadd.f32 v11, v23;
	v23 =	vadd.f32 $0.0e+00, v8  }
0xe1: {  	v24 =	vld [tilespmem:$0x1FA00]  }
0xe2: {  	v14 =	vadd.f32 v14, v23;
	v23 =	vld [tilespmem:$0x1F9F0];
	_ =	sdelay $0x1  }
0xe3: {  	v50 =	vld [tilespmem:s17+$0x7D0]  }
0xe4: {  	v3 =	vld [tilespmem:$0x1FFE0]  }
0xe5: {  	v26 =	vld [tilespmem:$0x1FA20]  }
0xe6: {  	v23 =	vmul.f32 v24, v23;
	v24 =	vld [tilespmem:$0x1FA10]  }
0xe7: {  	v42 =	vld [tilespmem:s17+$0x47D0]  }
0xe8: {  	v31 =	vld [tilespmem:s17+$0x690]  }
0xe9: {  	v19 =	vld [tilespmem:s17+$0x680];
	v10 =	vadd.f32 v10, v7;
	v7 =	vperm.xlane v11, v3  }
0xea: {  	v18 =	vld [tilespmem:s17+$0x4680]  }
0xeb: {  	v63 =	vadd.f32 v11, v7;
	v7 =	vld [tilespmem:$0x1FA30];
	v14 =	vadd.f32 v23, v14;
	v24 =	vmul.f32 v26, v24  }
0xec: {  	v26 =	vld [tilespmem:$0x1FA40]  }
0xed: {  	v23 =	vadd.f32 v24, v14;
	v14 =	vld [tilespmem:s17+$0x250]  }
0xee: {  	v29 =	vld [tilespmem:s17+$0x4690]  }
0xef: {  	v18 =	vmul.f32 v18, v19;
	v19 =	vld [tilespmem:$0x1FA60];
	v61 =	vmul.f32 v42, v50  }
0xf0: {  	v24 =	vld [tilespmem:$0x1FAA0]  }
0xf1: {  	v5 =	vadd.f32 v61, v5;
	v61 =	vmul.f32 v26, v7;
	v7 =	vld [tilespmem:$0x1FA50]  }
0xf2: {  	[tilespmem:$0x1FA80] =	vst v14;
	v14 =	vld [tilespmem:$0x1FA90];
	_ =	sdelay $0x3  }
0xf3: {  	v18 =	vadd.f32 $0.0e+00, v18;
	v7 =	vmul.f32 v19, v7;
	v19 =	vmul.f32 v29, v31  }
0xf4: {  	v31 =	vmul.f32 v24, v14;
	v14 =	vld [tilespmem:$0x1FAB0]  }
0xf5: {  	v18 =	vadd.f32 v19, v18;
	v19 =	vld [tilespmem:$0x1FAC0];
	_ =	sdelay $0x4  }
0xf6: {  	v19 =	vmul.f32 v19, v14;
	v14 =	vld [tilespmem:s17+$0x42C0]  }
0xf7: {  	v11 =	vperm.xlane v10, v1;
	_ =	sdelay $0x1  }
0xf8: {  	v10 =	vadd.f32 v10, v11;
	v11 =	vld [tilespmem:s17+$0x1E0]  }
0xf9: {  	v5 =	vadd.f32 v53, v5;
	v12 =	vadd.f32 v12, v23;
	v23 =	vld [tilespmem:$0x1FAE0]  }
0xfa: {  	[tilespmem:$0x1FFA0] =	vst v14;
	v14 =	vld [tilespmem:$0x1FAD0]  }
0xfb: {  	v5 =	vadd.f32 v62, v5;
	_ =	sdelay $0x1  }
0xfc: {  	[tilespmem:$0x1FA70] =	vst v11;
	v11 =	vperm.xlane v5, v1  }
0xfd: {  	v18 =	vadd.f32 v19, v18;
	v19 =	vld [tilespmem:$0x1FB00]  }
0xfe: {  	v5 =	vadd.f32 v5, v11;
	v11 =	vperm.xlane v10, v2;
	v23 =	vmul.f32 v23, v14;
	v14 =	vld [tilespmem:$0x1FAF0];
	_ =	sdelay $0x1  }
0xff: {  	v11 =	vadd.f32 v10, v11;
	v10 =	vld [tilespmem:s17+$0x330];
	_ =	sdelay $0x1  }
0x100: {  	v6 =	vadd.f32 v6, v12;
	v12 =	vld [tilespmem:$0x1FB10]  }
0x101: {  	v19 =	vmul.f32 v19, v14;
	v14 =	vld [tilespmem:$0x1FB20];
	_ =	sdelay $0x1  }
0x102: {  	v49 =	vld [tilespmem:s17+$0x6F0];
	[tilespmem:$0x1FFB0] =	vst v10;
	v10 =	vperm.xlane v5, v2  }
0x103: {  	v39 =	vld [tilespmem:s17+$0x46F0]  }
0x104: {  	v5 =	vadd.f32 v5, v10;
	v10 =	vld [tilespmem:$0x1FB30]  }
0x105: {  	v42 =	vmul.f32 v14, v12;
	v14 =	vld [tilespmem:$0x1FB40];
	_ =	sdelay $0x4  }
0x106: {  	v16 =	vmul.f32 v39, v49;
	v39 =	vmul.f32 v14, v10;
	v10 =	vld [tilespmem:$0x1FB50]  }
0x107: {  	v14 =	vld [tilespmem:$0x1FB60];
	_ =	sdelay $0x2  }
0x108: {  	v12 =	vperm.xlane v11, v3;
	_ =	sdelay $0x1  }
0x109: {  	v53 =	vmul.f32 v14, v10;
	v10 =	vadd.f32 v11, v12  }
0x10a: {  	v12 =	vld [tilespmem:$0x1FB90]  }
0x10b: {  	[tilespmem:$0x1FB70] =	vst v10;
	v10 =	vld [tilespmem:$0x1FB80];
	_ =	sdelay $0x3  }
0x10c: {  	v14 =	vld [tilespmem:$0x1FBB0]  }
0x10d: {  	v6 =	vadd.f32 v55, v6;
	v11 =	vperm.xlane v5, v3;
	v55 =	vmul.f32 v12, v10;
	v10 =	vld [tilespmem:$0x1FBA0];
	_ =	sdelay $0x1  }
0x10e: {  	v5 =	vadd.f32 v5, v11  }
0x10f: {  	v18 =	vadd.f32 v19, v18  }
0x110: {  	[tilespmem:$0x1FBC0] =	vst v5;
	v5 =	vld [tilespmem:$0x1FBD0]  }
0x111: {  	v12 =	vadd.f32 v22, v18;
	v22 =	vmul.f32 v14, v10;
	v10 =	vld [tilespmem:$0x1FBE0];
	_ =	sdelay $0x4  }
0x112: {  	v5 =	vmul.f32 v10, v5  }
0x113: {  	v10 =	vld [tilespmem:$0x1FC00]  }
0x114: {  	[tilespmem:$0x1FBF0] =	vst v5;
	v5 =	vadd.f32 v20, v12;
	v12 =	vld [tilespmem:$0x1FC10];
	_ =	sdelay $0x3  }
0x115: {  	v14 =	vld [tilespmem:$0x1FC30]  }
0x116: {  	v12 =	vmul.f32 v12, v10;
	v10 =	vld [tilespmem:$0x1FC20];
	_ =	sdelay $0x4  }
0x117: {  	v28 =	vmul.f32 v14, v10;
	v10 =	vld [tilespmem:$0x1FC40]  }
0x118: {  	v14 =	vld [tilespmem:$0x1FC50];
	_ =	sdelay $0x2  }
0x119: {  	v57 =	vld [tilespmem:s17+$0x770]  }
0x11a: {  	v48 =	vld [tilespmem:s17+$0x4770]  }
0x11b: {  	v56 =	vmul.f32 v14, v10;
	v10 =	vld [tilespmem:$0x1FC60]  }
0x11c: {  	v14 =	vld [tilespmem:$0x1FC70];
	_ =	sdelay $0x2  }
0x11d: {  	v46 =	vmul.f32 v48, v57;
	v15 =	vld [tilespmem:s17+$0x580]  }
0x11e: {  	v50 =	vld [tilespmem:s17+$0x4580]  }
0x11f: {  	v6 =	vadd.f32 v46, v6;
	v10 =	vmul.f32 v14, v10;
	v14 =	vld [tilespmem:s17+$0x1D0];
	_ =	sdelay $0x1  }
0x120: {  	v11 =	vperm.xlane v6, v1;
	_ =	sdelay $0x1  }
0x121: {  	v6 =	vadd.f32 v6, v11;
	v11 =	vmul.f32 v50, v15;
	v15 =	vld [tilespmem:$0x1FCA0]  }
0x122: {  	[tilespmem:$0x1FC80] =	vst v14;
	v14 =	vld [tilespmem:$0x1FC90];
	_ =	sdelay $0x1  }
0x123: {  	v34 =	vld [tilespmem:s17+$0x600]  }
0x124: {  	v33 =	vld [tilespmem:s17+$0x4600];
	_ =	sdelay $0x1  }
0x125: {  	v50 =	vmul.f32 v15, v14;
	v14 =	vld [tilespmem:s17+$0x240];
	_ =	sdelay $0x2  }
0x126: {  	v19 =	vmul.f32 v33, v34  }
0x127: {  	v15 =	vld [tilespmem:$0x1FCD0]  }
0x128: {  	v19 =	vadd.f32 $0.0e+00, v19;
	[tilespmem:$0x1FCB0] =	vst v14;
	v14 =	vld [tilespmem:$0x1FCC0];
	_ =	sdelay $0x1  }
0x129: {  	v5 =	vadd.f32 v17, v5;
	v17 =	vadd.f32 v28, v19;
	_ =	sdelay $0x1  }
0x12a: {  	v17 =	vadd.f32 v10, v17;
	v10 =	vld [tilespmem:$0x1FCE0]  }
0x12b: {  	v62 =	vmul.f32 v15, v14;
	v14 =	vld [tilespmem:$0x1FCF0];
	_ =	sdelay $0x3  }
0x12c: {  	v15 =	vld [tilespmem:$0x1FD10]  }
0x12d: {  	v10 =	vmul.f32 v14, v10;
	v14 =	vld [tilespmem:$0x1FD00];
	_ =	sdelay $0x4  }
0x12e: {  	v38 =	vmul.f32 v15, v14;
	v14 =	vld [tilespmem:$0x1FD20]  }
0x12f: {  	v15 =	vld [tilespmem:$0x1FD30];
	_ =	sdelay $0x2  }
0x130: {  	v21 =	vld [tilespmem:s17+$0x350]  }
0x131: {  	v45 =	vld [tilespmem:s17+$0x4510]  }
0x132: {  	v58 =	vld [tilespmem:s17+$0x4330];
	v14 =	vmul.f32 v15, v14  }
0x133: {  	v5 =	vadd.f32 v16, v5;
	v16 =	vperm.xlane v6, v2;
	v15 =	vld [tilespmem:$0x1FD60]  }
0x134: {  	v11 =	vadd.f32 $0.0e+00, v11;
	[tilespmem:$0x1FD40] =	vst v14;
	v14 =	vld [tilespmem:$0x1FD50]  }
0x135: {  	v47 =	vld [tilespmem:s17+$0x510];
	v6 =	vadd.f32 v6, v16  }
0x136: {  	v27 =	vld [tilespmem:s17+$0x4500];
	v36 =	vperm.xlane v5, v1;
	v11 =	vadd.f32 v62, v11  }
0x137: {  	v25 =	vld [tilespmem:s17+$0x500];
	v60 =	vperm.xlane v6, v3  }
0x138: {  	v5 =	vadd.f32 v5, v36;
	v34 =	vadd.f32 v38, v11;
	v11 =	vld [tilespmem:$0x1FD80]  }
0x139: {  	v6 =	vadd.f32 v6, v60;
	v17 =	vadd.f32 v22, v17;
	v22 =	vmul.f32 v15, v14;
	v14 =	vld [tilespmem:$0x1FD90]  }
0x13a: {  	v43 =	vld [tilespmem:s17+$0x43A0]  }
0x13b: {  	v48 =	vld [tilespmem:s17+$0x4320];
	[tilespmem:$0x1FD70] =	vst v6;
	v6 =	vperm.xlane v5, v2  }
0x13c: {  	v57 =	vld [tilespmem:s17+$0x4390]  }
0x13d: {  	v25 =	vmul.f32 v27, v25;
	v27 =	vmul.f32 v45, v47;
	v45 =	vadd.f32 v5, v6;
	v6 =	vld [tilespmem:$0x1FDA0]  }
0x13e: {  	v16 =	vmul.f32 v14, v11;
	v11 =	vld [tilespmem:$0x1FDB0]  }
0x13f: {  	v37 =	vld [tilespmem:s17+$0x4420]  }
0x140: {  	v32 =	vld [tilespmem:s17+$0x490];
	v5 =	vadd.f32 $0.0e+00, v25  }
0x141: {  	v0 =	vld [tilespmem:s17+$0x43B0];
	v10 =	vadd.f32 v10, v34  }
0x142: {  	v27 =	vadd.f32 v27, v5;
	v5 =	vld [tilespmem:$0x1FDC0]  }
0x143: {  	v60 =	vmul.f32 v11, v6;
	v6 =	vadd.f32 v55, v10;
	v10 =	vld [tilespmem:$0x1FDD0]  }
0x144: {  	v51 =	vld [tilespmem:s17+$0x160]  }
0x145: {  	v52 =	vld [tilespmem:s17+$0x4150]  }
0x146: {  	v9 =	vld [tilespmem:$0x1F990]  }
0x147: {  	[tilespmem:$0x1FF90] =	vst v0;
	v0 =	vld [tilespmem:$0x1F980]  }
0x148: {  	v62 =	vmul.f32 v10, v5;
	v5 =	vld [tilespmem:$0x1FDE0]  }
0x149: {  	v10 =	vld [tilespmem:$0x1FDF0]  }
0x14a: {  	v44 =	vld [tilespmem:s17+$0x4160]  }
0x14b: {  	v40 =	vld [tilespmem:s17+$0x3A0]  }
0x14c: {  	v0 =	vmul.f32 v9, v0;
	v9 =	vld [tilespmem:s17+$0x420]  }
0x14d: {  	v31 =	vadd.f32 v31, v6;
	v6 =	vld [tilespmem:$0x1FE00]  }
0x14e: {  	v36 =	vmul.f32 v10, v5;
	v10 =	vld [tilespmem:$0x1FE10]  }
0x14f: {  	v54 =	vld [tilespmem:s17+$0x410]  }
0x150: {  	v47 =	vld [tilespmem:s17+$0x4400]  }
0x151: {  	v8 =	vld [tilespmem:s17+$0x4490]  }
0x152: {  	v9 =	vmul.f32 v37, v9;
	v37 =	vld [tilespmem:s17+$0x290]  }
0x153: {  	v15 =	vmul.f32 v10, v6;
	v6 =	vld [tilespmem:$0x1FE20]  }
0x154: {  	v10 =	vld [tilespmem:$0x1FE30]  }
0x155: {  	v26 =	vld [tilespmem:s17+$0x2C0]  }
0x156: {  	v33 =	vld [tilespmem:s17+$0x480]  }
0x157: {  	v20 =	vld [tilespmem:s17+$0x4480]  }
0x158: {  	v11 =	vld [tilespmem:$0x1FE50]  }
0x159: {  	v6 =	vmul.f32 v10, v6;
	v10 =	vld [tilespmem:$0x1FE40]  }
0x15a: {  	v29 =	vld [tilespmem:s17+$0x42B0]  }
0x15b: {  	v46 =	vld [tilespmem:s17+$0x320]  }
0x15c: {  	v24 =	vld [tilespmem:s17+$0x150]  }
0x15d: {  	v20 =	vmul.f32 v20, v33;
	v14 =	vld [tilespmem:$0x1FE70]  }
0x15e: {  	v33 =	vmul.f32 v11, v10;
	v10 =	vperm.xlane v45, v3;
	v11 =	vld [tilespmem:$0x1FE60]  }
0x15f: {  	v18 =	vld [tilespmem:s17+$0x4410];
	v17 =	vadd.f32 v23, v17  }
0x160: {  	v28 =	vld [tilespmem:s17+$0x2B0];
	v10 =	vadd.f32 v45, v10  }
0x161: {  	v8 =	vmul.f32 v8, v32;
	v20 =	vadd.f32 $0.0e+00, v20;
	v13 =	vadd.f32 v13, v17;
	v17 =	vld [tilespmem:s17+$0x400]  }
0x162: {  	[tilespmem:$0x1FE80] =	vst v10;
	v10 =	vld [tilespmem:$0x1FE90]  }
0x163: {  	v8 =	vadd.f32 v8, v20;
	v20 =	vmul.f32 v14, v11;
	v11 =	vld [tilespmem:$0x1FEA0]  }
0x164: {  	v19 =	vld [tilespmem:$0x1FF90];
	v13 =	vadd.f32 v4, v13  }
0x165: {  	v38 =	vld [tilespmem:s17+$0x390];
	v49 =	vadd.f32 v62, v27  }
0x166: {  	v18 =	vmul.f32 v18, v54;
	v25 =	vld [tilespmem:s17+$0x1C0];
	v13 =	vadd.f32 v35, v13  }
0x167: {  	v4 =	vld [tilespmem:s17+$0x140];
	v17 =	vmul.f32 v47, v17;
	v30 =	vadd.f32 v30, v31;
	v59 =	vadd.f32 v36, v49  }
0x168: {  	v31 =	vperm.xlane v13, v1;
	v54 =	vmul.f32 v11, v10;
	v10 =	vld [tilespmem:$0x1FEB0]  }
0x169: {  	v30 =	vadd.f32 v41, v30;
	v32 =	vadd.f32 v50, v59;
	v11 =	vld [tilespmem:$0x1FEC0]  }
0x16a: {  	v35 =	vld [tilespmem:s17+$0x2A0];
	v38 =	vmul.f32 v57, v38;
	v13 =	vadd.f32 v13, v31;
	v50 =	vadd.f32 $0.0e+00, v17  }
0x16b: {  	v57 =	vld [tilespmem:s17+$0x4110];
	v41 =	vperm.xlane v30, v1;
	v8 =	vadd.f32 v20, v8;
	v20 =	vadd.f32 v53, v32  }
0x16c: {  	v55 =	vld [tilespmem:s17+$0x380];
	v18 =	vadd.f32 v18, v50  }
0x16d: {  	v31 =	vld [tilespmem:s17+$0x4300];
	v30 =	vadd.f32 v30, v41;
	v59 =	vperm.xlane v13, v2;
	v7 =	vadd.f32 v7, v20  }
0x16e: {  	v9 =	vadd.f32 v9, v18;
	v33 =	vadd.f32 v33, v8;
	v18 =	vmul.f32 v11, v10;
	v10 =	vld [tilespmem:$0x1FED0]  }
0x16f: {  	v0 =	vadd.f32 v0, v7;
	v7 =	vperm.xlane v30, v2;
	v11 =	vld [tilespmem:$0x1FEE0]  }
0x170: {  	v27 =	vld [tilespmem:s17+$0x230];
	v20 =	vadd.f32 v13, v59;
	v60 =	vadd.f32 v60, v33  }
0x171: {  	v62 =	vld [tilespmem:s17+$0x42A0];
	v7 =	vadd.f32 v30, v7  }
0x172: {  	v5 =	vld [tilespmem:s17+$0x4140];
	v41 =	vperm.xlane v20, v3;
	v60 =	vadd.f32 v56, v60  }
0x173: {  	v36 =	vld [tilespmem:s17+$0x310];
	v34 =	vperm.xlane v7, v3;
	v9 =	vadd.f32 v18, v9  }
0x174: {  	v18 =	vadd.f32 v20, v41;
	v20 =	vadd.f32 v39, v60;
	v59 =	vmul.f32 v11, v10;
	v10 =	vld [tilespmem:$0x1FEF0]  }
0x175: {  	v49 =	vld [tilespmem:s17+$0x4310]  }
0x176: {  	v14 =	vadd.f32 v61, v20;
	v20 =	vadd.f32 v7, v34;
	v7 =	vld [tilespmem:$0x1FF20]  }
0x177: {  	v41 =	vadd.f32 v54, v9;
	v9 =	vld [tilespmem:$0x1FF30]  }
0x178: {  	v11 =	vld [tilespmem:$0x1FF10]  }
0x179: {  	v47 =	vmul.f32 v10, v21;
	v10 =	vld [tilespmem:$0x1FF00]  }
0x17a: {  	v17 =	vld [tilespmem:s17+$0x130]  }
0x17b: {  	v50 =	vld [tilespmem:s17+$0x4290]  }
0x17c: {  	v49 =	vmul.f32 v49, v36;
	v36 =	vld [tilespmem:s17+$0x4100]  }
0x17d: {  	v7 =	vmul.f32 v9, v7;
	v9 =	vld [tilespmem:$0x1FF40]  }
0x17e: {  	v60 =	vmul.f32 v11, v10;
	v10 =	vld [tilespmem:$0x1FF50]  }
0x17f: {  	v45 =	vld [tilespmem:s17+$0x4130]  }
0x180: {  	v53 =	vld [tilespmem:s17+$0x4380]  }
0x181: {  	v8 =	vld [tilespmem:s17+$0x1B0]  }
0x182: {  	v30 =	vperm.xlane v0, v1;
	v11 =	vld [tilespmem:$0x1FF70]  }
0x183: {  	v16 =	vadd.f32 v16, v41;
	v9 =	vmul.f32 v10, v9;
	v10 =	vld [tilespmem:$0x1FF60]  }
0x184: {  	v13 =	vld [tilespmem:s17+$0x220];
	v0 =	vadd.f32 v0, v30  }
0x185: {  	v33 =	vld [tilespmem:s17+$0x300];
	v16 =	vadd.f32 v12, v16  }
0x186: {  	v53 =	vmul.f32 v53, v55;
	v55 =	vld [tilespmem:s17+$0x4280];
	v32 =	vperm.xlane v0, v2  }
0x187: {  	v30 =	vld [tilespmem:s17+$0x120];
	v42 =	vadd.f32 v42, v16  }
0x188: {  	v39 =	vld [tilespmem:s17+$0x1A0];
	v23 =	vperm.xlane v14, v1;
	v56 =	vmul.f32 v11, v10;
	v10 =	vadd.f32 v0, v32  }
0x189: {  	v43 =	vmul.f32 v43, v40;
	v40 =	vperm.xlane v42, v1;
	v1 =	vld [tilespmem:$0x1FFA0]  }
0x18a: {  	v54 =	vld [tilespmem:s17+$0x4120];
	v14 =	vadd.f32 v14, v23;
	v23 =	vperm.xlane v10, v3  }
0x18b: {  	v31 =	vmul.f32 v31, v33;
	v11 =	vld [tilespmem:$0x1FF80]  }
0x18c: {  	v61 =	vld [tilespmem:s17+$0x280];
	v34 =	vadd.f32 $0.0e+00, v53;
	v23 =	vadd.f32 v10, v23;
	v10 =	vperm.xlane v14, v2  }
0x18d: {  	v31 =	vadd.f32 $0.0e+00, v31;
	v53 =	vld [tilespmem:s17+$0x200]  }
0x18e: {  	v33 =	vadd.f32 v38, v34;
	v10 =	vadd.f32 v14, v10;
	v14 =	vmul.f32 v1, v26;
	v1 =	vld [tilespmem:$0x1FFB0]  }
0x18f: {  	v49 =	vadd.f32 v49, v31;
	v31 =	vld [tilespmem:s17+$0x180]  }
0x190: {  	v38 =	vld [tilespmem:s17+$0x190];
	v16 =	vadd.f32 v43, v33;
	v43 =	vadd.f32 v42, v40;
	v41 =	vmul.f32 v19, v11  }
0x191: {  	v12 =	vmul.f32 v44, v51;
	v51 =	vld [tilespmem:s17+$0x110]  }
0x192: {  	v46 =	vmul.f32 v48, v46;
	v42 =	vld [tilespmem:s17+$0x100];
	v44 =	vadd.f32 v41, v16;
	v41 =	vperm.xlane v43, v2  }
0x193: {  	s19 =	simm.s32 $0x1;
	s18 =	simm.s32 $0x0;
	v0 =	vld [tilespmem:s17+$0x210];
	v48 =	vperm.xlane v10, v3;
	v33 =	vmul.f32 v58, v1  }
.LBB2_2:
0x194: {  	v58 =	vld [tilespmem:s17+$0x4180];
	v46 =	vadd.f32 v46, v49  }
0x195: {  	v10 =	vadd.f32 v10, v48;
	v48 =	vld [tilespmem:s17+$0x4200]  }
0x196: {  	v33 =	vadd.f32 v33, v46;
	v4 =	vmul.f32 v5, v4;
	v5 =	vld [tilespmem:s17+$0x4190]  }
0x197: {  	v26 =	vmul.f32 v52, v24;
	v52 =	vld [tilespmem:s17+$0x4210]  }
0x198: {  	v28 =	vmul.f32 v29, v28;
	v29 =	vadd.f32 v60, v44;
	v33 =	vadd.f32 v56, v33;
	v56 =	vld [tilespmem:s17+$0x4220]  }
0x199: {  	v31 =	vmul.f32 v58, v31;
	v58 =	vld [tilespmem:s17+$0x41B0]  }
0x19a: {  	v6 =	vadd.f32 v6, v29;
	v29 =	vmul.f32 v54, v30;
	v30 =	vld [tilespmem:s17+$0x41A0];
	v60 =	vmul.f32 v48, v53  }
0x19b: {  	v55 =	vmul.f32 v55, v61;
	v61 =	vld [tilespmem:s17+$0x4230];
	v31 =	vadd.f32 $0.0e+00, v31;
	v5 =	vmul.f32 v5, v38  }
0x19c: {  	v1 =	vld [tilespmem:$0x1FCB0];
	v44 =	vadd.f32 $0.0e+00, v60;
	v0 =	vmul.f32 v52, v0  }
0x19d: {  	v5 =	vadd.f32 v5, v31;
	v31 =	vld [tilespmem:s17+$0x4240]  }
0x19e: {  	v13 =	vmul.f32 v56, v13;
	v0 =	vadd.f32 v0, v44  }
0x19f: {  	v24 =	vadd.f32 v43, v41;
	v36 =	vmul.f32 v36, v42  }
0x1a0: {  	v34 =	vmul.f32 v62, v35;
	v62 =	vld [tilespmem:s17+$0x41C0];
	v0 =	vadd.f32 v13, v0;
	v13 =	vmul.f32 v61, v27  }
0x1a1: {  	v36 =	vadd.f32 $0.0e+00, v36;
	v41 =	vld [tilespmem:s17+$0x41D0];
	v6 =	vadd.f32 v22, v6;
	v30 =	vmul.f32 v30, v39  }
0x1a2: {  	v22 =	vmul.f32 v57, v51;
	v0 =	vadd.f32 v13, v0;
	v13 =	vmul.f32 v31, v1;
	v1 =	vld [tilespmem:$0x1FC80]  }
0x1a3: {  	v8 =	vmul.f32 v58, v8;
	v5 =	vadd.f32 v30, v5  }
0x1a4: {  	v22 =	vadd.f32 v22, v36  }
0x1a5: {  	v5 =	vadd.f32 v8, v5;
	v8 =	vmul.f32 v62, v25  }
0x1a6: {  	v22 =	vadd.f32 v29, v22;
	v29 =	vld [tilespmem:s17+$0x4250]  }
0x1a7: {  	v5 =	vadd.f32 v8, v5;
	v8 =	vmul.f32 v41, v1;
	v1 =	vld [tilespmem:$0x1FA80];
	_ =	sdelay $0x3  }
0x1a8: {  	v30 =	vld [tilespmem:s17+$0x41E0]  }
0x1a9: {  	v0 =	vadd.f32 v13, v0;
	v13 =	vmul.f32 v29, v1;
	v1 =	vld [tilespmem:$0x1FA70];
	_ =	sdelay $0x1  }
0x1aa: {  	v17 =	vmul.f32 v45, v17;
	_ =	sdelay $0x1  }
0x1ab: {  	v17 =	vadd.f32 v17, v22;
	v22 =	vld [tilespmem:s17+$0x4260]  }
0x1ac: {  	v5 =	vadd.f32 v8, v5;
	v8 =	vmul.f32 v30, v1;
	v1 =	vld [tilespmem:$0x1F8C0];
	_ =	sdelay $0x3  }
0x1ad: {  	v25 =	vld [tilespmem:s17+$0x41F0]  }
0x1ae: {  	v0 =	vadd.f32 v13, v0;
	v13 =	vmul.f32 v22, v1;
	v1 =	vld [tilespmem:$0x1F870]  }
0x1af: {  	v37 =	vmul.f32 v50, v37;
	v40 =	vadd.f32 $0.0e+00, v55;
	_ =	sdelay $0x1  }
0x1b0: {  	v35 =	vadd.f32 v37, v40  }
0x1b1: {  	v4 =	vadd.f32 v4, v17;
	v17 =	vld [tilespmem:s17+$0x4270]  }
0x1b2: {  	v27 =	vadd.f32 v34, v35;
	v5 =	vadd.f32 v8, v5;
	v8 =	vmul.f32 v25, v1;
	v1 =	vld [tilespmem:$0x1F840];
	_ =	sdelay $0x1  }
0x1b3: {  	v19 =	vadd.f32 v28, v27  }
0x1b4: {  	v4 =	vadd.f32 v26, v4  }
0x1b5: {  	v14 =	vadd.f32 v14, v19;
	v19 =	vld [tilespmem:s17+$0x42F0]  }
0x1b6: {  	v4 =	vadd.f32 v12, v4;
	v12 =	vmul.f32 v17, v1;
	v1 =	vld [tilespmem:$0x1F830];
	_ =	sdelay $0x3  }
0x1b7: {  	v26 =	vld [tilespmem:$0x1FFC0]  }
0x1b8: {  	v4 =	vadd.f32 v7, v4;
	v7 =	vmul.f32 v19, v1;
	v1 =	vld [tilespmem:$0x1FD40]  }
0x1b9: {  	v33 =	vadd.f32 v47, v33;
	_ =	sdelay $0x1  }
0x1ba: {  	v5 =	vadd.f32 v8, v5;
	v8 =	vadd.f32 v15, v33  }
0x1bb: {  	v32 =	vld [tilespmem:$0x1FFD0];
	v9 =	vadd.f32 v9, v14  }
0x1bc: {  	v0 =	vadd.f32 v13, v0;
	v13 =	vperm.xlane v4, v26;
	v8 =	vadd.f32 v1, v8;
	v1 =	vld [tilespmem:$0x1FBF0]  }
0x1bd: {  	v9 =	vadd.f32 v59, v9  }
0x1be: {  	v4 =	vadd.f32 v4, v13;
	v0 =	vadd.f32 v12, v0  }
0x1bf: {  	v34 =	vld [tilespmem:$0x1FFE0];
	v14 =	vperm.xlane v5, v26;
	v7 =	vadd.f32 v7, v9  }
0x1c0: {  	v16 =	vperm.xlane v4, v32;
	v9 =	vperm.xlane v0, v26  }
0x1c1: {  	v5 =	vadd.f32 v5, v14;
	v13 =	vperm.xlane v7, v26;
	v6 =	vadd.f32 v1, v6  }
0x1c2: {  	v4 =	vadd.f32 v4, v16;
	v0 =	vadd.f32 v0, v9;
	v9 =	vperm.xlane v8, v26  }
0x1c3: {  	v17 =	vperm.xlane v5, v32;
	v7 =	vadd.f32 v7, v13;
	v14 =	vperm.xlane v6, v26  }
0x1c4: {  	v16 =	vperm.xlane v4, v34;
	v13 =	vperm.xlane v0, v32;
	v8 =	vadd.f32 v8, v9  }
0x1c5: {  	v5 =	vadd.f32 v5, v17;
	v9 =	vperm.xlane v7, v32;
	v1 =	vld [tilespmem:$0x1FFF0];
	v6 =	vadd.f32 v6, v14  }
0x1c6: {  	v12 =	vperm.xlane v24, v34;
	v0 =	vadd.f32 v0, v13;
	v13 =	vperm.xlane v8, v32  }
0x1c7: {  	v17 =	vperm.xlane v5, v34;
	v7 =	vadd.f32 v7, v9;
	v14 =	vperm.xlane v6, v32  }
0x1c8: {  	v4 =	vadd.f32 v4, v16;
	v9 =	vperm.xlane v0, v34;
	v8 =	vadd.f32 v8, v13  }
0x1c9: {  	v5 =	vadd.f32 v5, v17;
	v13 =	vperm.xlane v7, v34;
	v6 =	vadd.f32 v6, v14  }
0x1ca: {  	v0 =	vadd.f32 v0, v9;
	v9 =	vperm.xlane v8, v34;
	v16 =	vperm.xlane v4, v1  }
0x1cb: {  	v17 =	vperm.xlane v5, v1;
	v7 =	vadd.f32 v7, v13;
	v14 =	vperm.xlane v6, v34  }
0x1cc: {  	v13 =	vperm.xlane v0, v1;
	v8 =	vadd.f32 v8, v9;
	v4 =	vadd.f32 v4, v16  }
0x1cd: {  	v5 =	vadd.f32 v5, v17;
	v9 =	vperm.xlane v7, v1;
	v6 =	vadd.f32 v6, v14  }
0x1ce: {  	v12 =	vadd.f32 v24, v12;
	v0 =	vadd.f32 v0, v13;
	v13 =	vperm.xlane v8, v1  }
0x1cf: {  	v4 =	vsel vm0, v4, v5;
	v5 =	vadd.f32 v7, v9;
	v7 =	vperm.xlane v6, v1  }
0x1d0: {  	v3 =	vld [tilespmem:$0x1FE80];
	v0 =	vsel vm1, v4, v0;
	v4 =	vadd.f32 v8, v13;
	v8 =	vperm.xlane v12, v1  }
0x1d1: {  	v2 =	vld [tilespmem:$0x1FD70];
	v0 =	vsel vm2, v0, v5;
	v5 =	vadd.f32 v6, v7;
	v6 =	vperm.xlane v10, v1  }
0x1d2: {  	v0 =	vsel vm3, v0, v4;
	v4 =	vadd.f32 v12, v8;
	v7 =	vperm.xlane v23, v1  }
0x1d3: {  	v0 =	vsel vm4, v0, v5;
	v5 =	vadd.f32 v10, v6;
	v6 =	vperm.xlane v20, v1  }
0x1d4: {  	v0 =	vsel vm5, v0, v4;
	v4 =	vadd.f32 v23, v7;
	v7 =	vperm.xlane v18, v1  }
0x1d5: {  	v0 =	vsel vm6, v0, v5;
	v5 =	vadd.f32 v20, v6;
	v6 =	vperm.xlane v3, v1  }
0x1d6: {  	v0 =	vsel vm7, v0, v4;
	v4 =	vadd.f32 v18, v7;
	v7 =	vperm.xlane v2, v1  }
0x1d7: {  	v0 =	vsel vm8, v0, v5;
	v5 =	vadd.f32 v3, v6;
	v3 =	vld [tilespmem:$0x1FBC0]  }
0x1d8: {  	v0 =	vsel vm9, v0, v4;
	v4 =	vadd.f32 v2, v7;
	v2 =	vld [tilespmem:$0x1FB70];
	_ =	sdelay $0x3  }
0x1d9: {  	v6 =	vperm.xlane v3, v1  }
0x1da: {  	v7 =	vperm.xlane v2, v1  }
0x1db: {  	v0 =	vsel vm10, v0, v5;
	v5 =	vadd.f32 v3, v6;
	v6 =	vperm.xlane v63, v1  }
0x1dc: {  	v0 =	vsel vm11, v0, v4;
	v4 =	vadd.f32 v2, v7  }
0x1dd: {  	v0 =	vsel vm12, v0, v5;
	v5 =	vadd.f32 v63, v6  }
0x1de: {  	s31 =	sshll.u32 s18, $0x4;
	v0 =	vsel vm13, v0, v4  }
0x1df: {  	s20 =	sand.u32 $0x3FFFFFF0, s31;
	v0 =	vsel vm14, v0, v5  }
0x1e0: {  	s17 =	sshll.u32 s19, $0xB;
	[tilespmem:s20+$0x8100] =	vst v0  }
0x1e1: {  	v1 =	vld [tilespmem:s17+$0x6E0];
	_ =	sdelay $0x4  }
0x1e2: {  	[tilespmem:$0x1F290] =	vst v1;
	v1 =	vld [tilespmem:s17+$0x46E0];
	_ =	sdelay $0x4  }
0x1e3: {  	[tilespmem:$0x1F2A0] =	vst v1;
	v1 =	vld [tilespmem:s17+$0x750];
	_ =	sdelay $0x4  }
0x1e4: {  	[tilespmem:$0x1F2B0] =	vst v1;
	v1 =	vld [tilespmem:s17+$0x4750];
	_ =	sdelay $0x4  }
0x1e5: {  	[tilespmem:$0x1F2C0] =	vst v1;
	v1 =	vld [tilespmem:s17+$0x7C0];
	_ =	sdelay $0x4  }
0x1e6: {  	[tilespmem:$0x1F2F0] =	vst v1;
	v1 =	vld [tilespmem:s17+$0x47C0];
	_ =	sdelay $0x4  }
0x1e7: {  	[tilespmem:$0x1F300] =	vst v1;
	v1 =	vld [tilespmem:s17+$0x830];
	_ =	sdelay $0x4  }
0x1e8: {  	[tilespmem:$0x1F2D0] =	vst v1;
	v1 =	vld [tilespmem:s17+$0x4830];
	_ =	sdelay $0x4  }
0x1e9: {  	[tilespmem:$0x1F2E0] =	vst v1;
	v1 =	vld [tilespmem:s17+$0x5F0];
	_ =	sdelay $0x4  }
0x1ea: {  	[tilespmem:$0x1F310] =	vst v1;
	v1 =	vld [tilespmem:s17+$0x45F0];
	_ =	sdelay $0x4  }
0x1eb: {  	[tilespmem:$0x1F320] =	vst v1;
	v1 =	vld [tilespmem:s17+$0x660];
	_ =	sdelay $0x4  }
0x1ec: {  	[tilespmem:$0x1F330] =	vst v1;
	v1 =	vld [tilespmem:s17+$0x4660];
	_ =	sdelay $0x4  }
0x1ed: {  	[tilespmem:$0x1F340] =	vst v1;
	v1 =	vld [tilespmem:s17+$0x6D0];
	_ =	sdelay $0x4  }
0x1ee: {  	[tilespmem:$0x1F350] =	vst v1;
	v1 =	vld [tilespmem:s17+$0x46D0];
	_ =	sdelay $0x4  }
0x1ef: {  	[tilespmem:$0x1F360] =	vst v1;
	v1 =	vld [tilespmem:s17+$0x740];
	_ =	sdelay $0x4  }
0x1f0: {  	[tilespmem:$0x1F370] =	vst v1;
	v1 =	vld [tilespmem:s17+$0x4740];
	_ =	sdelay $0x4  }
0x1f1: {  	[tilespmem:$0x1F380] =	vst v1;
	v1 =	vld [tilespmem:s17+$0x5E0];
	_ =	sdelay $0x4  }
0x1f2: {  	[tilespmem:$0x1F390] =	vst v1;
	v1 =	vld [tilespmem:s17+$0x650];
	_ =	sdelay $0x4  }
0x1f3: {  	[tilespmem:$0x1F3A0] =	vst v1;
	v1 =	vld [tilespmem:s17+$0x6C0];
	_ =	sdelay $0x4  }
0x1f4: {  	[tilespmem:$0x1F3B0] =	vst v1;
	v1 =	vld [tilespmem:s17+$0x46C0];
	_ =	sdelay $0x4  }
0x1f5: {  	[tilespmem:$0x1F3C0] =	vst v1;
	v1 =	vld [tilespmem:s17+$0x730];
	_ =	sdelay $0x4  }
0x1f6: {  	[tilespmem:$0x1F3D0] =	vst v1;
	v1 =	vld [tilespmem:s17+$0x4730];
	_ =	sdelay $0x4  }
0x1f7: {  	[tilespmem:$0x1F3E0] =	vst v1;
	v1 =	vld [tilespmem:s17+$0x4F0];
	_ =	sdelay $0x4  }
0x1f8: {  	[tilespmem:$0x1F3F0] =	vst v1;
	v1 =	vld [tilespmem:s17+$0x560];
	_ =	sdelay $0x4  }
0x1f9: {  	[tilespmem:$0x1F400] =	vst v1;
	v1 =	vld [tilespmem:s17+$0x4560];
	_ =	sdelay $0x4  }
0x1fa: {  	[tilespmem:$0x1F410] =	vst v1;
	v1 =	vld [tilespmem:s17+$0x5D0];
	_ =	sdelay $0x4  }
0x1fb: {  	[tilespmem:$0x1F420] =	vst v1;
	v1 =	vld [tilespmem:s17+$0x45D0];
	_ =	sdelay $0x4  }
0x1fc: {  	[tilespmem:$0x1F430] =	vst v1;
	v1 =	vld [tilespmem:s17+$0x640];
	_ =	sdelay $0x4  }
0x1fd: {  	[tilespmem:$0x1F440] =	vst v1;
	v1 =	vld [tilespmem:s17+$0x4640];
	_ =	sdelay $0x4  }
0x1fe: {  	[tilespmem:$0x1F450] =	vst v1;
	v1 =	vld [tilespmem:s17+$0x6B0];
	_ =	sdelay $0x4  }
0x1ff: {  	[tilespmem:$0x1F460] =	vst v1;
	v1 =	vld [tilespmem:s17+$0x46B0];
	_ =	sdelay $0x4  }
0x200: {  	[tilespmem:$0x1F470] =	vst v1;
	v1 =	vld [tilespmem:s17+$0x470];
	_ =	sdelay $0x4  }
0x201: {  	[tilespmem:$0x1F480] =	vst v1;
	v1 =	vld [tilespmem:s17+$0x4470];
	_ =	sdelay $0x4  }
0x202: {  	[tilespmem:$0x1F490] =	vst v1;
	v1 =	vld [tilespmem:s17+$0x4E0];
	_ =	sdelay $0x4  }
0x203: {  	[tilespmem:$0x1F4A0] =	vst v1;
	v1 =	vld [tilespmem:s17+$0x44E0];
	_ =	sdelay $0x4  }
0x204: {  	[tilespmem:$0x1F4B0] =	vst v1;
	v1 =	vld [tilespmem:s17+$0x550];
	_ =	sdelay $0x4  }
0x205: {  	[tilespmem:$0x1F4C0] =	vst v1;
	v1 =	vld [tilespmem:s17+$0x4550];
	_ =	sdelay $0x4  }
0x206: {  	[tilespmem:$0x1F4D0] =	vst v1;
	v1 =	vld [tilespmem:s17+$0x5C0];
	_ =	sdelay $0x4  }
0x207: {  	[tilespmem:$0x1F4E0] =	vst v1;
	v1 =	vld [tilespmem:s17+$0x45C0];
	_ =	sdelay $0x4  }
0x208: {  	[tilespmem:$0x1F4F0] =	vst v1;
	v1 =	vld [tilespmem:s17+$0x630];
	_ =	sdelay $0x4  }
0x209: {  	[tilespmem:$0x1F500] =	vst v1;
	v1 =	vld [tilespmem:s17+$0x4630];
	_ =	sdelay $0x4  }
0x20a: {  	[tilespmem:$0x1F510] =	vst v1;
	v1 =	vld [tilespmem:s17+$0x3F0];
	_ =	sdelay $0x4  }
0x20b: {  	[tilespmem:$0x1F520] =	vst v1;
	v1 =	vld [tilespmem:s17+$0x460];
	_ =	sdelay $0x4  }
0x20c: {  	[tilespmem:$0x1F530] =	vst v1;
	v1 =	vld [tilespmem:s17+$0x4460];
	_ =	sdelay $0x4  }
0x20d: {  	[tilespmem:$0x1F540] =	vst v1;
	v1 =	vld [tilespmem:s17+$0x4D0];
	_ =	sdelay $0x4  }
0x20e: {  	[tilespmem:$0x1F550] =	vst v1;
	v1 =	vld [tilespmem:s17+$0x44D0];
	_ =	sdelay $0x4  }
0x20f: {  	[tilespmem:$0x1F560] =	vst v1;
	v1 =	vld [tilespmem:s17+$0x540];
	_ =	sdelay $0x4  }
0x210: {  	[tilespmem:$0x1F590] =	vst v1;
	v1 =	vld [tilespmem:s17+$0x4540];
	_ =	sdelay $0x4  }
0x211: {  	[tilespmem:$0x1F5A0] =	vst v1;
	v1 =	vld [tilespmem:s17+$0x5B0];
	_ =	sdelay $0x4  }
0x212: {  	[tilespmem:$0x1F5B0] =	vst v1;
	v1 =	vld [tilespmem:s17+$0x45B0];
	_ =	sdelay $0x4  }
0x213: {  	[tilespmem:$0x1F5C0] =	vst v1;
	v1 =	vld [tilespmem:s17+$0x620];
	_ =	sdelay $0x4  }
0x214: {  	[tilespmem:$0x1F570] =	vst v1;
	v1 =	vld [tilespmem:s17+$0x4620];
	_ =	sdelay $0x4  }
0x215: {  	[tilespmem:$0x1F580] =	vst v1;
	v1 =	vld [tilespmem:s17+$0x370];
	_ =	sdelay $0x4  }
0x216: {  	[tilespmem:$0x1F5E0] =	vst v1;
	v1 =	vld [tilespmem:s17+$0x4370];
	_ =	sdelay $0x4  }
0x217: {  	[tilespmem:$0x1F5F0] =	vst v1;
	v1 =	vld [tilespmem:s17+$0x3E0];
	_ =	sdelay $0x4  }
0x218: {  	[tilespmem:$0x1F600] =	vst v1;
	v1 =	vld [tilespmem:s17+$0x43E0];
	_ =	sdelay $0x4  }
0x219: {  	[tilespmem:$0x1F610] =	vst v1;
	v1 =	vld [tilespmem:s17+$0x450];
	_ =	sdelay $0x4  }
0x21a: {  	[tilespmem:$0x1F620] =	vst v1;
	v1 =	vld [tilespmem:s17+$0x4450];
	_ =	sdelay $0x4  }
0x21b: {  	[tilespmem:$0x1F630] =	vst v1;
	v1 =	vld [tilespmem:s17+$0x4C0];
	_ =	sdelay $0x4  }
0x21c: {  	[tilespmem:$0x1F640] =	vst v1;
	v1 =	vld [tilespmem:s17+$0x44C0];
	_ =	sdelay $0x4  }
0x21d: {  	[tilespmem:$0x1F650] =	vst v1;
	v1 =	vld [tilespmem:s17+$0x530];
	_ =	sdelay $0x4  }
0x21e: {  	[tilespmem:$0x1F680] =	vst v1;
	v1 =	vld [tilespmem:s17+$0x4530];
	_ =	sdelay $0x3  }
0x21f: {  	v0 =	vld [tilespmem:s17+$0x4860]  }
0x220: {  	[tilespmem:$0x1F690] =	vst v1;
	v1 =	vld [tilespmem:s17+$0x5A0];
	_ =	sdelay $0x3  }
0x221: {  	[tilespmem:$0x1F160] =	vst v0;
	v0 =	vld [tilespmem:s17+$0x8D0]  }
0x222: {  	[tilespmem:$0x1F5D0] =	vst v1;
	v1 =	vld [tilespmem:s17+$0x2F0];
	_ =	sdelay $0x3  }
0x223: {  	[tilespmem:$0x1F170] =	vst v0;
	v0 =	vld [tilespmem:s17+$0x48D0]  }
0x224: {  	[tilespmem:$0x1F830] =	vst v1;
	v1 =	vld [tilespmem:s17+$0x360];
	_ =	sdelay $0x3  }
0x225: {  	[tilespmem:$0x1F180] =	vst v0;
	v0 =	vld [tilespmem:s17+$0x770]  }
0x226: {  	[tilespmem:$0x1F6A0] =	vst v1;
	v1 =	vld [tilespmem:s17+$0x4360];
	_ =	sdelay $0x3  }
0x227: {  	[tilespmem:$0x1F190] =	vst v0;
	v0 =	vld [tilespmem:s17+$0x4770]  }
0x228: {  	[tilespmem:$0x1F6B0] =	vst v1;
	v1 =	vld [tilespmem:s17+$0x3D0];
	_ =	sdelay $0x3  }
0x229: {  	[tilespmem:$0x1F1A0] =	vst v0;
	v0 =	vld [tilespmem:s17+$0x7E0]  }
0x22a: {  	[tilespmem:$0x1F6C0] =	vst v1;
	v1 =	vld [tilespmem:s17+$0x43D0];
	_ =	sdelay $0x3  }
0x22b: {  	[tilespmem:$0x1F1D0] =	vst v0;
	v0 =	vld [tilespmem:s17+$0x47E0]  }
0x22c: {  	[tilespmem:$0x1F6D0] =	vst v1;
	v1 =	vld [tilespmem:s17+$0x440];
	_ =	sdelay $0x3  }
0x22d: {  	[tilespmem:$0x1F1E0] =	vst v0;
	v0 =	vld [tilespmem:s17+$0x850]  }
0x22e: {  	[tilespmem:$0x1F700] =	vst v1;
	v1 =	vld [tilespmem:s17+$0x4440];
	_ =	sdelay $0x3  }
0x22f: {  	[tilespmem:$0x1F1F0] =	vst v0;
	v0 =	vld [tilespmem:s17+$0x4850]  }
0x230: {  	[tilespmem:$0x1F710] =	vst v1;
	v1 =	vld [tilespmem:s17+$0x4B0];
	_ =	sdelay $0x3  }
0x231: {  	[tilespmem:$0x1F200] =	vst v0;
	v0 =	vld [tilespmem:s17+$0x8C0]  }
0x232: {  	[tilespmem:$0x1F6E0] =	vst v1;
	v1 =	vld [tilespmem:s17+$0x44B0];
	_ =	sdelay $0x3  }
0x233: {  	[tilespmem:$0x1F1B0] =	vst v0;
	v0 =	vld [tilespmem:s17+$0x48C0]  }
0x234: {  	[tilespmem:$0x1F6F0] =	vst v1;
	v1 =	vld [tilespmem:s17+$0x520];
	_ =	sdelay $0x3  }
0x235: {  	[tilespmem:$0x1F1C0] =	vst v0;
	v0 =	vld [tilespmem:s17+$0x6F0]  }
0x236: {  	[tilespmem:$0x1F660] =	vst v1;
	v1 =	vld [tilespmem:s17+$0x4520];
	_ =	sdelay $0x3  }
0x237: {  	[tilespmem:$0x1F210] =	vst v0;
	v0 =	vld [tilespmem:s17+$0x46F0]  }
0x238: {  	[tilespmem:$0x1F670] =	vst v1;
	v1 =	vld [tilespmem:s17+$0x270];
	_ =	sdelay $0x3  }
0x239: {  	[tilespmem:$0x1F220] =	vst v0;
	v0 =	vld [tilespmem:s17+$0x760]  }
0x23a: {  	[tilespmem:$0x1F840] =	vst v1;
	v1 =	vld [tilespmem:s17+$0x2E0];
	_ =	sdelay $0x3  }
0x23b: {  	[tilespmem:$0x1F230] =	vst v0;
	v0 =	vld [tilespmem:s17+$0x4760]  }
0x23c: {  	[tilespmem:$0x1F740] =	vst v1;
	v1 =	vld [tilespmem:s17+$0x42E0];
	_ =	sdelay $0x3  }
0x23d: {  	[tilespmem:$0x1F240] =	vst v0;
	v0 =	vld [tilespmem:s17+$0x7D0]  }
0x23e: {  	[tilespmem:$0x1F750] =	vst v1;
	v1 =	vld [tilespmem:s17+$0x350];
	_ =	sdelay $0x3  }
0x23f: {  	[tilespmem:$0x1F250] =	vst v0;
	v0 =	vld [tilespmem:s17+$0x47D0]  }
0x240: {  	[tilespmem:$0x1F760] =	vst v1;
	v1 =	vld [tilespmem:s17+$0x4350];
	_ =	sdelay $0x2  }
0x241: {  	v9 =	vld [tilespmem:s17+$0x890]  }
0x242: {  	[tilespmem:$0x1F260] =	vst v0;
	v0 =	vld [tilespmem:s17+$0x840]  }
0x243: {  	[tilespmem:$0x1F770] =	vst v1;
	v1 =	vld [tilespmem:s17+$0x3C0]  }
0x244: {  	v8 =	vld [tilespmem:s17+$0x4890]  }
0x245: {  	v54 =	vld [tilespmem:s17+$0x880]  }
0x246: {  	v42 =	vld [tilespmem:s17+$0x4880]  }
0x247: {  	[tilespmem:$0x1F270] =	vst v0;
	v0 =	vld [tilespmem:s17+$0x4840]  }
0x248: {  	[tilespmem:$0x1F780] =	vst v1;
	v1 =	vld [tilespmem:s17+$0x43C0]  }
0x249: {  	v23 =	vld [tilespmem:s17+$0x8A0]  }
0x24a: {  	v30 =	vld [tilespmem:s17+$0x48A0]  }
0x24b: {  	v15 =	vld [tilespmem:s17+$0x48B0];
	v59 =	vmul.f32 v42, v54  }
0x24c: {  	[tilespmem:$0x1F280] =	vst v0;
	v0 =	vld [tilespmem:s17+$0x8B0]  }
0x24d: {  	v8 =	vmul.f32 v8, v9;
	v42 =	vadd.f32 $0.0e+00, v59;
	[tilespmem:$0x1F790] =	vst v1;
	v1 =	vld [tilespmem:s17+$0x430];
	_ =	sdelay $0x1  }
0x24e: {  	v9 =	vmul.f32 v30, v23;
	v8 =	vadd.f32 v8, v42  }
0x24f: {  	v21 =	vld [tilespmem:s17+$0x860]  }
0x250: {  	v8 =	vadd.f32 v9, v8;
	v9 =	vmul.f32 v15, v0;
	v0 =	vld [tilespmem:$0x1F160]  }
0x251: {  	[tilespmem:$0x1F720] =	vst v1;
	v1 =	vld [tilespmem:s17+$0x4430];
	_ =	sdelay $0x3  }
0x252: {  	v15 =	vmul.f32 v0, v21;
	v0 =	vld [tilespmem:$0x1F170]  }
0x253: {  	[tilespmem:$0x1F730] =	vst v1;
	v1 =	vld [tilespmem:$0x1F180];
	_ =	sdelay $0x4  }
0x254: {  	v21 =	vmul.f32 v1, v0;
	v0 =	vld [tilespmem:$0x1F190]  }
0x255: {  	v1 =	vld [tilespmem:$0x1F1A0];
	_ =	sdelay $0x4  }
0x256: {  	v42 =	vmul.f32 v1, v0;
	v0 =	vld [tilespmem:$0x1F1B0]  }
0x257: {  	v1 =	vld [tilespmem:$0x1F1C0];
	_ =	sdelay $0x1  }
0x258: {  	v2 =	vld [tilespmem:s17+$0x8F0]  }
0x259: {  	v12 =	vld [tilespmem:s17+$0x48F0]  }
0x25a: {  	v3 =	vld [tilespmem:s17+$0x870]  }
0x25b: {  	v54 =	vmul.f32 v1, v0;
	v0 =	vld [tilespmem:$0x1F1D0]  }
0x25c: {  	v1 =	vld [tilespmem:$0x1F1E0]  }
0x25d: {  	v16 =	vld [tilespmem:s17+$0x4870]  }
0x25e: {  	v46 =	vld [tilespmem:s17+$0x7F0]  }
0x25f: {  	v62 =	vld [tilespmem:s17+$0x47F0]  }
0x260: {  	v59 =	vmul.f32 v12, v2;
	v2 =	vld [tilespmem:$0x1F200]  }
0x261: {  	v1 =	vmul.f32 v1, v0;
	v0 =	vld [tilespmem:$0x1F1F0]  }
0x262: {  	v44 =	vld [tilespmem:s17+$0x670]  }
0x263: {  	v43 =	vld [tilespmem:s17+$0x4670]  }
0x264: {  	v28 =	vld [tilespmem:s17+$0x820]  }
0x265: {  	v52 =	vmul.f32 v16, v3;
	v3 =	vld [tilespmem:$0x1F220]  }
0x266: {  	v2 =	vmul.f32 v2, v0;
	v0 =	vld [tilespmem:$0x1F210]  }
0x267: {  	v25 =	vld [tilespmem:s17+$0x4820]  }
0x268: {  	v17 =	vld [tilespmem:s17+$0x810]  }
0x269: {  	v13 =	vld [tilespmem:s17+$0x4810]  }
0x26a: {  	v7 =	vld [tilespmem:s17+$0x790]  }
0x26b: {  	v8 =	vadd.f32 v9, v8;
	v9 =	vmul.f32 v3, v0;
	v0 =	vld [tilespmem:$0x1F230]  }
0x26c: {  	v3 =	vld [tilespmem:$0x1F240]  }
0x26d: {  	v6 =	vld [tilespmem:s17+$0x4790]  }
0x26e: {  	v4 =	vld [tilespmem:s17+$0x800]  }
0x26f: {  	v61 =	vld [tilespmem:s17+$0x4800]  }
0x270: {  	v23 =	vld [tilespmem:$0x1F260]  }
0x271: {  	v62 =	vmul.f32 v62, v46;
	v46 =	vmul.f32 v3, v0;
	v0 =	vld [tilespmem:$0x1F250]  }
0x272: {  	v38 =	vld [tilespmem:s17+$0x780]  }
0x273: {  	v13 =	vmul.f32 v13, v17;
	v17 =	vld [tilespmem:s17+$0x4170]  }
0x274: {  	v6 =	vmul.f32 v6, v7;
	v7 =	vld [tilespmem:s17+$0x260]  }
0x275: {  	v4 =	vmul.f32 v61, v4;
	v61 =	vld [tilespmem:$0x1F280]  }
0x276: {  	v0 =	vmul.f32 v23, v0;
	v23 =	vmul.f32 v43, v44;
	v43 =	vld [tilespmem:$0x1F270]  }
0x277: {  	v36 =	vld [tilespmem:s17+$0x4780]  }
0x278: {  	[tilespmem:$0x1F7B0] =	vst v17;
	v17 =	vld [tilespmem:$0x1F290];
	v3 =	vadd.f32 v54, v8  }
0x279: {  	[tilespmem:$0x1F8C0] =	vst v7;
	v7 =	vld [tilespmem:$0x1F2B0]  }
0x27a: {  	v4 =	vadd.f32 $0.0e+00, v4;
	v3 =	vadd.f32 v21, v3;
	v21 =	vld [tilespmem:s17+$0x170]  }
0x27b: {  	v44 =	vmul.f32 v61, v43;
	v43 =	vld [tilespmem:$0x1F2A0]  }
0x27c: {  	v4 =	vadd.f32 v13, v4;
	v13 =	vld [tilespmem:$0x1F2C0]  }
0x27d: {  	v40 =	vld [tilespmem:s17+$0x8E0]  }
0x27e: {  	v57 =	vld [tilespmem:s17+$0x48E0];
	_ =	sdelay $0x1  }
0x27f: {  	[tilespmem:$0x1F7A0] =	vst v21;
	v21 =	vmul.f32 v36, v38;
	v38 =	vmul.f32 v43, v17  }
0x280: {  	v17 =	vmul.f32 v25, v28;
	v28 =	vmul.f32 v13, v7;
	v7 =	vld [tilespmem:$0x1F2D0]  }
0x281: {  	v13 =	vld [tilespmem:$0x1F2E0]  }
0x282: {  	v40 =	vmul.f32 v57, v40;
	_ =	sdelay $0x1  }
0x283: {  	v3 =	vadd.f32 v40, v3;
	_ =	sdelay $0x1  }
0x284: {  	v7 =	vmul.f32 v13, v7;
	v13 =	vadd.f32 v59, v3;
	v3 =	vld [tilespmem:s17+$0x2D0];
	_ =	sdelay $0x4  }
0x285: {  	[tilespmem:$0x1F7C0] =	vst v3;
	v3 =	vld [tilespmem:s17+$0x42D0];
	_ =	sdelay $0x3  }
0x286: {  	v4 =	vadd.f32 v17, v4;
	v17 =	vld [tilespmem:$0x1F300]  }
0x287: {  	[tilespmem:$0x1F7D0] =	vst v3;
	v3 =	vld [tilespmem:$0x1F2F0];
	_ =	sdelay $0x1  }
0x288: {  	v41 =	vld [tilespmem:s17+$0x7B0]  }
0x289: {  	v20 =	vld [tilespmem:s17+$0x7A0]  }
0x28a: {  	v18 =	vld [tilespmem:s17+$0x47A0]  }
0x28b: {  	v17 =	vmul.f32 v17, v3;
	v3 =	vld [tilespmem:s17+$0x340]  }
0x28c: {  	v37 =	vld [tilespmem:s17+$0x47B0]  }
0x28d: {  	v21 =	vadd.f32 $0.0e+00, v21;
	_ =	sdelay $0x1  }
0x28e: {  	v18 =	vmul.f32 v18, v20;
	v6 =	vadd.f32 v6, v21;
	v25 =	vld [tilespmem:s17+$0x1F0]  }
0x28f: {  	v20 =	vperm.xlane v13, v26;
	[tilespmem:$0x1F7E0] =	vst v3;
	v3 =	vld [tilespmem:s17+$0x4340]  }
0x290: {  	v51 =	vld [tilespmem:s17+$0x570];
	v21 =	vmul.f32 v37, v41;
	v18 =	vadd.f32 v18, v6;
	v4 =	vadd.f32 v7, v4  }
0x291: {  	v48 =	vld [tilespmem:s17+$0x4570];
	v7 =	vadd.f32 v13, v20  }
0x292: {  	v49 =	vld [tilespmem:s17+$0x45E0];
	v20 =	vadd.f32 v21, v18;
	v4 =	vadd.f32 v44, v4  }
0x293: {  	v6 =	vld [tilespmem:$0x1F320];
	[tilespmem:$0x1F870] =	vst v25;
	v25 =	vperm.xlane v7, v32  }
0x294: {  	v2 =	vadd.f32 v2, v4;
	v17 =	vadd.f32 v17, v20;
	[tilespmem:$0x1F7F0] =	vst v3;
	v3 =	vld [tilespmem:$0x1F310]  }
0x295: {  	v58 =	vld [tilespmem:s17+$0x44F0];
	v44 =	vadd.f32 v7, v25  }
0x296: {  	v14 =	vld [tilespmem:s17+$0x710];
	v2 =	vadd.f32 v15, v2;
	v0 =	vadd.f32 v0, v17  }
0x297: {  	v63 =	vld [tilespmem:s17+$0x700]  }
0x298: {  	v56 =	vld [tilespmem:s17+$0x4700];
	v0 =	vadd.f32 v1, v0;
	v1 =	vadd.f32 v52, v2;
	v2 =	vperm.xlane v44, v34  }
0x299: {  	v61 =	vmul.f32 v6, v3;
	v3 =	vld [tilespmem:$0x1F330]  }
0x29a: {  	v52 =	vadd.f32 v62, v0;
	v0 =	vadd.f32 v44, v2;
	v6 =	vld [tilespmem:$0x1F340]  }
0x29b: {  	v29 =	vld [tilespmem:s17+$0x4710]  }
0x29c: {  	[tilespmem:$0x1F820] =	vst v0;
	v0 =	vld [tilespmem:$0x1F3F0]  }
0x29d: {  	v35 =	vld [tilespmem:s17+$0x720]  }
0x29e: {  	v33 =	vld [tilespmem:s17+$0x4720]  }
0x29f: {  	v4 =	vmul.f32 v56, v63;
	v6 =	vmul.f32 v6, v3;
	v3 =	vld [tilespmem:s17+$0x3B0]  }
0x2a0: {  	v24 =	vld [tilespmem:s17+$0x690]  }
0x2a1: {  	v14 =	vmul.f32 v29, v14;
	v4 =	vadd.f32 $0.0e+00, v4;
	v36 =	vmul.f32 v58, v0;
	v0 =	vld [tilespmem:s17+$0x1E0]  }
0x2a2: {  	v11 =	vld [tilespmem:s17+$0x4690]  }
0x2a3: {  	v13 =	vld [tilespmem:$0x1F360];
	v4 =	vadd.f32 v14, v4;
	v14 =	vmul.f32 v33, v35  }
0x2a4: {  	[tilespmem:$0x1F800] =	vst v3;
	v3 =	vld [tilespmem:$0x1F350]  }
0x2a5: {  	v4 =	vadd.f32 v14, v4;
	v14 =	vld [tilespmem:$0x1F410]  }
0x2a6: {  	[tilespmem:$0x1FA70] =	vst v0;
	v0 =	vld [tilespmem:$0x1F400]  }
0x2a7: {  	v60 =	vld [tilespmem:s17+$0x680]  }
0x2a8: {  	v55 =	vld [tilespmem:s17+$0x4680]  }
0x2a9: {  	v59 =	vmul.f32 v13, v3;
	v3 =	vld [tilespmem:s17+$0x43B0]  }
0x2aa: {  	v29 =	vld [tilespmem:$0x1F3D0]  }
0x2ab: {  	v14 =	vmul.f32 v14, v0;
	v0 =	vld [tilespmem:s17+$0x250]  }
0x2ac: {  	v18 =	vmul.f32 v48, v51;
	v51 =	vld [tilespmem:$0x1F3E0]  }
0x2ad: {  	v13 =	vld [tilespmem:$0x1F380]  }
0x2ae: {  	[tilespmem:$0x1F810] =	vst v3;
	v3 =	vld [tilespmem:$0x1F370]  }
0x2af: {  	v11 =	vmul.f32 v11, v24;
	v24 =	vld [tilespmem:$0x1F430]  }
0x2b0: {  	[tilespmem:$0x1FA80] =	vst v0;
	v0 =	vld [tilespmem:$0x1F420]  }
0x2b1: {  	v45 =	vld [tilespmem:s17+$0x6A0]  }
0x2b2: {  	v31 =	vld [tilespmem:s17+$0x46A0];
	v29 =	vmul.f32 v51, v29  }
0x2b3: {  	v21 =	vmul.f32 v13, v3;
	v3 =	vld [tilespmem:$0x1F390]  }
0x2b4: {  	v4 =	vadd.f32 v29, v4;
	v2 =	vmul.f32 v55, v60  }
0x2b5: {  	v35 =	vmul.f32 v24, v0;
	v0 =	vld [tilespmem:$0x1F440]  }
0x2b6: {  	v2 =	vadd.f32 $0.0e+00, v2;
	v4 =	vadd.f32 v21, v4;
	v21 =	vld [tilespmem:$0x1F450]  }
0x2b7: {  	v53 =	vld [tilespmem:s17+$0x4650]  }
0x2b8: {  	v2 =	vadd.f32 v11, v2;
	v11 =	vmul.f32 v31, v45;
	v20 =	vmul.f32 v49, v3;
	v3 =	vld [tilespmem:$0x1F3A0]  }
0x2b9: {  	v10 =	vld [tilespmem:s17+$0x600]  }
0x2ba: {  	v2 =	vadd.f32 v11, v2;
	v11 =	vld [tilespmem:$0x1F470]  }
0x2bb: {  	v21 =	vmul.f32 v21, v0;
	v0 =	vld [tilespmem:$0x1F460]  }
0x2bc: {  	v15 =	vld [tilespmem:$0x1F3C0]  }
0x2bd: {  	v25 =	vmul.f32 v53, v3;
	v3 =	vld [tilespmem:$0x1F3B0]  }
0x2be: {  	v5 =	vld [tilespmem:s17+$0x4600];
	_ =	sdelay $0x1  }
0x2bf: {  	v11 =	vmul.f32 v11, v0;
	_ =	sdelay $0x1  }
0x2c0: {  	v2 =	vadd.f32 v11, v2;
	v15 =	vmul.f32 v15, v3  }
0x2c1: {  	v5 =	vmul.f32 v5, v10;
	v10 =	vld [tilespmem:$0x1F500];
	v4 =	vadd.f32 v28, v4  }
0x2c2: {  	v2 =	vadd.f32 v15, v2;
	v15 =	vld [tilespmem:$0x1F510]  }
0x2c3: {  	v4 =	vadd.f32 v46, v4;
	_ =	sdelay $0x1  }
0x2c4: {  	v39 =	vld [tilespmem:s17+$0x610];
	v4 =	vadd.f32 v42, v4  }
0x2c5: {  	v27 =	vld [tilespmem:s17+$0x4610]  }
0x2c6: {  	v47 =	vld [tilespmem:s17+$0x43F0];
	v10 =	vmul.f32 v15, v10;
	v15 =	vperm.xlane v4, v26  }
0x2c7: {  	v22 =	vld [tilespmem:s17+$0x590]  }
0x2c8: {  	v4 =	vadd.f32 v4, v15;
	v15 =	vld [tilespmem:s17+$0x1D0]  }
0x2c9: {  	v19 =	vld [tilespmem:s17+$0x4590];
	v2 =	vadd.f32 v59, v2  }
0x2ca: {  	v27 =	vmul.f32 v27, v39;
	v5 =	vadd.f32 $0.0e+00, v5;
	v8 =	vld [tilespmem:s17+$0x580]  }
0x2cb: {  	v54 =	vld [tilespmem:s17+$0x4580];
	v2 =	vadd.f32 v38, v2  }
0x2cc: {  	v5 =	vadd.f32 v27, v5;
	v27 =	vld [tilespmem:$0x1F580]  }
0x2cd: {  	v9 =	vadd.f32 v9, v2;
	v2 =	vperm.xlane v4, v32;
	[tilespmem:$0x1FC80] =	vst v15;
	v15 =	vld [tilespmem:$0x1F570]  }
0x2ce: {  	v50 =	vld [tilespmem:s17+$0x45A0]  }
0x2cf: {  	v4 =	vadd.f32 v4, v2;
	v2 =	vld [tilespmem:$0x1F5D0]  }
0x2d0: {  	v57 =	vld [tilespmem:s17+$0x4A0];
	v8 =	vmul.f32 v54, v8  }
0x2d1: {  	v30 =	vld [tilespmem:s17+$0x44A0]  }
0x2d2: {  	v16 =	vld [tilespmem:s17+$0x510];
	v19 =	vmul.f32 v19, v22;
	v8 =	vadd.f32 $0.0e+00, v8;
	v15 =	vmul.f32 v27, v15  }
0x2d3: {  	v22 =	vld [tilespmem:$0x1F5C0]  }
0x2d4: {  	v8 =	vadd.f32 v19, v8;
	v19 =	vmul.f32 v50, v2;
	v2 =	vld [tilespmem:$0x1F5E0];
	v5 =	vadd.f32 v15, v5  }
0x2d5: {  	v15 =	vld [tilespmem:$0x1F5B0]  }
0x2d6: {  	v5 =	vadd.f32 v10, v5;
	v10 =	vld [tilespmem:$0x1F5F0]  }
0x2d7: {  	v39 =	vld [tilespmem:s17+$0x4400]  }
0x2d8: {  	v12 =	vld [tilespmem:s17+$0x4510]  }
0x2d9: {  	v40 =	vld [tilespmem:s17+$0x4160]  }
0x2da: {  	v37 =	vld [tilespmem:s17+$0x4420];
	v15 =	vmul.f32 v22, v15;
	v22 =	vperm.xlane v9, v26  }
0x2db: {  	v17 =	vld [tilespmem:s17+$0x500];
	v2 =	vmul.f32 v10, v2  }
0x2dc: {  	v9 =	vadd.f32 v9, v22;
	v22 =	vld [tilespmem:$0x1F610]  }
0x2dd: {  	[tilespmem:$0x1FD40] =	vst v2;
	v2 =	vld [tilespmem:$0x1F600]  }
0x2de: {  	v3 =	vld [tilespmem:s17+$0x4500]  }
0x2df: {  	v41 =	vld [tilespmem:s17+$0x330]  }
0x2e0: {  	v43 =	vld [tilespmem:s17+$0x42C0];
	v10 =	vperm.xlane v4, v34  }
0x2e1: {  	v56 =	vld [tilespmem:s17+$0x4490]  }
0x2e2: {  	v63 =	vld [tilespmem:s17+$0x480];
	v22 =	vmul.f32 v22, v2;
	v2 =	vadd.f32 v4, v10  }
0x2e3: {  	v17 =	vmul.f32 v3, v17;
	v3 =	vld [tilespmem:$0x1F630]  }
0x2e4: {  	[tilespmem:$0x1FD70] =	vst v2;
	v2 =	vld [tilespmem:$0x1F620]  }
0x2e5: {  	v7 =	vld [tilespmem:s17+$0x490]  }
0x2e6: {  	v51 =	vld [tilespmem:s17+$0x160];
	v53 =	vperm.xlane v1, v26  }
0x2e7: {  	v28 =	vld [tilespmem:$0x1F490]  }
0x2e8: {  	v1 =	vadd.f32 v1, v53;
	v0 =	vld [tilespmem:$0x1F480]  }
0x2e9: {  	v5 =	vadd.f32 v21, v5;
	v21 =	vmul.f32 v3, v2;
	v2 =	vld [tilespmem:$0x1F640]  }
0x2ea: {  	v29 =	vperm.xlane v1, v32;
	v3 =	vld [tilespmem:$0x1F650]  }
0x2eb: {  	v33 =	vld [tilespmem:s17+$0x4320]  }
0x2ec: {  	v1 =	vadd.f32 v1, v29;
	v29 =	vld [tilespmem:$0x1F4B0]  }
0x2ed: {  	v48 =	vmul.f32 v28, v0;
	v0 =	vld [tilespmem:$0x1F4A0]  }
0x2ee: {  	v12 =	vmul.f32 v12, v16;
	v11 =	vld [tilespmem:$0x1F4D0]  }
0x2ef: {  	v28 =	vperm.xlane v1, v34;
	v16 =	vmul.f32 v3, v2;
	v2 =	vld [tilespmem:$0x1F660]  }
0x2f0: {  	v58 =	vperm.xlane v52, v26;
	v3 =	vld [tilespmem:$0x1F670]  }
0x2f1: {  	v1 =	vadd.f32 v1, v28;
	v28 =	vld [tilespmem:$0x1F4E0]  }
0x2f2: {  	v24 =	vadd.f32 v52, v58;
	v60 =	vmul.f32 v29, v0;
	v0 =	vld [tilespmem:$0x1F4C0]  }
0x2f3: {  	v29 =	vld [tilespmem:$0x1F4F0];
	v8 =	vadd.f32 v19, v8  }
0x2f4: {  	v44 =	vld [tilespmem:s17+$0x4330];
	v31 =	vperm.xlane v24, v32  }
0x2f5: {  	v8 =	vadd.f32 v15, v8;
	v15 =	vadd.f32 $0.0e+00, v17;
	v17 =	vmul.f32 v3, v2;
	v2 =	vld [tilespmem:$0x1F680]  }
0x2f6: {  	v3 =	vld [tilespmem:$0x1F690]  }
0x2f7: {  	v45 =	vld [tilespmem:s17+$0x4130];
	v24 =	vadd.f32 v24, v31  }
0x2f8: {  	v0 =	vmul.f32 v11, v0;
	v62 =	vmul.f32 v29, v28;
	v28 =	vld [tilespmem:$0x1F530]  }
0x2f9: {  	v11 =	vperm.xlane v24, v34;
	v29 =	vld [tilespmem:$0x1F540];
	v19 =	vperm.xlane v9, v32  }
0x2fa: {  	v58 =	vld [tilespmem:s17+$0x43A0]  }
0x2fb: {  	v11 =	vadd.f32 v24, v11;
	v9 =	vadd.f32 v9, v19;
	v19 =	vmul.f32 v3, v2;
	v2 =	vld [tilespmem:$0x1F6A0]  }
0x2fc: {  	v3 =	vld [tilespmem:$0x1F6B0]  }
0x2fd: {  	[tilespmem:$0x1FBC0] =	vst v11;
	v11 =	vld [tilespmem:$0x1F520]  }
0x2fe: {  	v55 =	vmul.f32 v29, v28;
	v28 =	vld [tilespmem:$0x1F550]  }
0x2ff: {  	v29 =	vld [tilespmem:$0x1F560]  }
0x300: {  	v27 =	vld [tilespmem:s17+$0x240]  }
0x301: {  	v12 =	vadd.f32 v12, v15;
	v15 =	vmul.f32 v3, v2;
	v2 =	vld [tilespmem:$0x1F6C0]  }
0x302: {  	v3 =	vld [tilespmem:$0x1F6D0]  }
0x303: {  	v52 =	vld [tilespmem:s17+$0x4150];
	v5 =	vadd.f32 v25, v5  }
0x304: {  	v11 =	vmul.f32 v47, v11;
	v47 =	vmul.f32 v29, v28;
	v28 =	vld [tilespmem:$0x1F5A0]  }
0x305: {  	[tilespmem:$0x1FCB0] =	vst v27;
	v27 =	vld [tilespmem:$0x1F590];
	v6 =	vadd.f32 v6, v5  }
0x306: {  	v31 =	vld [tilespmem:s17+$0x320]  }
0x307: {  	v59 =	vadd.f32 v23, v6;
	v6 =	vmul.f32 v3, v2;
	v2 =	vld [tilespmem:$0x1F6E0]  }
0x308: {  	v12 =	vadd.f32 v17, v12;
	v3 =	vld [tilespmem:$0x1F6F0]  }
0x309: {  	v13 =	vld [tilespmem:s17+$0x420];
	v8 =	vadd.f32 v62, v8  }
0x30a: {  	v49 =	vld [tilespmem:s17+$0x2C0];
	v54 =	vmul.f32 v28, v27;
	v12 =	vadd.f32 v19, v12  }
0x30b: {  	v46 =	vld [tilespmem:s17+$0x410];
	v8 =	vadd.f32 v35, v8;
	v50 =	vperm.xlane v9, v34  }
0x30c: {  	v42 =	vld [tilespmem:s17+$0x4390];
	v12 =	vadd.f32 v54, v12  }
0x30d: {  	v8 =	vadd.f32 v20, v8;
	v10 =	vld [tilespmem:s17+$0x400];
	v20 =	vmul.f32 v3, v2;
	v2 =	vadd.f32 v9, v50  }
0x30e: {  	v9 =	vadd.f32 v0, v12;
	v0 =	vld [tilespmem:$0x1F700]  }
0x30f: {  	[tilespmem:$0x1FE80] =	vst v2;
	v2 =	vld [tilespmem:$0x1F710]  }
0x310: {  	v38 =	vld [tilespmem:s17+$0x390]  }
0x311: {  	[tilespmem:$0x1FB70] =	vst v1;
	v1 =	vld [tilespmem:s17+$0x4410]  }
0x312: {  	v53 =	vld [tilespmem:s17+$0x3A0]  }
0x313: {  	[tilespmem:$0x1FBF0] =	vst v11;
	v11 =	vld [tilespmem:s17+$0x4480]  }
0x314: {  	v10 =	vmul.f32 v39, v10;
	v54 =	vmul.f32 v2, v0;
	v0 =	vld [tilespmem:$0x1F720]  }
0x315: {  	v2 =	vld [tilespmem:$0x1F730]  }
0x316: {  	v1 =	vmul.f32 v1, v46;
	v46 =	vmul.f32 v42, v38;
	v38 =	vld [tilespmem:s17+$0x190];
	v10 =	vadd.f32 $0.0e+00, v10  }
0x317: {  	v42 =	vld [tilespmem:s17+$0x100]  }
0x318: {  	v24 =	vld [tilespmem:s17+$0x150];
	v1 =	vadd.f32 v1, v10;
	v10 =	vmul.f32 v37, v13  }
0x319: {  	v29 =	vld [tilespmem:s17+$0x42B0]  }
0x31a: {  	v11 =	vmul.f32 v11, v63;
	v1 =	vadd.f32 v10, v1;
	v10 =	vmul.f32 v2, v0;
	v0 =	vld [tilespmem:$0x1F740]  }
0x31b: {  	v2 =	vld [tilespmem:$0x1F750]  }
0x31c: {  	v7 =	vmul.f32 v56, v7;
	v25 =	vld [tilespmem:s17+$0x1C0];
	v11 =	vadd.f32 $0.0e+00, v11  }
0x31d: {  	v63 =	vld [tilespmem:s17+$0x4310]  }
0x31e: {  	v28 =	vld [tilespmem:s17+$0x2B0];
	v7 =	vadd.f32 v7, v11;
	v11 =	vmul.f32 v30, v57;
	v17 =	vperm.xlane v59, v26  }
0x31f: {  	v5 =	vld [tilespmem:s17+$0x4140]  }
0x320: {  	v7 =	vadd.f32 v11, v7;
	v56 =	vadd.f32 v59, v17;
	v59 =	vmul.f32 v2, v0;
	v0 =	vld [tilespmem:$0x1F760]  }
0x321: {  	v2 =	vld [tilespmem:$0x1F770]  }
0x322: {  	v27 =	vld [tilespmem:s17+$0x230];
	v7 =	vadd.f32 v20, v7  }
0x323: {  	v62 =	vld [tilespmem:s17+$0x42A0]  }
0x324: {  	v23 =	vld [tilespmem:s17+$0x380];
	v7 =	vadd.f32 v16, v7  }
0x325: {  	v35 =	vld [tilespmem:s17+$0x2A0]  }
0x326: {  	v7 =	vadd.f32 v47, v7;
	v47 =	vmul.f32 v2, v0;
	v0 =	vld [tilespmem:$0x1F780]  }
0x327: {  	v2 =	vld [tilespmem:$0x1F790]  }
0x328: {  	v57 =	vld [tilespmem:s17+$0x4110]  }
0x329: {  	v4 =	vld [tilespmem:s17+$0x140]  }
0x32a: {  	v39 =	vld [tilespmem:s17+$0x1A0]  }
0x32b: {  	v8 =	vadd.f32 v61, v8;
	v13 =	vld [tilespmem:s17+$0x220]  }
0x32c: {  	v11 =	vperm.xlane v56, v32;
	v7 =	vadd.f32 v60, v7;
	v60 =	vmul.f32 v2, v0;
	v0 =	vld [tilespmem:$0x1F7A0]  }
0x32d: {  	v30 =	vperm.xlane v8, v26;
	v2 =	vld [tilespmem:$0x1F7B0]  }
0x32e: {  	v37 =	vld [tilespmem:s17+$0x290];
	v11 =	vadd.f32 v56, v11  }
0x32f: {  	v19 =	vld [tilespmem:s17+$0x310];
	v12 =	vadd.f32 v8, v30;
	v9 =	vadd.f32 v14, v9  }
0x330: {  	v17 =	vld [tilespmem:s17+$0x130];
	v16 =	vperm.xlane v11, v34  }
0x331: {  	v3 =	vld [tilespmem:s17+$0x4380];
	v14 =	vperm.xlane v12, v32;
	v9 =	vadd.f32 v18, v9  }
0x332: {  	v18 =	vadd.f32 v11, v16;
	v16 =	vadd.f32 v36, v7;
	v7 =	vmul.f32 v2, v0;
	v0 =	vld [tilespmem:$0x1F7C0]  }
0x333: {  	v12 =	vadd.f32 v12, v14;
	v20 =	vperm.xlane v9, v26;
	v2 =	vld [tilespmem:$0x1F7D0]  }
0x334: {  	v19 =	vmul.f32 v63, v19;
	v63 =	vld [tilespmem:$0x1F820]  }
0x335: {  	v8 =	vld [tilespmem:s17+$0x1B0];
	v11 =	vadd.f32 v9, v20;
	v9 =	vperm.xlane v12, v34  }
0x336: {  	v50 =	vld [tilespmem:s17+$0x4290]  }
0x337: {  	v20 =	vadd.f32 v12, v9;
	v12 =	vld [tilespmem:$0x1F7F0];
	v1 =	vadd.f32 v10, v1  }
0x338: {  	v3 =	vmul.f32 v3, v23;
	v9 =	vmul.f32 v2, v0;
	v2 =	vld [tilespmem:$0x1F7E0]  }
0x339: {  	v30 =	vld [tilespmem:s17+$0x120];
	v1 =	vadd.f32 v54, v1  }
0x33a: {  	v14 =	vld [tilespmem:s17+$0x300];
	v3 =	vadd.f32 $0.0e+00, v3  }
0x33b: {  	v61 =	vperm.xlane v11, v32;
	v10 =	vld [tilespmem:s17+$0x4300];
	v1 =	vadd.f32 v21, v1  }
0x33c: {  	v3 =	vadd.f32 v46, v3;
	v46 =	vmul.f32 v33, v31;
	v31 =	vld [tilespmem:s17+$0x180];
	v21 =	vperm.xlane v16, v26  }
0x33d: {  	v11 =	vadd.f32 v11, v61;
	v1 =	vadd.f32 v55, v1;
	v56 =	vmul.f32 v12, v2;
	v2 =	vld [tilespmem:$0x1F800]  }
0x33e: {  	v16 =	vadd.f32 v16, v21;
	v12 =	vld [tilespmem:$0x1F810]  }
0x33f: {  	v36 =	vld [tilespmem:s17+$0x4100];
	v21 =	vperm.xlane v11, v34;
	v1 =	vadd.f32 v48, v1  }
0x340: {  	p0 =	sne.s32 s19, $0x7;
	v61 =	vld [tilespmem:s17+$0x280];
	v10 =	vmul.f32 v10, v14;
	v14 =	vperm.xlane v16, v32  }
.Ltmp0:
0x341: {  	v54 =	vld [tilespmem:s17+$0x4120];
	v23 =	vadd.f32 v11, v21;
	v11 =	vmul.f32 v58, v53;
	v21 =	vperm.xlane v1, v26;
	(pc) =	sbr.rel @p0 .LBB2_2-.Ltmp0, $4  }
0x342: {  	v55 =	vld [tilespmem:s17+$0x4280];
	v58 =	vadd.f32 $0.0e+00, v10;
	v10 =	vadd.f32 v16, v14;
	v14 =	vmul.f32 v43, v49  }
0x343: {  	v53 =	vld [tilespmem:s17+$0x200];
	v3 =	vadd.f32 v11, v3;
	v43 =	vadd.f32 v1, v21;
	v2 =	vmul.f32 v12, v2  }
0x344: {  	v33 =	vmul.f32 v44, v41;
	v49 =	vadd.f32 v19, v58;
	v48 =	vperm.xlane v10, v34;
	v0 =	vld [tilespmem:s17+$0x210]  }
0x345: {  	s18 =	smov.u32 s19;
	s19 =	sadd.s32 $0x1, s19;
	v41 =	vperm.xlane v43, v32;
	v12 =	vmul.f32 v40, v51;
	v51 =	vld [tilespmem:s17+$0x110];
	v44 =	vadd.f32 v2, v3  }
0x346: {  	v3 =	vld [tilespmem:s17+$0x4180]  }
0x347: {  	v19 =	vld [tilespmem:s17+$0x4200]  }
0x348: {  	v21 =	vld [tilespmem:s17+$0x4190]  }
0x349: {  	v2 =	vadd.f32 v46, v49;
	v49 =	vld [tilespmem:s17+$0x4210]  }
0x34a: {  	v26 =	vmul.f32 v50, v37;
	v50 =	vmul.f32 v54, v30;
	v54 =	vld [tilespmem:s17+$0x41A0]  }
0x34b: {  	v58 =	vld [tilespmem:s17+$0x4230]  }
0x34c: {  	v10 =	vadd.f32 v10, v48;
	v48 =	vmul.f32 v62, v35;
	v62 =	vld [tilespmem:s17+$0x4240]  }
0x34d: {  	v17 =	vmul.f32 v45, v17;
	v45 =	vld [tilespmem:$0x1FC80]  }
0x34e: {  	v46 =	vld [tilespmem:s17+$0x41F0]  }
0x34f: {  	v16 =	vadd.f32 v60, v44;
	v60 =	vld [tilespmem:s17+$0x41C0]  }
0x350: {  	v1 =	vmul.f32 v52, v24;
	v24 =	vadd.f32 v43, v41;
	v41 =	vld [tilespmem:s17+$0x41E0]  }
0x351: {  	v52 =	vmul.f32 v55, v61;
	v43 =	vld [tilespmem:s17+$0x4260]  }
0x352: {  	v11 =	vmul.f32 v29, v28;
	v55 =	vmul.f32 v36, v42;
	v44 =	vld [tilespmem:$0x1FCB0];
	v2 =	vadd.f32 v33, v2  }
0x353: {  	v4 =	vmul.f32 v5, v4;
	v6 =	vadd.f32 v6, v16;
	v30 =	vadd.f32 $0.0e+00, v52;
	v52 =	vld [tilespmem:$0x1F870]  }
0x354: {  	v16 =	vadd.f32 $0.0e+00, v55;
	v2 =	vadd.f32 v56, v2;
	v56 =	vld [tilespmem:s17+$0x4220];
	v3 =	vmul.f32 v3, v31  }
0x355: {  	v34 =	vmul.f32 v57, v51;
	v57 =	vld [tilespmem:s17+$0x41B0];
	v19 =	vmul.f32 v19, v53;
	v37 =	vadd.f32 v26, v30  }
0x356: {  	v55 =	vld [tilespmem:$0x1FFC0];
	v21 =	vmul.f32 v21, v38;
	v6 =	vadd.f32 v22, v6;
	v3 =	vadd.f32 $0.0e+00, v3  }
0x357: {  	v51 =	vld [tilespmem:$0x1F8C0];
	v0 =	vmul.f32 v49, v0;
	v2 =	vadd.f32 v47, v2;
	v19 =	vadd.f32 $0.0e+00, v19  }
0x358: {  	v61 =	vmul.f32 v54, v39;
	v38 =	vld [tilespmem:s17+$0x41D0];
	v16 =	vadd.f32 v34, v16;
	v3 =	vadd.f32 v21, v3  }
0x359: {  	v39 =	vld [tilespmem:s17+$0x4250];
	v5 =	vadd.f32 v48, v37;
	v0 =	vadd.f32 v0, v19;
	v13 =	vmul.f32 v56, v13  }
0x35a: {  	v47 =	vld [tilespmem:$0x1FA80];
	v16 =	vadd.f32 v50, v16;
	v8 =	vmul.f32 v57, v8;
	v3 =	vadd.f32 v61, v3  }
0x35b: {  	v40 =	vmul.f32 v58, v27;
	v50 =	vld [tilespmem:$0x1FA70];
	v2 =	vadd.f32 v15, v2;
	v0 =	vadd.f32 v13, v0  }
0x35c: {  	v49 =	vld [tilespmem:s17+$0x42F0];
	v42 =	vmul.f32 v60, v25;
	v16 =	vadd.f32 v17, v16;
	v3 =	vadd.f32 v8, v3  }
0x35d: {  	v53 =	vld [tilespmem:$0x1F840];
	v5 =	vadd.f32 v11, v5;
	v13 =	vmul.f32 v62, v44;
	v0 =	vadd.f32 v40, v0  }
0x35e: {  	v48 =	vld [tilespmem:s17+$0x4270];
	v4 =	vadd.f32 v4, v16;
	v8 =	vmul.f32 v38, v45;
	v3 =	vadd.f32 v42, v3  }
0x35f: {  	v54 =	vld [tilespmem:$0x1F830];
	v5 =	vadd.f32 v14, v5;
	v0 =	vadd.f32 v13, v0;
	v13 =	vmul.f32 v39, v47  }
0x360: {  	v58 =	vld [tilespmem:$0x1FD40];
	v1 =	vadd.f32 v1, v4;
	v3 =	vadd.f32 v8, v3;
	v8 =	vmul.f32 v41, v50  }
0x361: {  	v22 =	vld [tilespmem:$0x1FFE0];
	v5 =	vadd.f32 v9, v5;
	v0 =	vadd.f32 v13, v0;
	v13 =	vmul.f32 v43, v51  }
0x362: {  	v60 =	vld [tilespmem:$0x1FBF0];
	v1 =	vadd.f32 v12, v1;
	v3 =	vadd.f32 v8, v3;
	v8 =	vmul.f32 v46, v52  }
0x363: {  	v9 =	vmul.f32 v48, v53;
	v5 =	vadd.f32 v59, v5;
	v0 =	vadd.f32 v13, v0  }
0x364: {  	v4 =	vmul.f32 v49, v54;
	v1 =	vadd.f32 v7, v1;
	v3 =	vadd.f32 v8, v3  }
0x365: {  	v2 =	vadd.f32 v58, v2;
	v13 =	vld [tilespmem:$0x1FFD0];
	v0 =	vadd.f32 v9, v0  }
0x366: {  	v4 =	vadd.f32 v4, v5;
	v56 =	vperm.xlane v1, v55;
	v57 =	vperm.xlane v3, v55  }
0x367: {  	v32 =	vperm.xlane v24, v22;
	v6 =	vadd.f32 v60, v6;
	v59 =	vperm.xlane v0, v55  }
0x368: {  	v61 =	vperm.xlane v4, v55;
	v1 =	vadd.f32 v1, v56;
	v3 =	vadd.f32 v3, v57  }
0x369: {  	v62 =	vperm.xlane v2, v55;
	v12 =	vperm.xlane v6, v55;
	v0 =	vadd.f32 v0, v59  }
0x36a: {  	v4 =	vadd.f32 v4, v61;
	v14 =	vperm.xlane v1, v13;
	v15 =	vperm.xlane v3, v13  }
0x36b: {  	v2 =	vadd.f32 v2, v62;
	v6 =	vadd.f32 v6, v12;
	v16 =	vperm.xlane v0, v13  }
0x36c: {  	v17 =	vperm.xlane v4, v13;
	v1 =	vadd.f32 v1, v14;
	v3 =	vadd.f32 v3, v15  }
0x36d: {  	v30 =	vld [tilespmem:$0x1FFF0];
	v19 =	vperm.xlane v2, v13;
	v21 =	vperm.xlane v6, v13;
	v0 =	vadd.f32 v0, v16  }
0x36e: {  	v4 =	vadd.f32 v4, v17;
	v9 =	vperm.xlane v1, v22;
	v25 =	vperm.xlane v3, v22  }
0x36f: {  	v2 =	vadd.f32 v2, v19;
	v6 =	vadd.f32 v6, v21;
	v26 =	vperm.xlane v0, v22  }
0x370: {  	v27 =	vperm.xlane v4, v22;
	v1 =	vadd.f32 v1, v9;
	v3 =	vadd.f32 v3, v25  }
0x371: {  	v28 =	vperm.xlane v2, v22;
	v29 =	vperm.xlane v6, v22;
	v0 =	vadd.f32 v0, v26  }
0x372: {  	v4 =	vadd.f32 v4, v27;
	v9 =	vperm.xlane v1, v30;
	v31 =	vperm.xlane v3, v30  }
0x373: {  	v2 =	vadd.f32 v2, v28;
	v6 =	vadd.f32 v6, v29;
	v33 =	vperm.xlane v0, v30  }
0x374: {  	v34 =	vperm.xlane v4, v30;
	v1 =	vadd.f32 v1, v9;
	v3 =	vadd.f32 v3, v31  }
0x375: {  	v7 =	vadd.f32 v24, v32;
	v35 =	vperm.xlane v2, v30;
	v0 =	vadd.f32 v0, v33  }
0x376: {  	v37 =	vperm.xlane v6, v30;
	v36 =	vadd.f32 v4, v34;
	v1 =	vsel vm0, v1, v3  }
0x377: {  	v49 =	vld [tilespmem:$0x1FE80];
	v39 =	vperm.xlane v7, v30;
	v38 =	vadd.f32 v2, v35;
	v0 =	vsel vm1, v1, v0  }
0x378: {  	v41 =	vperm.xlane v10, v30;
	v52 =	vld [tilespmem:$0x1FD70];
	v40 =	vadd.f32 v6, v37;
	v0 =	vsel vm2, v0, v36  }
0x379: {  	v43 =	vperm.xlane v23, v30;
	v42 =	vadd.f32 v7, v39;
	v55 =	vld [tilespmem:$0x1FBC0];
	v0 =	vsel vm3, v0, v38  }
0x37a: {  	v58 =	vld [tilespmem:$0x1FB70];
	v45 =	vperm.xlane v20, v30;
	v44 =	vadd.f32 v10, v41;
	v0 =	vsel vm4, v0, v40  }
0x37b: {  	v47 =	vperm.xlane v18, v30;
	v46 =	vadd.f32 v23, v43;
	v0 =	vsel vm5, v0, v42  }
0x37c: {  	v48 =	vadd.f32 v20, v45;
	v50 =	vperm.xlane v49, v30;
	v0 =	vsel vm6, v0, v44  }
0x37d: {  	v51 =	vadd.f32 v18, v47;
	v53 =	vperm.xlane v52, v30;
	v0 =	vsel vm7, v0, v46  }
0x37e: {  	v54 =	vadd.f32 v49, v50;
	v56 =	vperm.xlane v55, v30;
	v0 =	vsel vm8, v0, v48  }
0x37f: {  	v59 =	vperm.xlane v58, v30;
	v57 =	vadd.f32 v52, v53;
	v0 =	vsel vm9, v0, v51  }
0x380: {  	v61 =	vperm.xlane v63, v30;
	v60 =	vadd.f32 v55, v56;
	v0 =	vsel vm10, v0, v54  }
0x381: {  	v62 =	vadd.f32 v58, v59;
	v0 =	vsel vm11, v0, v57  }
0x382: {  	v63 =	vadd.f32 v63, v61;
	v0 =	vsel vm12, v0, v60  }
0x383: {  	s31 =	sshll.u32 s18, $0x4;
	s16 =	sadd.s32 $0x1, s16;
	v0 =	vsel vm13, v0, v62  }
0x384: {  	p0 =	sne.s32 s16, s8;
	s17 =	sand.u32 $0x3FFFFFF0, s31;
	v0 =	vsel vm14, v0, v63  }
.Ltmp1:
0x385: {  	[tilespmem:s17+$0x8100] =	vst v0;
	(pc) =	sbr.rel @p0 .LBB2_1-.Ltmp1, $4  }
0x386: {  	[hbm4b:s7+s2] =	stream.linear.scatter [tilespmem:s15], [sflag:$0x3], $0x80, $0x38;
	[tilespmem:$0x8180] =	vst v63  }
0x387: {  	_ =	swait.ge [sflag:s9], $0x80  }
0x388: {  	[sflag:s9] =	ssyncset.done $0x0  }
0x389: {  	[sflag:s9] =	ssyncadd.s32 $0xFFFFFF80  }
0x38a: {  	_ =	sfence.sel $0x180000  }
0x38b: {  	[bflag:$0x0] =	sbarrier.arrive $0xFFFF  }
0x38c: {  	p0 =	sne.s32 s1, $0x0;
	_ =	strace $0x9000004D  }
0x38d: {  	s0 =	sadd.s32 @!p0 $0x100000, s0;
	[bflag:$0x2] =	sbarrier.arrive $0xFFFF  }
0x38e: {  	[sflag:s0] =	ssyncadd.tile.s32 @!p0 $0x1;
	_ =	shalt  }
.Lfunc_end2:
_tile_overlayer_lowered:
.L_overlay_start_2:
0x38f: {  	(tag) =	ssettag $0x2  }
0x390: {  	s0 =	rddreg [dreg:$0x0];
	s2 =	stileid.u32  }
0x391: {  	s1 =	rddreg [dreg:$0x1];
	p0 =	sne.s32 s2, $0x0  }
0x392: {  	s3 =	rddreg [dreg:$0x2];
	[bflag:$0x3] =	sbarrier.arrive $0xFFFF;
	s2 =	simm.s32 @!p0 $0x1C03  }
0x393: {  	[timem:s3], [sflag:s2] =	dma.local @!p0 [hbm:s0], s1  }
0x394: {  	s0 =	simm.s32 @!p0 $0x3  }
0x395: {  	_ =	swait.ge @!p0 [sflag:s0], s1  }
0x396: {  	s1 =	ssub.s32 @!p0 $0x0, s1;
	[sflag:s0] =	ssyncset.done @!p0 $0x0  }
0x397: {  	[sflag:s0] =	ssyncadd.s32 @!p0 s1  }
0x398: {  	[bflag:$0x3] =	sbarrier.arrive $0xFFFF  }
0x399: {  	_ =	shalt  }

// kernel: kernel.8.cloned.1.call-start
scs
__scs_entry_jumppad:
0x0: {  	(pc) =	sbr.rel $0x88, $3  }
0x1: {  	(tag) =	ssettag $0x0;
	lr =	simm.s32 $0x1  }
0x2: {  	[smem:$0x3F99] =	sst lr;
	_ =	strace $0xD0000000  }
0x3: {  	_ = 	snop  }
0x4: {  	_ = 	snop  }
0x5: {  	_ = 	snop  }
0x6: {  	_ = 	snop  }
0x7: {  	_ = 	snop  }
__scs_overlays_trampoline_lowered:
0x8: {  	[smem:$0x3FA8] =	sst s0  }
0x9: {  	[smem:$0x3FA9] =	sst s1  }
0xa: {  	[smem:$0x3FAA] =	sst s2  }
0xb: {  	[smem:$0x3FAB] =	sst s3  }
0xc: {  	[smem:$0x3FAC] =	sst s4  }
0xd: {  	[smem:$0x3FAD] =	sst s5  }
0xe: {  	[smem:$0x3FAE] =	sst s6  }
0xf: {  	[smem:$0x3FAF] =	sst s7  }
0x10: {  	[smem:$0x3FB0] =	sst s8  }
0x11: {  	[smem:$0x3FB1] =	sst s9;
	s0 =	simm.s32 @!p0 $0x0  }
0x12: {  	s1 =	sld [smem:$0x3F97];
	s0 =	simm.s32 @p0 $0x1  }
0x13: {  	[smem:$0x3FB2] =	sst s0;
	s0 =	simm.s32 @!p1 $0x0  }
0x14: {  	s2 =	sld [smem:$0x3F96];
	s0 =	simm.s32 @p1 $0x1  }
0x15: {  	[smem:$0x3FB3] =	sst s0;
	s0 =	simm.s32 @!p2 $0x0  }
0x16: {  	s3 =	sld [smem:$0x3FDB];
	s0 =	simm.s32 @p2 $0x1  }
0x17: {  	s4 =	simm.s32 $0x1BF5;
	[smem:$0x3FB5] =	sst s0  }
0x18: {  	s0 =	sld [smem:$0x3F98];
	_ =	swait.ge [sflag:s4], $0x0  }
0x19: {  	s7 =	sld [smem:$0x3F99]  }
0x1a: {  	s8 =	sadd.s32 $0xFFFFE003, lr  }
0x1b: {  	s9 =	sadd.s32 $0xFFFFFEF7, lr;
	s5 =	simm.s32 $0xFFFFFFFF;
	p2 =	slt.u32 s8, $0xFFFFF086  }
0x1c: {  	p1 =	slt.u32 s9, $0xF7A;
	s5 =	simm.s32 @!p2 $0x0  }
0x1d: {  	s5 =	simm.s32 @p1 $0x1;
	p0 =	seq.s32 s7, s2  }
0x1e: {  	s7 =	smul.u32 @!p0 $0xF7A, s2;
	p2 =	seq.s32 @!p0 s5, $0x0  }
0x1f: {  	s9 =	smul.u32 $0xF7A, s1;
	s8 =	simm.s32 @!p0 $0x1BF5;
	p2 =	por !p2, p0  }
0x20: {  	[sflag:s8] =	ssyncset.s32 @!p0 $0xFFFFF086;
	s6 =	sadd.s32 @!p0 s3, s7;
	s7 =	simm.s32 @!p0 $0x108  }
0x21: {  	s3 =	sadd.s32 s3, s9;
	s6 =	sadd.s32 @!p0 $0x88, s6;
	s7 =	simm.s32 @p2 $0x1082  }
0x22: {  	[simem:s7], [sflag:s8] =	dma.local @!p0 [hbm:s6], $0xF7A  }
0x23: {  	s9 =	sor.u32 $0xD0000000, s2;
	s6 =	simm.s32 $0x108;
	_ =	swait.ge @!p0 [sflag:s8], $0x0  }
0x24: {  	s3 =	sadd.s32 $0x88, s3;
	s6 =	simm.s32 @!p1 $0x1082;
	[sflag:s4] =	ssyncset.s32 $0xFFFFF086  }
0x25: {  	[simem:s6], [sflag:s4] =	dma.local [hbm:s3], $0xF7A  }
0x26: {  	[smem:$0x3F99] =	sst s1;
	(tag) =	ssettag s2;
	_ =	strace s9  }
0x27: {  	s1 =	sld [smem:$0x3FA9]  }
0x28: {  	s2 =	sld [smem:$0x3FAA]  }
0x29: {  	s4 =	sld [smem:$0x3FAC]  }
0x2a: {  	p0 =	seq.s32 s5, $0x0;
	s5 =	sld [smem:$0x3FAD]  }
0x2b: {  	s6 =	sld [smem:$0x3FAE]  }
0x2c: {  	s7 =	sld [smem:$0x3FAF]  }
0x2d: {  	s3 =	simm.s32 $0x108;
	s8 =	sld [smem:$0x3FB0]  }
0x2e: {  	s3 =	simm.s32 @!p0 $0x1082;
	s9 =	sld [smem:$0x3FB1]  }
0x2f: {  	lr =	sadd.s32 s0, s3;
	s0 =	sld [smem:$0x3FA8]  }
0x30: {  	s3 =	sld [smem:$0x3FAB]  }
0x31: {  	[smem:$0x3FB4] =	sst s10  }
0x32: {  	s10 =	sld [smem:$0x3FB2];
	_ =	sdelay $0x3  }
0x33: {  	p0 =	seq.s32 s10, $0x1;
	s10 =	sld [smem:$0x3FB4];
	_ =	sdelay $0x3  }
0x34: {  	[smem:$0x3FB4] =	sst s10  }
0x35: {  	s10 =	sld [smem:$0x3FB3];
	_ =	sdelay $0x3  }
0x36: {  	p1 =	seq.s32 s10, $0x1;
	s10 =	sld [smem:$0x3FB4];
	_ =	sdelay $0x3  }
0x37: {  	[smem:$0x3FB4] =	sst s10  }
0x38: {  	s10 =	sld [smem:$0x3FB5]  }
0x39: {  	_ = 	snop;
	(pc) =	sbr.ind lr, $3  }
0x3a: {  	_ = 	snop  }
0x3b: {  	_ = 	snop  }
0x3c: {  	p2 =	seq.s32 s10, $0x1;
	s10 =	sld [smem:$0x3FB4]  }
0x3d: {  	_ =	shalt  }
0x3e: {  	_ =	shalt  }
0x3f: {  	_ =	shalt  }
0x40: {  	_ =	shalt  }
0x41: {  	_ =	shalt  }
0x42: {  	_ =	shalt  }
0x43: {  	_ =	shalt  }
0x44: {  	_ =	shalt  }
0x45: {  	_ =	shalt  }
0x46: {  	_ =	shalt  }
0x47: {  	_ =	shalt  }
0x48: {  	_ =	shalt  }
0x49: {  	_ =	shalt  }
0x4a: {  	_ =	shalt  }
0x4b: {  	_ =	shalt  }
0x4c: {  	_ =	shalt  }
0x4d: {  	_ =	shalt  }
0x4e: {  	_ =	shalt  }
0x4f: {  	_ =	shalt  }
0x50: {  	_ =	shalt  }
0x51: {  	_ =	shalt  }
0x52: {  	_ =	shalt  }
0x53: {  	_ =	shalt  }
0x54: {  	_ =	shalt  }
0x55: {  	_ =	shalt  }
0x56: {  	_ =	shalt  }
0x57: {  	_ =	shalt  }
0x58: {  	_ =	shalt  }
0x59: {  	_ =	shalt  }
0x5a: {  	_ =	shalt  }
0x5b: {  	_ =	shalt  }
0x5c: {  	_ =	shalt  }
0x5d: {  	_ =	shalt  }
0x5e: {  	_ =	shalt  }
0x5f: {  	_ =	shalt  }
0x60: {  	_ =	shalt  }
0x61: {  	_ =	shalt  }
0x62: {  	_ =	shalt  }
0x63: {  	_ =	shalt  }
0x64: {  	_ =	shalt  }
0x65: {  	_ =	shalt  }
0x66: {  	_ =	shalt  }
0x67: {  	_ =	shalt  }
0x68: {  	_ =	shalt  }
0x69: {  	_ =	shalt  }
0x6a: {  	_ =	shalt  }
0x6b: {  	_ =	shalt  }
0x6c: {  	_ =	shalt  }
0x6d: {  	_ =	shalt  }
0x6e: {  	_ =	shalt  }
0x6f: {  	_ =	shalt  }
0x70: {  	_ =	shalt  }
0x71: {  	_ =	shalt  }
0x72: {  	_ =	shalt  }
0x73: {  	_ =	shalt  }
0x74: {  	_ =	shalt  }
0x75: {  	_ =	shalt  }
0x76: {  	_ =	shalt  }
0x77: {  	_ =	shalt  }
0x78: {  	_ =	shalt  }
0x79: {  	_ =	shalt  }
0x7a: {  	_ =	shalt  }
0x7b: {  	_ =	shalt  }
0x7c: {  	_ =	shalt  }
0x7d: {  	_ =	shalt  }
0x7e: {  	_ =	shalt  }
0x7f: {  	_ =	shalt  }
0x80: {  	_ =	shalt  }
0x81: {  	_ =	shalt  }
0x82: {  	_ =	shalt  }
0x83: {  	_ =	shalt  }
0x84: {  	_ =	shalt  }
0x85: {  	_ =	shalt  }
0x86: {  	_ =	shalt  }
0x87: {  	_ =	shalt  }
.Lfunc_end0:
.L_simem_size_0:
called_computation_lowered:
.L_overlay_start_0:
0x88: {  	s2 =	sld [smem:$0x3FD9]  }
0x89: {  	s3 =	sld [smem:$0x3FFE];
	_ =	sdelay $0x1  }
0x8a: {  	s1 =	srdreg.scid  }
0x8b: {  	s0 =	sand.u32 $0x1, s1  }
0x8c: {  	s16 =	sshll.u32 s0, $0xA;
	s2 =	sadd.s32 s3, s2  }
0x8d: {  	s2 =	sadd.s32 s2, s16  }
0x8e: {  	[smem:$0x3FC0] =	sst s2  }
0x8f: {  	_ = 	snop  }
0x90: {  	(tm) =	ssettm $0x1  }
0x91: {  	s17 =	sld [smem:$0x3FFB];
	_ =	sdelay $0x3  }
0x92: {  	_ =	strace s17  }
0x93: {  	s2 =	sld [smem:$0x3FFC];
	_ =	sdelay $0x3  }
0x94: {  	_ =	strace s2  }
0x95: {  	s2 =	sld [smem:$0x3FFD];
	_ =	sdelay $0x3  }
0x96: {  	_ =	strace s2  }
0x97: {  	_ =	strace $0x8FFFFFFF  }
0x98: {  	s18 =	sld [smem:$0x3FDB];
	_ =	sdelay $0x1  }
0x99: {  	s19 =	simm.s32 $_scs_section_size  }
0x9a: {  	s4 =	simm.s32 $_size__tile_overlayer_lowered;
	s5 =	simm.s32 $_tile_overlayer_lowered  }
0x9b: {  	s22 =	simm.s32 $0x1BFF;
	s21 =	sshll.u32 s5, $0x1;
	s2 =	sadd.s32 s19, s18  }
0x9c: {  	s6 =	simm.s32 $0x0;
	s20 =	sshll.u32 s4, $0x1;
	s4 =	sadd.s32 s21, s2  }
0x9d: {  	[timem:s6], [sflag:s22] =	dma.local [hbm:s4], s20  }
0x9e: {  	_ =	swait.ge [sflag:s22], s20  }
0x9f: {  	s3 =	ssub.s32 $0x0, s20;
	[sflag:s22] =	ssyncset.done $0x0  }
0xa0: {  	[sflag:s22] =	ssyncadd.s32 s3;
	_ =	sdelay $0x1  }
0xa1: {  	s23 =	simm.s32 $0x1B8B  }
0xa2: {  	_ =	swait.ge [sflag:s23], $0x1  }
0xa3: {  	[sflag:s23] =	ssyncset.done $0x0  }
0xa4: {  	s25 =	simm.s32 $0x1B8E;
	s24 =	sld [smem:$0x3FFE];
	[sflag:s23] =	ssyncadd.s32 $0xFFFFFFFF  }
0xa5: {  	s26 =	simm.s32 $execute0_lowered;
	[smem:$0x3FD2] =	sst s25  }
0xa6: {  	s4 =	sshll.u32 s26, $0x1;
	_ =	strace $0x80000046;
	[dreg:$0x1] =	wrdreg $0xFFFFFFFF  }
0xa7: {  	s28 =	simm.s32 $_size_execute0_lowered;
	s2 =	sadd.s32 s2, s4;
	[dreg:$0x0] =	wrdreg $0x0  }
0xa8: {  	s4 =	sshll.u32 s28, $0x1;
	[dreg:$0x2] =	wrdreg s2  }
0xa9: {  	[dreg:$0x3] =	wrdreg s4  }
0xaa: {  	[dreg:$0x4] =	wrdreg $0xC0  }
0xab: {  	_ =	task [dreg:s6], $0x5FFFF  }
0xac: {  	[dreg:$0x1] =	wrdreg $0xFFFFFFFF  }
0xad: {  	[dreg:$0x0] =	wrdreg $0x60  }
0xae: {  	[dreg:$0x2] =	wrdreg s24  }
0xaf: {  	[dreg:$0x3] =	wrdreg $0x2B000  }
0xb0: {  	[dreg:$0x4] =	wrdreg $0x9  }
0xb1: {  	_ =	task.clear_ibuf [dreg:s6], $0x5FFFF;
	_ =	strace $0x90000046  }
0xb2: {  	s29 =	simm.s32 $0x9;
	_ =	strace $0x80000048  }
0xb3: {  	_ =	swait.ge [sflag:s29], $0x1  }
0xb4: {  	[sflag:s29] =	ssyncadd.s32 $0xFFFFFFFF  }
0xb5: {  	_ =	strace $0x90000048  }
0xb6: {  	_ =	sfence  }
0xb7: {  	s30 =	sld [smem:$0x0];
	_ =	sdelay $0x2  }
0xb8: {  	s31 =	sshll.u32 s1, $0xD;
	s1 =	sshrl.u32 s1, $0x2  }
0xb9: {  	s3 =	sand.u32 $0x4000, s31;
	s1 =	sadd.s32 s1, s30  }
0xba: {  	s0 =	sor.u32 s3, s0;
	s1 =	sshll.u32 s1, $0x11  }
0xbb: {  	s0 =	sor.u32 s1, s0  }
0xbc: {  	s0 =	sadd.s32 $0x8F2B, s0  }
0xbd: {  	[sflag:s0] =	ssyncadd.remote.s32 $0x1  }
0xbe: {  	_ =	sfence.sel $0xFFFF  }
0xbf: {  	[dreg:$0x0] =	wrdreg $0xFFFFFFFF;
	(pc) =	sbr.abs _section_cstart, $3  }
0xc0: {  	[dreg:$0x1] =	wrdreg $0xFFFFFFFF  }
0xc1: {  	_ =	task.clear_ibuf [dreg:s6], $0x2FFFF;
	_ =	strace $0x9FFFFFFF  }
0xc2: {  	(tm) =	ssettm $0x7FFFFFFF  }
0xc3: {  	_ =	shalt  }
tec
execute0_lowered:
.L_overlay_start_1:
0x0: {  	(tag) =	ssettag $0x1  }
0x1: {  	s4 =	rddreg [dreg:$0x0]  }
0x2: {  	s1 =	rddreg [dreg:$0x1]  }
0x3: {  	s2 =	srdreg.scid;
	s0 =	rddreg [dreg:$0x2];
	s3 =	simm.s32 $0x0  }
0x4: {  	s10 =	simm.s32 $0x80;
	s11 =	simm.s32 $0x2800;
	s12 =	simm.s32 $0x1  }
0x5: {  	s15 =	simm.s32 $0x20;
	s16 =	simm.s32 $0x10;
	s17 =	simm.s32 $0x0  }
0x6: {  	s5 =	sand.u32 $0x1, s2;
	s2 =	stileid.u32;
	[smem:$0x7FF] =	sst s3  }
0x7: {  	s6 =	sshll.u32 s5, $0x4;
	s7 =	smul.u32 $0x500, s2;
	_ =	strace $0x80000047  }
0x8: {  	s8 =	sshll.u32 s5, $0x7;
	s5 =	ssub.s32 $0x2, s5;
	s30 =	smul.u32 $0xA00, s2  }
0x9: {  	s13 =	sshll.u32 s2, $0x6;
	s6 =	sor.u32 s2, s6;
	s9 =	sshrl.u32 s5, $0x1  }
0xa: {  	s13 =	sor.u32 $0x1C02, s13;
	s6 =	smul.u32 $0x500, s6;
	s7 =	sor.u32 s8, s7  }
0xb: {  	s9 =	ssub.s32 s5, s9;
	s31 =	sshrl.u32 s30, $0x2;
	s7 =	sshrl.u32 s7, $0x3  }
0xc: {  	s8 =	simm.s32 $0x2880;
	s6 =	sadd.s32 s6, s4;
	s7 =	sadd.s32 s7, s4  }
0xd: {  	s4 =	sadd.s32 s31, s1;
	s5 =	sadd.s32 $0x16000, s6;
	s6 =	sadd.s32 $0x20000, s7  }
0xe: {  	v0 =	vimm.f32 $0.0e+00;
	v1 =	vimm.f32 $1.000000000e+00;
	s7 =	smax.u32 s9, $0x1;
	s9 =	simm.s32 $0x2;
	s14 =	sshrl.u32 s4, $0x3  }
.LBB2_1:
0xf: {  	[tilespmem:$0x2880] =	vst v0  }
0x10: {  	[tilespmem:$0x2890] =	vst v0  }
0x11: {  	[tilespmem:$0x28A0] =	vst v0  }
0x12: {  	[tilespmem:$0x28B0] =	vst v0  }
0x13: {  	[tilespmem:$0x28C0] =	vst v0  }
0x14: {  	[tilespmem:$0x28D0] =	vst v0  }
0x15: {  	[tilespmem:$0x28E0] =	vst v0  }
0x16: {  	[tilespmem:$0x28F0] =	vst v0  }
0x17: {  	[tilespmem:$0x2900] =	vst v0  }
0x18: {  	[tilespmem:$0x2910] =	vst v0  }
0x19: {  	[tilespmem:$0x2920] =	vst v0  }
0x1a: {  	[tilespmem:$0x2930] =	vst v0  }
0x1b: {  	[tilespmem:$0x2940] =	vst v0  }
0x1c: {  	[tilespmem:$0x2950] =	vst v0  }
0x1d: {  	[tilespmem:$0x2960] =	vst v0  }
0x1e: {  	[tilespmem:$0x2970] =	vst v0  }
0x1f: {  	[tilespmem:$0x2980] =	vst v0  }
0x20: {  	[tilespmem:$0x2990] =	vst v0  }
0x21: {  	[tilespmem:$0x29A0] =	vst v0  }
0x22: {  	[tilespmem:$0x29B0] =	vst v0  }
0x23: {  	[tilespmem:$0x29C0] =	vst v0  }
0x24: {  	[tilespmem:$0x29D0] =	vst v0  }
0x25: {  	[tilespmem:$0x29E0] =	vst v0  }
0x26: {  	[tilespmem:$0x29F0] =	vst v0  }
0x27: {  	[tilespmem:$0x2A00] =	vst v0  }
0x28: {  	[tilespmem:$0x2A10] =	vst v0  }
0x29: {  	[tilespmem:$0x2A20] =	vst v0  }
0x2a: {  	[tilespmem:$0x2A30] =	vst v0  }
0x2b: {  	[tilespmem:$0x2A40] =	vst v0  }
0x2c: {  	[tilespmem:$0x2A50] =	vst v0  }
0x2d: {  	[tilespmem:$0x2A60] =	vst v0  }
0x2e: {  	[tilespmem:$0x2A70] =	vst v0  }
0x2f: {  	[tilespmem:$0x2A80] =	vst v0  }
0x30: {  	[tilespmem:$0x2A90] =	vst v0  }
0x31: {  	[tilespmem:$0x2AA0] =	vst v0  }
0x32: {  	[tilespmem:$0x2AB0] =	vst v0  }
0x33: {  	[tilespmem:$0x2AC0] =	vst v0  }
0x34: {  	[tilespmem:$0x2AD0] =	vst v0  }
0x35: {  	[tilespmem:$0x2AE0] =	vst v0  }
0x36: {  	[tilespmem:$0x2AF0] =	vst v0  }
0x37: {  	[spmem:s4] =	stream.linear.scatter [tilespmem:s8], [sflag:$0x2], $0x280, $0x38;
	[tilespmem:$0x2D80] =	vst v63  }
0x38: {  	_ =	swait.ge [sflag:s9], $0x280  }
0x39: {  	[sflag:s9] =	ssyncset.done $0x0  }
0x3a: {  	[sflag:s9] =	ssyncadd.s32 $0xFFFFFD80  }
0x3b: {  	[tilespmem:$0x2800] =	vst v1  }
0x3c: {  	[tilespmem:$0x2810] =	vst v1  }
0x3d: {  	[tilespmem:$0x2820] =	vst v1  }
0x3e: {  	[tilespmem:$0x2830] =	vst v1  }
0x3f: {  	[tilespmem:$0x2840] =	vst v1  }
0x40: {  	[tilespmem:$0x2850] =	vst v1  }
0x41: {  	[tilespmem:$0x2860] =	vst v1  }
0x42: {  	[tilespmem:$0x2870] =	vst v1  }
0x43: {  	[bflag:$0x0] =	sbarrier.arrive $0xFFFF  }
0x44: {  	[tilespmem:s3], [sflag:$0x2] =	stream.linear.gather [hbm4b:s5+s3], $0x2780, $0x38;
	[tilespmem:$0x2D80] =	vst v63  }
0x45: {  	_ =	swait.ge [sflag:s9], $0x2780  }
0x46: {  	[sflag:s9] =	ssyncset.done $0x0  }
0x47: {  	s18 =	simm.s32 $0x0;
	[sflag:s9] =	ssyncadd.s32 $0xFFFFD880  }
.LBB2_2:
0x48: {  	p0 =	sne.s32 s18, $0x9C00  }
.Ltmp0:
0x49: {  	_ = 	snop;
	(pc) =	sbr.rel @p0 .LBB2_2-.Ltmp0, $3  }
0x4a: {  	_ =	sdelay $0x1  }
0x4b: {  	s19 =	sshra.s32 s18, $0x2;
	s18 =	sadd.s32 $0x200, s18  }
0x4c: {  	[spmem:s1] =	stream.indirect.scatter.add.f32 [tilespmem:s11], [sflag:$0x1], $0x1, s19, s10, $0xb8;
	[tilespmem:$0x2D80] =	vst v63  }
0x4d: {  	_ =	swait.ge [sflag:s12], $0x80  }
0x4e: {  	s18 =	simm.s32 $0x4E;
	[sflag:s12] =	ssyncset.done $0x0  }
.LBB2_4:
0x4f: {  	p0 =	sne.s32 s18, $0x1;
	s18 =	sadd.s32 $0xFFFFFFFF, s18;
	[sflag:s12] =	ssyncadd.s32 $0xFFFFFF80  }
.Ltmp1:
0x50: {  	(pc) =	sbr.rel @p0 .LBB2_4-.Ltmp1, $3  }
0x51: {  	_ =	sdelay $0x1  }
0x52: {  	_ =	swait.ge [sflag:s12], $0x80  }
0x53: {  	[sflag:s12] =	ssyncset.done $0x0  }
0x54: {  	s17 =	sadd.s32 $0x1, s17  }
0x55: {  	[sflag:s12] =	ssyncadd.s32 $0xFFFFFF80;
	p0 =	sne.s32 s17, s7  }
.Ltmp2:
0x56: {  	[bflag:$0x0] =	sbarrier.arrive $0xFFFF;
	(pc) =	sbr.rel @p0 .LBB2_1-.Ltmp2, $4  }
0x57: {  	[hbm:s6@s15], [sflag:s13] =	dma.strided [spmem:s14@s16], $0x50, s12, $0x10   }
0x58: {  	_ =	swait.ge [sflag:s9], $0x50  }
0x59: {  	[sflag:s9] =	ssyncset.done $0x0  }
0x5a: {  	[sflag:s9] =	ssyncadd.s32 $0xFFFFFFB0  }
0x5b: {  	_ =	sfence.sel $0x180000  }
0x5c: {  	[bflag:$0x0] =	sbarrier.arrive $0xFFFF  }
0x5d: {  	p0 =	sne.s32 s2, $0x0;
	_ =	strace $0x90000047  }
0x5e: {  	s0 =	sadd.s32 @!p0 $0x100000, s0;
	[bflag:$0x2] =	sbarrier.arrive $0xFFFF  }
0x5f: {  	[sflag:s0] =	ssyncadd.tile.s32 @!p0 $0x1;
	_ =	shalt  }
.Lfunc_end2:
_tile_overlayer_lowered:
.L_overlay_start_2:
0x60: {  	(tag) =	ssettag $0x2  }
0x61: {  	s0 =	rddreg [dreg:$0x0];
	s2 =	stileid.u32  }
0x62: {  	s1 =	rddreg [dreg:$0x1];
	p0 =	sne.s32 s2, $0x0  }
0x63: {  	s3 =	rddreg [dreg:$0x2];
	[bflag:$0x3] =	sbarrier.arrive $0xFFFF;
	s2 =	simm.s32 @!p0 $0x1C02  }
0x64: {  	[timem:s3], [sflag:s2] =	dma.local @!p0 [hbm:s0], s1  }
0x65: {  	s0 =	simm.s32 @!p0 $0x2  }
0x66: {  	_ =	swait.ge @!p0 [sflag:s0], s1  }
0x67: {  	s1 =	ssub.s32 @!p0 $0x0, s1;
	[sflag:s0] =	ssyncset.done @!p0 $0x0  }
0x68: {  	[sflag:s0] =	ssyncadd.s32 @!p0 s1  }
0x69: {  	[bflag:$0x3] =	sbarrier.arrive $0xFFFF  }
0x6a: {  	_ =	shalt  }

</sc_bundles>
